<compile_context>
chip_gen: v7x
topology: tpu7x:2x2x1
jax: 0.10.2.dev20260603
libtpu: 0.0.44.dev20260713+nightly
codegen_flags: <defaults>
</compile_context>

<pallas_src>
import functools

import jax
import jax.numpy as jnp
from jax import lax
from jax.experimental import pallas as pl
from jax.experimental.pallas import tpu as pltpu
from jax.experimental.pallas import tpu_sc as plsc

K = 20
EPS = 1e-5
N_PTS = 2048
NB = 4
BN = NB * N_PTS
NW = 32
PTS_W = BN // NW
RCH = 80
TN = 64


def _make_sc_gather_rows(Cp):
    mesh = plsc.VectorSubcoreMesh(core_axis_name="c", subcore_axis_name="s")
    ew = PTS_W * K

    @functools.partial(
        pl.kernel, mesh=mesh,
        compiler_params=pltpu.CompilerParams(
            needs_layout_passes=False, use_tc_tiling_on_sc=False),
        out_type=jax.ShapeDtypeStruct((BN * K, Cp), jnp.float32),
        scratch_types=[
            pltpu.VMEM((ew,), jnp.int32),
            pltpu.VMEM((RCH, Cp), jnp.float32),
            pltpu.VMEM((RCH, Cp), jnp.float32),
            pltpu.SemaphoreType.DMA,
            pltpu.SemaphoreType.DMA,
        ],
    )
    def sc_gather(idx_hbm, tab_hbm, g_hbm, idx_v, rows0_v, rows1_v, sem0, sem1):
        wid = lax.axis_index("s") * 2 + lax.axis_index("c")
        ebase = wid * ew
        pltpu.sync_copy(idx_hbm.at[pl.ds(ebase, ew)], idx_v)
        nch = ew // RCH
        rows = (rows0_v, rows1_v)
        sems = (sem0, sem1)

        def gath(c, buf):
            return pltpu.async_copy(
                tab_hbm.at[idx_v.at[pl.ds(c * RCH, RCH)]], rows[buf], sems[buf])

        def drain(buf):
            pltpu.make_async_copy(
                tab_hbm.at[idx_v.at[pl.ds(0, RCH)]], rows[buf], sems[buf]).wait()

        gath(0, 0)

        def _chunk(c, _):
            def body2(par):
                cc = c * 2 + par
                drain(par)
                nxt = cc + 1

                @pl.when(nxt < nch)
                def _():
                    gath(nxt, 1 - par)
                pltpu.sync_copy(rows[par], g_hbm.at[pl.ds(ebase + cc * RCH, RCH)])
            body2(0)
            body2(1)
            return _
        lax.fori_loop(0, nch // 2, _chunk, 0)

    return sc_gather


_SC_CACHE = {}


def _sc_gather_rows(idx_glob, table, Cp):
    if Cp not in _SC_CACHE:
        _SC_CACHE[Cp] = _make_sc_gather_rows(Cp)
    return _SC_CACHE[Cp](idx_glob, table)


def _make_edge_conv(Cp, O):
    grid = BN // TN

    def body(xi_ref, g_ref, w_ref, m_ref, s1_ref, s2_ref, c1_ref, c2_ref):
        step = pl.program_id(0)
        xi = xi_ref[...]
        gj = g_ref[...]
        diff = gj.reshape(TN, K, Cp) - xi[:, None, :]
        fa = diff.astype(jnp.bfloat16).reshape(TN * K, Cp)
        xb = jnp.broadcast_to(
            xi.astype(jnp.bfloat16)[:, None, :], (TN, K, Cp)).reshape(TN * K, Cp)
        f = jnp.concatenate([fa, xb], axis=1)
        w = w_ref[...]
        y = jax.lax.dot_general(
            f, w, (((1,), (0,)), ((), ())),
            preferred_element_type=jnp.float32)
        m_ref[...] = jnp.max(y.reshape(TN, K, O), axis=1)
        ps = jnp.sum(y, axis=0)[None]
        psq = jnp.sum(y * y, axis=0)[None]

        @pl.when(step == 0)
        def _():
            s1_ref[...] = ps
            s2_ref[...] = psq
            c1_ref[...] = jnp.zeros_like(ps)
            c2_ref[...] = jnp.zeros_like(ps)

        @pl.when(step != 0)
        def _():
            def acc(s_ref, c_ref, v):
                v = v + c_ref[...]
                s = s_ref[...]
                t = s + v
                c_ref[...] = (s - t) + v
                s_ref[...] = t
            acc(s1_ref, c1_ref, ps)
            acc(s2_ref, c2_ref, psq)

    return pl.pallas_call(
        body,
        grid=(grid,),
        in_specs=[
            pl.BlockSpec((TN, Cp), lambda i: (i, 0)),
            pl.BlockSpec((TN * K, Cp), lambda i: (i, 0)),
            pl.BlockSpec((2 * Cp, O), lambda i: (0, 0)),
        ],
        out_specs=[
            pl.BlockSpec((TN, O), lambda i: (i, 0)),
            pl.BlockSpec((1, O), lambda i: (0, 0)),
            pl.BlockSpec((1, O), lambda i: (0, 0)),
        ],
        out_shape=[
            jax.ShapeDtypeStruct((BN, O), jnp.float32),
            jax.ShapeDtypeStruct((1, O), jnp.float32),
            jax.ShapeDtypeStruct((1, O), jnp.float32),
        ],
        scratch_shapes=[
            pltpu.VMEM((1, O), jnp.float32),
            pltpu.VMEM((1, O), jnp.float32),
        ],
    )


def _make_finalize(O):
    grid = BN // 512

    def body(m_ref, mu_ref, var_ref, g_ref, b_ref, o_ref, t_ref):
        mean = mu_ref[...]
        scale = g_ref[...] / jnp.sqrt(var_ref[...] + EPS)
        shift = b_ref[...] - mean * scale
        v = m_ref[...] * scale + shift
        v = jnp.where(v > 0, v, 0.2 * v)
        o_ref[...] = v
        t_ref[...] = jnp.transpose(v)[None]

    return pl.pallas_call(
        body,
        grid=(grid,),
        in_specs=[
            pl.BlockSpec((512, O), lambda i: (i, 0)),
            pl.BlockSpec((1, O), lambda i: (0, 0)),
            pl.BlockSpec((1, O), lambda i: (0, 0)),
            pl.BlockSpec((1, O), lambda i: (0, 0)),
            pl.BlockSpec((1, O), lambda i: (0, 0)),
        ],
        out_specs=[
            pl.BlockSpec((512, O), lambda i: (i, 0)),
            pl.BlockSpec((1, O, 512), lambda i: (i // (N_PTS // 512), 0,
                                                 i % (N_PTS // 512))),
        ],
        out_shape=[
            jax.ShapeDtypeStruct((BN, O), jnp.float32),
            jax.ShapeDtypeStruct((NB, O, N_PTS), jnp.float32),
        ],
    )


_EC_CACHE = {}


def _edge_conv(xt_pad, G, w_t, g, b, Cp, O):
    if (Cp, O) not in _EC_CACHE:
        _EC_CACHE[(Cp, O)] = (_make_edge_conv(Cp, O), _make_finalize(O))
    conv, fin = _EC_CACHE[(Cp, O)]
    M, s1, s2 = conv(xt_pad, G, w_t)
    E = float(BN * K)
    mean = s1 / E
    var = s2 / E - mean * mean
    return fin(M, mean, var, g.reshape(1, O), b.reshape(1, O))


def _knn_idx(x):
    inner = -2.0 * jnp.einsum('bcn,bcm->bnm', x, x)
    xx = jnp.sum(x * x, axis=1)
    pairwise = -xx[:, :, None] - inner - xx[:, None, :]
    SW, KEEP = 8, 24
    seg = pairwise.reshape(NB, N_PTS, N_PTS // SW, SW)
    segmax = seg.max(axis=-1)
    _, sidx = jax.lax.top_k(segmax, KEEP)
    cand = jnp.take_along_axis(seg, sidx[..., None], axis=2)
    _, ci = jax.lax.top_k(cand.reshape(NB, N_PTS, KEEP * SW), K)
    seg_of = jnp.take_along_axis(sidx, ci // SW, axis=2)
    return seg_of * SW + (ci % SW)


def _edge_block(xt_pad, x_cm, W, g, b, C, Cp):
    O = W.shape[0]
    idx = _knn_idx(x_cm)
    boffs = (jnp.arange(NB, dtype=jnp.int32) * N_PTS)[:, None, None]
    idx_glob = (idx + boffs).reshape(-1)
    G = _sc_gather_rows(idx_glob, xt_pad.reshape(BN, Cp), Cp)
    Wd, Wc = W[:, :C], W[:, C:]
    pad = Cp - C
    if pad:
        Wd = jnp.pad(Wd, ((0, 0), (0, pad)))
        Wc = jnp.pad(Wc, ((0, 0), (0, pad)))
    w_t = jnp.concatenate([Wd.T, Wc.T], axis=0).astype(jnp.bfloat16)
    return _edge_conv(xt_pad.reshape(BN, Cp), G, w_t, g, b, Cp, O)


def _lrelu(x):
    return jnp.where(x > 0, x, 0.2 * x)


def _make_stats(C):
    grid = BN // 512

    def body(x_ref, s1_ref, s2_ref, c1_ref, c2_ref):
        step = pl.program_id(0)
        x = x_ref[...]
        ps = jnp.sum(x, axis=0)[None]
        psq = jnp.sum(x * x, axis=0)[None]

        @pl.when(step == 0)
        def _():
            s1_ref[...] = ps
            s2_ref[...] = psq
            c1_ref[...] = jnp.zeros_like(ps)
            c2_ref[...] = jnp.zeros_like(ps)

        @pl.when(step != 0)
        def _():
            def acc(s_ref, c_ref, v):
                v = v + c_ref[...]
                s = s_ref[...]
                t = s + v
                c_ref[...] = (s - t) + v
                s_ref[...] = t
            acc(s1_ref, c1_ref, ps)
            acc(s2_ref, c2_ref, psq)

    return pl.pallas_call(
        body,
        grid=(grid,),
        in_specs=[pl.BlockSpec((512, C), lambda i: (i, 0))],
        out_specs=[pl.BlockSpec((1, C), lambda i: (0, 0)),
                   pl.BlockSpec((1, C), lambda i: (0, 0))],
        out_shape=[jax.ShapeDtypeStruct((1, C), jnp.float32),
                   jax.ShapeDtypeStruct((1, C), jnp.float32)],
        scratch_shapes=[pltpu.VMEM((1, C), jnp.float32),
                        pltpu.VMEM((1, C), jnp.float32)],
    )


def _make_affine(C, slope):
    grid = BN // 512
    per_b = N_PTS // 512

    def body(x_ref, s1_ref, s2_ref, g_ref, b_ref, o_ref, m_ref):
        step = pl.program_id(0)
        E = float(BN)
        mean = s1_ref[...] / E
        var = s2_ref[...] / E - mean * mean
        scale = g_ref[...] / jnp.sqrt(var + EPS)
        shift = b_ref[...] - mean * scale
        v = x_ref[...] * scale + shift
        if slope != 1.0:
            v = jnp.where(v > 0, v, slope * v)
        o_ref[...] = v
        tm = jnp.max(v, axis=0)[None, None]

        @pl.when(step % per_b == 0)
        def _():
            m_ref[...] = tm

        @pl.when(step % per_b != 0)
        def _():
            m_ref[...] = jnp.maximum(m_ref[...], tm)

    return pl.pallas_call(
        body,
        grid=(grid,),
        in_specs=[pl.BlockSpec((512, C), lambda i: (i, 0)),
                  pl.BlockSpec((1, C), lambda i: (0, 0)),
                  pl.BlockSpec((1, C), lambda i: (0, 0)),
                  pl.BlockSpec((1, C), lambda i: (0, 0)),
                  pl.BlockSpec((1, C), lambda i: (0, 0))],
        out_specs=[pl.BlockSpec((512, C), lambda i: (i, 0)),
                   pl.BlockSpec((1, 1, C),
                                lambda i: (i // (N_PTS // 512), 0, 0))],
        out_shape=[jax.ShapeDtypeStruct((BN, C), jnp.float32),
                   jax.ShapeDtypeStruct((NB, 1, C), jnp.float32)],
    )


def _make_mm(rows, Cin, Cout, has_g, tile=512):
    grid = rows // tile

    def body(*refs):
        if has_g:
            x_ref, w_ref, gt_ref, bias_ref, y_ref = refs
        else:
            x_ref, w_ref, bias_ref, y_ref = refs
        x = x_ref[...].astype(jnp.bfloat16)
        y = jax.lax.dot_general(
            x, w_ref[...], (((1,), (0,)), ((), ())),
            preferred_element_type=jnp.float32)
        y = y + bias_ref[...]
        if has_g:
            y = y + gt_ref[0]
        y_ref[...] = y

    in_specs = [pl.BlockSpec((tile, Cin), lambda i: (i, 0)),
                pl.BlockSpec((Cin, Cout), lambda i: (0, 0))]
    if has_g:
        in_specs.append(
            pl.BlockSpec((1, 1, Cout), lambda i: (i // (N_PTS // 512), 0, 0)))
    in_specs.append(pl.BlockSpec((1, Cout), lambda i: (0, 0)))
    return pl.pallas_call(
        body,
        grid=(grid,),
        in_specs=in_specs,
        out_specs=pl.BlockSpec((tile, Cout), lambda i: (i, 0)),
        out_shape=jax.ShapeDtypeStruct((rows, Cout), jnp.float32),
    )


_HEAD_CACHE = {}


def _head(k, maker, *args):
    if k not in _HEAD_CACHE:
        _HEAD_CACHE[k] = maker(*args)
    return _HEAD_CACHE[k]


def _edge_block_exact(xt_pad, x_cm, W, g, b, C, Cp):
    O = W.shape[0]
    idx = _knn_idx(x_cm)
    boffs = (jnp.arange(NB, dtype=jnp.int32) * N_PTS)[:, None, None]
    idx_glob = (idx + boffs).reshape(-1)
    G = _sc_gather_rows(idx_glob, xt_pad.reshape(BN, Cp), Cp)
    feature = G.reshape(NB, N_PTS, K, Cp)[:, :, :, :C]
    center = jnp.broadcast_to(
        xt_pad[:, :, None, :C], (NB, N_PTS, K, C))
    f = jnp.concatenate([feature - center, center], axis=-1)
    f = jnp.transpose(f, (0, 3, 1, 2))
    y = jnp.einsum('oc,bcnk->bonk', W, f)
    mean = jnp.mean(y, axis=(0, 2, 3), keepdims=True)
    var = jnp.var(y, axis=(0, 2, 3), keepdims=True)
    xhat = (y - mean) / jnp.sqrt(var + EPS)
    yn = xhat * g.reshape(1, O, 1, 1) + b.reshape(1, O, 1, 1)
    out_cm = jnp.max(_lrelu(yn), axis=-1)
    return jnp.transpose(out_cm, (0, 2, 1)), out_cm


def _bn_pw(x, g, b):
    mean = jnp.mean(x, axis=(0, 1), keepdims=True)
    var = jnp.var(x, axis=(0, 1), keepdims=True)
    return (x - mean) / jnp.sqrt(var + EPS) * g[None, None, :] + b[None, None, :]


def kernel(x, W1, g1, b1, W2, g2, b2, W3, g3, b3, W4, g4, b4, gcat, bcat,
           Wg, gg, bg, Wc1, gc1, bc1, Wc2, gc2, bc2, Wc3, bc3):
    B, C, N = x.shape
    xt = jnp.transpose(x, (0, 2, 1))
    xt_pad = jnp.pad(xt, ((0, 0), (0, 0), (0, 16 - C)))
    x1, x1_cm = _edge_block_exact(xt_pad, x, W1, g1, b1, C, 16)
    x2, x2_cm = _edge_block_exact(x1, x1_cm, W2, g2, b2, 64, 64)
    x3, x3_cm = _edge_block_exact(x2, x2_cm, W3, g3, b3, 64, 64)
    x4, _ = _edge_block(x3, x3_cm, W4, g4, b4, 128, 128)
    x4 = x4.reshape(B, N, 256)
    xl = jnp.concatenate([x1, x2, x3, x4], axis=2).reshape(BN, 512)

    def r1(a):
        return a.reshape(1, -1)

    zb = {}

    def zeros_b(C2):
        if C2 not in zb:
            zb[C2] = jnp.zeros((1, C2), jnp.float32)
        return zb[C2]

    s1, s2 = _head(('st', 512), _make_stats, 512)(xl)
    xl_bn, _ = _head(('af', 512, 1.0), _make_affine, 512, 1.0)(
        xl, s1, s2, r1(gcat), r1(bcat))
    y1 = _head(('mm', BN, 512, 1024), _make_mm, BN, 512, 1024, False)(
        xl_bn, Wg.T.astype(jnp.bfloat16), zeros_b(1024))
    t1, t2 = _head(('st', 1024), _make_stats, 1024)(y1)
    _, x_global = _head(('af', 1024, 0.2), _make_affine, 1024, 0.2)(
        y1, t1, t2, r1(gg), r1(bg))
    x_global = x_global[:, 0, :]
    xg_pad = jnp.pad(x_global, ((0, 4), (0, 0)))
    gterm = _head(('mm', 8, 1024, 512), _make_mm, 8, 1024, 512, False, 8)(
        xg_pad, Wc1[:, 512:].T.astype(jnp.bfloat16), zeros_b(512))[:B]
    y2 = _head(('mmg', BN, 512, 512), _make_mm, BN, 512, 512, True)(
        xl_bn, Wc1[:, :512].T.astype(jnp.bfloat16), gterm[:, None, :],
        zeros_b(512))
    u1, u2 = _head(('st2', 512), _make_stats, 512)(y2)
    h1, _ = _head(('af2', 512, 0.2), _make_affine, 512, 0.2)(
        y2, u1, u2, r1(gc1), r1(bc1))
    y3 = _head(('mm', BN, 512, 256), _make_mm, BN, 512, 256, False)(
        h1, Wc2.T.astype(jnp.bfloat16), zeros_b(256))
    v1, v2 = _head(('st', 256), _make_stats, 256)(y3)
    h2, _ = _head(('af', 256, 0.2), _make_affine, 256, 0.2)(
        y3, v1, v2, r1(gc2), r1(bc2))
    w3 = jnp.pad(Wc3, ((0, 128 - Wc3.shape[0]), (0, 0)))
    b3 = jnp.pad(bc3, (0, 128 - bc3.shape[0]))
    logits = _head(('mm', BN, 256, 128), _make_mm, BN, 256, 128, False)(
        h2, w3.T.astype(jnp.bfloat16), r1(b3))[:, :50]
    return (jnp.transpose(logits.reshape(B, N, 50), (0, 2, 1)),
            jnp.transpose(xl_bn.reshape(B, N, 512), (0, 2, 1)),
            x_global[:, :, None])

# --- scband reference (transcript-rebuilt; emitter-appended) ---
"""Pipeline reference for scband-dgcnnsegmentation-81844896793227 (READ-ONLY COPY).

The authoritative reference and input builder live on the scoring server;
editing this copy changes nothing except your own understanding.
"""

import jax, jax.numpy as jnp
import numpy as np


def knn(x, k):
    # x: (B, C, N) -> idx (B, N, k) of nearest neighbors by negative squared distance
    inner = -2.0 * jnp.einsum('bcn,bcm->bnm', x, x)
    xx = jnp.sum(x * x, axis=1)  # (B, N)
    pairwise = -xx[:, :, None] - inner - xx[:, None, :]
    _, idx = jax.lax.top_k(pairwise, k)
    return idx


def get_graph_feature(x, k):
    # x: (B, C, N) -> (B, 2C, N, k) with concat(feature_j - feature_i, feature_i)
    B, C, N = x.shape
    idx = knn(x, k)
    xt = jnp.transpose(x, (0, 2, 1))  # (B, N, C)
    feature = jax.vmap(lambda pts, ind: pts[ind])(xt, idx)  # (B, N, k, C)
    center = jnp.broadcast_to(xt[:, :, None, :], feature.shape)
    out = jnp.concatenate([feature - center, center], axis=-1)  # (B, N, k, 2C)
    return jnp.transpose(out, (0, 3, 1, 2))  # (B, 2C, N, k)


def lrelu(x):
    return jnp.where(x > 0, x, 0.2 * x)


def bn(x, gamma, beta, axes):
    # training-mode batch norm (batch statistics), per-channel on axis 1
    mean = jnp.mean(x, axis=axes, keepdims=True)
    var = jnp.var(x, axis=axes, keepdims=True)
    xhat = (x - mean) / jnp.sqrt(var + 1e-5)
    shape = [1] * x.ndim
    shape[1] = -1
    return xhat * gamma.reshape(shape) + beta.reshape(shape)


def edge_block(x, W, g, b, k):
    f = get_graph_feature(x, k)
    y = jnp.einsum('oc,bcnk->bonk', W, f)  # 1x1 Conv2d, no bias
    y = lrelu(bn(y, g, b, (0, 2, 3)))
    return jnp.max(y, axis=-1)  # max over k neighbors -> (B, O, N)


def forward(x, W1, g1, b1, W2, g2, b2, W3, g3, b3, W4, g4, b4, gcat, bcat, Wg, gg, bg, Wc1, gc1, bc1, Wc2, gc2, bc2, Wc3, bc3):
    k = 20
    B, C, N = x.shape
    x1 = edge_block(x, W1, g1, b1, k)
    x2 = edge_block(x1, W2, g2, b2, k)
    x3 = edge_block(x2, W3, g3, b3, k)
    x4 = edge_block(x3, W4, g4, b4, k)
    x_local = jnp.concatenate([x1, x2, x3, x4], axis=1)  # (B, 512, N)
    x_local = bn(x_local, gcat, bcat, (0, 2))
    xg = lrelu(bn(jnp.einsum('oc,bcn->bon', Wg, x_local), gg, bg, (0, 2)))
    x_global = jnp.max(xg, axis=-1, keepdims=True)  # (B, 1024, 1)
    x_cat = jnp.concatenate([x_local, jnp.broadcast_to(x_global, (B, 1024, N))], axis=1)
    h = lrelu(bn(jnp.einsum('oc,bcn->bon', Wc1, x_cat), gc1, bc1, (0, 2)))
    h = lrelu(bn(jnp.einsum('oc,bcn->bon', Wc2, h), gc2, bc2, (0, 2)))
    # Dropout p=0.5 treated as identity (deterministic eval)
    logits = jnp.einsum('oc,bcn->bon', Wc3, h) + bc3[None, :, None]
    return (logits, x_local, x_global)


def setup_inputs(seed: int = 0):
    key = jax.random.key(seed)
    ks = jax.random.split(key, 10)
    B, C, N = 4, 3, 2048
    num_classes = 50

    def w(k_, o, i):
        return (jax.random.normal(k_, (o, i), dtype=jnp.float32) / np.sqrt(i)).astype(jnp.float32)

    d = {}
    d['x'] = jax.random.normal(ks[0], (B, C, N), dtype=jnp.float32)
    d['W1'] = w(ks[1], 64, 6); d['g1'] = jnp.ones((64,), jnp.float32); d['b1'] = jnp.zeros((64,), jnp.float32)
    d['W2'] = w(ks[2], 64, 128); d['g2'] = jnp.ones((64,), jnp.float32); d['b2'] = jnp.zeros((64,), jnp.float32)
    d['W3'] = w(ks[3], 128, 128); d['g3'] = jnp.ones((128,), jnp.float32); d['b3'] = jnp.zeros((128,), jnp.float32)
    d['W4'] = w(ks[4], 256, 256); d['g4'] = jnp.ones((256,), jnp.float32); d['b4'] = jnp.zeros((256,), jnp.float32)
    d['gcat'] = jnp.ones((512,), jnp.float32); d['bcat'] = jnp.zeros((512,), jnp.float32)
    d['Wg'] = w(ks[5], 1024, 512); d['gg'] = jnp.ones((1024,), jnp.float32); d['bg'] = jnp.zeros((1024,), jnp.float32)
    d['Wc1'] = w(ks[6], 512, 1536); d['gc1'] = jnp.ones((512,), jnp.float32); d['bc1'] = jnp.zeros((512,), jnp.float32)
    d['Wc2'] = w(ks[7], 256, 512); d['gc2'] = jnp.ones((256,), jnp.float32); d['bc2'] = jnp.zeros((256,), jnp.float32)
    d['Wc3'] = w(ks[8], num_classes, 256); d['bc3'] = jnp.zeros((num_classes,), jnp.float32)
    return d


def reference(x, W1, g1, b1, W2, g2, b2, W3, g3, b3, W4, g4, b4, gcat, bcat, Wg, gg, bg, Wc1, gc1, bc1, Wc2, gc2, bc2, Wc3, bc3):
    return forward(x, W1, g1, b1, W2, g2, b2, W3, g3, b3, W4, g4, b4, gcat, bcat, Wg, gg, bg, Wc1, gc1, bc1, Wc2, gc2, bc2, Wc3, bc3)

if __name__ == "__main__":
    import jax
    _d = setup_inputs()
    print(jax.jit(kernel)(*tuple(_d.values())))

</pallas_src>

<mosaic_0001>
#map = affine_map<(d0, d1) -> (0)>
#map1 = affine_map<(d0, d1) -> (0, 0)>
module attributes {stable_mosaic.version = 14 : i64} {
  func.func @sc_gather(%arg0: i32, %arg1: i32, %arg2: memref<163840xi32, #tpu.memory_space<hbm>>, %arg3: memref<8192x16xf32, #tpu.memory_space<hbm>>, %arg4: memref<163840x16xf32, #tpu.memory_space<hbm>>, %arg5: memref<5120xi32, #tpu.memory_space<vmem>>, %arg6: memref<80x16xf32, #tpu.memory_space<vmem>>, %arg7: memref<80x16xf32, #tpu.memory_space<vmem>>, %arg8: memref<!tpu.dma_semaphore, #tpu.memory_space<semaphore_mem>>, %arg9: memref<!tpu.dma_semaphore, #tpu.memory_space<semaphore_mem>>) attributes {dimension_semantics = [#tpu.dimension_semantics<core_parallel>, #tpu.dimension_semantics<subcore_parallel>], iteration_bounds = array<i64: 2, 16>, scalar_prefetch = 0 : i64, scratch_operands = 5 : i64, tpu.core_type = #tpu.core_type<sc_vector_subcore>, window_params = [{transform_indices = #map}, {transform_indices = #map1}, {transform_indices = #map1}]} {
    %mul3A = arith.constant 2 : i32
    %mul3A_0 = arith.muli %arg1, %mul3A : i32
    %add3A = arith.addi %mul3A_0, %arg0 : i32
    %mul3A_1 = arith.constant 5120 : i32
    %mul3A_2 = arith.muli %add3A, %mul3A_1 : i32
    "tpu.region"() ({
      %run_scoped3A = tpu.sem_alloc : memref<!tpu.dma_semaphore, #tpu.memory_space<semaphore_mem>>
      %dma_start3A_12 = tpu.memref_slice %arg2[%mul3A_2] : memref<163840xi32, #tpu.memory_space<hbm>> -> memref<5120xi32, #tpu.memory_space<hbm>>
      %dma_start3A_13 = tpu.memref_slice %arg2[%mul3A_2] : memref<163840xi32, #tpu.memory_space<hbm>> -> memref<5120xi32, #tpu.memory_space<hbm>>
      tpu.enqueue_dma source(%dma_start3A_13 : memref<5120xi32, #tpu.memory_space<hbm>>) target(%arg5 : memref<5120xi32, #tpu.memory_space<vmem>>) target_semaphore(%run_scoped3A : memref<!tpu.dma_semaphore, #tpu.memory_space<semaphore_mem>>)
      %dma_wait3A = tpu.memref_slice %arg2[%mul3A_2] : memref<163840xi32, #tpu.memory_space<hbm>> -> memref<5120xi32, #tpu.memory_space<hbm>>
      %dma_wait3A_14 = tpu.memref_slice %arg2[%mul3A_2] : memref<163840xi32, #tpu.memory_space<hbm>> -> memref<5120xi32, #tpu.memory_space<hbm>>
      tpu.wait_dma2 semaphore(%run_scoped3A : memref<!tpu.dma_semaphore, #tpu.memory_space<semaphore_mem>>) src(%dma_wait3A_14 : memref<5120xi32, #tpu.memory_space<hbm>>) dst(%arg5 : memref<5120xi32, #tpu.memory_space<vmem>>)
      tpu.yield
    }) : () -> ()
    %dma_start3A = arith.constant 0 : i32
    %dma_start3A_3 = tpu.memref_slice %arg5[%dma_start3A] : memref<5120xi32, #tpu.memory_space<vmem>> -> memref<80xi32, #tpu.memory_space<vmem>>
    %dma_start3A_4 = arith.constant 0 : i32
    %dma_start3A_5 = arith.constant 0 : i32
    %dma_start3A_6 = tpu.memref_slice %arg3[%dma_start3A_4, %dma_start3A_5] : memref<8192x16xf32, #tpu.memory_space<hbm>> -> memref<8192x16xf32, #tpu.memory_space<hbm>>
    tpu.enqueue_indirect_dma source(%dma_start3A_6 : memref<8192x16xf32, #tpu.memory_space<hbm>>) target(%arg6 : memref<80x16xf32, #tpu.memory_space<vmem>>) offsets(%dma_start3A_3 : memref<80xi32, #tpu.memory_space<vmem>>) semaphore(%arg8 : memref<!tpu.dma_semaphore, #tpu.memory_space<semaphore_mem>>)
    %scan3A = arith.constant 0 : i32
    %scan3A_7 = arith.constant 0 : i32
    %scan3A_8 = arith.constant 32 : i32
    %scan3A_9 = arith.addi %scan3A_7, %scan3A_8 : i32
    %scan3A_10 = arith.constant 1 : i32
    scf.for %scan3A_12 = %scan3A_7 to %scan3A_9 step %scan3A_10  : i32 {
      %mul3A_13 = arith.constant 2 : i32
      %mul3A_14 = arith.muli %scan3A_12, %mul3A_13 : i32
      %add3A_15 = arith.constant 0 : i32
      %add3A_16 = arith.addi %mul3A_14, %add3A_15 : i32
      %dma_wait3A = arith.constant 0 : i32
      %dma_wait3A_17 = tpu.memref_slice %arg5[%dma_wait3A] : memref<5120xi32, #tpu.memory_space<vmem>> -> memref<80xi32, #tpu.memory_space<vmem>>
      %dma_wait3A_18 = arith.constant 0 : i32
      %dma_wait3A_19 = arith.constant 0 : i32
      %dma_wait3A_20 = tpu.memref_slice %arg3[%dma_wait3A_18, %dma_wait3A_19] : memref<8192x16xf32, #tpu.memory_space<hbm>> -> memref<8192x16xf32, #tpu.memory_space<hbm>>
      tpu.wait_indirect_dma semaphore(%arg8 : memref<!tpu.dma_semaphore, #tpu.memory_space<semaphore_mem>>) src(%dma_wait3A_20 : memref<8192x16xf32, #tpu.memory_space<hbm>>) dst(%arg6 : memref<80x16xf32, #tpu.memory_space<vmem>>)
      %add3A_21 = arith.constant 1 : i32
      %add3A_22 = arith.addi %add3A_16, %add3A_21 : i32
      %lt3A = arith.constant 64 : i32
      %lt3A_23 = arith.cmpi slt, %add3A_22, %lt3A : i32
      %convert_element_type3A = arith.extui %lt3A_23 : i1 to i32
      %cond3A = arith.constant 0 : i32
      %cond3A_24 = arith.cmpi ne, %convert_element_type3A, %cond3A : i32
      scf.if %cond3A_24 {
        %mul3A_47 = arith.constant 80 : i32
        %mul3A_48 = arith.muli %add3A_22, %mul3A_47 : i32
        %dma_start3A_49 = tpu.memref_slice %arg5[%mul3A_48] : memref<5120xi32, #tpu.memory_space<vmem>> -> memref<80xi32, #tpu.memory_space<vmem>>
        %dma_start3A_50 = arith.constant 0 : i32
        %dma_start3A_51 = arith.constant 0 : i32
        %dma_start3A_52 = tpu.memref_slice %arg3[%dma_start3A_50, %dma_start3A_51] : memref<8192x16xf32, #tpu.memory_space<hbm>> -> memref<8192x16xf32, #tpu.memory_space<hbm>>
        tpu.enqueue_indirect_dma source(%dma_start3A_52 : memref<8192x16xf32, #tpu.memory_space<hbm>>) target(%arg7 : memref<80x16xf32, #tpu.memory_space<vmem>>) offsets(%dma_start3A_49 : memref<80xi32, #tpu.memory_space<vmem>>) semaphore(%arg9 : memref<!tpu.dma_semaphore, #tpu.memory_space<semaphore_mem>>)
      } else {
      }
      %mul3A_25 = arith.constant 80 : i32
      %mul3A_26 = arith.muli %add3A_16, %mul3A_25 : i32
      %add3A_27 = arith.addi %mul3A_2, %mul3A_26 : i32
      "tpu.region"() ({
        %run_scoped3A = tpu.sem_alloc : memref<!tpu.dma_semaphore, #tpu.memory_space<semaphore_mem>>
        %dma_start3A_47 = arith.constant 0 : i32
        %dma_start3A_48 = tpu.memref_slice %arg4[%add3A_27, %dma_start3A_47] : memref<163840x16xf32, #tpu.memory_space<hbm>> -> memref<80x16xf32, #tpu.memory_space<hbm>>
        %dma_start3A_49 = arith.constant 0 : i32
        %dma_start3A_50 = tpu.memref_slice %arg4[%add3A_27, %dma_start3A_49] : memref<163840x16xf32, #tpu.memory_space<hbm>> -> memref<80x16xf32, #tpu.memory_space<hbm>>
        tpu.enqueue_dma source(%arg6 : memref<80x16xf32, #tpu.memory_space<vmem>>) target(%dma_start3A_50 : memref<80x16xf32, #tpu.memory_space<hbm>>) target_semaphore(%run_scoped3A : memref<!tpu.dma_semaphore, #tpu.memory_space<semaphore_mem>>)
        %dma_wait3A_51 = arith.constant 0 : i32
        %dma_wait3A_52 = tpu.memref_slice %arg4[%add3A_27, %dma_wait3A_51] : memref<163840x16xf32, #tpu.memory_space<hbm>> -> memref<80x16xf32, #tpu.memory_space<hbm>>
        %dma_wait3A_53 = arith.constant 0 : i32
        %dma_wait3A_54 = tpu.memref_slice %arg4[%add3A_27, %dma_wait3A_53] : memref<163840x16xf32, #tpu.memory_space<hbm>> -> memref<80x16xf32, #tpu.memory_space<hbm>>
        tpu.wait_dma2 semaphore(%run_scoped3A : memref<!tpu.dma_semaphore, #tpu.memory_space<semaphore_mem>>) src(%arg6 : memref<80x16xf32, #tpu.memory_space<vmem>>) dst(%dma_wait3A_54 : memref<80x16xf32, #tpu.memory_space<hbm>>)
        tpu.yield
      }) : () -> ()
      %mul3A_28 = arith.constant 2 : i32
      %mul3A_29 = arith.muli %scan3A_12, %mul3A_28 : i32
      %add3A_30 = arith.constant 1 : i32
      %add3A_31 = arith.addi %mul3A_29, %add3A_30 : i32
      %dma_wait3A_32 = arith.constant 0 : i32
      %dma_wait3A_33 = tpu.memref_slice %arg5[%dma_wait3A_32] : memref<5120xi32, #tpu.memory_space<vmem>> -> memref<80xi32, #tpu.memory_space<vmem>>
      %dma_wait3A_34 = arith.constant 0 : i32
      %dma_wait3A_35 = arith.constant 0 : i32
      %dma_wait3A_36 = tpu.memref_slice %arg3[%dma_wait3A_34, %dma_wait3A_35] : memref<8192x16xf32, #tpu.memory_space<hbm>> -> memref<8192x16xf32, #tpu.memory_space<hbm>>
      tpu.wait_indirect_dma semaphore(%arg9 : memref<!tpu.dma_semaphore, #tpu.memory_space<semaphore_mem>>) src(%dma_wait3A_36 : memref<8192x16xf32, #tpu.memory_space<hbm>>) dst(%arg7 : memref<80x16xf32, #tpu.memory_space<vmem>>)
      %add3A_37 = arith.constant 1 : i32
      %add3A_38 = arith.addi %add3A_31, %add3A_37 : i32
      %lt3A_39 = arith.constant 64 : i32
      %lt3A_40 = arith.cmpi slt, %add3A_38, %lt3A_39 : i32
      %convert_element_type3A_41 = arith.extui %lt3A_40 : i1 to i32
      %cond3A_42 = arith.constant 0 : i32
      %cond3A_43 = arith.cmpi ne, %convert_element_type3A_41, %cond3A_42 : i32
      scf.if %cond3A_43 {
        %mul3A_47 = arith.constant 80 : i32
        %mul3A_48 = arith.muli %add3A_38, %mul3A_47 : i32
        %dma_start3A_49 = tpu.memref_slice %arg5[%mul3A_48] : memref<5120xi32, #tpu.memory_space<vmem>> -> memref<80xi32, #tpu.memory_space<vmem>>
        %dma_start3A_50 = arith.constant 0 : i32
        %dma_start3A_51 = arith.constant 0 : i32
        %dma_start3A_52 = tpu.memref_slice %arg3[%dma_start3A_50, %dma_start3A_51] : memref<8192x16xf32, #tpu.memory_space<hbm>> -> memref<8192x16xf32, #tpu.memory_space<hbm>>
        tpu.enqueue_indirect_dma source(%dma_start3A_52 : memref<8192x16xf32, #tpu.memory_space<hbm>>) target(%arg6 : memref<80x16xf32, #tpu.memory_space<vmem>>) offsets(%dma_start3A_49 : memref<80xi32, #tpu.memory_space<vmem>>) semaphore(%arg8 : memref<!tpu.dma_semaphore, #tpu.memory_space<semaphore_mem>>)
      } else {
      }
      %mul3A_44 = arith.constant 80 : i32
      %mul3A_45 = arith.muli %add3A_31, %mul3A_44 : i32
      %add3A_46 = arith.addi %mul3A_2, %mul3A_45 : i32
      "tpu.region"() ({
        %run_scoped3A = tpu.sem_alloc : memref<!tpu.dma_semaphore, #tpu.memory_space<semaphore_mem>>
        %dma_start3A_47 = arith.constant 0 : i32
        %dma_start3A_48 = tpu.memref_slice %arg4[%add3A_46, %dma_start3A_47] : memref<163840x16xf32, #tpu.memory_space<hbm>> -> memref<80x16xf32, #tpu.memory_space<hbm>>
        %dma_start3A_49 = arith.constant 0 : i32
        %dma_start3A_50 = tpu.memref_slice %arg4[%add3A_46, %dma_start3A_49] : memref<163840x16xf32, #tpu.memory_space<hbm>> -> memref<80x16xf32, #tpu.memory_space<hbm>>
        tpu.enqueue_dma source(%arg7 : memref<80x16xf32, #tpu.memory_space<vmem>>) target(%dma_start3A_50 : memref<80x16xf32, #tpu.memory_space<hbm>>) target_semaphore(%run_scoped3A : memref<!tpu.dma_semaphore, #tpu.memory_space<semaphore_mem>>)
        %dma_wait3A_51 = arith.constant 0 : i32
        %dma_wait3A_52 = tpu.memref_slice %arg4[%add3A_46, %dma_wait3A_51] : memref<163840x16xf32, #tpu.memory_space<hbm>> -> memref<80x16xf32, #tpu.memory_space<hbm>>
        %dma_wait3A_53 = arith.constant 0 : i32
        %dma_wait3A_54 = tpu.memref_slice %arg4[%add3A_46, %dma_wait3A_53] : memref<163840x16xf32, #tpu.memory_space<hbm>> -> memref<80x16xf32, #tpu.memory_space<hbm>>
        tpu.wait_dma2 semaphore(%run_scoped3A : memref<!tpu.dma_semaphore, #tpu.memory_space<semaphore_mem>>) src(%arg7 : memref<80x16xf32, #tpu.memory_space<vmem>>) dst(%dma_wait3A_54 : memref<80x16xf32, #tpu.memory_space<hbm>>)
        tpu.yield
      }) : () -> ()
    }
    %scan3A_11 = arith.constant 32 : i32
    return
  }
}

#map = affine_map<(d0, d1) -> (0)>
#map1 = affine_map<(d0, d1) -> (0, 0)>
module attributes {stable_mosaic.version = 14 : i64} {
  func.func @sc_gather(%arg0: i32, %arg1: i32, %arg2: memref<163840xi32, #tpu.memory_space<hbm>>, %arg3: memref<8192x64xf32, #tpu.memory_space<hbm>>, %arg4: memref<163840x64xf32, #tpu.memory_space<hbm>>, %arg5: memref<5120xi32, #tpu.memory_space<vmem>>, %arg6: memref<80x64xf32, #tpu.memory_space<vmem>>, %arg7: memref<80x64xf32, #tpu.memory_space<vmem>>, %arg8: memref<!tpu.dma_semaphore, #tpu.memory_space<semaphore_mem>>, %arg9: memref<!tpu.dma_semaphore, #tpu.memory_space<semaphore_mem>>) attributes {dimension_semantics = [#tpu.dimension_semantics<core_parallel>, #tpu.dimension_semantics<subcore_parallel>], iteration_bounds = array<i64: 2, 16>, scalar_prefetch = 0 : i64, scratch_operands = 5 : i64, tpu.core_type = #tpu.core_type<sc_vector_subcore>, window_params = [{transform_indices = #map}, {transform_indices = #map1}, {transform_indices = #map1}]} {
    %mul3A = arith.constant 2 : i32
    %mul3A_0 = arith.muli %arg1, %mul3A : i32
    %add3A = arith.addi %mul3A_0, %arg0 : i32
    %mul3A_1 = arith.constant 5120 : i32
    %mul3A_2 = arith.muli %add3A, %mul3A_1 : i32
    "tpu.region"() ({
      %run_scoped3A = tpu.sem_alloc : memref<!tpu.dma_semaphore, #tpu.memory_space<semaphore_mem>>
      %dma_start3A_12 = tpu.memref_slice %arg2[%mul3A_2] : memref<163840xi32, #tpu.memory_space<hbm>> -> memref<5120xi32, #tpu.memory_space<hbm>>
      %dma_start3A_13 = tpu.memref_slice %arg2[%mul3A_2] : memref<163840xi32, #tpu.memory_space<hbm>> -> memref<5120xi32, #tpu.memory_space<hbm>>
      tpu.enqueue_dma source(%dma_start3A_13 : memref<5120xi32, #tpu.memory_space<hbm>>) target(%arg5 : memref<5120xi32, #tpu.memory_space<vmem>>) target_semaphore(%run_scoped3A : memref<!tpu.dma_semaphore, #tpu.memory_space<semaphore_mem>>)
      %dma_wait3A = tpu.memref_slice %arg2[%mul3A_2] : memref<163840xi32, #tpu.memory_space<hbm>> -> memref<5120xi32, #tpu.memory_space<hbm>>
      %dma_wait3A_14 = tpu.memref_slice %arg2[%mul3A_2] : memref<163840xi32, #tpu.memory_space<hbm>> -> memref<5120xi32, #tpu.memory_space<hbm>>
      tpu.wait_dma2 semaphore(%run_scoped3A : memref<!tpu.dma_semaphore, #tpu.memory_space<semaphore_mem>>) src(%dma_wait3A_14 : memref<5120xi32, #tpu.memory_space<hbm>>) dst(%arg5 : memref<5120xi32, #tpu.memory_space<vmem>>)
      tpu.yield
    }) : () -> ()
    %dma_start3A = arith.constant 0 : i32
    %dma_start3A_3 = tpu.memref_slice %arg5[%dma_start3A] : memref<5120xi32, #tpu.memory_space<vmem>> -> memref<80xi32, #tpu.memory_space<vmem>>
    %dma_start3A_4 = arith.constant 0 : i32
    %dma_start3A_5 = arith.constant 0 : i32
    %dma_start3A_6 = tpu.memref_slice %arg3[%dma_start3A_4, %dma_start3A_5] : memref<8192x64xf32, #tpu.memory_space<hbm>> -> memref<8192x64xf32, #tpu.memory_space<hbm>>
    tpu.enqueue_indirect_dma source(%dma_start3A_6 : memref<8192x64xf32, #tpu.memory_space<hbm>>) target(%arg6 : memref<80x64xf32, #tpu.memory_space<vmem>>) offsets(%dma_start3A_3 : memref<80xi32, #tpu.memory_space<vmem>>) semaphore(%arg8 : memref<!tpu.dma_semaphore, #tpu.memory_space<semaphore_mem>>)
    %scan3A = arith.constant 0 : i32
    %scan3A_7 = arith.constant 0 : i32
    %scan3A_8 = arith.constant 32 : i32
    %scan3A_9 = arith.addi %scan3A_7, %scan3A_8 : i32
    %scan3A_10 = arith.constant 1 : i32
    scf.for %scan3A_12 = %scan3A_7 to %scan3A_9 step %scan3A_10  : i32 {
      %mul3A_13 = arith.constant 2 : i32
      %mul3A_14 = arith.muli %scan3A_12, %mul3A_13 : i32
      %add3A_15 = arith.constant 0 : i32
      %add3A_16 = arith.addi %mul3A_14, %add3A_15 : i32
      %dma_wait3A = arith.constant 0 : i32
      %dma_wait3A_17 = tpu.memref_slice %arg5[%dma_wait3A] : memref<5120xi32, #tpu.memory_space<vmem>> -> memref<80xi32, #tpu.memory_space<vmem>>
      %dma_wait3A_18 = arith.constant 0 : i32
      %dma_wait3A_19 = arith.constant 0 : i32
      %dma_wait3A_20 = tpu.memref_slice %arg3[%dma_wait3A_18, %dma_wait3A_19] : memref<8192x64xf32, #tpu.memory_space<hbm>> -> memref<8192x64xf32, #tpu.memory_space<hbm>>
      tpu.wait_indirect_dma semaphore(%arg8 : memref<!tpu.dma_semaphore, #tpu.memory_space<semaphore_mem>>) src(%dma_wait3A_20 : memref<8192x64xf32, #tpu.memory_space<hbm>>) dst(%arg6 : memref<80x64xf32, #tpu.memory_space<vmem>>)
      %add3A_21 = arith.constant 1 : i32
      %add3A_22 = arith.addi %add3A_16, %add3A_21 : i32
      %lt3A = arith.constant 64 : i32
      %lt3A_23 = arith.cmpi slt, %add3A_22, %lt3A : i32
      %convert_element_type3A = arith.extui %lt3A_23 : i1 to i32
      %cond3A = arith.constant 0 : i32
      %cond3A_24 = arith.cmpi ne, %convert_element_type3A, %cond3A : i32
      scf.if %cond3A_24 {
        %mul3A_47 = arith.constant 80 : i32
        %mul3A_48 = arith.muli %add3A_22, %mul3A_47 : i32
        %dma_start3A_49 = tpu.memref_slice %arg5[%mul3A_48] : memref<5120xi32, #tpu.memory_space<vmem>> -> memref<80xi32, #tpu.memory_space<vmem>>
        %dma_start3A_50 = arith.constant 0 : i32
        %dma_start3A_51 = arith.constant 0 : i32
        %dma_start3A_52 = tpu.memref_slice %arg3[%dma_start3A_50, %dma_start3A_51] : memref<8192x64xf32, #tpu.memory_space<hbm>> -> memref<8192x64xf32, #tpu.memory_space<hbm>>
        tpu.enqueue_indirect_dma source(%dma_start3A_52 : memref<8192x64xf32, #tpu.memory_space<hbm>>) target(%arg7 : memref<80x64xf32, #tpu.memory_space<vmem>>) offsets(%dma_start3A_49 : memref<80xi32, #tpu.memory_space<vmem>>) semaphore(%arg9 : memref<!tpu.dma_semaphore, #tpu.memory_space<semaphore_mem>>)
      } else {
      }
      %mul3A_25 = arith.constant 80 : i32
      %mul3A_26 = arith.muli %add3A_16, %mul3A_25 : i32
      %add3A_27 = arith.addi %mul3A_2, %mul3A_26 : i32
      "tpu.region"() ({
        %run_scoped3A = tpu.sem_alloc : memref<!tpu.dma_semaphore, #tpu.memory_space<semaphore_mem>>
        %dma_start3A_47 = arith.constant 0 : i32
        %dma_start3A_48 = tpu.memref_slice %arg4[%add3A_27, %dma_start3A_47] : memref<163840x64xf32, #tpu.memory_space<hbm>> -> memref<80x64xf32, #tpu.memory_space<hbm>>
        %dma_start3A_49 = arith.constant 0 : i32
        %dma_start3A_50 = tpu.memref_slice %arg4[%add3A_27, %dma_start3A_49] : memref<163840x64xf32, #tpu.memory_space<hbm>> -> memref<80x64xf32, #tpu.memory_space<hbm>>
        tpu.enqueue_dma source(%arg6 : memref<80x64xf32, #tpu.memory_space<vmem>>) target(%dma_start3A_50 : memref<80x64xf32, #tpu.memory_space<hbm>>) target_semaphore(%run_scoped3A : memref<!tpu.dma_semaphore, #tpu.memory_space<semaphore_mem>>)
        %dma_wait3A_51 = arith.constant 0 : i32
        %dma_wait3A_52 = tpu.memref_slice %arg4[%add3A_27, %dma_wait3A_51] : memref<163840x64xf32, #tpu.memory_space<hbm>> -> memref<80x64xf32, #tpu.memory_space<hbm>>
        %dma_wait3A_53 = arith.constant 0 : i32
        %dma_wait3A_54 = tpu.memref_slice %arg4[%add3A_27, %dma_wait3A_53] : memref<163840x64xf32, #tpu.memory_space<hbm>> -> memref<80x64xf32, #tpu.memory_space<hbm>>
        tpu.wait_dma2 semaphore(%run_scoped3A : memref<!tpu.dma_semaphore, #tpu.memory_space<semaphore_mem>>) src(%arg6 : memref<80x64xf32, #tpu.memory_space<vmem>>) dst(%dma_wait3A_54 : memref<80x64xf32, #tpu.memory_space<hbm>>)
        tpu.yield
      }) : () -> ()
      %mul3A_28 = arith.constant 2 : i32
      %mul3A_29 = arith.muli %scan3A_12, %mul3A_28 : i32
      %add3A_30 = arith.constant 1 : i32
      %add3A_31 = arith.addi %mul3A_29, %add3A_30 : i32
      %dma_wait3A_32 = arith.constant 0 : i32
      %dma_wait3A_33 = tpu.memref_slice %arg5[%dma_wait3A_32] : memref<5120xi32, #tpu.memory_space<vmem>> -> memref<80xi32, #tpu.memory_space<vmem>>
      %dma_wait3A_34 = arith.constant 0 : i32
      %dma_wait3A_35 = arith.constant 0 : i32
      %dma_wait3A_36 = tpu.memref_slice %arg3[%dma_wait3A_34, %dma_wait3A_35] : memref<8192x64xf32, #tpu.memory_space<hbm>> -> memref<8192x64xf32, #tpu.memory_space<hbm>>
      tpu.wait_indirect_dma semaphore(%arg9 : memref<!tpu.dma_semaphore, #tpu.memory_space<semaphore_mem>>) src(%dma_wait3A_36 : memref<8192x64xf32, #tpu.memory_space<hbm>>) dst(%arg7 : memref<80x64xf32, #tpu.memory_space<vmem>>)
      %add3A_37 = arith.constant 1 : i32
      %add3A_38 = arith.addi %add3A_31, %add3A_37 : i32
      %lt3A_39 = arith.constant 64 : i32
      %lt3A_40 = arith.cmpi slt, %add3A_38, %lt3A_39 : i32
      %convert_element_type3A_41 = arith.extui %lt3A_40 : i1 to i32
      %cond3A_42 = arith.constant 0 : i32
      %cond3A_43 = arith.cmpi ne, %convert_element_type3A_41, %cond3A_42 : i32
      scf.if %cond3A_43 {
        %mul3A_47 = arith.constant 80 : i32
        %mul3A_48 = arith.muli %add3A_38, %mul3A_47 : i32
        %dma_start3A_49 = tpu.memref_slice %arg5[%mul3A_48] : memref<5120xi32, #tpu.memory_space<vmem>> -> memref<80xi32, #tpu.memory_space<vmem>>
        %dma_start3A_50 = arith.constant 0 : i32
        %dma_start3A_51 = arith.constant 0 : i32
        %dma_start3A_52 = tpu.memref_slice %arg3[%dma_start3A_50, %dma_start3A_51] : memref<8192x64xf32, #tpu.memory_space<hbm>> -> memref<8192x64xf32, #tpu.memory_space<hbm>>
        tpu.enqueue_indirect_dma source(%dma_start3A_52 : memref<8192x64xf32, #tpu.memory_space<hbm>>) target(%arg6 : memref<80x64xf32, #tpu.memory_space<vmem>>) offsets(%dma_start3A_49 : memref<80xi32, #tpu.memory_space<vmem>>) semaphore(%arg8 : memref<!tpu.dma_semaphore, #tpu.memory_space<semaphore_mem>>)
      } else {
      }
      %mul3A_44 = arith.constant 80 : i32
      %mul3A_45 = arith.muli %add3A_31, %mul3A_44 : i32
      %add3A_46 = arith.addi %mul3A_2, %mul3A_45 : i32
      "tpu.region"() ({
        %run_scoped3A = tpu.sem_alloc : memref<!tpu.dma_semaphore, #tpu.memory_space<semaphore_mem>>
        %dma_start3A_47 = arith.constant 0 : i32
        %dma_start3A_48 = tpu.memref_slice %arg4[%add3A_46, %dma_start3A_47] : memref<163840x64xf32, #tpu.memory_space<hbm>> -> memref<80x64xf32, #tpu.memory_space<hbm>>
        %dma_start3A_49 = arith.constant 0 : i32
        %dma_start3A_50 = tpu.memref_slice %arg4[%add3A_46, %dma_start3A_49] : memref<163840x64xf32, #tpu.memory_space<hbm>> -> memref<80x64xf32, #tpu.memory_space<hbm>>
        tpu.enqueue_dma source(%arg7 : memref<80x64xf32, #tpu.memory_space<vmem>>) target(%dma_start3A_50 : memref<80x64xf32, #tpu.memory_space<hbm>>) target_semaphore(%run_scoped3A : memref<!tpu.dma_semaphore, #tpu.memory_space<semaphore_mem>>)
        %dma_wait3A_51 = arith.constant 0 : i32
        %dma_wait3A_52 = tpu.memref_slice %arg4[%add3A_46, %dma_wait3A_51] : memref<163840x64xf32, #tpu.memory_space<hbm>> -> memref<80x64xf32, #tpu.memory_space<hbm>>
        %dma_wait3A_53 = arith.constant 0 : i32
        %dma_wait3A_54 = tpu.memref_slice %arg4[%add3A_46, %dma_wait3A_53] : memref<163840x64xf32, #tpu.memory_space<hbm>> -> memref<80x64xf32, #tpu.memory_space<hbm>>
        tpu.wait_dma2 semaphore(%run_scoped3A : memref<!tpu.dma_semaphore, #tpu.memory_space<semaphore_mem>>) src(%arg7 : memref<80x64xf32, #tpu.memory_space<vmem>>) dst(%dma_wait3A_54 : memref<80x64xf32, #tpu.memory_space<hbm>>)
        tpu.yield
      }) : () -> ()
    }
    %scan3A_11 = arith.constant 32 : i32
    return
  }
}

#map = affine_map<(d0, d1) -> (0)>
#map1 = affine_map<(d0, d1) -> (0, 0)>
module attributes {stable_mosaic.version = 14 : i64} {
  func.func @sc_gather(%arg0: i32, %arg1: i32, %arg2: memref<163840xi32, #tpu.memory_space<hbm>>, %arg3: memref<8192x64xf32, #tpu.memory_space<hbm>>, %arg4: memref<163840x64xf32, #tpu.memory_space<hbm>>, %arg5: memref<5120xi32, #tpu.memory_space<vmem>>, %arg6: memref<80x64xf32, #tpu.memory_space<vmem>>, %arg7: memref<80x64xf32, #tpu.memory_space<vmem>>, %arg8: memref<!tpu.dma_semaphore, #tpu.memory_space<semaphore_mem>>, %arg9: memref<!tpu.dma_semaphore, #tpu.memory_space<semaphore_mem>>) attributes {dimension_semantics = [#tpu.dimension_semantics<core_parallel>, #tpu.dimension_semantics<subcore_parallel>], iteration_bounds = array<i64: 2, 16>, scalar_prefetch = 0 : i64, scratch_operands = 5 : i64, tpu.core_type = #tpu.core_type<sc_vector_subcore>, window_params = [{transform_indices = #map}, {transform_indices = #map1}, {transform_indices = #map1}]} {
    %mul3A = arith.constant 2 : i32
    %mul3A_0 = arith.muli %arg1, %mul3A : i32
    %add3A = arith.addi %mul3A_0, %arg0 : i32
    %mul3A_1 = arith.constant 5120 : i32
    %mul3A_2 = arith.muli %add3A, %mul3A_1 : i32
    "tpu.region"() ({
      %run_scoped3A = tpu.sem_alloc : memref<!tpu.dma_semaphore, #tpu.memory_space<semaphore_mem>>
      %dma_start3A_12 = tpu.memref_slice %arg2[%mul3A_2] : memref<163840xi32, #tpu.memory_space<hbm>> -> memref<5120xi32, #tpu.memory_space<hbm>>
      %dma_start3A_13 = tpu.memref_slice %arg2[%mul3A_2] : memref<163840xi32, #tpu.memory_space<hbm>> -> memref<5120xi32, #tpu.memory_space<hbm>>
      tpu.enqueue_dma source(%dma_start3A_13 : memref<5120xi32, #tpu.memory_space<hbm>>) target(%arg5 : memref<5120xi32, #tpu.memory_space<vmem>>) target_semaphore(%run_scoped3A : memref<!tpu.dma_semaphore, #tpu.memory_space<semaphore_mem>>)
      %dma_wait3A = tpu.memref_slice %arg2[%mul3A_2] : memref<163840xi32, #tpu.memory_space<hbm>> -> memref<5120xi32, #tpu.memory_space<hbm>>
      %dma_wait3A_14 = tpu.memref_slice %arg2[%mul3A_2] : memref<163840xi32, #tpu.memory_space<hbm>> -> memref<5120xi32, #tpu.memory_space<hbm>>
      tpu.wait_dma2 semaphore(%run_scoped3A : memref<!tpu.dma_semaphore, #tpu.memory_space<semaphore_mem>>) src(%dma_wait3A_14 : memref<5120xi32, #tpu.memory_space<hbm>>) dst(%arg5 : memref<5120xi32, #tpu.memory_space<vmem>>)
      tpu.yield
    }) : () -> ()
    %dma_start3A = arith.constant 0 : i32
    %dma_start3A_3 = tpu.memref_slice %arg5[%dma_start3A] : memref<5120xi32, #tpu.memory_space<vmem>> -> memref<80xi32, #tpu.memory_space<vmem>>
    %dma_start3A_4 = arith.constant 0 : i32
    %dma_start3A_5 = arith.constant 0 : i32
    %dma_start3A_6 = tpu.memref_slice %arg3[%dma_start3A_4, %dma_start3A_5] : memref<8192x64xf32, #tpu.memory_space<hbm>> -> memref<8192x64xf32, #tpu.memory_space<hbm>>
    tpu.enqueue_indirect_dma source(%dma_start3A_6 : memref<8192x64xf32, #tpu.memory_space<hbm>>) target(%arg6 : memref<80x64xf32, #tpu.memory_space<vmem>>) offsets(%dma_start3A_3 : memref<80xi32, #tpu.memory_space<vmem>>) semaphore(%arg8 : memref<!tpu.dma_semaphore, #tpu.memory_space<semaphore_mem>>)
    %scan3A = arith.constant 0 : i32
    %scan3A_7 = arith.constant 0 : i32
    %scan3A_8 = arith.constant 32 : i32
    %scan3A_9 = arith.addi %scan3A_7, %scan3A_8 : i32
    %scan3A_10 = arith.constant 1 : i32
    scf.for %scan3A_12 = %scan3A_7 to %scan3A_9 step %scan3A_10  : i32 {
      %mul3A_13 = arith.constant 2 : i32
      %mul3A_14 = arith.muli %scan3A_12, %mul3A_13 : i32
      %add3A_15 = arith.constant 0 : i32
      %add3A_16 = arith.addi %mul3A_14, %add3A_15 : i32
      %dma_wait3A = arith.constant 0 : i32
      %dma_wait3A_17 = tpu.memref_slice %arg5[%dma_wait3A] : memref<5120xi32, #tpu.memory_space<vmem>> -> memref<80xi32, #tpu.memory_space<vmem>>
      %dma_wait3A_18 = arith.constant 0 : i32
      %dma_wait3A_19 = arith.constant 0 : i32
      %dma_wait3A_20 = tpu.memref_slice %arg3[%dma_wait3A_18, %dma_wait3A_19] : memref<8192x64xf32, #tpu.memory_space<hbm>> -> memref<8192x64xf32, #tpu.memory_space<hbm>>
      tpu.wait_indirect_dma semaphore(%arg8 : memref<!tpu.dma_semaphore, #tpu.memory_space<semaphore_mem>>) src(%dma_wait3A_20 : memref<8192x64xf32, #tpu.memory_space<hbm>>) dst(%arg6 : memref<80x64xf32, #tpu.memory_space<vmem>>)
      %add3A_21 = arith.constant 1 : i32
      %add3A_22 = arith.addi %add3A_16, %add3A_21 : i32
      %lt3A = arith.constant 64 : i32
      %lt3A_23 = arith.cmpi slt, %add3A_22, %lt3A : i32
      %convert_element_type3A = arith.extui %lt3A_23 : i1 to i32
      %cond3A = arith.constant 0 : i32
      %cond3A_24 = arith.cmpi ne, %convert_element_type3A, %cond3A : i32
      scf.if %cond3A_24 {
        %mul3A_47 = arith.constant 80 : i32
        %mul3A_48 = arith.muli %add3A_22, %mul3A_47 : i32
        %dma_start3A_49 = tpu.memref_slice %arg5[%mul3A_48] : memref<5120xi32, #tpu.memory_space<vmem>> -> memref<80xi32, #tpu.memory_space<vmem>>
        %dma_start3A_50 = arith.constant 0 : i32
        %dma_start3A_51 = arith.constant 0 : i32
        %dma_start3A_52 = tpu.memref_slice %arg3[%dma_start3A_50, %dma_start3A_51] : memref<8192x64xf32, #tpu.memory_space<hbm>> -> memref<8192x64xf32, #tpu.memory_space<hbm>>
        tpu.enqueue_indirect_dma source(%dma_start3A_52 : memref<8192x64xf32, #tpu.memory_space<hbm>>) target(%arg7 : memref<80x64xf32, #tpu.memory_space<vmem>>) offsets(%dma_start3A_49 : memref<80xi32, #tpu.memory_space<vmem>>) semaphore(%arg9 : memref<!tpu.dma_semaphore, #tpu.memory_space<semaphore_mem>>)
      } else {
      }
      %mul3A_25 = arith.constant 80 : i32
      %mul3A_26 = arith.muli %add3A_16, %mul3A_25 : i32
      %add3A_27 = arith.addi %mul3A_2, %mul3A_26 : i32
      "tpu.region"() ({
        %run_scoped3A = tpu.sem_alloc : memref<!tpu.dma_semaphore, #tpu.memory_space<semaphore_mem>>
        %dma_start3A_47 = arith.constant 0 : i32
        %dma_start3A_48 = tpu.memref_slice %arg4[%add3A_27, %dma_start3A_47] : memref<163840x64xf32, #tpu.memory_space<hbm>> -> memref<80x64xf32, #tpu.memory_space<hbm>>
        %dma_start3A_49 = arith.constant 0 : i32
        %dma_start3A_50 = tpu.memref_slice %arg4[%add3A_27, %dma_start3A_49] : memref<163840x64xf32, #tpu.memory_space<hbm>> -> memref<80x64xf32, #tpu.memory_space<hbm>>
        tpu.enqueue_dma source(%arg6 : memref<80x64xf32, #tpu.memory_space<vmem>>) target(%dma_start3A_50 : memref<80x64xf32, #tpu.memory_space<hbm>>) target_semaphore(%run_scoped3A : memref<!tpu.dma_semaphore, #tpu.memory_space<semaphore_mem>>)
        %dma_wait3A_51 = arith.constant 0 : i32
        %dma_wait3A_52 = tpu.memref_slice %arg4[%add3A_27, %dma_wait3A_51] : memref<163840x64xf32, #tpu.memory_space<hbm>> -> memref<80x64xf32, #tpu.memory_space<hbm>>
        %dma_wait3A_53 = arith.constant 0 : i32
        %dma_wait3A_54 = tpu.memref_slice %arg4[%add3A_27, %dma_wait3A_53] : memref<163840x64xf32, #tpu.memory_space<hbm>> -> memref<80x64xf32, #tpu.memory_space<hbm>>
        tpu.wait_dma2 semaphore(%run_scoped3A : memref<!tpu.dma_semaphore, #tpu.memory_space<semaphore_mem>>) src(%arg6 : memref<80x64xf32, #tpu.memory_space<vmem>>) dst(%dma_wait3A_54 : memref<80x64xf32, #tpu.memory_space<hbm>>)
        tpu.yield
      }) : () -> ()
      %mul3A_28 = arith.constant 2 : i32
      %mul3A_29 = arith.muli %scan3A_12, %mul3A_28 : i32
      %add3A_30 = arith.constant 1 : i32
      %add3A_31 = arith.addi %mul3A_29, %add3A_30 : i32
      %dma_wait3A_32 = arith.constant 0 : i32
      %dma_wait3A_33 = tpu.memref_slice %arg5[%dma_wait3A_32] : memref<5120xi32, #tpu.memory_space<vmem>> -> memref<80xi32, #tpu.memory_space<vmem>>
      %dma_wait3A_34 = arith.constant 0 : i32
      %dma_wait3A_35 = arith.constant 0 : i32
      %dma_wait3A_36 = tpu.memref_slice %arg3[%dma_wait3A_34, %dma_wait3A_35] : memref<8192x64xf32, #tpu.memory_space<hbm>> -> memref<8192x64xf32, #tpu.memory_space<hbm>>
      tpu.wait_indirect_dma semaphore(%arg9 : memref<!tpu.dma_semaphore, #tpu.memory_space<semaphore_mem>>) src(%dma_wait3A_36 : memref<8192x64xf32, #tpu.memory_space<hbm>>) dst(%arg7 : memref<80x64xf32, #tpu.memory_space<vmem>>)
      %add3A_37 = arith.constant 1 : i32
      %add3A_38 = arith.addi %add3A_31, %add3A_37 : i32
      %lt3A_39 = arith.constant 64 : i32
      %lt3A_40 = arith.cmpi slt, %add3A_38, %lt3A_39 : i32
      %convert_element_type3A_41 = arith.extui %lt3A_40 : i1 to i32
      %cond3A_42 = arith.constant 0 : i32
      %cond3A_43 = arith.cmpi ne, %convert_element_type3A_41, %cond3A_42 : i32
      scf.if %cond3A_43 {
        %mul3A_47 = arith.constant 80 : i32
        %mul3A_48 = arith.muli %add3A_38, %mul3A_47 : i32
        %dma_start3A_49 = tpu.memref_slice %arg5[%mul3A_48] : memref<5120xi32, #tpu.memory_space<vmem>> -> memref<80xi32, #tpu.memory_space<vmem>>
        %dma_start3A_50 = arith.constant 0 : i32
        %dma_start3A_51 = arith.constant 0 : i32
        %dma_start3A_52 = tpu.memref_slice %arg3[%dma_start3A_50, %dma_start3A_51] : memref<8192x64xf32, #tpu.memory_space<hbm>> -> memref<8192x64xf32, #tpu.memory_space<hbm>>
        tpu.enqueue_indirect_dma source(%dma_start3A_52 : memref<8192x64xf32, #tpu.memory_space<hbm>>) target(%arg6 : memref<80x64xf32, #tpu.memory_space<vmem>>) offsets(%dma_start3A_49 : memref<80xi32, #tpu.memory_space<vmem>>) semaphore(%arg8 : memref<!tpu.dma_semaphore, #tpu.memory_space<semaphore_mem>>)
      } else {
      }
      %mul3A_44 = arith.constant 80 : i32
      %mul3A_45 = arith.muli %add3A_31, %mul3A_44 : i32
      %add3A_46 = arith.addi %mul3A_2, %mul3A_45 : i32
      "tpu.region"() ({
        %run_scoped3A = tpu.sem_alloc : memref<!tpu.dma_semaphore, #tpu.memory_space<semaphore_mem>>
        %dma_start3A_47 = arith.constant 0 : i32
        %dma_start3A_48 = tpu.memref_slice %arg4[%add3A_46, %dma_start3A_47] : memref<163840x64xf32, #tpu.memory_space<hbm>> -> memref<80x64xf32, #tpu.memory_space<hbm>>
        %dma_start3A_49 = arith.constant 0 : i32
        %dma_start3A_50 = tpu.memref_slice %arg4[%add3A_46, %dma_start3A_49] : memref<163840x64xf32, #tpu.memory_space<hbm>> -> memref<80x64xf32, #tpu.memory_space<hbm>>
        tpu.enqueue_dma source(%arg7 : memref<80x64xf32, #tpu.memory_space<vmem>>) target(%dma_start3A_50 : memref<80x64xf32, #tpu.memory_space<hbm>>) target_semaphore(%run_scoped3A : memref<!tpu.dma_semaphore, #tpu.memory_space<semaphore_mem>>)
        %dma_wait3A_51 = arith.constant 0 : i32
        %dma_wait3A_52 = tpu.memref_slice %arg4[%add3A_46, %dma_wait3A_51] : memref<163840x64xf32, #tpu.memory_space<hbm>> -> memref<80x64xf32, #tpu.memory_space<hbm>>
        %dma_wait3A_53 = arith.constant 0 : i32
        %dma_wait3A_54 = tpu.memref_slice %arg4[%add3A_46, %dma_wait3A_53] : memref<163840x64xf32, #tpu.memory_space<hbm>> -> memref<80x64xf32, #tpu.memory_space<hbm>>
        tpu.wait_dma2 semaphore(%run_scoped3A : memref<!tpu.dma_semaphore, #tpu.memory_space<semaphore_mem>>) src(%arg7 : memref<80x64xf32, #tpu.memory_space<vmem>>) dst(%dma_wait3A_54 : memref<80x64xf32, #tpu.memory_space<hbm>>)
        tpu.yield
      }) : () -> ()
    }
    %scan3A_11 = arith.constant 32 : i32
    return
  }
}

#map = affine_map<(d0, d1) -> (0)>
#map1 = affine_map<(d0, d1) -> (0, 0)>
module attributes {stable_mosaic.version = 14 : i64} {
  func.func @sc_gather(%arg0: i32, %arg1: i32, %arg2: memref<163840xi32, #tpu.memory_space<hbm>>, %arg3: memref<8192x128xf32, #tpu.memory_space<hbm>>, %arg4: memref<163840x128xf32, #tpu.memory_space<hbm>>, %arg5: memref<5120xi32, #tpu.memory_space<vmem>>, %arg6: memref<80x128xf32, #tpu.memory_space<vmem>>, %arg7: memref<80x128xf32, #tpu.memory_space<vmem>>, %arg8: memref<!tpu.dma_semaphore, #tpu.memory_space<semaphore_mem>>, %arg9: memref<!tpu.dma_semaphore, #tpu.memory_space<semaphore_mem>>) attributes {dimension_semantics = [#tpu.dimension_semantics<core_parallel>, #tpu.dimension_semantics<subcore_parallel>], iteration_bounds = array<i64: 2, 16>, scalar_prefetch = 0 : i64, scratch_operands = 5 : i64, tpu.core_type = #tpu.core_type<sc_vector_subcore>, window_params = [{transform_indices = #map}, {transform_indices = #map1}, {transform_indices = #map1}]} {
    %mul3A = arith.constant 2 : i32
    %mul3A_0 = arith.muli %arg1, %mul3A : i32
    %add3A = arith.addi %mul3A_0, %arg0 : i32
    %mul3A_1 = arith.constant 5120 : i32
    %mul3A_2 = arith.muli %add3A, %mul3A_1 : i32
    "tpu.region"() ({
      %run_scoped3A = tpu.sem_alloc : memref<!tpu.dma_semaphore, #tpu.memory_space<semaphore_mem>>
      %dma_start3A_12 = tpu.memref_slice %arg2[%mul3A_2] : memref<163840xi32, #tpu.memory_space<hbm>> -> memref<5120xi32, #tpu.memory_space<hbm>>
      %dma_start3A_13 = tpu.memref_slice %arg2[%mul3A_2] : memref<163840xi32, #tpu.memory_space<hbm>> -> memref<5120xi32, #tpu.memory_space<hbm>>
      tpu.enqueue_dma source(%dma_start3A_13 : memref<5120xi32, #tpu.memory_space<hbm>>) target(%arg5 : memref<5120xi32, #tpu.memory_space<vmem>>) target_semaphore(%run_scoped3A : memref<!tpu.dma_semaphore, #tpu.memory_space<semaphore_mem>>)
      %dma_wait3A = tpu.memref_slice %arg2[%mul3A_2] : memref<163840xi32, #tpu.memory_space<hbm>> -> memref<5120xi32, #tpu.memory_space<hbm>>
      %dma_wait3A_14 = tpu.memref_slice %arg2[%mul3A_2] : memref<163840xi32, #tpu.memory_space<hbm>> -> memref<5120xi32, #tpu.memory_space<hbm>>
      tpu.wait_dma2 semaphore(%run_scoped3A : memref<!tpu.dma_semaphore, #tpu.memory_space<semaphore_mem>>) src(%dma_wait3A_14 : memref<5120xi32, #tpu.memory_space<hbm>>) dst(%arg5 : memref<5120xi32, #tpu.memory_space<vmem>>)
      tpu.yield
    }) : () -> ()
    %dma_start3A = arith.constant 0 : i32
    %dma_start3A_3 = tpu.memref_slice %arg5[%dma_start3A] : memref<5120xi32, #tpu.memory_space<vmem>> -> memref<80xi32, #tpu.memory_space<vmem>>
    %dma_start3A_4 = arith.constant 0 : i32
    %dma_start3A_5 = arith.constant 0 : i32
    %dma_start3A_6 = tpu.memref_slice %arg3[%dma_start3A_4, %dma_start3A_5] : memref<8192x128xf32, #tpu.memory_space<hbm>> -> memref<8192x128xf32, #tpu.memory_space<hbm>>
    tpu.enqueue_indirect_dma source(%dma_start3A_6 : memref<8192x128xf32, #tpu.memory_space<hbm>>) target(%arg6 : memref<80x128xf32, #tpu.memory_space<vmem>>) offsets(%dma_start3A_3 : memref<80xi32, #tpu.memory_space<vmem>>) semaphore(%arg8 : memref<!tpu.dma_semaphore, #tpu.memory_space<semaphore_mem>>)
    %scan3A = arith.constant 0 : i32
    %scan3A_7 = arith.constant 0 : i32
    %scan3A_8 = arith.constant 32 : i32
    %scan3A_9 = arith.addi %scan3A_7, %scan3A_8 : i32
    %scan3A_10 = arith.constant 1 : i32
    scf.for %scan3A_12 = %scan3A_7 to %scan3A_9 step %scan3A_10  : i32 {
      %mul3A_13 = arith.constant 2 : i32
      %mul3A_14 = arith.muli %scan3A_12, %mul3A_13 : i32
      %add3A_15 = arith.constant 0 : i32
      %add3A_16 = arith.addi %mul3A_14, %add3A_15 : i32
      %dma_wait3A = arith.constant 0 : i32
      %dma_wait3A_17 = tpu.memref_slice %arg5[%dma_wait3A] : memref<5120xi32, #tpu.memory_space<vmem>> -> memref<80xi32, #tpu.memory_space<vmem>>
      %dma_wait3A_18 = arith.constant 0 : i32
      %dma_wait3A_19 = arith.constant 0 : i32
      %dma_wait3A_20 = tpu.memref_slice %arg3[%dma_wait3A_18, %dma_wait3A_19] : memref<8192x128xf32, #tpu.memory_space<hbm>> -> memref<8192x128xf32, #tpu.memory_space<hbm>>
      tpu.wait_indirect_dma semaphore(%arg8 : memref<!tpu.dma_semaphore, #tpu.memory_space<semaphore_mem>>) src(%dma_wait3A_20 : memref<8192x128xf32, #tpu.memory_space<hbm>>) dst(%arg6 : memref<80x128xf32, #tpu.memory_space<vmem>>)
      %add3A_21 = arith.constant 1 : i32
      %add3A_22 = arith.addi %add3A_16, %add3A_21 : i32
      %lt3A = arith.constant 64 : i32
      %lt3A_23 = arith.cmpi slt, %add3A_22, %lt3A : i32
      %convert_element_type3A = arith.extui %lt3A_23 : i1 to i32
      %cond3A = arith.constant 0 : i32
      %cond3A_24 = arith.cmpi ne, %convert_element_type3A, %cond3A : i32
      scf.if %cond3A_24 {
        %mul3A_47 = arith.constant 80 : i32
        %mul3A_48 = arith.muli %add3A_22, %mul3A_47 : i32
        %dma_start3A_49 = tpu.memref_slice %arg5[%mul3A_48] : memref<5120xi32, #tpu.memory_space<vmem>> -> memref<80xi32, #tpu.memory_space<vmem>>
        %dma_start3A_50 = arith.constant 0 : i32
        %dma_start3A_51 = arith.constant 0 : i32
        %dma_start3A_52 = tpu.memref_slice %arg3[%dma_start3A_50, %dma_start3A_51] : memref<8192x128xf32, #tpu.memory_space<hbm>> -> memref<8192x128xf32, #tpu.memory_space<hbm>>
        tpu.enqueue_indirect_dma source(%dma_start3A_52 : memref<8192x128xf32, #tpu.memory_space<hbm>>) target(%arg7 : memref<80x128xf32, #tpu.memory_space<vmem>>) offsets(%dma_start3A_49 : memref<80xi32, #tpu.memory_space<vmem>>) semaphore(%arg9 : memref<!tpu.dma_semaphore, #tpu.memory_space<semaphore_mem>>)
      } else {
      }
      %mul3A_25 = arith.constant 80 : i32
      %mul3A_26 = arith.muli %add3A_16, %mul3A_25 : i32
      %add3A_27 = arith.addi %mul3A_2, %mul3A_26 : i32
      "tpu.region"() ({
        %run_scoped3A = tpu.sem_alloc : memref<!tpu.dma_semaphore, #tpu.memory_space<semaphore_mem>>
        %dma_start3A_47 = arith.constant 0 : i32
        %dma_start3A_48 = tpu.memref_slice %arg4[%add3A_27, %dma_start3A_47] : memref<163840x128xf32, #tpu.memory_space<hbm>> -> memref<80x128xf32, #tpu.memory_space<hbm>>
        %dma_start3A_49 = arith.constant 0 : i32
        %dma_start3A_50 = tpu.memref_slice %arg4[%add3A_27, %dma_start3A_49] : memref<163840x128xf32, #tpu.memory_space<hbm>> -> memref<80x128xf32, #tpu.memory_space<hbm>>
        tpu.enqueue_dma source(%arg6 : memref<80x128xf32, #tpu.memory_space<vmem>>) target(%dma_start3A_50 : memref<80x128xf32, #tpu.memory_space<hbm>>) target_semaphore(%run_scoped3A : memref<!tpu.dma_semaphore, #tpu.memory_space<semaphore_mem>>)
        %dma_wait3A_51 = arith.constant 0 : i32
        %dma_wait3A_52 = tpu.memref_slice %arg4[%add3A_27, %dma_wait3A_51] : memref<163840x128xf32, #tpu.memory_space<hbm>> -> memref<80x128xf32, #tpu.memory_space<hbm>>
        %dma_wait3A_53 = arith.constant 0 : i32
        %dma_wait3A_54 = tpu.memref_slice %arg4[%add3A_27, %dma_wait3A_53] : memref<163840x128xf32, #tpu.memory_space<hbm>> -> memref<80x128xf32, #tpu.memory_space<hbm>>
        tpu.wait_dma2 semaphore(%run_scoped3A : memref<!tpu.dma_semaphore, #tpu.memory_space<semaphore_mem>>) src(%arg6 : memref<80x128xf32, #tpu.memory_space<vmem>>) dst(%dma_wait3A_54 : memref<80x128xf32, #tpu.memory_space<hbm>>)
        tpu.yield
      }) : () -> ()
      %mul3A_28 = arith.constant 2 : i32
      %mul3A_29 = arith.muli %scan3A_12, %mul3A_28 : i32
      %add3A_30 = arith.constant 1 : i32
      %add3A_31 = arith.addi %mul3A_29, %add3A_30 : i32
      %dma_wait3A_32 = arith.constant 0 : i32
      %dma_wait3A_33 = tpu.memref_slice %arg5[%dma_wait3A_32] : memref<5120xi32, #tpu.memory_space<vmem>> -> memref<80xi32, #tpu.memory_space<vmem>>
      %dma_wait3A_34 = arith.constant 0 : i32
      %dma_wait3A_35 = arith.constant 0 : i32
      %dma_wait3A_36 = tpu.memref_slice %arg3[%dma_wait3A_34, %dma_wait3A_35] : memref<8192x128xf32, #tpu.memory_space<hbm>> -> memref<8192x128xf32, #tpu.memory_space<hbm>>
      tpu.wait_indirect_dma semaphore(%arg9 : memref<!tpu.dma_semaphore, #tpu.memory_space<semaphore_mem>>) src(%dma_wait3A_36 : memref<8192x128xf32, #tpu.memory_space<hbm>>) dst(%arg7 : memref<80x128xf32, #tpu.memory_space<vmem>>)
      %add3A_37 = arith.constant 1 : i32
      %add3A_38 = arith.addi %add3A_31, %add3A_37 : i32
      %lt3A_39 = arith.constant 64 : i32
      %lt3A_40 = arith.cmpi slt, %add3A_38, %lt3A_39 : i32
      %convert_element_type3A_41 = arith.extui %lt3A_40 : i1 to i32
      %cond3A_42 = arith.constant 0 : i32
      %cond3A_43 = arith.cmpi ne, %convert_element_type3A_41, %cond3A_42 : i32
      scf.if %cond3A_43 {
        %mul3A_47 = arith.constant 80 : i32
        %mul3A_48 = arith.muli %add3A_38, %mul3A_47 : i32
        %dma_start3A_49 = tpu.memref_slice %arg5[%mul3A_48] : memref<5120xi32, #tpu.memory_space<vmem>> -> memref<80xi32, #tpu.memory_space<vmem>>
        %dma_start3A_50 = arith.constant 0 : i32
        %dma_start3A_51 = arith.constant 0 : i32
        %dma_start3A_52 = tpu.memref_slice %arg3[%dma_start3A_50, %dma_start3A_51] : memref<8192x128xf32, #tpu.memory_space<hbm>> -> memref<8192x128xf32, #tpu.memory_space<hbm>>
        tpu.enqueue_indirect_dma source(%dma_start3A_52 : memref<8192x128xf32, #tpu.memory_space<hbm>>) target(%arg6 : memref<80x128xf32, #tpu.memory_space<vmem>>) offsets(%dma_start3A_49 : memref<80xi32, #tpu.memory_space<vmem>>) semaphore(%arg8 : memref<!tpu.dma_semaphore, #tpu.memory_space<semaphore_mem>>)
      } else {
      }
      %mul3A_44 = arith.constant 80 : i32
      %mul3A_45 = arith.muli %add3A_31, %mul3A_44 : i32
      %add3A_46 = arith.addi %mul3A_2, %mul3A_45 : i32
      "tpu.region"() ({
        %run_scoped3A = tpu.sem_alloc : memref<!tpu.dma_semaphore, #tpu.memory_space<semaphore_mem>>
        %dma_start3A_47 = arith.constant 0 : i32
        %dma_start3A_48 = tpu.memref_slice %arg4[%add3A_46, %dma_start3A_47] : memref<163840x128xf32, #tpu.memory_space<hbm>> -> memref<80x128xf32, #tpu.memory_space<hbm>>
        %dma_start3A_49 = arith.constant 0 : i32
        %dma_start3A_50 = tpu.memref_slice %arg4[%add3A_46, %dma_start3A_49] : memref<163840x128xf32, #tpu.memory_space<hbm>> -> memref<80x128xf32, #tpu.memory_space<hbm>>
        tpu.enqueue_dma source(%arg7 : memref<80x128xf32, #tpu.memory_space<vmem>>) target(%dma_start3A_50 : memref<80x128xf32, #tpu.memory_space<hbm>>) target_semaphore(%run_scoped3A : memref<!tpu.dma_semaphore, #tpu.memory_space<semaphore_mem>>)
        %dma_wait3A_51 = arith.constant 0 : i32
        %dma_wait3A_52 = tpu.memref_slice %arg4[%add3A_46, %dma_wait3A_51] : memref<163840x128xf32, #tpu.memory_space<hbm>> -> memref<80x128xf32, #tpu.memory_space<hbm>>
        %dma_wait3A_53 = arith.constant 0 : i32
        %dma_wait3A_54 = tpu.memref_slice %arg4[%add3A_46, %dma_wait3A_53] : memref<163840x128xf32, #tpu.memory_space<hbm>> -> memref<80x128xf32, #tpu.memory_space<hbm>>
        tpu.wait_dma2 semaphore(%run_scoped3A : memref<!tpu.dma_semaphore, #tpu.memory_space<semaphore_mem>>) src(%arg7 : memref<80x128xf32, #tpu.memory_space<vmem>>) dst(%dma_wait3A_54 : memref<80x128xf32, #tpu.memory_space<hbm>>)
        tpu.yield
      }) : () -> ()
    }
    %scan3A_11 = arith.constant 32 : i32
    return
  }
}

module attributes {stable_mosaic.version = 14 : i64} {
  func.func @body(%arg0: i32, %arg1: memref<64x128xf32, #tpu.memory_space<vmem>>, %arg2: memref<1280x128xf32, #tpu.memory_space<vmem>>, %arg3: memref<256x256xbf16, #tpu.memory_space<vmem>>, %arg4: memref<64x256xf32, #tpu.memory_space<vmem>>, %arg5: memref<1x256xf32, #tpu.memory_space<vmem>>, %arg6: memref<1x256xf32, #tpu.memory_space<vmem>>, %arg7: memref<1x256xf32, #tpu.memory_space<vmem>>, %arg8: memref<1x256xf32, #tpu.memory_space<vmem>>) attributes {dimension_semantics = [#tpu.dimension_semantics<arbitrary>], iteration_bounds = array<i64: 128>, scalar_prefetch = 0 : i64, scratch_operands = 2 : i64, tpu.core_type = #tpu.core_type<tc>, window_params = [{transform_indices = @transform_0, window_bounds = array<i64: 64, 128>}, {transform_indices = @transform_1, window_bounds = array<i64: 1280, 128>}, {pipeline_mode = #tpu.pipeline_mode<synchronous>, transform_indices = @transform_2, window_bounds = array<i64: 256, 256>}, {transform_indices = @transform_3, window_bounds = array<i64: 64, 256>}, {pipeline_mode = #tpu.pipeline_mode<synchronous>, transform_indices = @transform_4, window_bounds = array<i64: 1, 256>}, {pipeline_mode = #tpu.pipeline_mode<synchronous>, transform_indices = @transform_5, window_bounds = array<i64: 1, 256>}]} {
    %get3A = arith.constant 0 : index
    %get3A_0 = arith.constant 0 : index
    %get3A_1 = vector.load %arg1[%get3A, %get3A_0] : memref<64x128xf32, #tpu.memory_space<vmem>>, vector<64x128xf32>
    %get3A_2 = arith.constant 0 : index
    %get3A_3 = arith.constant 0 : index
    %get3A_4 = vector.load %arg2[%get3A_2, %get3A_3] : memref<1280x128xf32, #tpu.memory_space<vmem>>, vector<1280x128xf32>
    %reshape3A = vector.shape_cast %get3A_4 : vector<1280x128xf32> to vector<64x20x128xf32>
    %broadcast_in_dim3A = vector.shape_cast %get3A_1 : vector<64x128xf32> to vector<64x1x128xf32>
    %sub3A = vector.broadcast %broadcast_in_dim3A : vector<64x1x128xf32> to vector<64x20x128xf32>
    %sub3A_5 = arith.subf %reshape3A, %sub3A : vector<64x20x128xf32>
    %convert_element_type3A = arith.truncf %sub3A_5 : vector<64x20x128xf32> to vector<64x20x128xbf16>
    %reshape3A_6 = vector.shape_cast %convert_element_type3A : vector<64x20x128xbf16> to vector<1280x128xbf16>
    %convert_element_type3A_7 = arith.truncf %get3A_1 : vector<64x128xf32> to vector<64x128xbf16>
    %broadcast_in_dim3A_8 = vector.shape_cast %convert_element_type3A_7 : vector<64x128xbf16> to vector<64x1x128xbf16>
    %broadcast_in_dim3A_9 = vector.shape_cast %broadcast_in_dim3A_8 : vector<64x1x128xbf16> to vector<64x1x128xbf16>
    %broadcast_in_dim3A_10 = vector.broadcast %broadcast_in_dim3A_9 : vector<64x1x128xbf16> to vector<64x20x128xbf16>
    %reshape3A_11 = vector.shape_cast %broadcast_in_dim3A_10 : vector<64x20x128xbf16> to vector<1280x128xbf16>
    %concatenate3A = tpu.concatenate %reshape3A_6, %reshape3A_11 in 1 : vector<1280x128xbf16>, vector<1280x128xbf16> -> vector<1280x256xbf16>
    %get3A_12 = arith.constant 0 : index
    %get3A_13 = arith.constant 0 : index
    %get3A_14 = vector.load %arg3[%get3A_12, %get3A_13] : memref<256x256xbf16, #tpu.memory_space<vmem>>, vector<256x256xbf16>
    %dot_general3A = arith.constant dense<0.000000e+00> : vector<1280x256xf32>
    %dot_general3A_15 = tpu.matmul %concatenate3A, %get3A_14, %dot_general3A {dimension_numbers = #tpu.dot_dimension_numbers<[1], [0], [0], [1], [0, 0, 1, 1], [], []>, transpose_lhs_hint = false} : vector<1280x256xbf16>, vector<256x256xbf16>, vector<1280x256xf32> -> vector<1280x256xf32>
    %reshape3A_16 = vector.shape_cast %dot_general3A_15 : vector<1280x256xf32> to vector<64x20x256xf32>
    %reduce_max3A = arith.constant dense<0xFF800000> : vector<64x256xf32>
    %reduce_max3A_17 = vector.multi_reduction <maximumf>, %reshape3A_16, %reduce_max3A [1] : vector<64x20x256xf32> to vector<64x256xf32>
    %swap3A = arith.constant 0 : index
    %swap3A_18 = arith.constant 0 : index
    %swap3A_19 = vector.load %arg4[%swap3A, %swap3A_18] : memref<64x256xf32, #tpu.memory_space<vmem>>, vector<64x256xf32>
    tpu.vector_store %arg4[%swap3A, %swap3A_18], %reduce_max3A_17 {strides = array<i32>} : memref<64x256xf32, #tpu.memory_space<vmem>>, vector<64x256xf32>,
    %reduce_sum3A = arith.constant dense<0.000000e+00> : vector<256xf32>
    %reduce_sum3A_20 = vector.multi_reduction <add>, %dot_general3A_15, %reduce_sum3A [0] : vector<1280x256xf32> to vector<256xf32>
    %broadcast_in_dim3A_21 = vector.shape_cast %reduce_sum3A_20 : vector<256xf32> to vector<1x256xf32>
    %mul3A = arith.mulf %dot_general3A_15, %dot_general3A_15 : vector<1280x256xf32>
    %reduce_sum3A_22 = arith.constant dense<0.000000e+00> : vector<256xf32>
    %reduce_sum3A_23 = vector.multi_reduction <add>, %mul3A, %reduce_sum3A_22 [0] : vector<1280x256xf32> to vector<256xf32>
    %broadcast_in_dim3A_24 = vector.shape_cast %reduce_sum3A_23 : vector<256xf32> to vector<1x256xf32>
    %eq3A = arith.constant 0 : i32
    %eq3A_25 = arith.cmpi eq, %arg0, %eq3A : i32
    %convert_element_type3A_26 = arith.extui %eq3A_25 : i1 to i32
    %cond3A = arith.constant 0 : i32
    %cond3A_27 = arith.cmpi ne, %convert_element_type3A_26, %cond3A : i32
    scf.if %cond3A_27 {
      %swap3A_32 = arith.constant 0 : index
      %swap3A_33 = arith.constant 0 : index
      %swap3A_34 = vector.load %arg5[%swap3A_32, %swap3A_33] : memref<1x256xf32, #tpu.memory_space<vmem>>, vector<1x256xf32>
      tpu.vector_store %arg5[%swap3A_32, %swap3A_33], %broadcast_in_dim3A_21 {strides = array<i32>} : memref<1x256xf32, #tpu.memory_space<vmem>>, vector<1x256xf32>,
      %swap3A_35 = arith.constant 0 : index
      %swap3A_36 = arith.constant 0 : index
      %swap3A_37 = vector.load %arg6[%swap3A_35, %swap3A_36] : memref<1x256xf32, #tpu.memory_space<vmem>>, vector<1x256xf32>
      tpu.vector_store %arg6[%swap3A_35, %swap3A_36], %broadcast_in_dim3A_24 {strides = array<i32>} : memref<1x256xf32, #tpu.memory_space<vmem>>, vector<1x256xf32>,
      %broadcast_in_dim3A_38 = arith.constant 0.000000e+00 : f32
      %broadcast_in_dim3A_39 = vector.broadcast %broadcast_in_dim3A_38 : f32 to vector<1x256xf32>
      %swap3A_40 = arith.constant 0 : index
      %swap3A_41 = arith.constant 0 : index
      %swap3A_42 = vector.load %arg7[%swap3A_40, %swap3A_41] : memref<1x256xf32, #tpu.memory_space<vmem>>, vector<1x256xf32>
      tpu.vector_store %arg7[%swap3A_40, %swap3A_41], %broadcast_in_dim3A_39 {strides = array<i32>} : memref<1x256xf32, #tpu.memory_space<vmem>>, vector<1x256xf32>,
      %broadcast_in_dim3A_43 = arith.constant 0.000000e+00 : f32
      %broadcast_in_dim3A_44 = vector.broadcast %broadcast_in_dim3A_43 : f32 to vector<1x256xf32>
      %swap3A_45 = arith.constant 0 : index
      %swap3A_46 = arith.constant 0 : index
      %swap3A_47 = vector.load %arg8[%swap3A_45, %swap3A_46] : memref<1x256xf32, #tpu.memory_space<vmem>>, vector<1x256xf32>
      tpu.vector_store %arg8[%swap3A_45, %swap3A_46], %broadcast_in_dim3A_44 {strides = array<i32>} : memref<1x256xf32, #tpu.memory_space<vmem>>, vector<1x256xf32>,
    } else {
    }
    %ne3A = arith.constant 0 : i32
    %ne3A_28 = arith.cmpi ne, %arg0, %ne3A : i32
    %convert_element_type3A_29 = arith.extui %ne3A_28 : i1 to i32
    %cond3A_30 = arith.constant 0 : i32
    %cond3A_31 = arith.cmpi ne, %convert_element_type3A_29, %cond3A_30 : i32
    scf.if %cond3A_31 {
      %get3A_32 = arith.constant 0 : index
      %get3A_33 = arith.constant 0 : index
      %get3A_34 = vector.load %arg7[%get3A_32, %get3A_33] : memref<1x256xf32, #tpu.memory_space<vmem>>, vector<1x256xf32>
      %add3A = arith.addf %broadcast_in_dim3A_21, %get3A_34 : vector<1x256xf32>
      %get3A_35 = arith.constant 0 : index
      %get3A_36 = arith.constant 0 : index
      %get3A_37 = vector.load %arg5[%get3A_35, %get3A_36] : memref<1x256xf32, #tpu.memory_space<vmem>>, vector<1x256xf32>
      %add3A_38 = arith.addf %get3A_37, %add3A : vector<1x256xf32>
      %sub3A_39 = arith.subf %get3A_37, %add3A_38 : vector<1x256xf32>
      %add3A_40 = arith.addf %sub3A_39, %add3A : vector<1x256xf32>
      %swap3A_41 = arith.constant 0 : index
      %swap3A_42 = arith.constant 0 : index
      %swap3A_43 = vector.load %arg7[%swap3A_41, %swap3A_42] : memref<1x256xf32, #tpu.memory_space<vmem>>, vector<1x256xf32>
      tpu.vector_store %arg7[%swap3A_41, %swap3A_42], %add3A_40 {strides = array<i32>} : memref<1x256xf32, #tpu.memory_space<vmem>>, vector<1x256xf32>,
      %swap3A_44 = arith.constant 0 : index
      %swap3A_45 = arith.constant 0 : index
      %swap3A_46 = vector.load %arg5[%swap3A_44, %swap3A_45] : memref<1x256xf32, #tpu.memory_space<vmem>>, vector<1x256xf32>
      tpu.vector_store %arg5[%swap3A_44, %swap3A_45], %add3A_38 {strides = array<i32>} : memref<1x256xf32, #tpu.memory_space<vmem>>, vector<1x256xf32>,
      %get3A_47 = arith.constant 0 : index
      %get3A_48 = arith.constant 0 : index
      %get3A_49 = vector.load %arg8[%get3A_47, %get3A_48] : memref<1x256xf32, #tpu.memory_space<vmem>>, vector<1x256xf32>
      %add3A_50 = arith.addf %broadcast_in_dim3A_24, %get3A_49 : vector<1x256xf32>
      %get3A_51 = arith.constant 0 : index
      %get3A_52 = arith.constant 0 : index
      %get3A_53 = vector.load %arg6[%get3A_51, %get3A_52] : memref<1x256xf32, #tpu.memory_space<vmem>>, vector<1x256xf32>
      %add3A_54 = arith.addf %get3A_53, %add3A_50 : vector<1x256xf32>
      %sub3A_55 = arith.subf %get3A_53, %add3A_54 : vector<1x256xf32>
      %add3A_56 = arith.addf %sub3A_55, %add3A_50 : vector<1x256xf32>
      %swap3A_57 = arith.constant 0 : index
      %swap3A_58 = arith.constant 0 : index
      %swap3A_59 = vector.load %arg8[%swap3A_57, %swap3A_58] : memref<1x256xf32, #tpu.memory_space<vmem>>, vector<1x256xf32>
      tpu.vector_store %arg8[%swap3A_57, %swap3A_58], %add3A_56 {strides = array<i32>} : memref<1x256xf32, #tpu.memory_space<vmem>>, vector<1x256xf32>,
      %swap3A_60 = arith.constant 0 : index
      %swap3A_61 = arith.constant 0 : index
      %swap3A_62 = vector.load %arg6[%swap3A_60, %swap3A_61] : memref<1x256xf32, #tpu.memory_space<vmem>>, vector<1x256xf32>
      tpu.vector_store %arg6[%swap3A_60, %swap3A_61], %add3A_54 {strides = array<i32>} : memref<1x256xf32, #tpu.memory_space<vmem>>, vector<1x256xf32>,
    } else {
    }
    return
  }
  func.func @transform_0(%arg0: i32) -> (i32, i32) {
    %c0_i32 = arith.constant 0 : i32
    %c0_i32_0 = arith.constant 0 : i32
    return %arg0, %c0_i32 : i32, i32
  }
  func.func @transform_1(%arg0: i32) -> (i32, i32) {
    %c0_i32 = arith.constant 0 : i32
    %c0_i32_0 = arith.constant 0 : i32
    return %arg0, %c0_i32 : i32, i32
  }
  func.func @transform_2(%arg0: i32) -> (i32, i32) {
    %c0_i32 = arith.constant 0 : i32
    %c0_i32_0 = arith.constant 0 : i32
    %c0_i32_1 = arith.constant 0 : i32
    return %c0_i32, %c0_i32_0 : i32, i32
  }
  func.func @transform_3(%arg0: i32) -> (i32, i32) {
    %c0_i32 = arith.constant 0 : i32
    %c0_i32_0 = arith.constant 0 : i32
    return %arg0, %c0_i32 : i32, i32
  }
  func.func @transform_4(%arg0: i32) -> (i32, i32) {
    %c0_i32 = arith.constant 0 : i32
    %c0_i32_0 = arith.constant 0 : i32
    %c0_i32_1 = arith.constant 0 : i32
    return %c0_i32, %c0_i32_0 : i32, i32
  }
  func.func @transform_5(%arg0: i32) -> (i32, i32) {
    %c0_i32 = arith.constant 0 : i32
    %c0_i32_0 = arith.constant 0 : i32
    %c0_i32_1 = arith.constant 0 : i32
    return %c0_i32, %c0_i32_0 : i32, i32
  }
}

module attributes {stable_mosaic.version = 14 : i64} {
  func.func @body(%arg0: i32, %arg1: memref<512x256xf32, #tpu.memory_space<vmem>>, %arg2: memref<1x256xf32, #tpu.memory_space<vmem>>, %arg3: memref<1x256xf32, #tpu.memory_space<vmem>>, %arg4: memref<1x256xf32, #tpu.memory_space<vmem>>, %arg5: memref<1x256xf32, #tpu.memory_space<vmem>>, %arg6: memref<512x256xf32, #tpu.memory_space<vmem>>, %arg7: memref<1x256x512xf32, #tpu.memory_space<vmem>>) attributes {dimension_semantics = [#tpu.dimension_semantics<arbitrary>], iteration_bounds = array<i64: 16>, scalar_prefetch = 0 : i64, scratch_operands = 0 : i64, tpu.core_type = #tpu.core_type<tc>, window_params = [{transform_indices = @transform_0, window_bounds = array<i64: 512, 256>}, {pipeline_mode = #tpu.pipeline_mode<synchronous>, transform_indices = @transform_1, window_bounds = array<i64: 1, 256>}, {pipeline_mode = #tpu.pipeline_mode<synchronous>, transform_indices = @transform_2, window_bounds = array<i64: 1, 256>}, {pipeline_mode = #tpu.pipeline_mode<synchronous>, transform_indices = @transform_3, window_bounds = array<i64: 1, 256>}, {pipeline_mode = #tpu.pipeline_mode<synchronous>, transform_indices = @transform_4, window_bounds = array<i64: 1, 256>}, {transform_indices = @transform_5, window_bounds = array<i64: 512, 256>}, {transform_indices = @transform_6, window_bounds = array<i64: 1, 256, 512>}]} {
    %get3A = arith.constant 0 : index
    %get3A_0 = arith.constant 0 : index
    %get3A_1 = vector.load %arg2[%get3A, %get3A_0] : memref<1x256xf32, #tpu.memory_space<vmem>>, vector<1x256xf32>
    %get3A_2 = arith.constant 0 : index
    %get3A_3 = arith.constant 0 : index
    %get3A_4 = vector.load %arg4[%get3A_2, %get3A_3] : memref<1x256xf32, #tpu.memory_space<vmem>>, vector<1x256xf32>
    %get3A_5 = arith.constant 0 : index
    %get3A_6 = arith.constant 0 : index
    %get3A_7 = vector.load %arg3[%get3A_5, %get3A_6] : memref<1x256xf32, #tpu.memory_space<vmem>>, vector<1x256xf32>
    %add3A = arith.constant 9.99999974E-6 : f32
    %add3A_8 = vector.broadcast %add3A : f32 to vector<1x256xf32>
    %add3A_9 = arith.addf %get3A_7, %add3A_8 : vector<1x256xf32>
    %sqrt3A = math.sqrt %add3A_9 : vector<1x256xf32>
    %div3A = arith.divf %get3A_4, %sqrt3A : vector<1x256xf32>
    %get3A_10 = arith.constant 0 : index
    %get3A_11 = arith.constant 0 : index
    %get3A_12 = vector.load %arg5[%get3A_10, %get3A_11] : memref<1x256xf32, #tpu.memory_space<vmem>>, vector<1x256xf32>
    %mul3A = arith.mulf %get3A_1, %div3A : vector<1x256xf32>
    %sub3A = arith.subf %get3A_12, %mul3A : vector<1x256xf32>
    %get3A_13 = arith.constant 0 : index
    %get3A_14 = arith.constant 0 : index
    %get3A_15 = vector.load %arg1[%get3A_13, %get3A_14] : memref<512x256xf32, #tpu.memory_space<vmem>>, vector<512x256xf32>
    %mul3A_16 = vector.broadcast %div3A : vector<1x256xf32> to vector<512x256xf32>
    %mul3A_17 = arith.mulf %get3A_15, %mul3A_16 : vector<512x256xf32>
    %add3A_18 = vector.broadcast %sub3A : vector<1x256xf32> to vector<512x256xf32>
    %add3A_19 = arith.addf %mul3A_17, %add3A_18 : vector<512x256xf32>
    %gt3A = arith.constant 0.000000e+00 : f32
    %gt3A_20 = vector.broadcast %gt3A : f32 to vector<512x256xf32>
    %gt3A_21 = arith.cmpf ogt, %add3A_19, %gt3A_20 : vector<512x256xf32>
    %mul3A_22 = arith.constant 2.000000e-01 : f32
    %mul3A_23 = vector.broadcast %mul3A_22 : f32 to vector<512x256xf32>
    %mul3A_24 = arith.mulf %mul3A_23, %add3A_19 : vector<512x256xf32>
    %select_n3A = arith.select %gt3A_21, %add3A_19, %mul3A_24 : vector<512x256xi1>, vector<512x256xf32>
    %swap3A = arith.constant 0 : index
    %swap3A_25 = arith.constant 0 : index
    %swap3A_26 = vector.load %arg6[%swap3A, %swap3A_25] : memref<512x256xf32, #tpu.memory_space<vmem>>, vector<512x256xf32>
    tpu.vector_store %arg6[%swap3A, %swap3A_25], %select_n3A {strides = array<i32>} : memref<512x256xf32, #tpu.memory_space<vmem>>, vector<512x256xf32>,
    %transpose3A = tpu.transpose %select_n3A, [1, 0] : vector<512x256xf32> -> vector<256x512xf32>
    %broadcast_in_dim3A = vector.shape_cast %transpose3A : vector<256x512xf32> to vector<1x256x512xf32>
    %swap3A_27 = arith.constant 0 : index
    %swap3A_28 = arith.constant 0 : index
    %swap3A_29 = arith.constant 0 : index
    %swap3A_30 = vector.load %arg7[%swap3A_27, %swap3A_28, %swap3A_29] : memref<1x256x512xf32, #tpu.memory_space<vmem>>, vector<1x256x512xf32>
    tpu.vector_store %arg7[%swap3A_27, %swap3A_28, %swap3A_29], %broadcast_in_dim3A {strides = array<i32>} : memref<1x256x512xf32, #tpu.memory_space<vmem>>, vector<1x256x512xf32>,
    return
  }
  func.func @transform_0(%arg0: i32) -> (i32, i32) {
    %c0_i32 = arith.constant 0 : i32
    %c0_i32_0 = arith.constant 0 : i32
    return %arg0, %c0_i32 : i32, i32
  }
  func.func @transform_1(%arg0: i32) -> (i32, i32) {
    %c0_i32 = arith.constant 0 : i32
    %c0_i32_0 = arith.constant 0 : i32
    %c0_i32_1 = arith.constant 0 : i32
    return %c0_i32, %c0_i32_0 : i32, i32
  }
  func.func @transform_2(%arg0: i32) -> (i32, i32) {
    %c0_i32 = arith.constant 0 : i32
    %c0_i32_0 = arith.constant 0 : i32
    %c0_i32_1 = arith.constant 0 : i32
    return %c0_i32, %c0_i32_0 : i32, i32
  }
  func.func @transform_3(%arg0: i32) -> (i32, i32) {
    %c0_i32 = arith.constant 0 : i32
    %c0_i32_0 = arith.constant 0 : i32
    %c0_i32_1 = arith.constant 0 : i32
    return %c0_i32, %c0_i32_0 : i32, i32
  }
  func.func @transform_4(%arg0: i32) -> (i32, i32) {
    %c0_i32 = arith.constant 0 : i32
    %c0_i32_0 = arith.constant 0 : i32
    %c0_i32_1 = arith.constant 0 : i32
    return %c0_i32, %c0_i32_0 : i32, i32
  }
  func.func @transform_5(%arg0: i32) -> (i32, i32) {
    %c0_i32 = arith.constant 0 : i32
    %c0_i32_0 = arith.constant 0 : i32
    return %arg0, %c0_i32 : i32, i32
  }
  func.func @transform_6(%arg0: i32) -> (i32, i32, i32) {
    %jit3A = arith.constant 4 : i32
    %div3A = arith.divsi %arg0, %jit3A : i32
    %sign3A = arith.constant 0 : i32
    %sign3A_0 = arith.cmpi sgt, %arg0, %sign3A : i32
    %sign3A_1 = arith.extui %sign3A_0 : i1 to i32
    %sign3A_2 = arith.constant 0 : i32
    %sign3A_3 = arith.cmpi slt, %arg0, %sign3A_2 : i32
    %sign3A_4 = arith.extui %sign3A_3 : i1 to i32
    %sign3A_5 = arith.subi %sign3A_1, %sign3A_4 : i32
    %sign3A_6 = arith.constant 0 : i32
    %sign3A_7 = arith.cmpi sgt, %jit3A, %sign3A_6 : i32
    %sign3A_8 = arith.extui %sign3A_7 : i1 to i32
    %sign3A_9 = arith.constant 0 : i32
    %sign3A_10 = arith.cmpi slt, %jit3A, %sign3A_9 : i32
    %sign3A_11 = arith.extui %sign3A_10 : i1 to i32
    %sign3A_12 = arith.subi %sign3A_8, %sign3A_11 : i32
    %ne3A = arith.cmpi ne, %sign3A_5, %sign3A_12 : i32
    %rem3A = arith.remsi %arg0, %jit3A : i32
    %ne3A_13 = arith.constant 0 : i32
    %ne3A_14 = arith.cmpi ne, %rem3A, %ne3A_13 : i32
    %and3A = arith.andi %ne3A, %ne3A_14 : i1
    %sub3A = arith.constant 1 : i32
    %sub3A_15 = arith.subi %div3A, %sub3A : i32
    %select_n3A = arith.select %and3A, %sub3A_15, %div3A : i32
    %jit3A_16 = arith.constant 4 : i32
    %eq3A = arith.constant 0 : i32
    %eq3A_17 = arith.cmpi eq, %jit3A_16, %eq3A : i32
    %jit3A_18 = arith.constant 1 : i32
    %select_n3A_19 = arith.select %eq3A_17, %jit3A_18, %jit3A_16 : i32
    %rem3A_20 = arith.remsi %arg0, %select_n3A_19 : i32
    %ne3A_21 = arith.constant 0 : i32
    %ne3A_22 = arith.cmpi ne, %rem3A_20, %ne3A_21 : i32
    %lt3A = arith.constant 0 : i32
    %lt3A_23 = arith.cmpi slt, %rem3A_20, %lt3A : i32
    %lt3A_24 = arith.constant 0 : i32
    %lt3A_25 = arith.cmpi slt, %select_n3A_19, %lt3A_24 : i32
    %ne3A_26 = arith.xori %lt3A_23, %lt3A_25 : i1
    %and3A_27 = arith.andi %ne3A_26, %ne3A_22 : i1
    %add3A = arith.addi %rem3A_20, %select_n3A_19 : i32
    %select_n3A_28 = arith.select %and3A_27, %add3A, %rem3A_20 : i32
    %c0_i32 = arith.constant 0 : i32
    %c0_i32_29 = arith.constant 0 : i32
    return %select_n3A, %c0_i32, %select_n3A_28 : i32, i32, i32
  }
}

module attributes {stable_mosaic.version = 14 : i64} {
  func.func @body(%arg0: i32, %arg1: memref<512x512xf32, #tpu.memory_space<vmem>>, %arg2: memref<1x512xf32, #tpu.memory_space<vmem>>, %arg3: memref<1x512xf32, #tpu.memory_space<vmem>>, %arg4: memref<1x512xf32, #tpu.memory_space<vmem>>, %arg5: memref<1x512xf32, #tpu.memory_space<vmem>>) attributes {dimension_semantics = [#tpu.dimension_semantics<arbitrary>], iteration_bounds = array<i64: 16>, scalar_prefetch = 0 : i64, scratch_operands = 2 : i64, tpu.core_type = #tpu.core_type<tc>, window_params = [{transform_indices = @transform_0, window_bounds = array<i64: 512, 512>}, {pipeline_mode = #tpu.pipeline_mode<synchronous>, transform_indices = @transform_1, window_bounds = array<i64: 1, 512>}, {pipeline_mode = #tpu.pipeline_mode<synchronous>, transform_indices = @transform_2, window_bounds = array<i64: 1, 512>}]} {
    %get3A = arith.constant 0 : index
    %get3A_0 = arith.constant 0 : index
    %get3A_1 = vector.load %arg1[%get3A, %get3A_0] : memref<512x512xf32, #tpu.memory_space<vmem>>, vector<512x512xf32>
    %reduce_sum3A = arith.constant dense<0.000000e+00> : vector<512xf32>
    %reduce_sum3A_2 = vector.multi_reduction <add>, %get3A_1, %reduce_sum3A [0] : vector<512x512xf32> to vector<512xf32>
    %broadcast_in_dim3A = vector.shape_cast %reduce_sum3A_2 : vector<512xf32> to vector<1x512xf32>
    %mul3A = arith.mulf %get3A_1, %get3A_1 : vector<512x512xf32>
    %reduce_sum3A_3 = arith.constant dense<0.000000e+00> : vector<512xf32>
    %reduce_sum3A_4 = vector.multi_reduction <add>, %mul3A, %reduce_sum3A_3 [0] : vector<512x512xf32> to vector<512xf32>
    %broadcast_in_dim3A_5 = vector.shape_cast %reduce_sum3A_4 : vector<512xf32> to vector<1x512xf32>
    %eq3A = arith.constant 0 : i32
    %eq3A_6 = arith.cmpi eq, %arg0, %eq3A : i32
    %convert_element_type3A = arith.extui %eq3A_6 : i1 to i32
    %cond3A = arith.constant 0 : i32
    %cond3A_7 = arith.cmpi ne, %convert_element_type3A, %cond3A : i32
    scf.if %cond3A_7 {
      %swap3A = arith.constant 0 : index
      %swap3A_12 = arith.constant 0 : index
      %swap3A_13 = vector.load %arg2[%swap3A, %swap3A_12] : memref<1x512xf32, #tpu.memory_space<vmem>>, vector<1x512xf32>
      tpu.vector_store %arg2[%swap3A, %swap3A_12], %broadcast_in_dim3A {strides = array<i32>} : memref<1x512xf32, #tpu.memory_space<vmem>>, vector<1x512xf32>,
      %swap3A_14 = arith.constant 0 : index
      %swap3A_15 = arith.constant 0 : index
      %swap3A_16 = vector.load %arg3[%swap3A_14, %swap3A_15] : memref<1x512xf32, #tpu.memory_space<vmem>>, vector<1x512xf32>
      tpu.vector_store %arg3[%swap3A_14, %swap3A_15], %broadcast_in_dim3A_5 {strides = array<i32>} : memref<1x512xf32, #tpu.memory_space<vmem>>, vector<1x512xf32>,
      %broadcast_in_dim3A_17 = arith.constant 0.000000e+00 : f32
      %broadcast_in_dim3A_18 = vector.broadcast %broadcast_in_dim3A_17 : f32 to vector<1x512xf32>
      %swap3A_19 = arith.constant 0 : index
      %swap3A_20 = arith.constant 0 : index
      %swap3A_21 = vector.load %arg4[%swap3A_19, %swap3A_20] : memref<1x512xf32, #tpu.memory_space<vmem>>, vector<1x512xf32>
      tpu.vector_store %arg4[%swap3A_19, %swap3A_20], %broadcast_in_dim3A_18 {strides = array<i32>} : memref<1x512xf32, #tpu.memory_space<vmem>>, vector<1x512xf32>,
      %broadcast_in_dim3A_22 = arith.constant 0.000000e+00 : f32
      %broadcast_in_dim3A_23 = vector.broadcast %broadcast_in_dim3A_22 : f32 to vector<1x512xf32>
      %swap3A_24 = arith.constant 0 : index
      %swap3A_25 = arith.constant 0 : index
      %swap3A_26 = vector.load %arg5[%swap3A_24, %swap3A_25] : memref<1x512xf32, #tpu.memory_space<vmem>>, vector<1x512xf32>
      tpu.vector_store %arg5[%swap3A_24, %swap3A_25], %broadcast_in_dim3A_23 {strides = array<i32>} : memref<1x512xf32, #tpu.memory_space<vmem>>, vector<1x512xf32>,
    } else {
    }
    %ne3A = arith.constant 0 : i32
    %ne3A_8 = arith.cmpi ne, %arg0, %ne3A : i32
    %convert_element_type3A_9 = arith.extui %ne3A_8 : i1 to i32
    %cond3A_10 = arith.constant 0 : i32
    %cond3A_11 = arith.cmpi ne, %convert_element_type3A_9, %cond3A_10 : i32
    scf.if %cond3A_11 {
      %get3A_12 = arith.constant 0 : index
      %get3A_13 = arith.constant 0 : index
      %get3A_14 = vector.load %arg4[%get3A_12, %get3A_13] : memref<1x512xf32, #tpu.memory_space<vmem>>, vector<1x512xf32>
      %add3A = arith.addf %broadcast_in_dim3A, %get3A_14 : vector<1x512xf32>
      %get3A_15 = arith.constant 0 : index
      %get3A_16 = arith.constant 0 : index
      %get3A_17 = vector.load %arg2[%get3A_15, %get3A_16] : memref<1x512xf32, #tpu.memory_space<vmem>>, vector<1x512xf32>
      %add3A_18 = arith.addf %get3A_17, %add3A : vector<1x512xf32>
      %sub3A = arith.subf %get3A_17, %add3A_18 : vector<1x512xf32>
      %add3A_19 = arith.addf %sub3A, %add3A : vector<1x512xf32>
      %swap3A = arith.constant 0 : index
      %swap3A_20 = arith.constant 0 : index
      %swap3A_21 = vector.load %arg4[%swap3A, %swap3A_20] : memref<1x512xf32, #tpu.memory_space<vmem>>, vector<1x512xf32>
      tpu.vector_store %arg4[%swap3A, %swap3A_20], %add3A_19 {strides = array<i32>} : memref<1x512xf32, #tpu.memory_space<vmem>>, vector<1x512xf32>,
      %swap3A_22 = arith.constant 0 : index
      %swap3A_23 = arith.constant 0 : index
      %swap3A_24 = vector.load %arg2[%swap3A_22, %swap3A_23] : memref<1x512xf32, #tpu.memory_space<vmem>>, vector<1x512xf32>
      tpu.vector_store %arg2[%swap3A_22, %swap3A_23], %add3A_18 {strides = array<i32>} : memref<1x512xf32, #tpu.memory_space<vmem>>, vector<1x512xf32>,
      %get3A_25 = arith.constant 0 : index
      %get3A_26 = arith.constant 0 : index
      %get3A_27 = vector.load %arg5[%get3A_25, %get3A_26] : memref<1x512xf32, #tpu.memory_space<vmem>>, vector<1x512xf32>
      %add3A_28 = arith.addf %broadcast_in_dim3A_5, %get3A_27 : vector<1x512xf32>
      %get3A_29 = arith.constant 0 : index
      %get3A_30 = arith.constant 0 : index
      %get3A_31 = vector.load %arg3[%get3A_29, %get3A_30] : memref<1x512xf32, #tpu.memory_space<vmem>>, vector<1x512xf32>
      %add3A_32 = arith.addf %get3A_31, %add3A_28 : vector<1x512xf32>
      %sub3A_33 = arith.subf %get3A_31, %add3A_32 : vector<1x512xf32>
      %add3A_34 = arith.addf %sub3A_33, %add3A_28 : vector<1x512xf32>
      %swap3A_35 = arith.constant 0 : index
      %swap3A_36 = arith.constant 0 : index
      %swap3A_37 = vector.load %arg5[%swap3A_35, %swap3A_36] : memref<1x512xf32, #tpu.memory_space<vmem>>, vector<1x512xf32>
      tpu.vector_store %arg5[%swap3A_35, %swap3A_36], %add3A_34 {strides = array<i32>} : memref<1x512xf32, #tpu.memory_space<vmem>>, vector<1x512xf32>,
      %swap3A_38 = arith.constant 0 : index
      %swap3A_39 = arith.constant 0 : index
      %swap3A_40 = vector.load %arg3[%swap3A_38, %swap3A_39] : memref<1x512xf32, #tpu.memory_space<vmem>>, vector<1x512xf32>
      tpu.vector_store %arg3[%swap3A_38, %swap3A_39], %add3A_32 {strides = array<i32>} : memref<1x512xf32, #tpu.memory_space<vmem>>, vector<1x512xf32>,
    } else {
    }
    return
  }
  func.func @transform_0(%arg0: i32) -> (i32, i32) {
    %c0_i32 = arith.constant 0 : i32
    %c0_i32_0 = arith.constant 0 : i32
    return %arg0, %c0_i32 : i32, i32
  }
  func.func @transform_1(%arg0: i32) -> (i32, i32) {
    %c0_i32 = arith.constant 0 : i32
    %c0_i32_0 = arith.constant 0 : i32
    %c0_i32_1 = arith.constant 0 : i32
    return %c0_i32, %c0_i32_0 : i32, i32
  }
  func.func @transform_2(%arg0: i32) -> (i32, i32) {
    %c0_i32 = arith.constant 0 : i32
    %c0_i32_0 = arith.constant 0 : i32
    %c0_i32_1 = arith.constant 0 : i32
    return %c0_i32, %c0_i32_0 : i32, i32
  }
}

module attributes {stable_mosaic.version = 14 : i64} {
  func.func @body(%arg0: i32, %arg1: memref<512x512xf32, #tpu.memory_space<vmem>>, %arg2: memref<1x512xf32, #tpu.memory_space<vmem>>, %arg3: memref<1x512xf32, #tpu.memory_space<vmem>>, %arg4: memref<1x512xf32, #tpu.memory_space<vmem>>, %arg5: memref<1x512xf32, #tpu.memory_space<vmem>>, %arg6: memref<512x512xf32, #tpu.memory_space<vmem>>, %arg7: memref<1x1x512xf32, #tpu.memory_space<vmem>>) attributes {dimension_semantics = [#tpu.dimension_semantics<arbitrary>], iteration_bounds = array<i64: 16>, scalar_prefetch = 0 : i64, scratch_operands = 0 : i64, tpu.core_type = #tpu.core_type<tc>, window_params = [{transform_indices = @transform_0, window_bounds = array<i64: 512, 512>}, {pipeline_mode = #tpu.pipeline_mode<synchronous>, transform_indices = @transform_1, window_bounds = array<i64: 1, 512>}, {pipeline_mode = #tpu.pipeline_mode<synchronous>, transform_indices = @transform_2, window_bounds = array<i64: 1, 512>}, {pipeline_mode = #tpu.pipeline_mode<synchronous>, transform_indices = @transform_3, window_bounds = array<i64: 1, 512>}, {pipeline_mode = #tpu.pipeline_mode<synchronous>, transform_indices = @transform_4, window_bounds = array<i64: 1, 512>}, {transform_indices = @transform_5, window_bounds = array<i64: 512, 512>}, {transform_indices = @transform_6, window_bounds = array<i64: 1, 1, 512>}]} {
    %get3A = arith.constant 0 : index
    %get3A_0 = arith.constant 0 : index
    %get3A_1 = vector.load %arg2[%get3A, %get3A_0] : memref<1x512xf32, #tpu.memory_space<vmem>>, vector<1x512xf32>
    %div3A = arith.constant 8.192000e+03 : f32
    %div3A_2 = vector.broadcast %div3A : f32 to vector<1x512xf32>
    %div3A_3 = arith.divf %get3A_1, %div3A_2 : vector<1x512xf32>
    %get3A_4 = arith.constant 0 : index
    %get3A_5 = arith.constant 0 : index
    %get3A_6 = vector.load %arg3[%get3A_4, %get3A_5] : memref<1x512xf32, #tpu.memory_space<vmem>>, vector<1x512xf32>
    %div3A_7 = arith.constant 8.192000e+03 : f32
    %div3A_8 = vector.broadcast %div3A_7 : f32 to vector<1x512xf32>
    %div3A_9 = arith.divf %get3A_6, %div3A_8 : vector<1x512xf32>
    %mul3A = arith.mulf %div3A_3, %div3A_3 : vector<1x512xf32>
    %sub3A = arith.subf %div3A_9, %mul3A : vector<1x512xf32>
    %get3A_10 = arith.constant 0 : index
    %get3A_11 = arith.constant 0 : index
    %get3A_12 = vector.load %arg4[%get3A_10, %get3A_11] : memref<1x512xf32, #tpu.memory_space<vmem>>, vector<1x512xf32>
    %add3A = arith.constant 9.99999974E-6 : f32
    %add3A_13 = vector.broadcast %add3A : f32 to vector<1x512xf32>
    %add3A_14 = arith.addf %sub3A, %add3A_13 : vector<1x512xf32>
    %sqrt3A = math.sqrt %add3A_14 : vector<1x512xf32>
    %div3A_15 = arith.divf %get3A_12, %sqrt3A : vector<1x512xf32>
    %get3A_16 = arith.constant 0 : index
    %get3A_17 = arith.constant 0 : index
    %get3A_18 = vector.load %arg5[%get3A_16, %get3A_17] : memref<1x512xf32, #tpu.memory_space<vmem>>, vector<1x512xf32>
    %mul3A_19 = arith.mulf %div3A_3, %div3A_15 : vector<1x512xf32>
    %sub3A_20 = arith.subf %get3A_18, %mul3A_19 : vector<1x512xf32>
    %get3A_21 = arith.constant 0 : index
    %get3A_22 = arith.constant 0 : index
    %get3A_23 = vector.load %arg1[%get3A_21, %get3A_22] : memref<512x512xf32, #tpu.memory_space<vmem>>, vector<512x512xf32>
    %mul3A_24 = vector.broadcast %div3A_15 : vector<1x512xf32> to vector<512x512xf32>
    %mul3A_25 = arith.mulf %get3A_23, %mul3A_24 : vector<512x512xf32>
    %add3A_26 = vector.broadcast %sub3A_20 : vector<1x512xf32> to vector<512x512xf32>
    %add3A_27 = arith.addf %mul3A_25, %add3A_26 : vector<512x512xf32>
    %swap3A = arith.constant 0 : index
    %swap3A_28 = arith.constant 0 : index
    %swap3A_29 = vector.load %arg6[%swap3A, %swap3A_28] : memref<512x512xf32, #tpu.memory_space<vmem>>, vector<512x512xf32>
    tpu.vector_store %arg6[%swap3A, %swap3A_28], %add3A_27 {strides = array<i32>} : memref<512x512xf32, #tpu.memory_space<vmem>>, vector<512x512xf32>,
    %reduce_max3A = arith.constant dense<0xFF800000> : vector<512xf32>
    %reduce_max3A_30 = vector.multi_reduction <maximumf>, %add3A_27, %reduce_max3A [0] : vector<512x512xf32> to vector<512xf32>
    %broadcast_in_dim3A = vector.shape_cast %reduce_max3A_30 : vector<512xf32> to vector<1x1x512xf32>
    %jit3A = arith.constant 4 : i32
    %eq3A = arith.constant 0 : i32
    %eq3A_31 = arith.cmpi eq, %jit3A, %eq3A : i32
    %jit3A_32 = arith.constant 1 : i32
    %select_n3A = arith.select %eq3A_31, %jit3A_32, %jit3A : i32
    %rem3A = arith.remsi %arg0, %select_n3A : i32
    %ne3A = arith.constant 0 : i32
    %ne3A_33 = arith.cmpi ne, %rem3A, %ne3A : i32
    %lt3A = arith.constant 0 : i32
    %lt3A_34 = arith.cmpi slt, %rem3A, %lt3A : i32
    %lt3A_35 = arith.constant 0 : i32
    %lt3A_36 = arith.cmpi slt, %select_n3A, %lt3A_35 : i32
    %ne3A_37 = arith.xori %lt3A_34, %lt3A_36 : i1
    %and3A = arith.andi %ne3A_37, %ne3A_33 : i1
    %add3A_38 = arith.addi %rem3A, %select_n3A : i32
    %select_n3A_39 = arith.select %and3A, %add3A_38, %rem3A : i32
    %eq3A_40 = arith.constant 0 : i32
    %eq3A_41 = arith.cmpi eq, %select_n3A_39, %eq3A_40 : i32
    %convert_element_type3A = arith.extui %eq3A_41 : i1 to i32
    %cond3A = arith.constant 0 : i32
    %cond3A_42 = arith.cmpi ne, %convert_element_type3A, %cond3A : i32
    scf.if %cond3A_42 {
      %swap3A_64 = arith.constant 0 : index
      %swap3A_65 = arith.constant 0 : index
      %swap3A_66 = arith.constant 0 : index
      %swap3A_67 = vector.load %arg7[%swap3A_64, %swap3A_65, %swap3A_66] : memref<1x1x512xf32, #tpu.memory_space<vmem>>, vector<1x1x512xf32>
      tpu.vector_store %arg7[%swap3A_64, %swap3A_65, %swap3A_66], %broadcast_in_dim3A {strides = array<i32>} : memref<1x1x512xf32, #tpu.memory_space<vmem>>, vector<1x1x512xf32>,
    } else {
    }
    %jit3A_43 = arith.constant 4 : i32
    %eq3A_44 = arith.constant 0 : i32
    %eq3A_45 = arith.cmpi eq, %jit3A_43, %eq3A_44 : i32
    %jit3A_46 = arith.constant 1 : i32
    %select_n3A_47 = arith.select %eq3A_45, %jit3A_46, %jit3A_43 : i32
    %rem3A_48 = arith.remsi %arg0, %select_n3A_47 : i32
    %ne3A_49 = arith.constant 0 : i32
    %ne3A_50 = arith.cmpi ne, %rem3A_48, %ne3A_49 : i32
    %lt3A_51 = arith.constant 0 : i32
    %lt3A_52 = arith.cmpi slt, %rem3A_48, %lt3A_51 : i32
    %lt3A_53 = arith.constant 0 : i32
    %lt3A_54 = arith.cmpi slt, %select_n3A_47, %lt3A_53 : i32
    %ne3A_55 = arith.xori %lt3A_52, %lt3A_54 : i1
    %and3A_56 = arith.andi %ne3A_55, %ne3A_50 : i1
    %add3A_57 = arith.addi %rem3A_48, %select_n3A_47 : i32
    %select_n3A_58 = arith.select %and3A_56, %add3A_57, %rem3A_48 : i32
    %ne3A_59 = arith.constant 0 : i32
    %ne3A_60 = arith.cmpi ne, %select_n3A_58, %ne3A_59 : i32
    %convert_element_type3A_61 = arith.extui %ne3A_60 : i1 to i32
    %cond3A_62 = arith.constant 0 : i32
    %cond3A_63 = arith.cmpi ne, %convert_element_type3A_61, %cond3A_62 : i32
    scf.if %cond3A_63 {
      %get3A_64 = arith.constant 0 : index
      %get3A_65 = arith.constant 0 : index
      %get3A_66 = arith.constant 0 : index
      %get3A_67 = vector.load %arg7[%get3A_64, %get3A_65, %get3A_66] : memref<1x1x512xf32, #tpu.memory_space<vmem>>, vector<1x1x512xf32>
      %max3A = arith.maximumf %get3A_67, %broadcast_in_dim3A : vector<1x1x512xf32>
      %swap3A_68 = arith.constant 0 : index
      %swap3A_69 = arith.constant 0 : index
      %swap3A_70 = arith.constant 0 : index
      %swap3A_71 = vector.load %arg7[%swap3A_68, %swap3A_69, %swap3A_70] : memref<1x1x512xf32, #tpu.memory_space<vmem>>, vector<1x1x512xf32>
      tpu.vector_store %arg7[%swap3A_68, %swap3A_69, %swap3A_70], %max3A {strides = array<i32>} : memref<1x1x512xf32, #tpu.memory_space<vmem>>, vector<1x1x512xf32>,
    } else {
    }
    return
  }
  func.func @transform_0(%arg0: i32) -> (i32, i32) {
    %c0_i32 = arith.constant 0 : i32
    %c0_i32_0 = arith.constant 0 : i32
    return %arg0, %c0_i32 : i32, i32
  }
  func.func @transform_1(%arg0: i32) -> (i32, i32) {
    %c0_i32 = arith.constant 0 : i32
    %c0_i32_0 = arith.constant 0 : i32
    %c0_i32_1 = arith.constant 0 : i32
    return %c0_i32, %c0_i32_0 : i32, i32
  }
  func.func @transform_2(%arg0: i32) -> (i32, i32) {
    %c0_i32 = arith.constant 0 : i32
    %c0_i32_0 = arith.constant 0 : i32
    %c0_i32_1 = arith.constant 0 : i32
    return %c0_i32, %c0_i32_0 : i32, i32
  }
  func.func @transform_3(%arg0: i32) -> (i32, i32) {
    %c0_i32 = arith.constant 0 : i32
    %c0_i32_0 = arith.constant 0 : i32
    %c0_i32_1 = arith.constant 0 : i32
    return %c0_i32, %c0_i32_0 : i32, i32
  }
  func.func @transform_4(%arg0: i32) -> (i32, i32) {
    %c0_i32 = arith.constant 0 : i32
    %c0_i32_0 = arith.constant 0 : i32
    %c0_i32_1 = arith.constant 0 : i32
    return %c0_i32, %c0_i32_0 : i32, i32
  }
  func.func @transform_5(%arg0: i32) -> (i32, i32) {
    %c0_i32 = arith.constant 0 : i32
    %c0_i32_0 = arith.constant 0 : i32
    return %arg0, %c0_i32 : i32, i32
  }
  func.func @transform_6(%arg0: i32) -> (i32, i32, i32) {
    %jit3A = arith.constant 4 : i32
    %div3A = arith.divsi %arg0, %jit3A : i32
    %sign3A = arith.constant 0 : i32
    %sign3A_0 = arith.cmpi sgt, %arg0, %sign3A : i32
    %sign3A_1 = arith.extui %sign3A_0 : i1 to i32
    %sign3A_2 = arith.constant 0 : i32
    %sign3A_3 = arith.cmpi slt, %arg0, %sign3A_2 : i32
    %sign3A_4 = arith.extui %sign3A_3 : i1 to i32
    %sign3A_5 = arith.subi %sign3A_1, %sign3A_4 : i32
    %sign3A_6 = arith.constant 0 : i32
    %sign3A_7 = arith.cmpi sgt, %jit3A, %sign3A_6 : i32
    %sign3A_8 = arith.extui %sign3A_7 : i1 to i32
    %sign3A_9 = arith.constant 0 : i32
    %sign3A_10 = arith.cmpi slt, %jit3A, %sign3A_9 : i32
    %sign3A_11 = arith.extui %sign3A_10 : i1 to i32
    %sign3A_12 = arith.subi %sign3A_8, %sign3A_11 : i32
    %ne3A = arith.cmpi ne, %sign3A_5, %sign3A_12 : i32
    %rem3A = arith.remsi %arg0, %jit3A : i32
    %ne3A_13 = arith.constant 0 : i32
    %ne3A_14 = arith.cmpi ne, %rem3A, %ne3A_13 : i32
    %and3A = arith.andi %ne3A, %ne3A_14 : i1
    %sub3A = arith.constant 1 : i32
    %sub3A_15 = arith.subi %div3A, %sub3A : i32
    %select_n3A = arith.select %and3A, %sub3A_15, %div3A : i32
    %c0_i32 = arith.constant 0 : i32
    %c0_i32_16 = arith.constant 0 : i32
    %c0_i32_17 = arith.constant 0 : i32
    return %select_n3A, %c0_i32, %c0_i32_16 : i32, i32, i32
  }
}

module attributes {stable_mosaic.version = 14 : i64} {
  func.func @body(%arg0: i32, %arg1: memref<512x512xf32, #tpu.memory_space<vmem>>, %arg2: memref<512x1024xbf16, #tpu.memory_space<vmem>>, %arg3: memref<1x1024xf32, #tpu.memory_space<vmem>>, %arg4: memref<512x1024xf32, #tpu.memory_space<vmem>>) attributes {dimension_semantics = [#tpu.dimension_semantics<arbitrary>], iteration_bounds = array<i64: 16>, scalar_prefetch = 0 : i64, scratch_operands = 0 : i64, tpu.core_type = #tpu.core_type<tc>, window_params = [{transform_indices = @transform_0, window_bounds = array<i64: 512, 512>}, {pipeline_mode = #tpu.pipeline_mode<synchronous>, transform_indices = @transform_1, window_bounds = array<i64: 512, 1024>}, {pipeline_mode = #tpu.pipeline_mode<synchronous>, transform_indices = @transform_2, window_bounds = array<i64: 1, 1024>}, {transform_indices = @transform_3, window_bounds = array<i64: 512, 1024>}]} {
    %get3A = arith.constant 0 : index
    %get3A_0 = arith.constant 0 : index
    %get3A_1 = vector.load %arg1[%get3A, %get3A_0] : memref<512x512xf32, #tpu.memory_space<vmem>>, vector<512x512xf32>
    %convert_element_type3A = arith.truncf %get3A_1 : vector<512x512xf32> to vector<512x512xbf16>
    %get3A_2 = arith.constant 0 : index
    %get3A_3 = arith.constant 0 : index
    %get3A_4 = vector.load %arg2[%get3A_2, %get3A_3] : memref<512x1024xbf16, #tpu.memory_space<vmem>>, vector<512x1024xbf16>
    %dot_general3A = arith.constant dense<0.000000e+00> : vector<512x1024xf32>
    %dot_general3A_5 = tpu.matmul %convert_element_type3A, %get3A_4, %dot_general3A {dimension_numbers = #tpu.dot_dimension_numbers<[1], [0], [0], [1], [0, 0, 1, 1], [], []>, transpose_lhs_hint = false} : vector<512x512xbf16>, vector<512x1024xbf16>, vector<512x1024xf32> -> vector<512x1024xf32>
    %get3A_6 = arith.constant 0 : index
    %get3A_7 = arith.constant 0 : index
    %get3A_8 = vector.load %arg3[%get3A_6, %get3A_7] : memref<1x1024xf32, #tpu.memory_space<vmem>>, vector<1x1024xf32>
    %add3A = vector.broadcast %get3A_8 : vector<1x1024xf32> to vector<512x1024xf32>
    %add3A_9 = arith.addf %dot_general3A_5, %add3A : vector<512x1024xf32>
    %swap3A = arith.constant 0 : index
    %swap3A_10 = arith.constant 0 : index
    %swap3A_11 = vector.load %arg4[%swap3A, %swap3A_10] : memref<512x1024xf32, #tpu.memory_space<vmem>>, vector<512x1024xf32>
    tpu.vector_store %arg4[%swap3A, %swap3A_10], %add3A_9 {strides = array<i32>} : memref<512x1024xf32, #tpu.memory_space<vmem>>, vector<512x1024xf32>,
    return
  }
  func.func @transform_0(%arg0: i32) -> (i32, i32) {
    %c0_i32 = arith.constant 0 : i32
    %c0_i32_0 = arith.constant 0 : i32
    return %arg0, %c0_i32 : i32, i32
  }
  func.func @transform_1(%arg0: i32) -> (i32, i32) {
    %c0_i32 = arith.constant 0 : i32
    %c0_i32_0 = arith.constant 0 : i32
    %c0_i32_1 = arith.constant 0 : i32
    return %c0_i32, %c0_i32_0 : i32, i32
  }
  func.func @transform_2(%arg0: i32) -> (i32, i32) {
    %c0_i32 = arith.constant 0 : i32
    %c0_i32_0 = arith.constant 0 : i32
    %c0_i32_1 = arith.constant 0 : i32
    return %c0_i32, %c0_i32_0 : i32, i32
  }
  func.func @transform_3(%arg0: i32) -> (i32, i32) {
    %c0_i32 = arith.constant 0 : i32
    %c0_i32_0 = arith.constant 0 : i32
    return %arg0, %c0_i32 : i32, i32
  }
}

module attributes {stable_mosaic.version = 14 : i64} {
  func.func @body(%arg0: i32, %arg1: memref<512x1024xf32, #tpu.memory_space<vmem>>, %arg2: memref<1x1024xf32, #tpu.memory_space<vmem>>, %arg3: memref<1x1024xf32, #tpu.memory_space<vmem>>, %arg4: memref<1x1024xf32, #tpu.memory_space<vmem>>, %arg5: memref<1x1024xf32, #tpu.memory_space<vmem>>) attributes {dimension_semantics = [#tpu.dimension_semantics<arbitrary>], iteration_bounds = array<i64: 16>, scalar_prefetch = 0 : i64, scratch_operands = 2 : i64, tpu.core_type = #tpu.core_type<tc>, window_params = [{transform_indices = @transform_0, window_bounds = array<i64: 512, 1024>}, {pipeline_mode = #tpu.pipeline_mode<synchronous>, transform_indices = @transform_1, window_bounds = array<i64: 1, 1024>}, {pipeline_mode = #tpu.pipeline_mode<synchronous>, transform_indices = @transform_2, window_bounds = array<i64: 1, 1024>}]} {
    %get3A = arith.constant 0 : index
    %get3A_0 = arith.constant 0 : index
    %get3A_1 = vector.load %arg1[%get3A, %get3A_0] : memref<512x1024xf32, #tpu.memory_space<vmem>>, vector<512x1024xf32>
    %reduce_sum3A = arith.constant dense<0.000000e+00> : vector<1024xf32>
    %reduce_sum3A_2 = vector.multi_reduction <add>, %get3A_1, %reduce_sum3A [0] : vector<512x1024xf32> to vector<1024xf32>
    %broadcast_in_dim3A = vector.shape_cast %reduce_sum3A_2 : vector<1024xf32> to vector<1x1024xf32>
    %mul3A = arith.mulf %get3A_1, %get3A_1 : vector<512x1024xf32>
    %reduce_sum3A_3 = arith.constant dense<0.000000e+00> : vector<1024xf32>
    %reduce_sum3A_4 = vector.multi_reduction <add>, %mul3A, %reduce_sum3A_3 [0] : vector<512x1024xf32> to vector<1024xf32>
    %broadcast_in_dim3A_5 = vector.shape_cast %reduce_sum3A_4 : vector<1024xf32> to vector<1x1024xf32>
    %eq3A = arith.constant 0 : i32
    %eq3A_6 = arith.cmpi eq, %arg0, %eq3A : i32
    %convert_element_type3A = arith.extui %eq3A_6 : i1 to i32
    %cond3A = arith.constant 0 : i32
    %cond3A_7 = arith.cmpi ne, %convert_element_type3A, %cond3A : i32
    scf.if %cond3A_7 {
      %swap3A = arith.constant 0 : index
      %swap3A_12 = arith.constant 0 : index
      %swap3A_13 = vector.load %arg2[%swap3A, %swap3A_12] : memref<1x1024xf32, #tpu.memory_space<vmem>>, vector<1x1024xf32>
      tpu.vector_store %arg2[%swap3A, %swap3A_12], %broadcast_in_dim3A {strides = array<i32>} : memref<1x1024xf32, #tpu.memory_space<vmem>>, vector<1x1024xf32>,
      %swap3A_14 = arith.constant 0 : index
      %swap3A_15 = arith.constant 0 : index
      %swap3A_16 = vector.load %arg3[%swap3A_14, %swap3A_15] : memref<1x1024xf32, #tpu.memory_space<vmem>>, vector<1x1024xf32>
      tpu.vector_store %arg3[%swap3A_14, %swap3A_15], %broadcast_in_dim3A_5 {strides = array<i32>} : memref<1x1024xf32, #tpu.memory_space<vmem>>, vector<1x1024xf32>,
      %broadcast_in_dim3A_17 = arith.constant 0.000000e+00 : f32
      %broadcast_in_dim3A_18 = vector.broadcast %broadcast_in_dim3A_17 : f32 to vector<1x1024xf32>
      %swap3A_19 = arith.constant 0 : index
      %swap3A_20 = arith.constant 0 : index
      %swap3A_21 = vector.load %arg4[%swap3A_19, %swap3A_20] : memref<1x1024xf32, #tpu.memory_space<vmem>>, vector<1x1024xf32>
      tpu.vector_store %arg4[%swap3A_19, %swap3A_20], %broadcast_in_dim3A_18 {strides = array<i32>} : memref<1x1024xf32, #tpu.memory_space<vmem>>, vector<1x1024xf32>,
      %broadcast_in_dim3A_22 = arith.constant 0.000000e+00 : f32
      %broadcast_in_dim3A_23 = vector.broadcast %broadcast_in_dim3A_22 : f32 to vector<1x1024xf32>
      %swap3A_24 = arith.constant 0 : index
      %swap3A_25 = arith.constant 0 : index
      %swap3A_26 = vector.load %arg5[%swap3A_24, %swap3A_25] : memref<1x1024xf32, #tpu.memory_space<vmem>>, vector<1x1024xf32>
      tpu.vector_store %arg5[%swap3A_24, %swap3A_25], %broadcast_in_dim3A_23 {strides = array<i32>} : memref<1x1024xf32, #tpu.memory_space<vmem>>, vector<1x1024xf32>,
    } else {
    }
    %ne3A = arith.constant 0 : i32
    %ne3A_8 = arith.cmpi ne, %arg0, %ne3A : i32
    %convert_element_type3A_9 = arith.extui %ne3A_8 : i1 to i32
    %cond3A_10 = arith.constant 0 : i32
    %cond3A_11 = arith.cmpi ne, %convert_element_type3A_9, %cond3A_10 : i32
    scf.if %cond3A_11 {
      %get3A_12 = arith.constant 0 : index
      %get3A_13 = arith.constant 0 : index
      %get3A_14 = vector.load %arg4[%get3A_12, %get3A_13] : memref<1x1024xf32, #tpu.memory_space<vmem>>, vector<1x1024xf32>
      %add3A = arith.addf %broadcast_in_dim3A, %get3A_14 : vector<1x1024xf32>
      %get3A_15 = arith.constant 0 : index
      %get3A_16 = arith.constant 0 : index
      %get3A_17 = vector.load %arg2[%get3A_15, %get3A_16] : memref<1x1024xf32, #tpu.memory_space<vmem>>, vector<1x1024xf32>
      %add3A_18 = arith.addf %get3A_17, %add3A : vector<1x1024xf32>
      %sub3A = arith.subf %get3A_17, %add3A_18 : vector<1x1024xf32>
      %add3A_19 = arith.addf %sub3A, %add3A : vector<1x1024xf32>
      %swap3A = arith.constant 0 : index
      %swap3A_20 = arith.constant 0 : index
      %swap3A_21 = vector.load %arg4[%swap3A, %swap3A_20] : memref<1x1024xf32, #tpu.memory_space<vmem>>, vector<1x1024xf32>
      tpu.vector_store %arg4[%swap3A, %swap3A_20], %add3A_19 {strides = array<i32>} : memref<1x1024xf32, #tpu.memory_space<vmem>>, vector<1x1024xf32>,
      %swap3A_22 = arith.constant 0 : index
      %swap3A_23 = arith.constant 0 : index
      %swap3A_24 = vector.load %arg2[%swap3A_22, %swap3A_23] : memref<1x1024xf32, #tpu.memory_space<vmem>>, vector<1x1024xf32>
      tpu.vector_store %arg2[%swap3A_22, %swap3A_23], %add3A_18 {strides = array<i32>} : memref<1x1024xf32, #tpu.memory_space<vmem>>, vector<1x1024xf32>,
      %get3A_25 = arith.constant 0 : index
      %get3A_26 = arith.constant 0 : index
      %get3A_27 = vector.load %arg5[%get3A_25, %get3A_26] : memref<1x1024xf32, #tpu.memory_space<vmem>>, vector<1x1024xf32>
      %add3A_28 = arith.addf %broadcast_in_dim3A_5, %get3A_27 : vector<1x1024xf32>
      %get3A_29 = arith.constant 0 : index
      %get3A_30 = arith.constant 0 : index
      %get3A_31 = vector.load %arg3[%get3A_29, %get3A_30] : memref<1x1024xf32, #tpu.memory_space<vmem>>, vector<1x1024xf32>
      %add3A_32 = arith.addf %get3A_31, %add3A_28 : vector<1x1024xf32>
      %sub3A_33 = arith.subf %get3A_31, %add3A_32 : vector<1x1024xf32>
      %add3A_34 = arith.addf %sub3A_33, %add3A_28 : vector<1x1024xf32>
      %swap3A_35 = arith.constant 0 : index
      %swap3A_36 = arith.constant 0 : index
      %swap3A_37 = vector.load %arg5[%swap3A_35, %swap3A_36] : memref<1x1024xf32, #tpu.memory_space<vmem>>, vector<1x1024xf32>
      tpu.vector_store %arg5[%swap3A_35, %swap3A_36], %add3A_34 {strides = array<i32>} : memref<1x1024xf32, #tpu.memory_space<vmem>>, vector<1x1024xf32>,
      %swap3A_38 = arith.constant 0 : index
      %swap3A_39 = arith.constant 0 : index
      %swap3A_40 = vector.load %arg3[%swap3A_38, %swap3A_39] : memref<1x1024xf32, #tpu.memory_space<vmem>>, vector<1x1024xf32>
      tpu.vector_store %arg3[%swap3A_38, %swap3A_39], %add3A_32 {strides = array<i32>} : memref<1x1024xf32, #tpu.memory_space<vmem>>, vector<1x1024xf32>,
    } else {
    }
    return
  }
  func.func @transform_0(%arg0: i32) -> (i32, i32) {
    %c0_i32 = arith.constant 0 : i32
    %c0_i32_0 = arith.constant 0 : i32
    return %arg0, %c0_i32 : i32, i32
  }
  func.func @transform_1(%arg0: i32) -> (i32, i32) {
    %c0_i32 = arith.constant 0 : i32
    %c0_i32_0 = arith.constant 0 : i32
    %c0_i32_1 = arith.constant 0 : i32
    return %c0_i32, %c0_i32_0 : i32, i32
  }
  func.func @transform_2(%arg0: i32) -> (i32, i32) {
    %c0_i32 = arith.constant 0 : i32
    %c0_i32_0 = arith.constant 0 : i32
    %c0_i32_1 = arith.constant 0 : i32
    return %c0_i32, %c0_i32_0 : i32, i32
  }
}

module attributes {stable_mosaic.version = 14 : i64} {
  func.func @body(%arg0: i32, %arg1: memref<512x1024xf32, #tpu.memory_space<vmem>>, %arg2: memref<1x1024xf32, #tpu.memory_space<vmem>>, %arg3: memref<1x1024xf32, #tpu.memory_space<vmem>>, %arg4: memref<1x1024xf32, #tpu.memory_space<vmem>>, %arg5: memref<1x1024xf32, #tpu.memory_space<vmem>>, %arg6: memref<512x1024xf32, #tpu.memory_space<vmem>>, %arg7: memref<1x1x1024xf32, #tpu.memory_space<vmem>>) attributes {dimension_semantics = [#tpu.dimension_semantics<arbitrary>], iteration_bounds = array<i64: 16>, scalar_prefetch = 0 : i64, scratch_operands = 0 : i64, tpu.core_type = #tpu.core_type<tc>, window_params = [{transform_indices = @transform_0, window_bounds = array<i64: 512, 1024>}, {pipeline_mode = #tpu.pipeline_mode<synchronous>, transform_indices = @transform_1, window_bounds = array<i64: 1, 1024>}, {pipeline_mode = #tpu.pipeline_mode<synchronous>, transform_indices = @transform_2, window_bounds = array<i64: 1, 1024>}, {pipeline_mode = #tpu.pipeline_mode<synchronous>, transform_indices = @transform_3, window_bounds = array<i64: 1, 1024>}, {pipeline_mode = #tpu.pipeline_mode<synchronous>, transform_indices = @transform_4, window_bounds = array<i64: 1, 1024>}, {transform_indices = @transform_5, window_bounds = array<i64: 512, 1024>}, {transform_indices = @transform_6, window_bounds = array<i64: 1, 1, 1024>}]} {
    %get3A = arith.constant 0 : index
    %get3A_0 = arith.constant 0 : index
    %get3A_1 = vector.load %arg2[%get3A, %get3A_0] : memref<1x1024xf32, #tpu.memory_space<vmem>>, vector<1x1024xf32>
    %div3A = arith.constant 8.192000e+03 : f32
    %div3A_2 = vector.broadcast %div3A : f32 to vector<1x1024xf32>
    %div3A_3 = arith.divf %get3A_1, %div3A_2 : vector<1x1024xf32>
    %get3A_4 = arith.constant 0 : index
    %get3A_5 = arith.constant 0 : index
    %get3A_6 = vector.load %arg3[%get3A_4, %get3A_5] : memref<1x1024xf32, #tpu.memory_space<vmem>>, vector<1x1024xf32>
    %div3A_7 = arith.constant 8.192000e+03 : f32
    %div3A_8 = vector.broadcast %div3A_7 : f32 to vector<1x1024xf32>
    %div3A_9 = arith.divf %get3A_6, %div3A_8 : vector<1x1024xf32>
    %mul3A = arith.mulf %div3A_3, %div3A_3 : vector<1x1024xf32>
    %sub3A = arith.subf %div3A_9, %mul3A : vector<1x1024xf32>
    %get3A_10 = arith.constant 0 : index
    %get3A_11 = arith.constant 0 : index
    %get3A_12 = vector.load %arg4[%get3A_10, %get3A_11] : memref<1x1024xf32, #tpu.memory_space<vmem>>, vector<1x1024xf32>
    %add3A = arith.constant 9.99999974E-6 : f32
    %add3A_13 = vector.broadcast %add3A : f32 to vector<1x1024xf32>
    %add3A_14 = arith.addf %sub3A, %add3A_13 : vector<1x1024xf32>
    %sqrt3A = math.sqrt %add3A_14 : vector<1x1024xf32>
    %div3A_15 = arith.divf %get3A_12, %sqrt3A : vector<1x1024xf32>
    %get3A_16 = arith.constant 0 : index
    %get3A_17 = arith.constant 0 : index
    %get3A_18 = vector.load %arg5[%get3A_16, %get3A_17] : memref<1x1024xf32, #tpu.memory_space<vmem>>, vector<1x1024xf32>
    %mul3A_19 = arith.mulf %div3A_3, %div3A_15 : vector<1x1024xf32>
    %sub3A_20 = arith.subf %get3A_18, %mul3A_19 : vector<1x1024xf32>
    %get3A_21 = arith.constant 0 : index
    %get3A_22 = arith.constant 0 : index
    %get3A_23 = vector.load %arg1[%get3A_21, %get3A_22] : memref<512x1024xf32, #tpu.memory_space<vmem>>, vector<512x1024xf32>
    %mul3A_24 = vector.broadcast %div3A_15 : vector<1x1024xf32> to vector<512x1024xf32>
    %mul3A_25 = arith.mulf %get3A_23, %mul3A_24 : vector<512x1024xf32>
    %add3A_26 = vector.broadcast %sub3A_20 : vector<1x1024xf32> to vector<512x1024xf32>
    %add3A_27 = arith.addf %mul3A_25, %add3A_26 : vector<512x1024xf32>
    %gt3A = arith.constant 0.000000e+00 : f32
    %gt3A_28 = vector.broadcast %gt3A : f32 to vector<512x1024xf32>
    %gt3A_29 = arith.cmpf ogt, %add3A_27, %gt3A_28 : vector<512x1024xf32>
    %mul3A_30 = arith.constant 2.000000e-01 : f32
    %mul3A_31 = vector.broadcast %mul3A_30 : f32 to vector<512x1024xf32>
    %mul3A_32 = arith.mulf %mul3A_31, %add3A_27 : vector<512x1024xf32>
    %select_n3A = arith.select %gt3A_29, %add3A_27, %mul3A_32 : vector<512x1024xi1>, vector<512x1024xf32>
    %swap3A = arith.constant 0 : index
    %swap3A_33 = arith.constant 0 : index
    %swap3A_34 = vector.load %arg6[%swap3A, %swap3A_33] : memref<512x1024xf32, #tpu.memory_space<vmem>>, vector<512x1024xf32>
    tpu.vector_store %arg6[%swap3A, %swap3A_33], %select_n3A {strides = array<i32>} : memref<512x1024xf32, #tpu.memory_space<vmem>>, vector<512x1024xf32>,
    %reduce_max3A = arith.constant dense<0xFF800000> : vector<1024xf32>
    %reduce_max3A_35 = vector.multi_reduction <maximumf>, %select_n3A, %reduce_max3A [0] : vector<512x1024xf32> to vector<1024xf32>
    %broadcast_in_dim3A = vector.shape_cast %reduce_max3A_35 : vector<1024xf32> to vector<1x1x1024xf32>
    %jit3A = arith.constant 4 : i32
    %eq3A = arith.constant 0 : i32
    %eq3A_36 = arith.cmpi eq, %jit3A, %eq3A : i32
    %jit3A_37 = arith.constant 1 : i32
    %select_n3A_38 = arith.select %eq3A_36, %jit3A_37, %jit3A : i32
    %rem3A = arith.remsi %arg0, %select_n3A_38 : i32
    %ne3A = arith.constant 0 : i32
    %ne3A_39 = arith.cmpi ne, %rem3A, %ne3A : i32
    %lt3A = arith.constant 0 : i32
    %lt3A_40 = arith.cmpi slt, %rem3A, %lt3A : i32
    %lt3A_41 = arith.constant 0 : i32
    %lt3A_42 = arith.cmpi slt, %select_n3A_38, %lt3A_41 : i32
    %ne3A_43 = arith.xori %lt3A_40, %lt3A_42 : i1
    %and3A = arith.andi %ne3A_43, %ne3A_39 : i1
    %add3A_44 = arith.addi %rem3A, %select_n3A_38 : i32
    %select_n3A_45 = arith.select %and3A, %add3A_44, %rem3A : i32
    %eq3A_46 = arith.constant 0 : i32
    %eq3A_47 = arith.cmpi eq, %select_n3A_45, %eq3A_46 : i32
    %convert_element_type3A = arith.extui %eq3A_47 : i1 to i32
    %cond3A = arith.constant 0 : i32
    %cond3A_48 = arith.cmpi ne, %convert_element_type3A, %cond3A : i32
    scf.if %cond3A_48 {
      %swap3A_70 = arith.constant 0 : index
      %swap3A_71 = arith.constant 0 : index
      %swap3A_72 = arith.constant 0 : index
      %swap3A_73 = vector.load %arg7[%swap3A_70, %swap3A_71, %swap3A_72] : memref<1x1x1024xf32, #tpu.memory_space<vmem>>, vector<1x1x1024xf32>
      tpu.vector_store %arg7[%swap3A_70, %swap3A_71, %swap3A_72], %broadcast_in_dim3A {strides = array<i32>} : memref<1x1x1024xf32, #tpu.memory_space<vmem>>, vector<1x1x1024xf32>,
    } else {
    }
    %jit3A_49 = arith.constant 4 : i32
    %eq3A_50 = arith.constant 0 : i32
    %eq3A_51 = arith.cmpi eq, %jit3A_49, %eq3A_50 : i32
    %jit3A_52 = arith.constant 1 : i32
    %select_n3A_53 = arith.select %eq3A_51, %jit3A_52, %jit3A_49 : i32
    %rem3A_54 = arith.remsi %arg0, %select_n3A_53 : i32
    %ne3A_55 = arith.constant 0 : i32
    %ne3A_56 = arith.cmpi ne, %rem3A_54, %ne3A_55 : i32
    %lt3A_57 = arith.constant 0 : i32
    %lt3A_58 = arith.cmpi slt, %rem3A_54, %lt3A_57 : i32
    %lt3A_59 = arith.constant 0 : i32
    %lt3A_60 = arith.cmpi slt, %select_n3A_53, %lt3A_59 : i32
    %ne3A_61 = arith.xori %lt3A_58, %lt3A_60 : i1
    %and3A_62 = arith.andi %ne3A_61, %ne3A_56 : i1
    %add3A_63 = arith.addi %rem3A_54, %select_n3A_53 : i32
    %select_n3A_64 = arith.select %and3A_62, %add3A_63, %rem3A_54 : i32
    %ne3A_65 = arith.constant 0 : i32
    %ne3A_66 = arith.cmpi ne, %select_n3A_64, %ne3A_65 : i32
    %convert_element_type3A_67 = arith.extui %ne3A_66 : i1 to i32
    %cond3A_68 = arith.constant 0 : i32
    %cond3A_69 = arith.cmpi ne, %convert_element_type3A_67, %cond3A_68 : i32
    scf.if %cond3A_69 {
      %get3A_70 = arith.constant 0 : index
      %get3A_71 = arith.constant 0 : index
      %get3A_72 = arith.constant 0 : index
      %get3A_73 = vector.load %arg7[%get3A_70, %get3A_71, %get3A_72] : memref<1x1x1024xf32, #tpu.memory_space<vmem>>, vector<1x1x1024xf32>
      %max3A = arith.maximumf %get3A_73, %broadcast_in_dim3A : vector<1x1x1024xf32>
      %swap3A_74 = arith.constant 0 : index
      %swap3A_75 = arith.constant 0 : index
      %swap3A_76 = arith.constant 0 : index
      %swap3A_77 = vector.load %arg7[%swap3A_74, %swap3A_75, %swap3A_76] : memref<1x1x1024xf32, #tpu.memory_space<vmem>>, vector<1x1x1024xf32>
      tpu.vector_store %arg7[%swap3A_74, %swap3A_75, %swap3A_76], %max3A {strides = array<i32>} : memref<1x1x1024xf32, #tpu.memory_space<vmem>>, vector<1x1x1024xf32>,
    } else {
    }
    return
  }
  func.func @transform_0(%arg0: i32) -> (i32, i32) {
    %c0_i32 = arith.constant 0 : i32
    %c0_i32_0 = arith.constant 0 : i32
    return %arg0, %c0_i32 : i32, i32
  }
  func.func @transform_1(%arg0: i32) -> (i32, i32) {
    %c0_i32 = arith.constant 0 : i32
    %c0_i32_0 = arith.constant 0 : i32
    %c0_i32_1 = arith.constant 0 : i32
    return %c0_i32, %c0_i32_0 : i32, i32
  }
  func.func @transform_2(%arg0: i32) -> (i32, i32) {
    %c0_i32 = arith.constant 0 : i32
    %c0_i32_0 = arith.constant 0 : i32
    %c0_i32_1 = arith.constant 0 : i32
    return %c0_i32, %c0_i32_0 : i32, i32
  }
  func.func @transform_3(%arg0: i32) -> (i32, i32) {
    %c0_i32 = arith.constant 0 : i32
    %c0_i32_0 = arith.constant 0 : i32
    %c0_i32_1 = arith.constant 0 : i32
    return %c0_i32, %c0_i32_0 : i32, i32
  }
  func.func @transform_4(%arg0: i32) -> (i32, i32) {
    %c0_i32 = arith.constant 0 : i32
    %c0_i32_0 = arith.constant 0 : i32
    %c0_i32_1 = arith.constant 0 : i32
    return %c0_i32, %c0_i32_0 : i32, i32
  }
  func.func @transform_5(%arg0: i32) -> (i32, i32) {
    %c0_i32 = arith.constant 0 : i32
    %c0_i32_0 = arith.constant 0 : i32
    return %arg0, %c0_i32 : i32, i32
  }
  func.func @transform_6(%arg0: i32) -> (i32, i32, i32) {
    %jit3A = arith.constant 4 : i32
    %div3A = arith.divsi %arg0, %jit3A : i32
    %sign3A = arith.constant 0 : i32
    %sign3A_0 = arith.cmpi sgt, %arg0, %sign3A : i32
    %sign3A_1 = arith.extui %sign3A_0 : i1 to i32
    %sign3A_2 = arith.constant 0 : i32
    %sign3A_3 = arith.cmpi slt, %arg0, %sign3A_2 : i32
    %sign3A_4 = arith.extui %sign3A_3 : i1 to i32
    %sign3A_5 = arith.subi %sign3A_1, %sign3A_4 : i32
    %sign3A_6 = arith.constant 0 : i32
    %sign3A_7 = arith.cmpi sgt, %jit3A, %sign3A_6 : i32
    %sign3A_8 = arith.extui %sign3A_7 : i1 to i32
    %sign3A_9 = arith.constant 0 : i32
    %sign3A_10 = arith.cmpi slt, %jit3A, %sign3A_9 : i32
    %sign3A_11 = arith.extui %sign3A_10 : i1 to i32
    %sign3A_12 = arith.subi %sign3A_8, %sign3A_11 : i32
    %ne3A = arith.cmpi ne, %sign3A_5, %sign3A_12 : i32
    %rem3A = arith.remsi %arg0, %jit3A : i32
    %ne3A_13 = arith.constant 0 : i32
    %ne3A_14 = arith.cmpi ne, %rem3A, %ne3A_13 : i32
    %and3A = arith.andi %ne3A, %ne3A_14 : i1
    %sub3A = arith.constant 1 : i32
    %sub3A_15 = arith.subi %div3A, %sub3A : i32
    %select_n3A = arith.select %and3A, %sub3A_15, %div3A : i32
    %c0_i32 = arith.constant 0 : i32
    %c0_i32_16 = arith.constant 0 : i32
    %c0_i32_17 = arith.constant 0 : i32
    return %select_n3A, %c0_i32, %c0_i32_16 : i32, i32, i32
  }
}

module attributes {stable_mosaic.version = 14 : i64} {
  func.func @body(%arg0: i32, %arg1: memref<8x1024xf32, #tpu.memory_space<vmem>>, %arg2: memref<1024x512xbf16, #tpu.memory_space<vmem>>, %arg3: memref<1x512xf32, #tpu.memory_space<vmem>>, %arg4: memref<8x512xf32, #tpu.memory_space<vmem>>) attributes {dimension_semantics = [#tpu.dimension_semantics<arbitrary>], iteration_bounds = array<i64: 1>, scalar_prefetch = 0 : i64, scratch_operands = 0 : i64, tpu.core_type = #tpu.core_type<tc>, window_params = [{transform_indices = @transform_0, window_bounds = array<i64: 8, 1024>}, {pipeline_mode = #tpu.pipeline_mode<synchronous>, transform_indices = @transform_1, window_bounds = array<i64: 1024, 512>}, {pipeline_mode = #tpu.pipeline_mode<synchronous>, transform_indices = @transform_2, window_bounds = array<i64: 1, 512>}, {transform_indices = @transform_3, window_bounds = array<i64: 8, 512>}]} {
    %get3A = arith.constant 0 : index
    %get3A_0 = arith.constant 0 : index
    %get3A_1 = vector.load %arg1[%get3A, %get3A_0] : memref<8x1024xf32, #tpu.memory_space<vmem>>, vector<8x1024xf32>
    %convert_element_type3A = arith.truncf %get3A_1 : vector<8x1024xf32> to vector<8x1024xbf16>
    %get3A_2 = arith.constant 0 : index
    %get3A_3 = arith.constant 0 : index
    %get3A_4 = vector.load %arg2[%get3A_2, %get3A_3] : memref<1024x512xbf16, #tpu.memory_space<vmem>>, vector<1024x512xbf16>
    %dot_general3A = arith.constant dense<0.000000e+00> : vector<8x512xf32>
    %dot_general3A_5 = tpu.matmul %convert_element_type3A, %get3A_4, %dot_general3A {dimension_numbers = #tpu.dot_dimension_numbers<[1], [0], [0], [1], [0, 0, 1, 1], [], []>, transpose_lhs_hint = false} : vector<8x1024xbf16>, vector<1024x512xbf16>, vector<8x512xf32> -> vector<8x512xf32>
    %get3A_6 = arith.constant 0 : index
    %get3A_7 = arith.constant 0 : index
    %get3A_8 = vector.load %arg3[%get3A_6, %get3A_7] : memref<1x512xf32, #tpu.memory_space<vmem>>, vector<1x512xf32>
    %add3A = vector.broadcast %get3A_8 : vector<1x512xf32> to vector<8x512xf32>
    %add3A_9 = arith.addf %dot_general3A_5, %add3A : vector<8x512xf32>
    %swap3A = arith.constant 0 : index
    %swap3A_10 = arith.constant 0 : index
    %swap3A_11 = vector.load %arg4[%swap3A, %swap3A_10] : memref<8x512xf32, #tpu.memory_space<vmem>>, vector<8x512xf32>
    tpu.vector_store %arg4[%swap3A, %swap3A_10], %add3A_9 {strides = array<i32>} : memref<8x512xf32, #tpu.memory_space<vmem>>, vector<8x512xf32>,
    return
  }
  func.func @transform_0(%arg0: i32) -> (i32, i32) {
    %c0_i32 = arith.constant 0 : i32
    %c0_i32_0 = arith.constant 0 : i32
    return %arg0, %c0_i32 : i32, i32
  }
  func.func @transform_1(%arg0: i32) -> (i32, i32) {
    %c0_i32 = arith.constant 0 : i32
    %c0_i32_0 = arith.constant 0 : i32
    %c0_i32_1 = arith.constant 0 : i32
    return %c0_i32, %c0_i32_0 : i32, i32
  }
  func.func @transform_2(%arg0: i32) -> (i32, i32) {
    %c0_i32 = arith.constant 0 : i32
    %c0_i32_0 = arith.constant 0 : i32
    %c0_i32_1 = arith.constant 0 : i32
    return %c0_i32, %c0_i32_0 : i32, i32
  }
  func.func @transform_3(%arg0: i32) -> (i32, i32) {
    %c0_i32 = arith.constant 0 : i32
    %c0_i32_0 = arith.constant 0 : i32
    return %arg0, %c0_i32 : i32, i32
  }
}

module attributes {stable_mosaic.version = 14 : i64} {
  func.func @body(%arg0: i32, %arg1: memref<512x512xf32, #tpu.memory_space<vmem>>, %arg2: memref<512x512xbf16, #tpu.memory_space<vmem>>, %arg3: memref<1x1x512xf32, #tpu.memory_space<vmem>>, %arg4: memref<1x512xf32, #tpu.memory_space<vmem>>, %arg5: memref<512x512xf32, #tpu.memory_space<vmem>>) attributes {dimension_semantics = [#tpu.dimension_semantics<arbitrary>], iteration_bounds = array<i64: 16>, scalar_prefetch = 0 : i64, scratch_operands = 0 : i64, tpu.core_type = #tpu.core_type<tc>, window_params = [{transform_indices = @transform_0, window_bounds = array<i64: 512, 512>}, {pipeline_mode = #tpu.pipeline_mode<synchronous>, transform_indices = @transform_1, window_bounds = array<i64: 512, 512>}, {transform_indices = @transform_2, window_bounds = array<i64: 1, 1, 512>}, {pipeline_mode = #tpu.pipeline_mode<synchronous>, transform_indices = @transform_3, window_bounds = array<i64: 1, 512>}, {transform_indices = @transform_4, window_bounds = array<i64: 512, 512>}]} {
    %get3A = arith.constant 0 : index
    %get3A_0 = arith.constant 0 : index
    %get3A_1 = vector.load %arg1[%get3A, %get3A_0] : memref<512x512xf32, #tpu.memory_space<vmem>>, vector<512x512xf32>
    %convert_element_type3A = arith.truncf %get3A_1 : vector<512x512xf32> to vector<512x512xbf16>
    %get3A_2 = arith.constant 0 : index
    %get3A_3 = arith.constant 0 : index
    %get3A_4 = vector.load %arg2[%get3A_2, %get3A_3] : memref<512x512xbf16, #tpu.memory_space<vmem>>, vector<512x512xbf16>
    %dot_general3A = arith.constant dense<0.000000e+00> : vector<512x512xf32>
    %dot_general3A_5 = tpu.matmul %convert_element_type3A, %get3A_4, %dot_general3A {dimension_numbers = #tpu.dot_dimension_numbers<[1], [0], [0], [1], [0, 0, 1, 1], [], []>, transpose_lhs_hint = false} : vector<512x512xbf16>, vector<512x512xbf16>, vector<512x512xf32> -> vector<512x512xf32>
    %get3A_6 = arith.constant 0 : index
    %get3A_7 = arith.constant 0 : index
    %get3A_8 = vector.load %arg4[%get3A_6, %get3A_7] : memref<1x512xf32, #tpu.memory_space<vmem>>, vector<1x512xf32>
    %add3A = vector.broadcast %get3A_8 : vector<1x512xf32> to vector<512x512xf32>
    %add3A_9 = arith.addf %dot_general3A_5, %add3A : vector<512x512xf32>
    %get3A_10 = arith.constant 0 : index
    %get3A_11 = arith.constant 0 : index
    %get3A_12 = arith.constant 0 : index
    %get3A_13 = vector.load %arg3[%get3A_10, %get3A_11, %get3A_12] : memref<1x1x512xf32, #tpu.memory_space<vmem>>, vector<1x1x512xf32>
    %get3A_14 = vector.shape_cast %get3A_13 : vector<1x1x512xf32> to vector<1x512xf32>
    %add3A_15 = vector.broadcast %get3A_14 : vector<1x512xf32> to vector<512x512xf32>
    %add3A_16 = arith.addf %add3A_9, %add3A_15 : vector<512x512xf32>
    %swap3A = arith.constant 0 : index
    %swap3A_17 = arith.constant 0 : index
    %swap3A_18 = vector.load %arg5[%swap3A, %swap3A_17] : memref<512x512xf32, #tpu.memory_space<vmem>>, vector<512x512xf32>
    tpu.vector_store %arg5[%swap3A, %swap3A_17], %add3A_16 {strides = array<i32>} : memref<512x512xf32, #tpu.memory_space<vmem>>, vector<512x512xf32>,
    return
  }
  func.func @transform_0(%arg0: i32) -> (i32, i32) {
    %c0_i32 = arith.constant 0 : i32
    %c0_i32_0 = arith.constant 0 : i32
    return %arg0, %c0_i32 : i32, i32
  }
  func.func @transform_1(%arg0: i32) -> (i32, i32) {
    %c0_i32 = arith.constant 0 : i32
    %c0_i32_0 = arith.constant 0 : i32
    %c0_i32_1 = arith.constant 0 : i32
    return %c0_i32, %c0_i32_0 : i32, i32
  }
  func.func @transform_2(%arg0: i32) -> (i32, i32, i32) {
    %jit3A = arith.constant 4 : i32
    %div3A = arith.divsi %arg0, %jit3A : i32
    %sign3A = arith.constant 0 : i32
    %sign3A_0 = arith.cmpi sgt, %arg0, %sign3A : i32
    %sign3A_1 = arith.extui %sign3A_0 : i1 to i32
    %sign3A_2 = arith.constant 0 : i32
    %sign3A_3 = arith.cmpi slt, %arg0, %sign3A_2 : i32
    %sign3A_4 = arith.extui %sign3A_3 : i1 to i32
    %sign3A_5 = arith.subi %sign3A_1, %sign3A_4 : i32
    %sign3A_6 = arith.constant 0 : i32
    %sign3A_7 = arith.cmpi sgt, %jit3A, %sign3A_6 : i32
    %sign3A_8 = arith.extui %sign3A_7 : i1 to i32
    %sign3A_9 = arith.constant 0 : i32
    %sign3A_10 = arith.cmpi slt, %jit3A, %sign3A_9 : i32
    %sign3A_11 = arith.extui %sign3A_10 : i1 to i32
    %sign3A_12 = arith.subi %sign3A_8, %sign3A_11 : i32
    %ne3A = arith.cmpi ne, %sign3A_5, %sign3A_12 : i32
    %rem3A = arith.remsi %arg0, %jit3A : i32
    %ne3A_13 = arith.constant 0 : i32
    %ne3A_14 = arith.cmpi ne, %rem3A, %ne3A_13 : i32
    %and3A = arith.andi %ne3A, %ne3A_14 : i1
    %sub3A = arith.constant 1 : i32
    %sub3A_15 = arith.subi %div3A, %sub3A : i32
    %select_n3A = arith.select %and3A, %sub3A_15, %div3A : i32
    %c0_i32 = arith.constant 0 : i32
    %c0_i32_16 = arith.constant 0 : i32
    %c0_i32_17 = arith.constant 0 : i32
    return %select_n3A, %c0_i32, %c0_i32_16 : i32, i32, i32
  }
  func.func @transform_3(%arg0: i32) -> (i32, i32) {
    %c0_i32 = arith.constant 0 : i32
    %c0_i32_0 = arith.constant 0 : i32
    %c0_i32_1 = arith.constant 0 : i32
    return %c0_i32, %c0_i32_0 : i32, i32
  }
  func.func @transform_4(%arg0: i32) -> (i32, i32) {
    %c0_i32 = arith.constant 0 : i32
    %c0_i32_0 = arith.constant 0 : i32
    return %arg0, %c0_i32 : i32, i32
  }
}

module attributes {stable_mosaic.version = 14 : i64} {
  func.func @body(%arg0: i32, %arg1: memref<512x512xf32, #tpu.memory_space<vmem>>, %arg2: memref<1x512xf32, #tpu.memory_space<vmem>>, %arg3: memref<1x512xf32, #tpu.memory_space<vmem>>, %arg4: memref<1x512xf32, #tpu.memory_space<vmem>>, %arg5: memref<1x512xf32, #tpu.memory_space<vmem>>, %arg6: memref<512x512xf32, #tpu.memory_space<vmem>>, %arg7: memref<1x1x512xf32, #tpu.memory_space<vmem>>) attributes {dimension_semantics = [#tpu.dimension_semantics<arbitrary>], iteration_bounds = array<i64: 16>, scalar_prefetch = 0 : i64, scratch_operands = 0 : i64, tpu.core_type = #tpu.core_type<tc>, window_params = [{transform_indices = @transform_0, window_bounds = array<i64: 512, 512>}, {pipeline_mode = #tpu.pipeline_mode<synchronous>, transform_indices = @transform_1, window_bounds = array<i64: 1, 512>}, {pipeline_mode = #tpu.pipeline_mode<synchronous>, transform_indices = @transform_2, window_bounds = array<i64: 1, 512>}, {pipeline_mode = #tpu.pipeline_mode<synchronous>, transform_indices = @transform_3, window_bounds = array<i64: 1, 512>}, {pipeline_mode = #tpu.pipeline_mode<synchronous>, transform_indices = @transform_4, window_bounds = array<i64: 1, 512>}, {transform_indices = @transform_5, window_bounds = array<i64: 512, 512>}, {transform_indices = @transform_6, window_bounds = array<i64: 1, 1, 512>}]} {
    %get3A = arith.constant 0 : index
    %get3A_0 = arith.constant 0 : index
    %get3A_1 = vector.load %arg2[%get3A, %get3A_0] : memref<1x512xf32, #tpu.memory_space<vmem>>, vector<1x512xf32>
    %div3A = arith.constant 8.192000e+03 : f32
    %div3A_2 = vector.broadcast %div3A : f32 to vector<1x512xf32>
    %div3A_3 = arith.divf %get3A_1, %div3A_2 : vector<1x512xf32>
    %get3A_4 = arith.constant 0 : index
    %get3A_5 = arith.constant 0 : index
    %get3A_6 = vector.load %arg3[%get3A_4, %get3A_5] : memref<1x512xf32, #tpu.memory_space<vmem>>, vector<1x512xf32>
    %div3A_7 = arith.constant 8.192000e+03 : f32
    %div3A_8 = vector.broadcast %div3A_7 : f32 to vector<1x512xf32>
    %div3A_9 = arith.divf %get3A_6, %div3A_8 : vector<1x512xf32>
    %mul3A = arith.mulf %div3A_3, %div3A_3 : vector<1x512xf32>
    %sub3A = arith.subf %div3A_9, %mul3A : vector<1x512xf32>
    %get3A_10 = arith.constant 0 : index
    %get3A_11 = arith.constant 0 : index
    %get3A_12 = vector.load %arg4[%get3A_10, %get3A_11] : memref<1x512xf32, #tpu.memory_space<vmem>>, vector<1x512xf32>
    %add3A = arith.constant 9.99999974E-6 : f32
    %add3A_13 = vector.broadcast %add3A : f32 to vector<1x512xf32>
    %add3A_14 = arith.addf %sub3A, %add3A_13 : vector<1x512xf32>
    %sqrt3A = math.sqrt %add3A_14 : vector<1x512xf32>
    %div3A_15 = arith.divf %get3A_12, %sqrt3A : vector<1x512xf32>
    %get3A_16 = arith.constant 0 : index
    %get3A_17 = arith.constant 0 : index
    %get3A_18 = vector.load %arg5[%get3A_16, %get3A_17] : memref<1x512xf32, #tpu.memory_space<vmem>>, vector<1x512xf32>
    %mul3A_19 = arith.mulf %div3A_3, %div3A_15 : vector<1x512xf32>
    %sub3A_20 = arith.subf %get3A_18, %mul3A_19 : vector<1x512xf32>
    %get3A_21 = arith.constant 0 : index
    %get3A_22 = arith.constant 0 : index
    %get3A_23 = vector.load %arg1[%get3A_21, %get3A_22] : memref<512x512xf32, #tpu.memory_space<vmem>>, vector<512x512xf32>
    %mul3A_24 = vector.broadcast %div3A_15 : vector<1x512xf32> to vector<512x512xf32>
    %mul3A_25 = arith.mulf %get3A_23, %mul3A_24 : vector<512x512xf32>
    %add3A_26 = vector.broadcast %sub3A_20 : vector<1x512xf32> to vector<512x512xf32>
    %add3A_27 = arith.addf %mul3A_25, %add3A_26 : vector<512x512xf32>
    %gt3A = arith.constant 0.000000e+00 : f32
    %gt3A_28 = vector.broadcast %gt3A : f32 to vector<512x512xf32>
    %gt3A_29 = arith.cmpf ogt, %add3A_27, %gt3A_28 : vector<512x512xf32>
    %mul3A_30 = arith.constant 2.000000e-01 : f32
    %mul3A_31 = vector.broadcast %mul3A_30 : f32 to vector<512x512xf32>
    %mul3A_32 = arith.mulf %mul3A_31, %add3A_27 : vector<512x512xf32>
    %select_n3A = arith.select %gt3A_29, %add3A_27, %mul3A_32 : vector<512x512xi1>, vector<512x512xf32>
    %swap3A = arith.constant 0 : index
    %swap3A_33 = arith.constant 0 : index
    %swap3A_34 = vector.load %arg6[%swap3A, %swap3A_33] : memref<512x512xf32, #tpu.memory_space<vmem>>, vector<512x512xf32>
    tpu.vector_store %arg6[%swap3A, %swap3A_33], %select_n3A {strides = array<i32>} : memref<512x512xf32, #tpu.memory_space<vmem>>, vector<512x512xf32>,
    %reduce_max3A = arith.constant dense<0xFF800000> : vector<512xf32>
    %reduce_max3A_35 = vector.multi_reduction <maximumf>, %select_n3A, %reduce_max3A [0] : vector<512x512xf32> to vector<512xf32>
    %broadcast_in_dim3A = vector.shape_cast %reduce_max3A_35 : vector<512xf32> to vector<1x1x512xf32>
    %jit3A = arith.constant 4 : i32
    %eq3A = arith.constant 0 : i32
    %eq3A_36 = arith.cmpi eq, %jit3A, %eq3A : i32
    %jit3A_37 = arith.constant 1 : i32
    %select_n3A_38 = arith.select %eq3A_36, %jit3A_37, %jit3A : i32
    %rem3A = arith.remsi %arg0, %select_n3A_38 : i32
    %ne3A = arith.constant 0 : i32
    %ne3A_39 = arith.cmpi ne, %rem3A, %ne3A : i32
    %lt3A = arith.constant 0 : i32
    %lt3A_40 = arith.cmpi slt, %rem3A, %lt3A : i32
    %lt3A_41 = arith.constant 0 : i32
    %lt3A_42 = arith.cmpi slt, %select_n3A_38, %lt3A_41 : i32
    %ne3A_43 = arith.xori %lt3A_40, %lt3A_42 : i1
    %and3A = arith.andi %ne3A_43, %ne3A_39 : i1
    %add3A_44 = arith.addi %rem3A, %select_n3A_38 : i32
    %select_n3A_45 = arith.select %and3A, %add3A_44, %rem3A : i32
    %eq3A_46 = arith.constant 0 : i32
    %eq3A_47 = arith.cmpi eq, %select_n3A_45, %eq3A_46 : i32
    %convert_element_type3A = arith.extui %eq3A_47 : i1 to i32
    %cond3A = arith.constant 0 : i32
    %cond3A_48 = arith.cmpi ne, %convert_element_type3A, %cond3A : i32
    scf.if %cond3A_48 {
      %swap3A_70 = arith.constant 0 : index
      %swap3A_71 = arith.constant 0 : index
      %swap3A_72 = arith.constant 0 : index
      %swap3A_73 = vector.load %arg7[%swap3A_70, %swap3A_71, %swap3A_72] : memref<1x1x512xf32, #tpu.memory_space<vmem>>, vector<1x1x512xf32>
      tpu.vector_store %arg7[%swap3A_70, %swap3A_71, %swap3A_72], %broadcast_in_dim3A {strides = array<i32>} : memref<1x1x512xf32, #tpu.memory_space<vmem>>, vector<1x1x512xf32>,
    } else {
    }
    %jit3A_49 = arith.constant 4 : i32
    %eq3A_50 = arith.constant 0 : i32
    %eq3A_51 = arith.cmpi eq, %jit3A_49, %eq3A_50 : i32
    %jit3A_52 = arith.constant 1 : i32
    %select_n3A_53 = arith.select %eq3A_51, %jit3A_52, %jit3A_49 : i32
    %rem3A_54 = arith.remsi %arg0, %select_n3A_53 : i32
    %ne3A_55 = arith.constant 0 : i32
    %ne3A_56 = arith.cmpi ne, %rem3A_54, %ne3A_55 : i32
    %lt3A_57 = arith.constant 0 : i32
    %lt3A_58 = arith.cmpi slt, %rem3A_54, %lt3A_57 : i32
    %lt3A_59 = arith.constant 0 : i32
    %lt3A_60 = arith.cmpi slt, %select_n3A_53, %lt3A_59 : i32
    %ne3A_61 = arith.xori %lt3A_58, %lt3A_60 : i1
    %and3A_62 = arith.andi %ne3A_61, %ne3A_56 : i1
    %add3A_63 = arith.addi %rem3A_54, %select_n3A_53 : i32
    %select_n3A_64 = arith.select %and3A_62, %add3A_63, %rem3A_54 : i32
    %ne3A_65 = arith.constant 0 : i32
    %ne3A_66 = arith.cmpi ne, %select_n3A_64, %ne3A_65 : i32
    %convert_element_type3A_67 = arith.extui %ne3A_66 : i1 to i32
    %cond3A_68 = arith.constant 0 : i32
    %cond3A_69 = arith.cmpi ne, %convert_element_type3A_67, %cond3A_68 : i32
    scf.if %cond3A_69 {
      %get3A_70 = arith.constant 0 : index
      %get3A_71 = arith.constant 0 : index
      %get3A_72 = arith.constant 0 : index
      %get3A_73 = vector.load %arg7[%get3A_70, %get3A_71, %get3A_72] : memref<1x1x512xf32, #tpu.memory_space<vmem>>, vector<1x1x512xf32>
      %max3A = arith.maximumf %get3A_73, %broadcast_in_dim3A : vector<1x1x512xf32>
      %swap3A_74 = arith.constant 0 : index
      %swap3A_75 = arith.constant 0 : index
      %swap3A_76 = arith.constant 0 : index
      %swap3A_77 = vector.load %arg7[%swap3A_74, %swap3A_75, %swap3A_76] : memref<1x1x512xf32, #tpu.memory_space<vmem>>, vector<1x1x512xf32>
      tpu.vector_store %arg7[%swap3A_74, %swap3A_75, %swap3A_76], %max3A {strides = array<i32>} : memref<1x1x512xf32, #tpu.memory_space<vmem>>, vector<1x1x512xf32>,
    } else {
    }
    return
  }
  func.func @transform_0(%arg0: i32) -> (i32, i32) {
    %c0_i32 = arith.constant 0 : i32
    %c0_i32_0 = arith.constant 0 : i32
    return %arg0, %c0_i32 : i32, i32
  }
  func.func @transform_1(%arg0: i32) -> (i32, i32) {
    %c0_i32 = arith.constant 0 : i32
    %c0_i32_0 = arith.constant 0 : i32
    %c0_i32_1 = arith.constant 0 : i32
    return %c0_i32, %c0_i32_0 : i32, i32
  }
  func.func @transform_2(%arg0: i32) -> (i32, i32) {
    %c0_i32 = arith.constant 0 : i32
    %c0_i32_0 = arith.constant 0 : i32
    %c0_i32_1 = arith.constant 0 : i32
    return %c0_i32, %c0_i32_0 : i32, i32
  }
  func.func @transform_3(%arg0: i32) -> (i32, i32) {
    %c0_i32 = arith.constant 0 : i32
    %c0_i32_0 = arith.constant 0 : i32
    %c0_i32_1 = arith.constant 0 : i32
    return %c0_i32, %c0_i32_0 : i32, i32
  }
  func.func @transform_4(%arg0: i32) -> (i32, i32) {
    %c0_i32 = arith.constant 0 : i32
    %c0_i32_0 = arith.constant 0 : i32
    %c0_i32_1 = arith.constant 0 : i32
    return %c0_i32, %c0_i32_0 : i32, i32
  }
  func.func @transform_5(%arg0: i32) -> (i32, i32) {
    %c0_i32 = arith.constant 0 : i32
    %c0_i32_0 = arith.constant 0 : i32
    return %arg0, %c0_i32 : i32, i32
  }
  func.func @transform_6(%arg0: i32) -> (i32, i32, i32) {
    %jit3A = arith.constant 4 : i32
    %div3A = arith.divsi %arg0, %jit3A : i32
    %sign3A = arith.constant 0 : i32
    %sign3A_0 = arith.cmpi sgt, %arg0, %sign3A : i32
    %sign3A_1 = arith.extui %sign3A_0 : i1 to i32
    %sign3A_2 = arith.constant 0 : i32
    %sign3A_3 = arith.cmpi slt, %arg0, %sign3A_2 : i32
    %sign3A_4 = arith.extui %sign3A_3 : i1 to i32
    %sign3A_5 = arith.subi %sign3A_1, %sign3A_4 : i32
    %sign3A_6 = arith.constant 0 : i32
    %sign3A_7 = arith.cmpi sgt, %jit3A, %sign3A_6 : i32
    %sign3A_8 = arith.extui %sign3A_7 : i1 to i32
    %sign3A_9 = arith.constant 0 : i32
    %sign3A_10 = arith.cmpi slt, %jit3A, %sign3A_9 : i32
    %sign3A_11 = arith.extui %sign3A_10 : i1 to i32
    %sign3A_12 = arith.subi %sign3A_8, %sign3A_11 : i32
    %ne3A = arith.cmpi ne, %sign3A_5, %sign3A_12 : i32
    %rem3A = arith.remsi %arg0, %jit3A : i32
    %ne3A_13 = arith.constant 0 : i32
    %ne3A_14 = arith.cmpi ne, %rem3A, %ne3A_13 : i32
    %and3A = arith.andi %ne3A, %ne3A_14 : i1
    %sub3A = arith.constant 1 : i32
    %sub3A_15 = arith.subi %div3A, %sub3A : i32
    %select_n3A = arith.select %and3A, %sub3A_15, %div3A : i32
    %c0_i32 = arith.constant 0 : i32
    %c0_i32_16 = arith.constant 0 : i32
    %c0_i32_17 = arith.constant 0 : i32
    return %select_n3A, %c0_i32, %c0_i32_16 : i32, i32, i32
  }
}

module attributes {stable_mosaic.version = 14 : i64} {
  func.func @body(%arg0: i32, %arg1: memref<512x512xf32, #tpu.memory_space<vmem>>, %arg2: memref<512x256xbf16, #tpu.memory_space<vmem>>, %arg3: memref<1x256xf32, #tpu.memory_space<vmem>>, %arg4: memref<512x256xf32, #tpu.memory_space<vmem>>) attributes {dimension_semantics = [#tpu.dimension_semantics<arbitrary>], iteration_bounds = array<i64: 16>, scalar_prefetch = 0 : i64, scratch_operands = 0 : i64, tpu.core_type = #tpu.core_type<tc>, window_params = [{transform_indices = @transform_0, window_bounds = array<i64: 512, 512>}, {pipeline_mode = #tpu.pipeline_mode<synchronous>, transform_indices = @transform_1, window_bounds = array<i64: 512, 256>}, {pipeline_mode = #tpu.pipeline_mode<synchronous>, transform_indices = @transform_2, window_bounds = array<i64: 1, 256>}, {transform_indices = @transform_3, window_bounds = array<i64: 512, 256>}]} {
    %get3A = arith.constant 0 : index
    %get3A_0 = arith.constant 0 : index
    %get3A_1 = vector.load %arg1[%get3A, %get3A_0] : memref<512x512xf32, #tpu.memory_space<vmem>>, vector<512x512xf32>
    %convert_element_type3A = arith.truncf %get3A_1 : vector<512x512xf32> to vector<512x512xbf16>
    %get3A_2 = arith.constant 0 : index
    %get3A_3 = arith.constant 0 : index
    %get3A_4 = vector.load %arg2[%get3A_2, %get3A_3] : memref<512x256xbf16, #tpu.memory_space<vmem>>, vector<512x256xbf16>
    %dot_general3A = arith.constant dense<0.000000e+00> : vector<512x256xf32>
    %dot_general3A_5 = tpu.matmul %convert_element_type3A, %get3A_4, %dot_general3A {dimension_numbers = #tpu.dot_dimension_numbers<[1], [0], [0], [1], [0, 0, 1, 1], [], []>, transpose_lhs_hint = false} : vector<512x512xbf16>, vector<512x256xbf16>, vector<512x256xf32> -> vector<512x256xf32>
    %get3A_6 = arith.constant 0 : index
    %get3A_7 = arith.constant 0 : index
    %get3A_8 = vector.load %arg3[%get3A_6, %get3A_7] : memref<1x256xf32, #tpu.memory_space<vmem>>, vector<1x256xf32>
    %add3A = vector.broadcast %get3A_8 : vector<1x256xf32> to vector<512x256xf32>
    %add3A_9 = arith.addf %dot_general3A_5, %add3A : vector<512x256xf32>
    %swap3A = arith.constant 0 : index
    %swap3A_10 = arith.constant 0 : index
    %swap3A_11 = vector.load %arg4[%swap3A, %swap3A_10] : memref<512x256xf32, #tpu.memory_space<vmem>>, vector<512x256xf32>
    tpu.vector_store %arg4[%swap3A, %swap3A_10], %add3A_9 {strides = array<i32>} : memref<512x256xf32, #tpu.memory_space<vmem>>, vector<512x256xf32>,
    return
  }
  func.func @transform_0(%arg0: i32) -> (i32, i32) {
    %c0_i32 = arith.constant 0 : i32
    %c0_i32_0 = arith.constant 0 : i32
    return %arg0, %c0_i32 : i32, i32
  }
  func.func @transform_1(%arg0: i32) -> (i32, i32) {
    %c0_i32 = arith.constant 0 : i32
    %c0_i32_0 = arith.constant 0 : i32
    %c0_i32_1 = arith.constant 0 : i32
    return %c0_i32, %c0_i32_0 : i32, i32
  }
  func.func @transform_2(%arg0: i32) -> (i32, i32) {
    %c0_i32 = arith.constant 0 : i32
    %c0_i32_0 = arith.constant 0 : i32
    %c0_i32_1 = arith.constant 0 : i32
    return %c0_i32, %c0_i32_0 : i32, i32
  }
  func.func @transform_3(%arg0: i32) -> (i32, i32) {
    %c0_i32 = arith.constant 0 : i32
    %c0_i32_0 = arith.constant 0 : i32
    return %arg0, %c0_i32 : i32, i32
  }
}

module attributes {stable_mosaic.version = 14 : i64} {
  func.func @body(%arg0: i32, %arg1: memref<512x256xf32, #tpu.memory_space<vmem>>, %arg2: memref<1x256xf32, #tpu.memory_space<vmem>>, %arg3: memref<1x256xf32, #tpu.memory_space<vmem>>, %arg4: memref<1x256xf32, #tpu.memory_space<vmem>>, %arg5: memref<1x256xf32, #tpu.memory_space<vmem>>) attributes {dimension_semantics = [#tpu.dimension_semantics<arbitrary>], iteration_bounds = array<i64: 16>, scalar_prefetch = 0 : i64, scratch_operands = 2 : i64, tpu.core_type = #tpu.core_type<tc>, window_params = [{transform_indices = @transform_0, window_bounds = array<i64: 512, 256>}, {pipeline_mode = #tpu.pipeline_mode<synchronous>, transform_indices = @transform_1, window_bounds = array<i64: 1, 256>}, {pipeline_mode = #tpu.pipeline_mode<synchronous>, transform_indices = @transform_2, window_bounds = array<i64: 1, 256>}]} {
    %get3A = arith.constant 0 : index
    %get3A_0 = arith.constant 0 : index
    %get3A_1 = vector.load %arg1[%get3A, %get3A_0] : memref<512x256xf32, #tpu.memory_space<vmem>>, vector<512x256xf32>
    %reduce_sum3A = arith.constant dense<0.000000e+00> : vector<256xf32>
    %reduce_sum3A_2 = vector.multi_reduction <add>, %get3A_1, %reduce_sum3A [0] : vector<512x256xf32> to vector<256xf32>
    %broadcast_in_dim3A = vector.shape_cast %reduce_sum3A_2 : vector<256xf32> to vector<1x256xf32>
    %mul3A = arith.mulf %get3A_1, %get3A_1 : vector<512x256xf32>
    %reduce_sum3A_3 = arith.constant dense<0.000000e+00> : vector<256xf32>
    %reduce_sum3A_4 = vector.multi_reduction <add>, %mul3A, %reduce_sum3A_3 [0] : vector<512x256xf32> to vector<256xf32>
    %broadcast_in_dim3A_5 = vector.shape_cast %reduce_sum3A_4 : vector<256xf32> to vector<1x256xf32>
    %eq3A = arith.constant 0 : i32
    %eq3A_6 = arith.cmpi eq, %arg0, %eq3A : i32
    %convert_element_type3A = arith.extui %eq3A_6 : i1 to i32
    %cond3A = arith.constant 0 : i32
    %cond3A_7 = arith.cmpi ne, %convert_element_type3A, %cond3A : i32
    scf.if %cond3A_7 {
      %swap3A = arith.constant 0 : index
      %swap3A_12 = arith.constant 0 : index
      %swap3A_13 = vector.load %arg2[%swap3A, %swap3A_12] : memref<1x256xf32, #tpu.memory_space<vmem>>, vector<1x256xf32>
      tpu.vector_store %arg2[%swap3A, %swap3A_12], %broadcast_in_dim3A {strides = array<i32>} : memref<1x256xf32, #tpu.memory_space<vmem>>, vector<1x256xf32>,
      %swap3A_14 = arith.constant 0 : index
      %swap3A_15 = arith.constant 0 : index
      %swap3A_16 = vector.load %arg3[%swap3A_14, %swap3A_15] : memref<1x256xf32, #tpu.memory_space<vmem>>, vector<1x256xf32>
      tpu.vector_store %arg3[%swap3A_14, %swap3A_15], %broadcast_in_dim3A_5 {strides = array<i32>} : memref<1x256xf32, #tpu.memory_space<vmem>>, vector<1x256xf32>,
      %broadcast_in_dim3A_17 = arith.constant 0.000000e+00 : f32
      %broadcast_in_dim3A_18 = vector.broadcast %broadcast_in_dim3A_17 : f32 to vector<1x256xf32>
      %swap3A_19 = arith.constant 0 : index
      %swap3A_20 = arith.constant 0 : index
      %swap3A_21 = vector.load %arg4[%swap3A_19, %swap3A_20] : memref<1x256xf32, #tpu.memory_space<vmem>>, vector<1x256xf32>
      tpu.vector_store %arg4[%swap3A_19, %swap3A_20], %broadcast_in_dim3A_18 {strides = array<i32>} : memref<1x256xf32, #tpu.memory_space<vmem>>, vector<1x256xf32>,
      %broadcast_in_dim3A_22 = arith.constant 0.000000e+00 : f32
      %broadcast_in_dim3A_23 = vector.broadcast %broadcast_in_dim3A_22 : f32 to vector<1x256xf32>
      %swap3A_24 = arith.constant 0 : index
      %swap3A_25 = arith.constant 0 : index
      %swap3A_26 = vector.load %arg5[%swap3A_24, %swap3A_25] : memref<1x256xf32, #tpu.memory_space<vmem>>, vector<1x256xf32>
      tpu.vector_store %arg5[%swap3A_24, %swap3A_25], %broadcast_in_dim3A_23 {strides = array<i32>} : memref<1x256xf32, #tpu.memory_space<vmem>>, vector<1x256xf32>,
    } else {
    }
    %ne3A = arith.constant 0 : i32
    %ne3A_8 = arith.cmpi ne, %arg0, %ne3A : i32
    %convert_element_type3A_9 = arith.extui %ne3A_8 : i1 to i32
    %cond3A_10 = arith.constant 0 : i32
    %cond3A_11 = arith.cmpi ne, %convert_element_type3A_9, %cond3A_10 : i32
    scf.if %cond3A_11 {
      %get3A_12 = arith.constant 0 : index
      %get3A_13 = arith.constant 0 : index
      %get3A_14 = vector.load %arg4[%get3A_12, %get3A_13] : memref<1x256xf32, #tpu.memory_space<vmem>>, vector<1x256xf32>
      %add3A = arith.addf %broadcast_in_dim3A, %get3A_14 : vector<1x256xf32>
      %get3A_15 = arith.constant 0 : index
      %get3A_16 = arith.constant 0 : index
      %get3A_17 = vector.load %arg2[%get3A_15, %get3A_16] : memref<1x256xf32, #tpu.memory_space<vmem>>, vector<1x256xf32>
      %add3A_18 = arith.addf %get3A_17, %add3A : vector<1x256xf32>
      %sub3A = arith.subf %get3A_17, %add3A_18 : vector<1x256xf32>
      %add3A_19 = arith.addf %sub3A, %add3A : vector<1x256xf32>
      %swap3A = arith.constant 0 : index
      %swap3A_20 = arith.constant 0 : index
      %swap3A_21 = vector.load %arg4[%swap3A, %swap3A_20] : memref<1x256xf32, #tpu.memory_space<vmem>>, vector<1x256xf32>
      tpu.vector_store %arg4[%swap3A, %swap3A_20], %add3A_19 {strides = array<i32>} : memref<1x256xf32, #tpu.memory_space<vmem>>, vector<1x256xf32>,
      %swap3A_22 = arith.constant 0 : index
      %swap3A_23 = arith.constant 0 : index
      %swap3A_24 = vector.load %arg2[%swap3A_22, %swap3A_23] : memref<1x256xf32, #tpu.memory_space<vmem>>, vector<1x256xf32>
      tpu.vector_store %arg2[%swap3A_22, %swap3A_23], %add3A_18 {strides = array<i32>} : memref<1x256xf32, #tpu.memory_space<vmem>>, vector<1x256xf32>,
      %get3A_25 = arith.constant 0 : index
      %get3A_26 = arith.constant 0 : index
      %get3A_27 = vector.load %arg5[%get3A_25, %get3A_26] : memref<1x256xf32, #tpu.memory_space<vmem>>, vector<1x256xf32>
      %add3A_28 = arith.addf %broadcast_in_dim3A_5, %get3A_27 : vector<1x256xf32>
      %get3A_29 = arith.constant 0 : index
      %get3A_30 = arith.constant 0 : index
      %get3A_31 = vector.load %arg3[%get3A_29, %get3A_30] : memref<1x256xf32, #tpu.memory_space<vmem>>, vector<1x256xf32>
      %add3A_32 = arith.addf %get3A_31, %add3A_28 : vector<1x256xf32>
      %sub3A_33 = arith.subf %get3A_31, %add3A_32 : vector<1x256xf32>
      %add3A_34 = arith.addf %sub3A_33, %add3A_28 : vector<1x256xf32>
      %swap3A_35 = arith.constant 0 : index
      %swap3A_36 = arith.constant 0 : index
      %swap3A_37 = vector.load %arg5[%swap3A_35, %swap3A_36] : memref<1x256xf32, #tpu.memory_space<vmem>>, vector<1x256xf32>
      tpu.vector_store %arg5[%swap3A_35, %swap3A_36], %add3A_34 {strides = array<i32>} : memref<1x256xf32, #tpu.memory_space<vmem>>, vector<1x256xf32>,
      %swap3A_38 = arith.constant 0 : index
      %swap3A_39 = arith.constant 0 : index
      %swap3A_40 = vector.load %arg3[%swap3A_38, %swap3A_39] : memref<1x256xf32, #tpu.memory_space<vmem>>, vector<1x256xf32>
      tpu.vector_store %arg3[%swap3A_38, %swap3A_39], %add3A_32 {strides = array<i32>} : memref<1x256xf32, #tpu.memory_space<vmem>>, vector<1x256xf32>,
    } else {
    }
    return
  }
  func.func @transform_0(%arg0: i32) -> (i32, i32) {
    %c0_i32 = arith.constant 0 : i32
    %c0_i32_0 = arith.constant 0 : i32
    return %arg0, %c0_i32 : i32, i32
  }
  func.func @transform_1(%arg0: i32) -> (i32, i32) {
    %c0_i32 = arith.constant 0 : i32
    %c0_i32_0 = arith.constant 0 : i32
    %c0_i32_1 = arith.constant 0 : i32
    return %c0_i32, %c0_i32_0 : i32, i32
  }
  func.func @transform_2(%arg0: i32) -> (i32, i32) {
    %c0_i32 = arith.constant 0 : i32
    %c0_i32_0 = arith.constant 0 : i32
    %c0_i32_1 = arith.constant 0 : i32
    return %c0_i32, %c0_i32_0 : i32, i32
  }
}

module attributes {stable_mosaic.version = 14 : i64} {
  func.func @body(%arg0: i32, %arg1: memref<512x256xf32, #tpu.memory_space<vmem>>, %arg2: memref<1x256xf32, #tpu.memory_space<vmem>>, %arg3: memref<1x256xf32, #tpu.memory_space<vmem>>, %arg4: memref<1x256xf32, #tpu.memory_space<vmem>>, %arg5: memref<1x256xf32, #tpu.memory_space<vmem>>, %arg6: memref<512x256xf32, #tpu.memory_space<vmem>>, %arg7: memref<1x1x256xf32, #tpu.memory_space<vmem>>) attributes {dimension_semantics = [#tpu.dimension_semantics<arbitrary>], iteration_bounds = array<i64: 16>, scalar_prefetch = 0 : i64, scratch_operands = 0 : i64, tpu.core_type = #tpu.core_type<tc>, window_params = [{transform_indices = @transform_0, window_bounds = array<i64: 512, 256>}, {pipeline_mode = #tpu.pipeline_mode<synchronous>, transform_indices = @transform_1, window_bounds = array<i64: 1, 256>}, {pipeline_mode = #tpu.pipeline_mode<synchronous>, transform_indices = @transform_2, window_bounds = array<i64: 1, 256>}, {pipeline_mode = #tpu.pipeline_mode<synchronous>, transform_indices = @transform_3, window_bounds = array<i64: 1, 256>}, {pipeline_mode = #tpu.pipeline_mode<synchronous>, transform_indices = @transform_4, window_bounds = array<i64: 1, 256>}, {transform_indices = @transform_5, window_bounds = array<i64: 512, 256>}, {transform_indices = @transform_6, window_bounds = array<i64: 1, 1, 256>}]} {
    %get3A = arith.constant 0 : index
    %get3A_0 = arith.constant 0 : index
    %get3A_1 = vector.load %arg2[%get3A, %get3A_0] : memref<1x256xf32, #tpu.memory_space<vmem>>, vector<1x256xf32>
    %div3A = arith.constant 8.192000e+03 : f32
    %div3A_2 = vector.broadcast %div3A : f32 to vector<1x256xf32>
    %div3A_3 = arith.divf %get3A_1, %div3A_2 : vector<1x256xf32>
    %get3A_4 = arith.constant 0 : index
    %get3A_5 = arith.constant 0 : index
    %get3A_6 = vector.load %arg3[%get3A_4, %get3A_5] : memref<1x256xf32, #tpu.memory_space<vmem>>, vector<1x256xf32>
    %div3A_7 = arith.constant 8.192000e+03 : f32
    %div3A_8 = vector.broadcast %div3A_7 : f32 to vector<1x256xf32>
    %div3A_9 = arith.divf %get3A_6, %div3A_8 : vector<1x256xf32>
    %mul3A = arith.mulf %div3A_3, %div3A_3 : vector<1x256xf32>
    %sub3A = arith.subf %div3A_9, %mul3A : vector<1x256xf32>
    %get3A_10 = arith.constant 0 : index
    %get3A_11 = arith.constant 0 : index
    %get3A_12 = vector.load %arg4[%get3A_10, %get3A_11] : memref<1x256xf32, #tpu.memory_space<vmem>>, vector<1x256xf32>
    %add3A = arith.constant 9.99999974E-6 : f32
    %add3A_13 = vector.broadcast %add3A : f32 to vector<1x256xf32>
    %add3A_14 = arith.addf %sub3A, %add3A_13 : vector<1x256xf32>
    %sqrt3A = math.sqrt %add3A_14 : vector<1x256xf32>
    %div3A_15 = arith.divf %get3A_12, %sqrt3A : vector<1x256xf32>
    %get3A_16 = arith.constant 0 : index
    %get3A_17 = arith.constant 0 : index
    %get3A_18 = vector.load %arg5[%get3A_16, %get3A_17] : memref<1x256xf32, #tpu.memory_space<vmem>>, vector<1x256xf32>
    %mul3A_19 = arith.mulf %div3A_3, %div3A_15 : vector<1x256xf32>
    %sub3A_20 = arith.subf %get3A_18, %mul3A_19 : vector<1x256xf32>
    %get3A_21 = arith.constant 0 : index
    %get3A_22 = arith.constant 0 : index
    %get3A_23 = vector.load %arg1[%get3A_21, %get3A_22] : memref<512x256xf32, #tpu.memory_space<vmem>>, vector<512x256xf32>
    %mul3A_24 = vector.broadcast %div3A_15 : vector<1x256xf32> to vector<512x256xf32>
    %mul3A_25 = arith.mulf %get3A_23, %mul3A_24 : vector<512x256xf32>
    %add3A_26 = vector.broadcast %sub3A_20 : vector<1x256xf32> to vector<512x256xf32>
    %add3A_27 = arith.addf %mul3A_25, %add3A_26 : vector<512x256xf32>
    %gt3A = arith.constant 0.000000e+00 : f32
    %gt3A_28 = vector.broadcast %gt3A : f32 to vector<512x256xf32>
    %gt3A_29 = arith.cmpf ogt, %add3A_27, %gt3A_28 : vector<512x256xf32>
    %mul3A_30 = arith.constant 2.000000e-01 : f32
    %mul3A_31 = vector.broadcast %mul3A_30 : f32 to vector<512x256xf32>
    %mul3A_32 = arith.mulf %mul3A_31, %add3A_27 : vector<512x256xf32>
    %select_n3A = arith.select %gt3A_29, %add3A_27, %mul3A_32 : vector<512x256xi1>, vector<512x256xf32>
    %swap3A = arith.constant 0 : index
    %swap3A_33 = arith.constant 0 : index
    %swap3A_34 = vector.load %arg6[%swap3A, %swap3A_33] : memref<512x256xf32, #tpu.memory_space<vmem>>, vector<512x256xf32>
    tpu.vector_store %arg6[%swap3A, %swap3A_33], %select_n3A {strides = array<i32>} : memref<512x256xf32, #tpu.memory_space<vmem>>, vector<512x256xf32>,
    %reduce_max3A = arith.constant dense<0xFF800000> : vector<256xf32>
    %reduce_max3A_35 = vector.multi_reduction <maximumf>, %select_n3A, %reduce_max3A [0] : vector<512x256xf32> to vector<256xf32>
    %broadcast_in_dim3A = vector.shape_cast %reduce_max3A_35 : vector<256xf32> to vector<1x1x256xf32>
    %jit3A = arith.constant 4 : i32
    %eq3A = arith.constant 0 : i32
    %eq3A_36 = arith.cmpi eq, %jit3A, %eq3A : i32
    %jit3A_37 = arith.constant 1 : i32
    %select_n3A_38 = arith.select %eq3A_36, %jit3A_37, %jit3A : i32
    %rem3A = arith.remsi %arg0, %select_n3A_38 : i32
    %ne3A = arith.constant 0 : i32
    %ne3A_39 = arith.cmpi ne, %rem3A, %ne3A : i32
    %lt3A = arith.constant 0 : i32
    %lt3A_40 = arith.cmpi slt, %rem3A, %lt3A : i32
    %lt3A_41 = arith.constant 0 : i32
    %lt3A_42 = arith.cmpi slt, %select_n3A_38, %lt3A_41 : i32
    %ne3A_43 = arith.xori %lt3A_40, %lt3A_42 : i1
    %and3A = arith.andi %ne3A_43, %ne3A_39 : i1
    %add3A_44 = arith.addi %rem3A, %select_n3A_38 : i32
    %select_n3A_45 = arith.select %and3A, %add3A_44, %rem3A : i32
    %eq3A_46 = arith.constant 0 : i32
    %eq3A_47 = arith.cmpi eq, %select_n3A_45, %eq3A_46 : i32
    %convert_element_type3A = arith.extui %eq3A_47 : i1 to i32
    %cond3A = arith.constant 0 : i32
    %cond3A_48 = arith.cmpi ne, %convert_element_type3A, %cond3A : i32
    scf.if %cond3A_48 {
      %swap3A_70 = arith.constant 0 : index
      %swap3A_71 = arith.constant 0 : index
      %swap3A_72 = arith.constant 0 : index
      %swap3A_73 = vector.load %arg7[%swap3A_70, %swap3A_71, %swap3A_72] : memref<1x1x256xf32, #tpu.memory_space<vmem>>, vector<1x1x256xf32>
      tpu.vector_store %arg7[%swap3A_70, %swap3A_71, %swap3A_72], %broadcast_in_dim3A {strides = array<i32>} : memref<1x1x256xf32, #tpu.memory_space<vmem>>, vector<1x1x256xf32>,
    } else {
    }
    %jit3A_49 = arith.constant 4 : i32
    %eq3A_50 = arith.constant 0 : i32
    %eq3A_51 = arith.cmpi eq, %jit3A_49, %eq3A_50 : i32
    %jit3A_52 = arith.constant 1 : i32
    %select_n3A_53 = arith.select %eq3A_51, %jit3A_52, %jit3A_49 : i32
    %rem3A_54 = arith.remsi %arg0, %select_n3A_53 : i32
    %ne3A_55 = arith.constant 0 : i32
    %ne3A_56 = arith.cmpi ne, %rem3A_54, %ne3A_55 : i32
    %lt3A_57 = arith.constant 0 : i32
    %lt3A_58 = arith.cmpi slt, %rem3A_54, %lt3A_57 : i32
    %lt3A_59 = arith.constant 0 : i32
    %lt3A_60 = arith.cmpi slt, %select_n3A_53, %lt3A_59 : i32
    %ne3A_61 = arith.xori %lt3A_58, %lt3A_60 : i1
    %and3A_62 = arith.andi %ne3A_61, %ne3A_56 : i1
    %add3A_63 = arith.addi %rem3A_54, %select_n3A_53 : i32
    %select_n3A_64 = arith.select %and3A_62, %add3A_63, %rem3A_54 : i32
    %ne3A_65 = arith.constant 0 : i32
    %ne3A_66 = arith.cmpi ne, %select_n3A_64, %ne3A_65 : i32
    %convert_element_type3A_67 = arith.extui %ne3A_66 : i1 to i32
    %cond3A_68 = arith.constant 0 : i32
    %cond3A_69 = arith.cmpi ne, %convert_element_type3A_67, %cond3A_68 : i32
    scf.if %cond3A_69 {
      %get3A_70 = arith.constant 0 : index
      %get3A_71 = arith.constant 0 : index
      %get3A_72 = arith.constant 0 : index
      %get3A_73 = vector.load %arg7[%get3A_70, %get3A_71, %get3A_72] : memref<1x1x256xf32, #tpu.memory_space<vmem>>, vector<1x1x256xf32>
      %max3A = arith.maximumf %get3A_73, %broadcast_in_dim3A : vector<1x1x256xf32>
      %swap3A_74 = arith.constant 0 : index
      %swap3A_75 = arith.constant 0 : index
      %swap3A_76 = arith.constant 0 : index
      %swap3A_77 = vector.load %arg7[%swap3A_74, %swap3A_75, %swap3A_76] : memref<1x1x256xf32, #tpu.memory_space<vmem>>, vector<1x1x256xf32>
      tpu.vector_store %arg7[%swap3A_74, %swap3A_75, %swap3A_76], %max3A {strides = array<i32>} : memref<1x1x256xf32, #tpu.memory_space<vmem>>, vector<1x1x256xf32>,
    } else {
    }
    return
  }
  func.func @transform_0(%arg0: i32) -> (i32, i32) {
    %c0_i32 = arith.constant 0 : i32
    %c0_i32_0 = arith.constant 0 : i32
    return %arg0, %c0_i32 : i32, i32
  }
  func.func @transform_1(%arg0: i32) -> (i32, i32) {
    %c0_i32 = arith.constant 0 : i32
    %c0_i32_0 = arith.constant 0 : i32
    %c0_i32_1 = arith.constant 0 : i32
    return %c0_i32, %c0_i32_0 : i32, i32
  }
  func.func @transform_2(%arg0: i32) -> (i32, i32) {
    %c0_i32 = arith.constant 0 : i32
    %c0_i32_0 = arith.constant 0 : i32
    %c0_i32_1 = arith.constant 0 : i32
    return %c0_i32, %c0_i32_0 : i32, i32
  }
  func.func @transform_3(%arg0: i32) -> (i32, i32) {
    %c0_i32 = arith.constant 0 : i32
    %c0_i32_0 = arith.constant 0 : i32
    %c0_i32_1 = arith.constant 0 : i32
    return %c0_i32, %c0_i32_0 : i32, i32
  }
  func.func @transform_4(%arg0: i32) -> (i32, i32) {
    %c0_i32 = arith.constant 0 : i32
    %c0_i32_0 = arith.constant 0 : i32
    %c0_i32_1 = arith.constant 0 : i32
    return %c0_i32, %c0_i32_0 : i32, i32
  }
  func.func @transform_5(%arg0: i32) -> (i32, i32) {
    %c0_i32 = arith.constant 0 : i32
    %c0_i32_0 = arith.constant 0 : i32
    return %arg0, %c0_i32 : i32, i32
  }
  func.func @transform_6(%arg0: i32) -> (i32, i32, i32) {
    %jit3A = arith.constant 4 : i32
    %div3A = arith.divsi %arg0, %jit3A : i32
    %sign3A = arith.constant 0 : i32
    %sign3A_0 = arith.cmpi sgt, %arg0, %sign3A : i32
    %sign3A_1 = arith.extui %sign3A_0 : i1 to i32
    %sign3A_2 = arith.constant 0 : i32
    %sign3A_3 = arith.cmpi slt, %arg0, %sign3A_2 : i32
    %sign3A_4 = arith.extui %sign3A_3 : i1 to i32
    %sign3A_5 = arith.subi %sign3A_1, %sign3A_4 : i32
    %sign3A_6 = arith.constant 0 : i32
    %sign3A_7 = arith.cmpi sgt, %jit3A, %sign3A_6 : i32
    %sign3A_8 = arith.extui %sign3A_7 : i1 to i32
    %sign3A_9 = arith.constant 0 : i32
    %sign3A_10 = arith.cmpi slt, %jit3A, %sign3A_9 : i32
    %sign3A_11 = arith.extui %sign3A_10 : i1 to i32
    %sign3A_12 = arith.subi %sign3A_8, %sign3A_11 : i32
    %ne3A = arith.cmpi ne, %sign3A_5, %sign3A_12 : i32
    %rem3A = arith.remsi %arg0, %jit3A : i32
    %ne3A_13 = arith.constant 0 : i32
    %ne3A_14 = arith.cmpi ne, %rem3A, %ne3A_13 : i32
    %and3A = arith.andi %ne3A, %ne3A_14 : i1
    %sub3A = arith.constant 1 : i32
    %sub3A_15 = arith.subi %div3A, %sub3A : i32
    %select_n3A = arith.select %and3A, %sub3A_15, %div3A : i32
    %c0_i32 = arith.constant 0 : i32
    %c0_i32_16 = arith.constant 0 : i32
    %c0_i32_17 = arith.constant 0 : i32
    return %select_n3A, %c0_i32, %c0_i32_16 : i32, i32, i32
  }
}

module attributes {stable_mosaic.version = 14 : i64} {
  func.func @body(%arg0: i32, %arg1: memref<512x256xf32, #tpu.memory_space<vmem>>, %arg2: memref<256x128xbf16, #tpu.memory_space<vmem>>, %arg3: memref<1x128xf32, #tpu.memory_space<vmem>>, %arg4: memref<512x128xf32, #tpu.memory_space<vmem>>) attributes {dimension_semantics = [#tpu.dimension_semantics<arbitrary>], iteration_bounds = array<i64: 16>, scalar_prefetch = 0 : i64, scratch_operands = 0 : i64, tpu.core_type = #tpu.core_type<tc>, window_params = [{transform_indices = @transform_0, window_bounds = array<i64: 512, 256>}, {pipeline_mode = #tpu.pipeline_mode<synchronous>, transform_indices = @transform_1, window_bounds = array<i64: 256, 128>}, {pipeline_mode = #tpu.pipeline_mode<synchronous>, transform_indices = @transform_2, window_bounds = array<i64: 1, 128>}, {transform_indices = @transform_3, window_bounds = array<i64: 512, 128>}]} {
    %get3A = arith.constant 0 : index
    %get3A_0 = arith.constant 0 : index
    %get3A_1 = vector.load %arg1[%get3A, %get3A_0] : memref<512x256xf32, #tpu.memory_space<vmem>>, vector<512x256xf32>
    %convert_element_type3A = arith.truncf %get3A_1 : vector<512x256xf32> to vector<512x256xbf16>
    %get3A_2 = arith.constant 0 : index
    %get3A_3 = arith.constant 0 : index
    %get3A_4 = vector.load %arg2[%get3A_2, %get3A_3] : memref<256x128xbf16, #tpu.memory_space<vmem>>, vector<256x128xbf16>
    %dot_general3A = arith.constant dense<0.000000e+00> : vector<512x128xf32>
    %dot_general3A_5 = tpu.matmul %convert_element_type3A, %get3A_4, %dot_general3A {dimension_numbers = #tpu.dot_dimension_numbers<[1], [0], [0], [1], [0, 0, 1, 1], [], []>, transpose_lhs_hint = false} : vector<512x256xbf16>, vector<256x128xbf16>, vector<512x128xf32> -> vector<512x128xf32>
    %get3A_6 = arith.constant 0 : index
    %get3A_7 = arith.constant 0 : index
    %get3A_8 = vector.load %arg3[%get3A_6, %get3A_7] : memref<1x128xf32, #tpu.memory_space<vmem>>, vector<1x128xf32>
    %add3A = vector.broadcast %get3A_8 : vector<1x128xf32> to vector<512x128xf32>
    %add3A_9 = arith.addf %dot_general3A_5, %add3A : vector<512x128xf32>
    %swap3A = arith.constant 0 : index
    %swap3A_10 = arith.constant 0 : index
    %swap3A_11 = vector.load %arg4[%swap3A, %swap3A_10] : memref<512x128xf32, #tpu.memory_space<vmem>>, vector<512x128xf32>
    tpu.vector_store %arg4[%swap3A, %swap3A_10], %add3A_9 {strides = array<i32>} : memref<512x128xf32, #tpu.memory_space<vmem>>, vector<512x128xf32>,
    return
  }
  func.func @transform_0(%arg0: i32) -> (i32, i32) {
    %c0_i32 = arith.constant 0 : i32
    %c0_i32_0 = arith.constant 0 : i32
    return %arg0, %c0_i32 : i32, i32
  }
  func.func @transform_1(%arg0: i32) -> (i32, i32) {
    %c0_i32 = arith.constant 0 : i32
    %c0_i32_0 = arith.constant 0 : i32
    %c0_i32_1 = arith.constant 0 : i32
    return %c0_i32, %c0_i32_0 : i32, i32
  }
  func.func @transform_2(%arg0: i32) -> (i32, i32) {
    %c0_i32 = arith.constant 0 : i32
    %c0_i32_0 = arith.constant 0 : i32
    %c0_i32_1 = arith.constant 0 : i32
    return %c0_i32, %c0_i32_0 : i32, i32
  }
  func.func @transform_3(%arg0: i32) -> (i32, i32) {
    %c0_i32 = arith.constant 0 : i32
    %c0_i32_0 = arith.constant 0 : i32
    return %arg0, %c0_i32 : i32, i32
  }
}

</mosaic_0001>

<sc_bundles>
// kernel: gather_offload_async_start.1
scs
__scs_entry_jumppad:
0x0: {  	(pc) =	sbr.rel $0x88, $3  }
0x1: {  	(tag) =	ssettag $0x0;
	lr =	simm.s32 $0x1  }
0x2: {  	[smem:$0x3F87] =	sst lr;
	_ =	strace $0xD0000000  }
0x3: {  	_ = 	snop  }
0x4: {  	_ = 	snop  }
0x5: {  	_ = 	snop  }
0x6: {  	_ = 	snop  }
0x7: {  	_ = 	snop  }
__scs_overlays_trampoline_lowered:
0x8: {  	[smem:$0x3F96] =	sst s0  }
0x9: {  	[smem:$0x3F97] =	sst s1  }
0xa: {  	[smem:$0x3F98] =	sst s2  }
0xb: {  	[smem:$0x3F99] =	sst s3  }
0xc: {  	[smem:$0x3F9A] =	sst s4  }
0xd: {  	[smem:$0x3F9B] =	sst s5  }
0xe: {  	[smem:$0x3F9C] =	sst s6  }
0xf: {  	[smem:$0x3F9D] =	sst s7  }
0x10: {  	[smem:$0x3F9E] =	sst s8  }
0x11: {  	[smem:$0x3F9F] =	sst s9;
	s0 =	simm.s32 @!p0 $0x0  }
0x12: {  	s1 =	sld [smem:$0x3F85];
	s0 =	simm.s32 @p0 $0x1  }
0x13: {  	[smem:$0x3FA0] =	sst s0;
	s0 =	simm.s32 @!p1 $0x0  }
0x14: {  	s2 =	sld [smem:$0x3F84];
	s0 =	simm.s32 @p1 $0x1  }
0x15: {  	[smem:$0x3FA1] =	sst s0;
	s0 =	simm.s32 @!p2 $0x0  }
0x16: {  	s3 =	sld [smem:$0x3FDB];
	s0 =	simm.s32 @p2 $0x1  }
0x17: {  	s4 =	simm.s32 $0x1BF5;
	[smem:$0x3FA3] =	sst s0  }
0x18: {  	s0 =	sld [smem:$0x3F86];
	_ =	swait.ge [sflag:s4], $0x0  }
0x19: {  	s7 =	sld [smem:$0x3F87]  }
0x1a: {  	s8 =	sadd.s32 $0xFFFFE003, lr  }
0x1b: {  	s9 =	sadd.s32 $0xFFFFFEF7, lr;
	s5 =	simm.s32 $0xFFFFFFFF;
	p2 =	slt.u32 s8, $0xFFFFF086  }
0x1c: {  	p1 =	slt.u32 s9, $0xF7A;
	s5 =	simm.s32 @!p2 $0x0  }
0x1d: {  	s5 =	simm.s32 @p1 $0x1;
	p0 =	seq.s32 s7, s2  }
0x1e: {  	s7 =	smul.u32 @!p0 $0xF7A, s2;
	p2 =	seq.s32 @!p0 s5, $0x0  }
0x1f: {  	s9 =	smul.u32 $0xF7A, s1;
	s8 =	simm.s32 @!p0 $0x1BF5;
	p2 =	por !p2, p0  }
0x20: {  	[sflag:s8] =	ssyncset.s32 @!p0 $0xFFFFF086;
	s6 =	sadd.s32 @!p0 s3, s7;
	s7 =	simm.s32 @!p0 $0x108  }
0x21: {  	s3 =	sadd.s32 s3, s9;
	s6 =	sadd.s32 @!p0 $0x88, s6;
	s7 =	simm.s32 @p2 $0x1082  }
0x22: {  	[simem:s7], [sflag:s8] =	dma.local @!p0 [hbm:s6], $0xF7A  }
0x23: {  	s9 =	sor.u32 $0xD0000000, s2;
	s6 =	simm.s32 $0x108;
	_ =	swait.ge @!p0 [sflag:s8], $0x0  }
0x24: {  	s3 =	sadd.s32 $0x88, s3;
	s6 =	simm.s32 @!p1 $0x1082;
	[sflag:s4] =	ssyncset.s32 $0xFFFFF086  }
0x25: {  	[simem:s6], [sflag:s4] =	dma.local [hbm:s3], $0xF7A  }
0x26: {  	[smem:$0x3F87] =	sst s1;
	(tag) =	ssettag s2;
	_ =	strace s9  }
0x27: {  	s1 =	sld [smem:$0x3F97]  }
0x28: {  	s2 =	sld [smem:$0x3F98]  }
0x29: {  	s4 =	sld [smem:$0x3F9A]  }
0x2a: {  	p0 =	seq.s32 s5, $0x0;
	s5 =	sld [smem:$0x3F9B]  }
0x2b: {  	s6 =	sld [smem:$0x3F9C]  }
0x2c: {  	s7 =	sld [smem:$0x3F9D]  }
0x2d: {  	s3 =	simm.s32 $0x108;
	s8 =	sld [smem:$0x3F9E]  }
0x2e: {  	s3 =	simm.s32 @!p0 $0x1082;
	s9 =	sld [smem:$0x3F9F]  }
0x2f: {  	lr =	sadd.s32 s0, s3;
	s0 =	sld [smem:$0x3F96]  }
0x30: {  	s3 =	sld [smem:$0x3F99]  }
0x31: {  	[smem:$0x3FA2] =	sst s10  }
0x32: {  	s10 =	sld [smem:$0x3FA0];
	_ =	sdelay $0x3  }
0x33: {  	p0 =	seq.s32 s10, $0x1;
	s10 =	sld [smem:$0x3FA2];
	_ =	sdelay $0x3  }
0x34: {  	[smem:$0x3FA2] =	sst s10  }
0x35: {  	s10 =	sld [smem:$0x3FA1];
	_ =	sdelay $0x3  }
0x36: {  	p1 =	seq.s32 s10, $0x1;
	s10 =	sld [smem:$0x3FA2];
	_ =	sdelay $0x3  }
0x37: {  	[smem:$0x3FA2] =	sst s10  }
0x38: {  	s10 =	sld [smem:$0x3FA3]  }
0x39: {  	_ = 	snop;
	(pc) =	sbr.ind lr, $3  }
0x3a: {  	_ = 	snop  }
0x3b: {  	_ = 	snop  }
0x3c: {  	p2 =	seq.s32 s10, $0x1;
	s10 =	sld [smem:$0x3FA2]  }
0x3d: {  	_ =	shalt  }
0x3e: {  	_ =	shalt  }
0x3f: {  	_ =	shalt  }
0x40: {  	_ =	shalt  }
0x41: {  	_ =	shalt  }
0x42: {  	_ =	shalt  }
0x43: {  	_ =	shalt  }
0x44: {  	_ =	shalt  }
0x45: {  	_ =	shalt  }
0x46: {  	_ =	shalt  }
0x47: {  	_ =	shalt  }
0x48: {  	_ =	shalt  }
0x49: {  	_ =	shalt  }
0x4a: {  	_ =	shalt  }
0x4b: {  	_ =	shalt  }
0x4c: {  	_ =	shalt  }
0x4d: {  	_ =	shalt  }
0x4e: {  	_ =	shalt  }
0x4f: {  	_ =	shalt  }
0x50: {  	_ =	shalt  }
0x51: {  	_ =	shalt  }
0x52: {  	_ =	shalt  }
0x53: {  	_ =	shalt  }
0x54: {  	_ =	shalt  }
0x55: {  	_ =	shalt  }
0x56: {  	_ =	shalt  }
0x57: {  	_ =	shalt  }
0x58: {  	_ =	shalt  }
0x59: {  	_ =	shalt  }
0x5a: {  	_ =	shalt  }
0x5b: {  	_ =	shalt  }
0x5c: {  	_ =	shalt  }
0x5d: {  	_ =	shalt  }
0x5e: {  	_ =	shalt  }
0x5f: {  	_ =	shalt  }
0x60: {  	_ =	shalt  }
0x61: {  	_ =	shalt  }
0x62: {  	_ =	shalt  }
0x63: {  	_ =	shalt  }
0x64: {  	_ =	shalt  }
0x65: {  	_ =	shalt  }
0x66: {  	_ =	shalt  }
0x67: {  	_ =	shalt  }
0x68: {  	_ =	shalt  }
0x69: {  	_ =	shalt  }
0x6a: {  	_ =	shalt  }
0x6b: {  	_ =	shalt  }
0x6c: {  	_ =	shalt  }
0x6d: {  	_ =	shalt  }
0x6e: {  	_ =	shalt  }
0x6f: {  	_ =	shalt  }
0x70: {  	_ =	shalt  }
0x71: {  	_ =	shalt  }
0x72: {  	_ =	shalt  }
0x73: {  	_ =	shalt  }
0x74: {  	_ =	shalt  }
0x75: {  	_ =	shalt  }
0x76: {  	_ =	shalt  }
0x77: {  	_ =	shalt  }
0x78: {  	_ =	shalt  }
0x79: {  	_ =	shalt  }
0x7a: {  	_ =	shalt  }
0x7b: {  	_ =	shalt  }
0x7c: {  	_ =	shalt  }
0x7d: {  	_ =	shalt  }
0x7e: {  	_ =	shalt  }
0x7f: {  	_ =	shalt  }
0x80: {  	_ =	shalt  }
0x81: {  	_ =	shalt  }
0x82: {  	_ =	shalt  }
0x83: {  	_ =	shalt  }
0x84: {  	_ =	shalt  }
0x85: {  	_ =	shalt  }
0x86: {  	_ =	shalt  }
0x87: {  	_ =	shalt  }
.Lfunc_end0:
.L_simem_size_0:
called_computation.2_lowered:
.L_overlay_start_0:
0x88: {  	s2 =	sld [smem:$0x3FD9]  }
0x89: {  	s3 =	sld [smem:$0x3FFE];
	_ =	sdelay $0x1  }
0x8a: {  	s1 =	srdreg.scid  }
0x8b: {  	s0 =	sand.u32 $0x1, s1  }
0x8c: {  	s16 =	sshll.u32 s0, $0xA;
	s2 =	sadd.s32 s3, s2  }
0x8d: {  	s2 =	sadd.s32 s2, s16  }
0x8e: {  	[smem:$0x3FAE] =	sst s2  }
0x8f: {  	_ = 	snop  }
0x90: {  	(tm) =	ssettm $0x1  }
0x91: {  	s17 =	sld [smem:$0x3FFB];
	_ =	sdelay $0x3  }
0x92: {  	_ =	strace s17  }
0x93: {  	s2 =	sld [smem:$0x3FFC];
	_ =	sdelay $0x3  }
0x94: {  	_ =	strace s2  }
0x95: {  	s2 =	sld [smem:$0x3FFD];
	_ =	sdelay $0x3  }
0x96: {  	_ =	strace s2  }
0x97: {  	_ =	strace $0x8FFFFFFF  }
0x98: {  	s18 =	sld [smem:$0x3FDB];
	_ =	sdelay $0x1  }
0x99: {  	s19 =	simm.s32 $_scs_section_size  }
0x9a: {  	s4 =	simm.s32 $_size__tile_overlayer_lowered;
	s5 =	simm.s32 $_tile_overlayer_lowered  }
0x9b: {  	s22 =	simm.s32 $0x1BFF;
	s21 =	sshll.u32 s5, $0x1;
	s2 =	sadd.s32 s19, s18  }
0x9c: {  	s6 =	simm.s32 $0x0;
	s20 =	sshll.u32 s4, $0x1;
	s4 =	sadd.s32 s21, s2  }
0x9d: {  	[timem:s6], [sflag:s22] =	dma.local [hbm:s4], s20  }
0x9e: {  	_ =	swait.ge [sflag:s22], s20  }
0x9f: {  	s3 =	ssub.s32 $0x0, s20;
	[sflag:s22] =	ssyncset.done $0x0  }
0xa0: {  	[sflag:s22] =	ssyncadd.s32 s3;
	_ =	sdelay $0x1  }
0xa1: {  	s23 =	simm.s32 $0x1B8B  }
0xa2: {  	_ =	swait.ge [sflag:s23], $0x1  }
0xa3: {  	[sflag:s23] =	ssyncset.done $0x0  }
0xa4: {  	s25 =	simm.s32 $0x1B8E;
	s24 =	sld [smem:$0x3FFE];
	[sflag:s23] =	ssyncadd.s32 $0xFFFFFFFF  }
0xa5: {  	s26 =	simm.s32 $execute0_lowered;
	[smem:$0x3FD2] =	sst s25  }
0xa6: {  	s4 =	sshll.u32 s26, $0x1;
	_ =	strace $0x80000049;
	[dreg:$0x1] =	wrdreg $0xFFFFFFFF  }
0xa7: {  	s28 =	simm.s32 $_size_execute0_lowered;
	s2 =	sadd.s32 s2, s4;
	[dreg:$0x0] =	wrdreg $0x0  }
0xa8: {  	s4 =	sshll.u32 s28, $0x1;
	[dreg:$0x2] =	wrdreg s2  }
0xa9: {  	[dreg:$0x3] =	wrdreg s4  }
0xaa: {  	[dreg:$0x4] =	wrdreg $0xC0  }
0xab: {  	_ =	task [dreg:s6], $0x5FFFF  }
0xac: {  	[dreg:$0x1] =	wrdreg $0xFFFFFFFF  }
0xad: {  	[dreg:$0x0] =	wrdreg $0x60  }
0xae: {  	[dreg:$0x2] =	wrdreg s24  }
0xaf: {  	[dreg:$0x3] =	wrdreg $0x9  }
0xb0: {  	_ =	task.clear_ibuf [dreg:s6], $0x4FFFF;
	_ =	strace $0x90000049  }
0xb1: {  	s29 =	simm.s32 $0x9;
	_ =	strace $0x8000004B  }
0xb2: {  	_ =	swait.ge [sflag:s29], $0x1  }
0xb3: {  	[sflag:s29] =	ssyncadd.s32 $0xFFFFFFFF  }
0xb4: {  	_ =	strace $0x9000004B  }
0xb5: {  	_ =	sfence  }
0xb6: {  	s30 =	sld [smem:$0x0];
	_ =	sdelay $0x2  }
0xb7: {  	s31 =	sshll.u32 s1, $0xD;
	s1 =	sshrl.u32 s1, $0x2  }
0xb8: {  	s3 =	sand.u32 $0x4000, s31;
	s1 =	sadd.s32 s1, s30  }
0xb9: {  	s0 =	sor.u32 s3, s0;
	s1 =	sshll.u32 s1, $0x11  }
0xba: {  	s0 =	sor.u32 s1, s0  }
0xbb: {  	s0 =	sadd.s32 $0x8F2B, s0  }
0xbc: {  	[sflag:s0] =	ssyncadd.remote.s32 $0x1  }
0xbd: {  	_ =	sfence.sel $0xFFFF  }
0xbe: {  	[dreg:$0x0] =	wrdreg $0xFFFFFFFF;
	(pc) =	sbr.abs _section_cstart, $3  }
0xbf: {  	[dreg:$0x1] =	wrdreg $0xFFFFFFFF  }
0xc0: {  	_ =	task.clear_ibuf [dreg:s6], $0x2FFFF;
	_ =	strace $0x9FFFFFFF  }
0xc1: {  	(tm) =	ssettm $0x7FFFFFFF  }
tec
execute0_lowered:
.L_overlay_start_1:
0x0: {  	(tag) =	ssettag $0x1  }
0x1: {  	s0 =	srdreg.scid;
	s5 =	rddreg [dreg:$0x0]  }
0x2: {  	s1 =	stileid.u32;
	s6 =	simm.s32 $0x1;
	s9 =	simm.s32 $0x1  }
0x3: {  	s10 =	simm.s32 $0x3;
	s13 =	simm.s32 $0x0;
	s2 =	sshll.u32 s0, $0xC  }
0x4: {  	s12 =	simm.s32 $0x0;
	s3 =	sshll.u32 s1, $0xD;
	s2 =	sand.u32 $0x1000, s2  }
0x5: {  	s0 =	rddreg [dreg:$0x1];
	_ =	strace $0x8000004A;
	s2 =	sor.u32 s3, s2  }
0x6: {  	s4 =	sadd.s32 $0x54000, s5;
	[sflag:s6] =	ssyncpa.u1 $0x0;
	s8 =	ssub.s32 $0x28000, s2  }
.Ltmp0:
0x7: {  	s3 =	sadd.s32 $0x30000, s5;
	s7 =	sand.u32 $0x1F000, s8;
	(pc) =	sbr.rel .LBB2_1-.Ltmp0, $4  }
0x8: {  	s5 =	sadd.s32 $0x59000, s5;
	s11 =	smov.u32 s2;
	p0 =	sne.s32 s7, $0x0  }
0x9: {  	s8 =	sshrl.u32 s8, $0x11;
	s7 =	simm.s32 $0x2;
	s9 =	simm.s32 @!p0 $0x0  }
0xa: {  	[sflag:s7] =	ssyncpa.u1 $0x0;
	p0 =	por $0x0, $0x0;
	s8 =	sadd.s32 s9, s8  }
0xb: {  	vm0 =	vmmov $0xffff;
	[sflag:s10] =	ssyncpa.u1 $0x0;
	s10 =	simm.s32 $0x0;
	s9 =	sadd.s32 $0x1, s8  }
.LBB2_4:
0xc: {  	v3 =	vshrl.u32 v0, $0xD;
	v62 =	vshll.u32 v0, $0x12;
	v2 =	vand.u32 $0x3FF80, v2  }
0xd: {  	v3 =	vand.u32 $0x1F, v3;
	v0 =	vand.u32 $0xC0000, v62;
	v2 =	vsel vm1, $0xFFFFFF80, v2  }
0xe: {  	v3 =	vsel vm1, $0xFFFFFFFF, v3;
	v0 =	vsel vm1, $0xFFFC0000, v0;
	v4 =	vand.u32 $0xFFFFFC00, v2  }
0xf: {  	v0 =	vadd.s32 v0, v4;
	v63 =	vand.u32 $0xFFFFFC00, v3  }
0x10: {  	v2 =	vand.u32 $0x380, v2;
	v0 =	vadd.s32 v63, v0  }
0x11: {  	v3 =	vand.u32 $0x7F, v3;
	v0 =	vor.u32 v2, v0  }
0x12: {  	v0 =	vor.u32 v3, v0;
	_ =	sdelay $0x1  }
0x13: {  	(ifvalue) =	ssetifvalue $0x7FFFFFFF;
	s15 =	sadd.s32 $0x10, s15  }
0x14: {  	[tilespmem:s15], [sflag:$0x1] =	stream.indirect_vreg.gather [hbm4b:s3+s10], $0x1, v1, vm0, $0x4038;
	[tilespmem:$0x4000] =	vst v63  }
0x15: {  	(ifvalue) =	ssetifvalue $0x7FFFFFFF;
	s15 =	sadd.s32 $0x10, s15  }
0x16: {  	[tilespmem:s15], [sflag:$0x1] =	stream.indirect_vreg.gather [hbm4b:s3+s10], $0x1, v0, vm0, $0x4038;
	[tilespmem:$0x4000] =	vst v63  }
0x17: {  	_ =	swait.ge [sflag:s6], $0x1000  }
0x18: {  	s30 =	sshrl.u32 s13, $0x3;
	[sflag:s6] =	ssyncset.done $0x0  }
0x19: {  	s31 =	sand.u32 $0x7, s13;
	s15 =	sadd.s32 s5, s30;
	[sflag:s6] =	ssyncadd.s32 $0xFFFFF000  }
0x1a: {  	[hbm4b:s15+s31] =	stream.linear.scatter [tilespmem:s14], [sflag:$0x3], $0x1000, $0x38;
	[tilespmem:$0x4000] =	vst v63  }
.LBB2_5:
0x1b: {  	s15 =	sadd.s32 $0x20000, s11  }
0x1c: {  	p2 =	sgt.s32 s15, $0x27FFF  }
0x1d: {  	s15 =	smov.u32 @p2 s2;
	p2 =	sne.s32 s12, s9  }
.Ltmp1:
0x1e: {  	p1 =	slt.u32 s12, $0x2;
	(pc) =	sbr.rel @!p2 .LBB2_6-.Ltmp1, $4  }
0x1f: {  	s14 =	simm.s32 @!p1 $0x3  }
0x20: {  	s16 =	sadd.s32 $0x1, s12;
	_ =	swait.ge @!p1 [sflag:s14], $0x1000  }
0x21: {  	s13 =	smov.u32 s11;
	p0 =	por !p0, !p0;
	[sflag:s14] =	ssyncset.done @!p1 $0x0  }
0x22: {  	s12 =	smov.u32 s16;
	s11 =	smov.u32 s15;
	[sflag:s14] =	ssyncadd.s32 @!p1 $0xFFFFF000  }
.LBB2_1:
0x23: {  	p1 =	sge.u32 s12, s8  }
0x24: {  	s14 =	sxor.u32 @!p1 $0xFFFFFFFF, s12  }
0x25: {  	s31 =	sadd.s32 $0xFFFFFFFF, s12;
	s15 =	sshrl.u32 @!p1 s11, $0x3;
	s14 =	sshll.u32 @!p1 s14, $0xC  }
0x26: {  	s16 =	sand.u32 @!p1 $0x7, s11;
	s15 =	sadd.s32 @!p1 s4, s15;
	s14 =	sand.u32 @!p1 $0x1000, s14  }
0x27: {  	[tilespmem:s14], [sflag:$0x2] =	stream.linear.gather @!p1 [hbm4b:s15+s16], $0x1000, $0x38;
	[tilespmem:$0x4000] =	vst v63  }
0x28: {  	p1 =	sge.u32 s31, s8  }
.Ltmp2:
0x29: {  	_ = 	snop;
	(pc) =	sbr.rel @p1 .LBB2_5-.Ltmp2, $1  }
0x2a: {  	_ =	sdelay $0x3  }
0x2b: {  	s14 =	simm.s32 $0x1  }
0x2c: {  	_ =	swait.ge [sflag:s7], $0x1000;
	s14 =	simm.s32 @!p0 $0x0  }
0x2d: {  	[sflag:s7] =	ssyncset.done $0x0;
	s14 =	sshll.u32 s14, $0xC  }
0x2e: {  	[sflag:s7] =	ssyncadd.s32 $0xFFFFF000;
	(ifvalue) =	ssetifvalue $0x7FFFFFFF;
	v0 =	vld.msk [tilespmem:s14+$0x0 ss:$0x1], $0xffff;
	_ =	sdelay $0x2  }
0x2f: {  	s15 =	sadd.s32 $0x10, s14  }
0x30: {  	v3 =	vld.msk [tilespmem:s15+$0x0 ss:$0x1], $0xffff  }
0x31: {  	vm1 =	veq.s32 v0, $0x80000000;
	v1 =	vshll.u32 v0, $0x5  }
0x32: {  	v2 =	vshrl.u32 v0, $0xD;
	v0 =	vshll.u32 v0, $0x12;
	v1 =	vand.u32 $0x3FF80, v1  }
0x33: {  	v2 =	vand.u32 $0x1F, v2;
	v0 =	vand.u32 $0xC0000, v0;
	v1 =	vsel vm1, $0xFFFFFF80, v1  }
0x34: {  	v2 =	vsel vm1, $0xFFFFFFFF, v2;
	v0 =	vsel vm1, $0xFFFC0000, v0;
	v4 =	vand.u32 $0xFFFFFC00, v1  }
0x35: {  	v62 =	vshrl.u32 v3, $0xD;
	v61 =	vand.u32 $0xFFFFFC00, v2;
	v0 =	vadd.s32 v0, v4  }
0x36: {  	vm1 =	veq.s32 v3, $0x80000000;
	v1 =	vand.u32 $0x380, v1;
	v0 =	vadd.s32 v61, v0  }
0x37: {  	v2 =	vand.u32 $0x7F, v2;
	v0 =	vor.u32 v1, v0;
	v1 =	vshll.u32 v3, $0x5  }
0x38: {  	s17 =	sadd.s32 $0x10, s15;
	v4 =	vand.u32 $0x1F, v62;
	v3 =	vshll.u32 v3, $0x12;
	v1 =	vand.u32 $0x3FF80, v1  }
0x39: {  	v2 =	vor.u32 v2, v0;
	v0 =	vld.msk [tilespmem:s17+$0x0 ss:$0x1], $0xffff;
	v3 =	vand.u32 $0xC0000, v3;
	v1 =	vsel vm1, $0xFFFFFF80, v1  }
0x3a: {  	v4 =	vsel vm1, $0xFFFFFFFF, v4;
	v3 =	vsel vm1, $0xFFFC0000, v3;
	v5 =	vand.u32 $0xFFFFFC00, v1  }
0x3b: {  	s31 =	sshll.u32 s12, $0xC;
	v63 =	vand.u32 $0xFFFFFC00, v4;
	v3 =	vadd.s32 v3, v5  }
0x3c: {  	s16 =	simm.s32 $0x20;
	s15 =	sor.u32 $0x2000, s14;
	s14 =	sand.u32 $0x1000, s31;
	v1 =	vand.u32 $0x380, v1;
	v3 =	vadd.s32 v63, v3  }
0x3d: {  	s14 =	sor.u32 $0x2000, s14;
	v4 =	vand.u32 $0x7F, v4;
	(ifvalue) =	ssetifvalue $0x7FFFFFFF;
	s17 =	sadd.s32 $0x10, s17;
	v1 =	vor.u32 v1, v3  }
0x3e: {  	[tilespmem:s15], [sflag:$0x1] =	stream.indirect_vreg.gather [hbm4b:s3+s10], $0x1, v2, vm0, $0x4038;
	vm1 =	veq.s32 v0, $0x80000000;
	v2 =	vshll.u32 v0, $0x5;
	v1 =	vor.u32 v4, v1;
	[tilespmem:$0x4000] =	vst v63  }
.LBB2_3:
0x3f: {  	s16 =	sadd.s32 $0x10, s16;
	v3 =	vshrl.u32 v0, $0xD;
	v4 =	vshll.u32 v0, $0x12;
	v0 =	vld.msk [tilespmem:s17+$0x0 ss:$0x1], $0xffff;
	v2 =	vand.u32 $0x3FF80, v2  }
0x40: {  	p1 =	slt.u32 s16, $0xFF0;
	v3 =	vand.u32 $0x1F, v3;
	v4 =	vand.u32 $0xC0000, v4;
	v2 =	vsel vm1, $0xFFFFFF80, v2  }
.Ltmp3:
0x41: {  	v3 =	vsel vm1, $0xFFFFFFFF, v3;
	v4 =	vsel vm1, $0xFFFC0000, v4;
	v5 =	vand.u32 $0xFFFFFC00, v2;
	(pc) =	sbr.rel @p1 .LBB2_3-.Ltmp3, $4  }
0x42: {  	s15 =	sadd.s32 $0x10, s15;
	v4 =	vadd.s32 v4, v5;
	v5 =	vand.u32 $0xFFFFFC00, v3;
	(ifvalue) =	ssetifvalue $0x7FFFFFFF  }
0x43: {  	v2 =	vand.u32 $0x380, v2;
	v4 =	vadd.s32 v5, v4;
	[tilespmem:s15], [sflag:$0x1] =	stream.indirect_vreg.gather [hbm4b:s3+s10], $0x1, v1, vm0, $0x4038;
	[tilespmem:$0x4000] =	vst v63  }
0x44: {  	v1 =	vand.u32 $0x7F, v3;
	v3 =	vor.u32 v2, v4  }
0x45: {  	s17 =	sadd.s32 $0x10, s17;
	vm1 =	veq.s32 v0, $0x80000000;
	v2 =	vshll.u32 v0, $0x5;
	v1 =	vor.u32 v1, v3  }
.Ltmp4:
0x46: {  	_ = 	snop;
	(pc) =	sbr.rel .LBB2_4-.Ltmp4, $1  }
0x47: {  	_ =	sdelay $0x3  }
.LBB2_6:
0x48: {  	_ =	sfence.sel $0x180000  }
0x49: {  	s2 =	simm.s32 $0x2;
	[bflag:$0x0] =	sbarrier.arrive $0xFFFF  }
0x4a: {  	s30 =	simm.s32 $0x3;
	[sflag:s2] =	ssyncpa.u1 $0x1  }
0x4b: {  	s31 =	simm.s32 $0x1;
	[sflag:s30] =	ssyncpa.u1 $0x1  }
0x4c: {  	[sflag:s31] =	ssyncpa.u1 $0x1  }
0x4d: {  	p0 =	sne.s32 s1, $0x0;
	_ =	strace $0x9000004A  }
0x4e: {  	s0 =	sadd.s32 @!p0 $0x100000, s0;
	[bflag:$0x2] =	sbarrier.arrive $0xFFFF  }
0x4f: {  	[sflag:s0] =	ssyncadd.tile.s32 @!p0 $0x1;
	_ =	shalt  }
.Lfunc_end2:
_tile_overlayer_lowered:
.L_overlay_start_2:
0x50: {  	(tag) =	ssettag $0x2  }
0x51: {  	s0 =	rddreg [dreg:$0x0];
	s2 =	stileid.u32  }
0x52: {  	s1 =	rddreg [dreg:$0x1];
	p0 =	sne.s32 s2, $0x0  }
0x53: {  	s3 =	rddreg [dreg:$0x2];
	[bflag:$0x3] =	sbarrier.arrive $0xFFFF;
	s2 =	simm.s32 @!p0 $0x1C01  }
0x54: {  	[timem:s3], [sflag:s2] =	dma.local @!p0 [hbm:s0], s1  }
0x55: {  	s0 =	simm.s32 @!p0 $0x1  }
0x56: {  	_ =	swait.ge @!p0 [sflag:s0], s1  }
0x57: {  	s1 =	ssub.s32 @!p0 $0x0, s1;
	[sflag:s0] =	ssyncset.done @!p0 $0x0  }
0x58: {  	[sflag:s0] =	ssyncadd.s32 @!p0 s1  }
0x59: {  	[bflag:$0x3] =	sbarrier.arrive $0xFFFF  }
0x5a: {  	_ =	shalt  }

// kernel: gather_offload_async_start.2
scs
__scs_entry_jumppad:
0x0: {  	(pc) =	sbr.rel $0x88, $3  }
0x1: {  	(tag) =	ssettag $0x0;
	lr =	simm.s32 $0x1  }
0x2: {  	[smem:$0x3F87] =	sst lr;
	_ =	strace $0xD0000000  }
0x3: {  	_ = 	snop  }
0x4: {  	_ = 	snop  }
0x5: {  	_ = 	snop  }
0x6: {  	_ = 	snop  }
0x7: {  	_ = 	snop  }
__scs_overlays_trampoline_lowered:
0x8: {  	[smem:$0x3F96] =	sst s0  }
0x9: {  	[smem:$0x3F97] =	sst s1  }
0xa: {  	[smem:$0x3F98] =	sst s2  }
0xb: {  	[smem:$0x3F99] =	sst s3  }
0xc: {  	[smem:$0x3F9A] =	sst s4  }
0xd: {  	[smem:$0x3F9B] =	sst s5  }
0xe: {  	[smem:$0x3F9C] =	sst s6  }
0xf: {  	[smem:$0x3F9D] =	sst s7  }
0x10: {  	[smem:$0x3F9E] =	sst s8  }
0x11: {  	[smem:$0x3F9F] =	sst s9;
	s0 =	simm.s32 @!p0 $0x0  }
0x12: {  	s1 =	sld [smem:$0x3F85];
	s0 =	simm.s32 @p0 $0x1  }
0x13: {  	[smem:$0x3FA0] =	sst s0;
	s0 =	simm.s32 @!p1 $0x0  }
0x14: {  	s2 =	sld [smem:$0x3F84];
	s0 =	simm.s32 @p1 $0x1  }
0x15: {  	[smem:$0x3FA1] =	sst s0;
	s0 =	simm.s32 @!p2 $0x0  }
0x16: {  	s3 =	sld [smem:$0x3FDB];
	s0 =	simm.s32 @p2 $0x1  }
0x17: {  	s4 =	simm.s32 $0x1BF5;
	[smem:$0x3FA3] =	sst s0  }
0x18: {  	s0 =	sld [smem:$0x3F86];
	_ =	swait.ge [sflag:s4], $0x0  }
0x19: {  	s7 =	sld [smem:$0x3F87]  }
0x1a: {  	s8 =	sadd.s32 $0xFFFFE003, lr  }
0x1b: {  	s9 =	sadd.s32 $0xFFFFFEF7, lr;
	s5 =	simm.s32 $0xFFFFFFFF;
	p2 =	slt.u32 s8, $0xFFFFF086  }
0x1c: {  	p1 =	slt.u32 s9, $0xF7A;
	s5 =	simm.s32 @!p2 $0x0  }
0x1d: {  	s5 =	simm.s32 @p1 $0x1;
	p0 =	seq.s32 s7, s2  }
0x1e: {  	s7 =	smul.u32 @!p0 $0xF7A, s2;
	p2 =	seq.s32 @!p0 s5, $0x0  }
0x1f: {  	s9 =	smul.u32 $0xF7A, s1;
	s8 =	simm.s32 @!p0 $0x1BF5;
	p2 =	por !p2, p0  }
0x20: {  	[sflag:s8] =	ssyncset.s32 @!p0 $0xFFFFF086;
	s6 =	sadd.s32 @!p0 s3, s7;
	s7 =	simm.s32 @!p0 $0x108  }
0x21: {  	s3 =	sadd.s32 s3, s9;
	s6 =	sadd.s32 @!p0 $0x88, s6;
	s7 =	simm.s32 @p2 $0x1082  }
0x22: {  	[simem:s7], [sflag:s8] =	dma.local @!p0 [hbm:s6], $0xF7A  }
0x23: {  	s9 =	sor.u32 $0xD0000000, s2;
	s6 =	simm.s32 $0x108;
	_ =	swait.ge @!p0 [sflag:s8], $0x0  }
0x24: {  	s3 =	sadd.s32 $0x88, s3;
	s6 =	simm.s32 @!p1 $0x1082;
	[sflag:s4] =	ssyncset.s32 $0xFFFFF086  }
0x25: {  	[simem:s6], [sflag:s4] =	dma.local [hbm:s3], $0xF7A  }
0x26: {  	[smem:$0x3F87] =	sst s1;
	(tag) =	ssettag s2;
	_ =	strace s9  }
0x27: {  	s1 =	sld [smem:$0x3F97]  }
0x28: {  	s2 =	sld [smem:$0x3F98]  }
0x29: {  	s4 =	sld [smem:$0x3F9A]  }
0x2a: {  	p0 =	seq.s32 s5, $0x0;
	s5 =	sld [smem:$0x3F9B]  }
0x2b: {  	s6 =	sld [smem:$0x3F9C]  }
0x2c: {  	s7 =	sld [smem:$0x3F9D]  }
0x2d: {  	s3 =	simm.s32 $0x108;
	s8 =	sld [smem:$0x3F9E]  }
0x2e: {  	s3 =	simm.s32 @!p0 $0x1082;
	s9 =	sld [smem:$0x3F9F]  }
0x2f: {  	lr =	sadd.s32 s0, s3;
	s0 =	sld [smem:$0x3F96]  }
0x30: {  	s3 =	sld [smem:$0x3F99]  }
0x31: {  	[smem:$0x3FA2] =	sst s10  }
0x32: {  	s10 =	sld [smem:$0x3FA0];
	_ =	sdelay $0x3  }
0x33: {  	p0 =	seq.s32 s10, $0x1;
	s10 =	sld [smem:$0x3FA2];
	_ =	sdelay $0x3  }
0x34: {  	[smem:$0x3FA2] =	sst s10  }
0x35: {  	s10 =	sld [smem:$0x3FA1];
	_ =	sdelay $0x3  }
0x36: {  	p1 =	seq.s32 s10, $0x1;
	s10 =	sld [smem:$0x3FA2];
	_ =	sdelay $0x3  }
0x37: {  	[smem:$0x3FA2] =	sst s10  }
0x38: {  	s10 =	sld [smem:$0x3FA3]  }
0x39: {  	_ = 	snop;
	(pc) =	sbr.ind lr, $3  }
0x3a: {  	_ = 	snop  }
0x3b: {  	_ = 	snop  }
0x3c: {  	p2 =	seq.s32 s10, $0x1;
	s10 =	sld [smem:$0x3FA2]  }
0x3d: {  	_ =	shalt  }
0x3e: {  	_ =	shalt  }
0x3f: {  	_ =	shalt  }
0x40: {  	_ =	shalt  }
0x41: {  	_ =	shalt  }
0x42: {  	_ =	shalt  }
0x43: {  	_ =	shalt  }
0x44: {  	_ =	shalt  }
0x45: {  	_ =	shalt  }
0x46: {  	_ =	shalt  }
0x47: {  	_ =	shalt  }
0x48: {  	_ =	shalt  }
0x49: {  	_ =	shalt  }
0x4a: {  	_ =	shalt  }
0x4b: {  	_ =	shalt  }
0x4c: {  	_ =	shalt  }
0x4d: {  	_ =	shalt  }
0x4e: {  	_ =	shalt  }
0x4f: {  	_ =	shalt  }
0x50: {  	_ =	shalt  }
0x51: {  	_ =	shalt  }
0x52: {  	_ =	shalt  }
0x53: {  	_ =	shalt  }
0x54: {  	_ =	shalt  }
0x55: {  	_ =	shalt  }
0x56: {  	_ =	shalt  }
0x57: {  	_ =	shalt  }
0x58: {  	_ =	shalt  }
0x59: {  	_ =	shalt  }
0x5a: {  	_ =	shalt  }
0x5b: {  	_ =	shalt  }
0x5c: {  	_ =	shalt  }
0x5d: {  	_ =	shalt  }
0x5e: {  	_ =	shalt  }
0x5f: {  	_ =	shalt  }
0x60: {  	_ =	shalt  }
0x61: {  	_ =	shalt  }
0x62: {  	_ =	shalt  }
0x63: {  	_ =	shalt  }
0x64: {  	_ =	shalt  }
0x65: {  	_ =	shalt  }
0x66: {  	_ =	shalt  }
0x67: {  	_ =	shalt  }
0x68: {  	_ =	shalt  }
0x69: {  	_ =	shalt  }
0x6a: {  	_ =	shalt  }
0x6b: {  	_ =	shalt  }
0x6c: {  	_ =	shalt  }
0x6d: {  	_ =	shalt  }
0x6e: {  	_ =	shalt  }
0x6f: {  	_ =	shalt  }
0x70: {  	_ =	shalt  }
0x71: {  	_ =	shalt  }
0x72: {  	_ =	shalt  }
0x73: {  	_ =	shalt  }
0x74: {  	_ =	shalt  }
0x75: {  	_ =	shalt  }
0x76: {  	_ =	shalt  }
0x77: {  	_ =	shalt  }
0x78: {  	_ =	shalt  }
0x79: {  	_ =	shalt  }
0x7a: {  	_ =	shalt  }
0x7b: {  	_ =	shalt  }
0x7c: {  	_ =	shalt  }
0x7d: {  	_ =	shalt  }
0x7e: {  	_ =	shalt  }
0x7f: {  	_ =	shalt  }
0x80: {  	_ =	shalt  }
0x81: {  	_ =	shalt  }
0x82: {  	_ =	shalt  }
0x83: {  	_ =	shalt  }
0x84: {  	_ =	shalt  }
0x85: {  	_ =	shalt  }
0x86: {  	_ =	shalt  }
0x87: {  	_ =	shalt  }
.Lfunc_end0:
.L_simem_size_0:
called_computation.3_lowered:
.L_overlay_start_0:
0x88: {  	s2 =	sld [smem:$0x3FD9]  }
0x89: {  	s3 =	sld [smem:$0x3FFE];
	_ =	sdelay $0x1  }
0x8a: {  	s1 =	srdreg.scid  }
0x8b: {  	s0 =	sand.u32 $0x1, s1  }
0x8c: {  	s14 =	sshll.u32 s0, $0xA;
	s2 =	sadd.s32 s3, s2  }
0x8d: {  	s2 =	sadd.s32 s2, s14  }
0x8e: {  	[smem:$0x3FAE] =	sst s2  }
0x8f: {  	_ = 	snop  }
0x90: {  	s2 =	sld [smem:$0x3FD0];
	_ =	sdelay $0x2  }
0x91: {  	s15 =	simm.s32 $0xA;
	s4 =	simm.s32 $0x10  }
0x92: {  	[smem:s4], [sflag:s15] =	dma.local [hbm:s2], $0x1  }
0x93: {  	_ =	swait.eq [sflag:s15], $0x1  }
0x94: {  	[sflag:s15] =	ssyncset.done $0x0  }
0x95: {  	[sflag:s15] =	ssyncadd.s32 $0xFFFFFFFF  }
0x96: {  	s16 =	sld [smem:$0x10];
	(tm) =	ssettm $0x1  }
0x97: {  	s17 =	sld [smem:$0x3FFB];
	_ =	sdelay $0x3  }
0x98: {  	_ =	strace s17  }
0x99: {  	s3 =	sld [smem:$0x3FFC];
	_ =	sdelay $0x3  }
0x9a: {  	_ =	strace s3  }
0x9b: {  	s3 =	sld [smem:$0x3FFD];
	_ =	sdelay $0x3  }
0x9c: {  	_ =	strace s3  }
0x9d: {  	_ =	strace $0x8FFFFFFF  }
0x9e: {  	s18 =	sld [smem:$0x3FDB];
	_ =	sdelay $0x1  }
0x9f: {  	s19 =	simm.s32 $_scs_section_size  }
0xa0: {  	s5 =	simm.s32 $_size__tile_overlayer_lowered;
	s6 =	simm.s32 $_tile_overlayer_lowered  }
0xa1: {  	s22 =	simm.s32 $0x1BFF;
	s21 =	sshll.u32 s6, $0x1;
	s3 =	sadd.s32 s19, s18  }
0xa2: {  	s7 =	simm.s32 $0x0;
	s20 =	sshll.u32 s5, $0x1;
	s5 =	sadd.s32 s21, s3  }
0xa3: {  	[timem:s7], [sflag:s22] =	dma.local [hbm:s5], s20  }
0xa4: {  	_ =	swait.ge [sflag:s22], s20  }
0xa5: {  	s4 =	ssub.s32 $0x0, s20;
	[sflag:s22] =	ssyncset.done $0x0  }
0xa6: {  	[sflag:s22] =	ssyncadd.s32 s4;
	_ =	sdelay $0x1  }
0xa7: {  	s23 =	simm.s32 $0x1B8B  }
0xa8: {  	_ =	swait.ge [sflag:s23], $0x1  }
0xa9: {  	[sflag:s23] =	ssyncset.done $0x0  }
0xaa: {  	s25 =	simm.s32 $0x1B8E;
	s24 =	sld [smem:$0x3FFE];
	[sflag:s23] =	ssyncadd.s32 $0xFFFFFFFF  }
0xab: {  	s26 =	simm.s32 $execute0_lowered;
	[smem:$0x3FD2] =	sst s25  }
0xac: {  	s5 =	sshll.u32 s26, $0x1;
	_ =	strace $0x8000004F;
	[dreg:$0x1] =	wrdreg $0xFFFFFFFF  }
0xad: {  	s28 =	simm.s32 $_size_execute0_lowered;
	s3 =	sadd.s32 s3, s5;
	[dreg:$0x0] =	wrdreg $0x0  }
0xae: {  	s5 =	sshll.u32 s28, $0x1;
	[dreg:$0x2] =	wrdreg s3  }
0xaf: {  	[dreg:$0x3] =	wrdreg s5  }
0xb0: {  	[dreg:$0x4] =	wrdreg $0xC0  }
0xb1: {  	_ =	task [dreg:s7], $0x5FFFF  }
0xb2: {  	[dreg:$0x1] =	wrdreg $0xFFFFFFFF  }
0xb3: {  	[dreg:$0x0] =	wrdreg $0x60  }
0xb4: {  	[dreg:$0x2] =	wrdreg s24  }
0xb5: {  	[dreg:$0x3] =	wrdreg s16  }
0xb6: {  	[dreg:$0x4] =	wrdreg $0x9  }
0xb7: {  	_ =	task.clear_ibuf [dreg:s7], $0x5FFFF;
	_ =	strace $0x9000004F  }
0xb8: {  	s29 =	simm.s32 $0x9;
	_ =	strace $0x80000051  }
0xb9: {  	_ =	swait.ge [sflag:s29], $0x1  }
0xba: {  	[sflag:s29] =	ssyncadd.s32 $0xFFFFFFFF  }
0xbb: {  	_ =	strace $0x90000051  }
0xbc: {  	_ =	sfence  }
0xbd: {  	s30 =	sld [smem:$0x0];
	_ =	sdelay $0x2  }
0xbe: {  	s31 =	sshll.u32 s1, $0xD;
	s1 =	sshrl.u32 s1, $0x2  }
0xbf: {  	s3 =	sand.u32 $0x4000, s31;
	s1 =	sadd.s32 s1, s30  }
0xc0: {  	s0 =	sor.u32 s3, s0;
	s1 =	sshll.u32 s1, $0x11  }
0xc1: {  	s0 =	sor.u32 s1, s0  }
0xc2: {  	s0 =	sadd.s32 $0x8F2B, s0  }
0xc3: {  	[sflag:s0] =	ssyncadd.remote.s32 $0x1  }
0xc4: {  	_ =	sfence.sel $0xFFFF  }
0xc5: {  	[dreg:$0x0] =	wrdreg $0xFFFFFFFF;
	(pc) =	sbr.abs _section_cstart, $3  }
0xc6: {  	[dreg:$0x1] =	wrdreg $0xFFFFFFFF  }
0xc7: {  	_ =	task.clear_ibuf [dreg:s7], $0x2FFFF;
	_ =	strace $0x9FFFFFFF  }
0xc8: {  	(tm) =	ssettm $0x7FFFFFFF  }
0xc9: {  	_ =	shalt  }
tec
execute0_lowered:
.L_overlay_start_1:
0x0: {  	(tag) =	ssettag $0x1  }
0x1: {  	s4 =	rddreg [dreg:$0x0]  }
0x2: {  	s8 =	rddreg [dreg:$0x1]  }
0x3: {  	s0 =	rddreg [dreg:$0x2]  }
0x4: {  	s1 =	stileid.u32;
	s2 =	srdreg.scid;
	_ =	strace $0x80000050  }
0x5: {  	s3 =	simm.s32 $0x1;
	s10 =	simm.s32 $0x1;
	s30 =	simm.s32 $0x3  }
0x6: {  	s12 =	simm.s32 $0x0;
	s5 =	sand.u32 $0x1, s2;
	s6 =	sshll.u32 s1, $0x1  }
0x7: {  	s11 =	simm.s32 $0x0;
	s2 =	sadd.s32 $0x440000, s4;
	s7 =	sor.u32 s6, s5  }
0x8: {  	s4 =	sadd.s32 $0x40000, s4;
	[sflag:s3] =	ssyncpa.u1 $0x0;
	s5 =	smul.u32 $0x1800, s7  }
0x9: {  	s6 =	simm.s32 $0x2;
	p0 =	seq.s32 s7, $0x0;
	s7 =	simm.s32 $0x30000  }
.Ltmp0:
0xa: {  	s7 =	simm.s32 @!p0 $0x0;
	s9 =	ssub.s32 $0x30000, s5;
	(pc) =	sbr.rel .LBB2_1-.Ltmp0, $4  }
0xb: {  	s10 =	simm.s32 @!p0 $0x0;
	p0 =	sne.s32 s9, s7;
	s7 =	simm.s32 $0x1  }
0xc: {  	[sflag:s6] =	ssyncpa.u1 $0x0;
	s31 =	sshrl.u32 s5, $0x3;
	s7 =	simm.s32 @!p0 $0x0  }
0xd: {  	[sflag:s30] =	ssyncpa.u1 $0x0;
	s8 =	sadd.s32 s8, s31;
	s7 =	sadd.s32 s10, s7  }
0xe: {  	vm0 =	vmmov $0xffff;
	p0 =	por $0x0, $0x0;
	s10 =	simm.s32 $0x0;
	s9 =	sadd.s32 $0x1, s7  }
.LBB2_4:
0xf: {  	_ =	sdelay $0x2  }
0x10: {  	s14 =	sadd.s32 s18, s13  }
0x11: {  	[tilespmem:s14], [sflag:$0x1] =	stream.indirect_vreg.gather [hbm4b:s2+s10], $0x1, v0, vm0, $0x4038;
	[tilespmem:$0x1B000] =	vst v63  }
0x12: {  	_ =	swait.ge [sflag:s3], $0xC000  }
0x13: {  	[sflag:s3] =	ssyncset.done $0x0  }
0x14: {  	s12 =	sadd.s32 s4, s12;
	[sflag:s3] =	ssyncadd.s32 $0xFFFF4000  }
0x15: {  	[hbm:s12] =	stream.linear.scatter [tilespmem:s13], [sflag:$0x3], $0xC000, $0x38;
	[tilespmem:$0x1B000] =	vst v63  }
.LBB2_5:
0x16: {  	p2 =	sne.s32 s11, s9  }
.Ltmp1:
0x17: {  	p1 =	slt.u32 s11, $0x2;
	(pc) =	sbr.rel @!p2 .LBB2_6-.Ltmp1, $4  }
0x18: {  	s12 =	simm.s32 @!p1 $0x3  }
0x19: {  	_ =	swait.ge @!p1 [sflag:s12], $0xC000  }
0x1a: {  	s13 =	sadd.s32 $0x1, s11;
	p0 =	por !p0, !p0;
	[sflag:s12] =	ssyncset.done @!p1 $0x0  }
0x1b: {  	s11 =	smov.u32 s13;
	[sflag:s12] =	ssyncadd.s32 @!p1 $0xFFFF4000;
	s12 =	smov.u32 s5  }
.LBB2_1:
0x1c: {  	p1 =	sge.u32 s11, s7  }
0x1d: {  	s13 =	sxor.u32 @!p1 $0x1, s11  }
0x1e: {  	s13 =	smul.u32 @!p1 $0x6000, s13;
	_ =	sdelay $0x1  }
0x1f: {  	s31 =	sadd.s32 $0xFFFFFFFF, s11;
	s14 =	simm.s32 @!p1 $0x0;
	s13 =	sshra.s32 @!p1 s13, $0x2  }
0x20: {  	[tilespmem:s13], [sflag:$0x2] =	stream.linear.gather @!p1 [hbm4b:s8+s14], $0x1800, $0x38;
	[tilespmem:$0x1B000] =	vst v63  }
0x21: {  	p1 =	sge.u32 s31, s7  }
.Ltmp2:
0x22: {  	_ = 	snop;
	(pc) =	sbr.rel @p1 .LBB2_5-.Ltmp2, $1  }
0x23: {  	_ =	sdelay $0x3  }
0x24: {  	s13 =	simm.s32 $0x1  }
0x25: {  	s13 =	simm.s32 @!p0 $0x0  }
0x26: {  	_ =	swait.ge [sflag:s6], $0x1800;
	s13 =	smul.u32 $0x6000, s13  }
0x27: {  	[sflag:s6] =	ssyncset.done $0x0  }
0x28: {  	[sflag:s6] =	ssyncadd.s32 $0xFFFFE800;
	s16 =	sshrl.u32 s13, $0x2  }
0x29: {  	v0 =	vld.msk [tilespmem:s16+$0x0 ss:$0x1], $0xffff;
	_ =	sdelay $0x4  }
0x2a: {  	v1 =	vshrl.u32 v0, $0xD;
	v2 =	vshll.u32 v0, $0x16  }
0x2b: {  	v3 =	vshll.u32 v0, $0x9;
	vm1 =	veq.s32 v0, $0x80000000;
	v0 =	vand.u32 $0xFF, v1  }
0x2c: {  	v1 =	vand.u32 $0xC00000, v2;
	v2 =	vand.u32 $0x3FF800, v3;
	v0 =	vsel vm1, $0xFFFFFFFF, v0  }
0x2d: {  	v1 =	vor.u32 v2, v1;
	v2 =	vshll.u32 v0, $0x3  }
0x2e: {  	s25 =	sand.u32 $0x1, s11;
	v1 =	vsel vm1, $0xFFBFF800, v1;
	v2 =	vand.u32 $0xFFFFFC00, v2  }
0x2f: {  	s13 =	smul.u32 $0x30000, s25;
	v0 =	vand.u32 $0x7F, v0;
	v1 =	vadd.s32 v1, v2  }
0x30: {  	v0 =	vor.u32 v0, v1  }
0x31: {  	s14 =	simm.s32 $0x0;
	s13 =	sshrl.u32 s13, $0x2  }
0x32: {  	s15 =	sand.u32 $0xFC00, s14;
	s13 =	sor.u32 $0x3000, s13  }
0x33: {  	s17 =	sand.u32 $0x70, s14;
	(ifvalue) =	ssetifvalue $0x7FFFFFFF;
	s15 =	sadd.s32 s15, s13;
	v1 =	vor.u32 $0x80, v0  }
0x34: {  	(ifvalue) =	ssetifvalue $0x7FFFFFFF;
	s15 =	sadd.s32 s17, s15  }
0x35: {  	[tilespmem:s15], [sflag:$0x1] =	stream.indirect_vreg.gather [hbm4b:s2+s10], $0x1, v0, vm0, $0x4038;
	[tilespmem:$0x1B000] =	vst v63  }
0x36: {  	v2 =	vor.u32 $0x100, v0;
	(ifvalue) =	ssetifvalue $0x7FFFFFFF  }
0x37: {  	s17 =	sadd.s32 $0x80, s15;
	(ifvalue) =	ssetifvalue $0x7FFFFFFF  }
0x38: {  	[tilespmem:s17], [sflag:$0x1] =	stream.indirect_vreg.gather [hbm4b:s2+s10], $0x1, v1, vm0, $0x4038;
	[tilespmem:$0x1B000] =	vst v63  }
0x39: {  	v1 =	vor.u32 $0x180, v0;
	(ifvalue) =	ssetifvalue $0x7FFFFFFF  }
0x3a: {  	s26 =	sadd.s32 $0x100, s15;
	(ifvalue) =	ssetifvalue $0x7FFFFFFF  }
0x3b: {  	[tilespmem:s26], [sflag:$0x1] =	stream.indirect_vreg.gather [hbm4b:s2+s10], $0x1, v2, vm0, $0x4038;
	[tilespmem:$0x1B000] =	vst v63  }
0x3c: {  	v2 =	vor.u32 $0x200, v0;
	(ifvalue) =	ssetifvalue $0x7FFFFFFF  }
0x3d: {  	s28 =	sadd.s32 $0x180, s15;
	(ifvalue) =	ssetifvalue $0x7FFFFFFF  }
0x3e: {  	[tilespmem:s28], [sflag:$0x1] =	stream.indirect_vreg.gather [hbm4b:s2+s10], $0x1, v1, vm0, $0x4038;
	[tilespmem:$0x1B000] =	vst v63  }
0x3f: {  	(ifvalue) =	ssetifvalue $0x7FFFFFFF;
	v1 =	vor.u32 $0x280, v0  }
0x40: {  	s29 =	sadd.s32 $0x200, s15;
	(ifvalue) =	ssetifvalue $0x7FFFFFFF  }
0x41: {  	[tilespmem:s29], [sflag:$0x1] =	stream.indirect_vreg.gather [hbm4b:s2+s10], $0x1, v2, vm0, $0x4038;
	[tilespmem:$0x1B000] =	vst v63  }
0x42: {  	(ifvalue) =	ssetifvalue $0x7FFFFFFF;
	v2 =	vor.u32 $0x300, v0  }
0x43: {  	s31 =	sand.u32 $0x7, s14;
	s30 =	sadd.s32 $0x280, s15;
	(ifvalue) =	ssetifvalue $0x7FFFFFFF  }
0x44: {  	[tilespmem:s30], [sflag:$0x1] =	stream.indirect_vreg.gather [hbm4b:s2+s10], $0x1, v1, vm0, $0x4038;
	[tilespmem:$0x1B000] =	vst v63  }
0x45: {  	s17 =	sshll.u32 s31, $0x4;
	(ifvalue) =	ssetifvalue $0x7FFFFFFF  }
0x46: {  	s15 =	sadd.s32 $0x300, s15;
	s17 =	sadd.s32 $0x0, s17;
	v0 =	vor.u32 $0x380, v0;
	(ifvalue) =	ssetifvalue $0x7FFFFFFF  }
0x47: {  	[tilespmem:s15], [sflag:$0x1] =	stream.indirect_vreg.gather [hbm4b:s2+s10], $0x1, v2, vm0, $0x4038;
	[tilespmem:$0x1B000] =	vst v63  }
0x48: {  	s16 =	sadd.s32 $0x10, s16;
	s18 =	sor.u32 $0x380, s17;
	(ifvalue) =	ssetifvalue $0x7FFFFFFF  }
0x49: {  	s17 =	simm.s32 $0x0;
	s15 =	simm.s32 $0x10;
	(ifvalue) =	ssetifvalue $0x7FFFFFFF  }
.LBB2_3:
0x4a: {  	s18 =	sadd.s32 s18, s13;
	s14 =	sadd.s32 $0x80, s14;
	s17 =	sadd.s32 $0x1, s17  }
0x4b: {  	[tilespmem:s18], [sflag:$0x1] =	stream.indirect_vreg.gather [hbm4b:s2+s10], $0x1, v0, vm0, $0x4038;
	[tilespmem:$0x1B000] =	vst v63  }
0x4c: {  	p1 =	sne.s32 s15, $0x17F0;
	s18 =	smov.u32 s15;
	s15 =	sadd.s32 $0x10, s15;
	v0 =	vld.msk [tilespmem:s16+$0x0 ss:$0x1], $0xffff  }
0x4d: {  	(ifvalue) =	ssetifvalue $0x7FFFFFFF;
	_ =	sdelay $0x4  }
0x4e: {  	v1 =	vshrl.u32 v0, $0xD;
	v2 =	vshll.u32 v0, $0x16;
	v3 =	vshll.u32 v0, $0x9  }
0x4f: {  	vm1 =	veq.s32 v0, $0x80000000;
	v0 =	vand.u32 $0xFF, v1;
	v1 =	vand.u32 $0xC00000, v2  }
0x50: {  	v2 =	vand.u32 $0x3FF800, v3;
	v0 =	vsel vm1, $0xFFFFFFFF, v0  }
0x51: {  	v1 =	vor.u32 v2, v1;
	v2 =	vshll.u32 v0, $0x3  }
0x52: {  	v1 =	vsel vm1, $0xFFBFF800, v1;
	v2 =	vand.u32 $0xFFFFFC00, v2  }
0x53: {  	v0 =	vand.u32 $0x7F, v0;
	v1 =	vadd.s32 v1, v2  }
0x54: {  	v0 =	vor.u32 v0, v1;
	_ =	sdelay $0x1  }
0x55: {  	s19 =	sand.u32 $0xFC00, s14  }
0x56: {  	s18 =	sand.u32 $0x70, s18;
	s19 =	sadd.s32 s19, s13;
	v1 =	vor.u32 $0x80, v0  }
0x57: {  	s18 =	sadd.s32 s18, s19;
	(ifvalue) =	ssetifvalue $0x7FFFFFFF  }
0x58: {  	[tilespmem:s18], [sflag:$0x1] =	stream.indirect_vreg.gather [hbm4b:s2+s10], $0x1, v0, vm0, $0x4038;
	[tilespmem:$0x1B000] =	vst v63  }
0x59: {  	v2 =	vor.u32 $0x100, v0;
	(ifvalue) =	ssetifvalue $0x7FFFFFFF  }
0x5a: {  	s19 =	sadd.s32 $0x80, s18;
	(ifvalue) =	ssetifvalue $0x7FFFFFFF  }
0x5b: {  	[tilespmem:s19], [sflag:$0x1] =	stream.indirect_vreg.gather [hbm4b:s2+s10], $0x1, v1, vm0, $0x4038;
	[tilespmem:$0x1B000] =	vst v63  }
0x5c: {  	v1 =	vor.u32 $0x180, v0;
	(ifvalue) =	ssetifvalue $0x7FFFFFFF  }
0x5d: {  	s19 =	sadd.s32 $0x100, s18;
	(ifvalue) =	ssetifvalue $0x7FFFFFFF  }
0x5e: {  	[tilespmem:s19], [sflag:$0x1] =	stream.indirect_vreg.gather [hbm4b:s2+s10], $0x1, v2, vm0, $0x4038;
	[tilespmem:$0x1B000] =	vst v63  }
0x5f: {  	v2 =	vor.u32 $0x200, v0;
	(ifvalue) =	ssetifvalue $0x7FFFFFFF  }
0x60: {  	s19 =	sadd.s32 $0x180, s18;
	(ifvalue) =	ssetifvalue $0x7FFFFFFF  }
0x61: {  	[tilespmem:s19], [sflag:$0x1] =	stream.indirect_vreg.gather [hbm4b:s2+s10], $0x1, v1, vm0, $0x4038;
	[tilespmem:$0x1B000] =	vst v63  }
0x62: {  	v1 =	vor.u32 $0x280, v0;
	(ifvalue) =	ssetifvalue $0x7FFFFFFF  }
0x63: {  	s19 =	sadd.s32 $0x200, s18;
	(ifvalue) =	ssetifvalue $0x7FFFFFFF  }
0x64: {  	[tilespmem:s19], [sflag:$0x1] =	stream.indirect_vreg.gather [hbm4b:s2+s10], $0x1, v2, vm0, $0x4038;
	[tilespmem:$0x1B000] =	vst v63  }
0x65: {  	v2 =	vor.u32 $0x300, v0;
	(ifvalue) =	ssetifvalue $0x7FFFFFFF  }
0x66: {  	s19 =	sadd.s32 $0x280, s18;
	(ifvalue) =	ssetifvalue $0x7FFFFFFF  }
0x67: {  	[tilespmem:s19], [sflag:$0x1] =	stream.indirect_vreg.gather [hbm4b:s2+s10], $0x1, v1, vm0, $0x4038;
	[tilespmem:$0x1B000] =	vst v63  }
.Ltmp3:
0x68: {  	v0 =	vor.u32 $0x380, v0;
	s19 =	sand.u32 $0x7, s17;
	(ifvalue) =	ssetifvalue $0x7FFFFFFF;
	(pc) =	sbr.rel @p1 .LBB2_3-.Ltmp3, $4  }
0x69: {  	s18 =	sadd.s32 $0x300, s18;
	s19 =	sshll.u32 s19, $0x4;
	(ifvalue) =	ssetifvalue $0x7FFFFFFF  }
0x6a: {  	[tilespmem:s18], [sflag:$0x1] =	stream.indirect_vreg.gather [hbm4b:s2+s10], $0x1, v2, vm0, $0x4038;
	[tilespmem:$0x1B000] =	vst v63  }
0x6b: {  	s18 =	sadd.s32 s19, s14;
	(ifvalue) =	ssetifvalue $0x7FFFFFFF  }
0x6c: {  	s16 =	sadd.s32 $0x10, s16;
	s18 =	sor.u32 $0x380, s18;
	(ifvalue) =	ssetifvalue $0x7FFFFFFF  }
.Ltmp4:
0x6d: {  	_ = 	snop;
	(pc) =	sbr.rel .LBB2_4-.Ltmp4, $1  }
0x6e: {  	_ =	sdelay $0x3  }
.LBB2_6:
0x6f: {  	_ =	sfence.sel $0x180000  }
0x70: {  	s2 =	simm.s32 $0x2;
	[bflag:$0x0] =	sbarrier.arrive $0xFFFF  }
0x71: {  	s30 =	simm.s32 $0x3;
	[sflag:s2] =	ssyncpa.u1 $0x1  }
0x72: {  	s31 =	simm.s32 $0x1;
	[sflag:s30] =	ssyncpa.u1 $0x1  }
0x73: {  	[sflag:s31] =	ssyncpa.u1 $0x1  }
0x74: {  	p0 =	sne.s32 s1, $0x0;
	_ =	strace $0x90000050  }
0x75: {  	s0 =	sadd.s32 @!p0 $0x100000, s0;
	[bflag:$0x2] =	sbarrier.arrive $0xFFFF  }
0x76: {  	[sflag:s0] =	ssyncadd.tile.s32 @!p0 $0x1;
	_ =	shalt  }
.Lfunc_end2:
_tile_overlayer_lowered:
.L_overlay_start_2:
0x77: {  	(tag) =	ssettag $0x2  }
0x78: {  	s0 =	rddreg [dreg:$0x0];
	s2 =	stileid.u32  }
0x79: {  	s1 =	rddreg [dreg:$0x1];
	p0 =	sne.s32 s2, $0x0  }
0x7a: {  	s3 =	rddreg [dreg:$0x2];
	[bflag:$0x3] =	sbarrier.arrive $0xFFFF;
	s2 =	simm.s32 @!p0 $0x1C01  }
0x7b: {  	[timem:s3], [sflag:s2] =	dma.local @!p0 [hbm:s0], s1  }
0x7c: {  	s0 =	simm.s32 @!p0 $0x1  }
0x7d: {  	_ =	swait.ge @!p0 [sflag:s0], s1  }
0x7e: {  	s1 =	ssub.s32 @!p0 $0x0, s1;
	[sflag:s0] =	ssyncset.done @!p0 $0x0  }
0x7f: {  	[sflag:s0] =	ssyncadd.s32 @!p0 s1  }
0x80: {  	[bflag:$0x3] =	sbarrier.arrive $0xFFFF  }
0x81: {  	_ =	shalt  }

// kernel: gather_offload_async_start.3
scs
__scs_entry_jumppad:
0x0: {  	(pc) =	sbr.rel $0x88, $3  }
0x1: {  	(tag) =	ssettag $0x0;
	lr =	simm.s32 $0x1  }
0x2: {  	[smem:$0x3F87] =	sst lr;
	_ =	strace $0xD0000000  }
0x3: {  	_ = 	snop  }
0x4: {  	_ = 	snop  }
0x5: {  	_ = 	snop  }
0x6: {  	_ = 	snop  }
0x7: {  	_ = 	snop  }
__scs_overlays_trampoline_lowered:
0x8: {  	[smem:$0x3F96] =	sst s0  }
0x9: {  	[smem:$0x3F97] =	sst s1  }
0xa: {  	[smem:$0x3F98] =	sst s2  }
0xb: {  	[smem:$0x3F99] =	sst s3  }
0xc: {  	[smem:$0x3F9A] =	sst s4  }
0xd: {  	[smem:$0x3F9B] =	sst s5  }
0xe: {  	[smem:$0x3F9C] =	sst s6  }
0xf: {  	[smem:$0x3F9D] =	sst s7  }
0x10: {  	[smem:$0x3F9E] =	sst s8  }
0x11: {  	[smem:$0x3F9F] =	sst s9;
	s0 =	simm.s32 @!p0 $0x0  }
0x12: {  	s1 =	sld [smem:$0x3F85];
	s0 =	simm.s32 @p0 $0x1  }
0x13: {  	[smem:$0x3FA0] =	sst s0;
	s0 =	simm.s32 @!p1 $0x0  }
0x14: {  	s2 =	sld [smem:$0x3F84];
	s0 =	simm.s32 @p1 $0x1  }
0x15: {  	[smem:$0x3FA1] =	sst s0;
	s0 =	simm.s32 @!p2 $0x0  }
0x16: {  	s3 =	sld [smem:$0x3FDB];
	s0 =	simm.s32 @p2 $0x1  }
0x17: {  	s4 =	simm.s32 $0x1BF5;
	[smem:$0x3FA3] =	sst s0  }
0x18: {  	s0 =	sld [smem:$0x3F86];
	_ =	swait.ge [sflag:s4], $0x0  }
0x19: {  	s7 =	sld [smem:$0x3F87]  }
0x1a: {  	s8 =	sadd.s32 $0xFFFFE003, lr  }
0x1b: {  	s9 =	sadd.s32 $0xFFFFFEF7, lr;
	s5 =	simm.s32 $0xFFFFFFFF;
	p2 =	slt.u32 s8, $0xFFFFF086  }
0x1c: {  	p1 =	slt.u32 s9, $0xF7A;
	s5 =	simm.s32 @!p2 $0x0  }
0x1d: {  	s5 =	simm.s32 @p1 $0x1;
	p0 =	seq.s32 s7, s2  }
0x1e: {  	s7 =	smul.u32 @!p0 $0xF7A, s2;
	p2 =	seq.s32 @!p0 s5, $0x0  }
0x1f: {  	s9 =	smul.u32 $0xF7A, s1;
	s8 =	simm.s32 @!p0 $0x1BF5;
	p2 =	por !p2, p0  }
0x20: {  	[sflag:s8] =	ssyncset.s32 @!p0 $0xFFFFF086;
	s6 =	sadd.s32 @!p0 s3, s7;
	s7 =	simm.s32 @!p0 $0x108  }
0x21: {  	s3 =	sadd.s32 s3, s9;
	s6 =	sadd.s32 @!p0 $0x88, s6;
	s7 =	simm.s32 @p2 $0x1082  }
0x22: {  	[simem:s7], [sflag:s8] =	dma.local @!p0 [hbm:s6], $0xF7A  }
0x23: {  	s9 =	sor.u32 $0xD0000000, s2;
	s6 =	simm.s32 $0x108;
	_ =	swait.ge @!p0 [sflag:s8], $0x0  }
0x24: {  	s3 =	sadd.s32 $0x88, s3;
	s6 =	simm.s32 @!p1 $0x1082;
	[sflag:s4] =	ssyncset.s32 $0xFFFFF086  }
0x25: {  	[simem:s6], [sflag:s4] =	dma.local [hbm:s3], $0xF7A  }
0x26: {  	[smem:$0x3F87] =	sst s1;
	(tag) =	ssettag s2;
	_ =	strace s9  }
0x27: {  	s1 =	sld [smem:$0x3F97]  }
0x28: {  	s2 =	sld [smem:$0x3F98]  }
0x29: {  	s4 =	sld [smem:$0x3F9A]  }
0x2a: {  	p0 =	seq.s32 s5, $0x0;
	s5 =	sld [smem:$0x3F9B]  }
0x2b: {  	s6 =	sld [smem:$0x3F9C]  }
0x2c: {  	s7 =	sld [smem:$0x3F9D]  }
0x2d: {  	s3 =	simm.s32 $0x108;
	s8 =	sld [smem:$0x3F9E]  }
0x2e: {  	s3 =	simm.s32 @!p0 $0x1082;
	s9 =	sld [smem:$0x3F9F]  }
0x2f: {  	lr =	sadd.s32 s0, s3;
	s0 =	sld [smem:$0x3F96]  }
0x30: {  	s3 =	sld [smem:$0x3F99]  }
0x31: {  	[smem:$0x3FA2] =	sst s10  }
0x32: {  	s10 =	sld [smem:$0x3FA0];
	_ =	sdelay $0x3  }
0x33: {  	p0 =	seq.s32 s10, $0x1;
	s10 =	sld [smem:$0x3FA2];
	_ =	sdelay $0x3  }
0x34: {  	[smem:$0x3FA2] =	sst s10  }
0x35: {  	s10 =	sld [smem:$0x3FA1];
	_ =	sdelay $0x3  }
0x36: {  	p1 =	seq.s32 s10, $0x1;
	s10 =	sld [smem:$0x3FA2];
	_ =	sdelay $0x3  }
0x37: {  	[smem:$0x3FA2] =	sst s10  }
0x38: {  	s10 =	sld [smem:$0x3FA3]  }
0x39: {  	_ = 	snop;
	(pc) =	sbr.ind lr, $3  }
0x3a: {  	_ = 	snop  }
0x3b: {  	_ = 	snop  }
0x3c: {  	p2 =	seq.s32 s10, $0x1;
	s10 =	sld [smem:$0x3FA2]  }
0x3d: {  	_ =	shalt  }
0x3e: {  	_ =	shalt  }
0x3f: {  	_ =	shalt  }
0x40: {  	_ =	shalt  }
0x41: {  	_ =	shalt  }
0x42: {  	_ =	shalt  }
0x43: {  	_ =	shalt  }
0x44: {  	_ =	shalt  }
0x45: {  	_ =	shalt  }
0x46: {  	_ =	shalt  }
0x47: {  	_ =	shalt  }
0x48: {  	_ =	shalt  }
0x49: {  	_ =	shalt  }
0x4a: {  	_ =	shalt  }
0x4b: {  	_ =	shalt  }
0x4c: {  	_ =	shalt  }
0x4d: {  	_ =	shalt  }
0x4e: {  	_ =	shalt  }
0x4f: {  	_ =	shalt  }
0x50: {  	_ =	shalt  }
0x51: {  	_ =	shalt  }
0x52: {  	_ =	shalt  }
0x53: {  	_ =	shalt  }
0x54: {  	_ =	shalt  }
0x55: {  	_ =	shalt  }
0x56: {  	_ =	shalt  }
0x57: {  	_ =	shalt  }
0x58: {  	_ =	shalt  }
0x59: {  	_ =	shalt  }
0x5a: {  	_ =	shalt  }
0x5b: {  	_ =	shalt  }
0x5c: {  	_ =	shalt  }
0x5d: {  	_ =	shalt  }
0x5e: {  	_ =	shalt  }
0x5f: {  	_ =	shalt  }
0x60: {  	_ =	shalt  }
0x61: {  	_ =	shalt  }
0x62: {  	_ =	shalt  }
0x63: {  	_ =	shalt  }
0x64: {  	_ =	shalt  }
0x65: {  	_ =	shalt  }
0x66: {  	_ =	shalt  }
0x67: {  	_ =	shalt  }
0x68: {  	_ =	shalt  }
0x69: {  	_ =	shalt  }
0x6a: {  	_ =	shalt  }
0x6b: {  	_ =	shalt  }
0x6c: {  	_ =	shalt  }
0x6d: {  	_ =	shalt  }
0x6e: {  	_ =	shalt  }
0x6f: {  	_ =	shalt  }
0x70: {  	_ =	shalt  }
0x71: {  	_ =	shalt  }
0x72: {  	_ =	shalt  }
0x73: {  	_ =	shalt  }
0x74: {  	_ =	shalt  }
0x75: {  	_ =	shalt  }
0x76: {  	_ =	shalt  }
0x77: {  	_ =	shalt  }
0x78: {  	_ =	shalt  }
0x79: {  	_ =	shalt  }
0x7a: {  	_ =	shalt  }
0x7b: {  	_ =	shalt  }
0x7c: {  	_ =	shalt  }
0x7d: {  	_ =	shalt  }
0x7e: {  	_ =	shalt  }
0x7f: {  	_ =	shalt  }
0x80: {  	_ =	shalt  }
0x81: {  	_ =	shalt  }
0x82: {  	_ =	shalt  }
0x83: {  	_ =	shalt  }
0x84: {  	_ =	shalt  }
0x85: {  	_ =	shalt  }
0x86: {  	_ =	shalt  }
0x87: {  	_ =	shalt  }
.Lfunc_end0:
.L_simem_size_0:
called_computation.4_lowered:
.L_overlay_start_0:
0x88: {  	s2 =	sld [smem:$0x3FD9]  }
0x89: {  	s3 =	sld [smem:$0x3FFE];
	_ =	sdelay $0x1  }
0x8a: {  	s1 =	srdreg.scid  }
0x8b: {  	s0 =	sand.u32 $0x1, s1  }
0x8c: {  	s16 =	sshll.u32 s0, $0xA;
	s2 =	sadd.s32 s3, s2  }
0x8d: {  	s2 =	sadd.s32 s2, s16  }
0x8e: {  	[smem:$0x3FAE] =	sst s2  }
0x8f: {  	_ = 	snop  }
0x90: {  	(tm) =	ssettm $0x1  }
0x91: {  	s17 =	sld [smem:$0x3FFB];
	_ =	sdelay $0x3  }
0x92: {  	_ =	strace s17  }
0x93: {  	s2 =	sld [smem:$0x3FFC];
	_ =	sdelay $0x3  }
0x94: {  	_ =	strace s2  }
0x95: {  	s2 =	sld [smem:$0x3FFD];
	_ =	sdelay $0x3  }
0x96: {  	_ =	strace s2  }
0x97: {  	_ =	strace $0x8FFFFFFF  }
0x98: {  	s18 =	sld [smem:$0x3FDB];
	_ =	sdelay $0x1  }
0x99: {  	s19 =	simm.s32 $_scs_section_size  }
0x9a: {  	s4 =	simm.s32 $_size__tile_overlayer_lowered;
	s5 =	simm.s32 $_tile_overlayer_lowered  }
0x9b: {  	s22 =	simm.s32 $0x1BFF;
	s21 =	sshll.u32 s5, $0x1;
	s2 =	sadd.s32 s19, s18  }
0x9c: {  	s6 =	simm.s32 $0x0;
	s20 =	sshll.u32 s4, $0x1;
	s4 =	sadd.s32 s21, s2  }
0x9d: {  	[timem:s6], [sflag:s22] =	dma.local [hbm:s4], s20  }
0x9e: {  	_ =	swait.ge [sflag:s22], s20  }
0x9f: {  	s3 =	ssub.s32 $0x0, s20;
	[sflag:s22] =	ssyncset.done $0x0  }
0xa0: {  	[sflag:s22] =	ssyncadd.s32 s3;
	_ =	sdelay $0x1  }
0xa1: {  	s23 =	simm.s32 $0x1B8B  }
0xa2: {  	_ =	swait.ge [sflag:s23], $0x1  }
0xa3: {  	[sflag:s23] =	ssyncset.done $0x0  }
0xa4: {  	s25 =	simm.s32 $0x1B8E;
	s24 =	sld [smem:$0x3FFE];
	[sflag:s23] =	ssyncadd.s32 $0xFFFFFFFF  }
0xa5: {  	s26 =	simm.s32 $execute0_lowered;
	[smem:$0x3FD2] =	sst s25  }
0xa6: {  	s4 =	sshll.u32 s26, $0x1;
	_ =	strace $0x80000052;
	[dreg:$0x1] =	wrdreg $0xFFFFFFFF  }
0xa7: {  	s28 =	simm.s32 $_size_execute0_lowered;
	s2 =	sadd.s32 s2, s4;
	[dreg:$0x0] =	wrdreg $0x0  }
0xa8: {  	s4 =	sshll.u32 s28, $0x1;
	[dreg:$0x2] =	wrdreg s2  }
0xa9: {  	[dreg:$0x3] =	wrdreg s4  }
0xaa: {  	[dreg:$0x4] =	wrdreg $0xC0  }
0xab: {  	_ =	task [dreg:s6], $0x5FFFF  }
0xac: {  	[dreg:$0x1] =	wrdreg $0xFFFFFFFF  }
0xad: {  	[dreg:$0x0] =	wrdreg $0x60  }
0xae: {  	[dreg:$0x2] =	wrdreg s24  }
0xaf: {  	[dreg:$0x3] =	wrdreg $0x9  }
0xb0: {  	_ =	task.clear_ibuf [dreg:s6], $0x4FFFF;
	_ =	strace $0x90000052  }
0xb1: {  	s29 =	simm.s32 $0x9;
	_ =	strace $0x80000054  }
0xb2: {  	_ =	swait.ge [sflag:s29], $0x1  }
0xb3: {  	[sflag:s29] =	ssyncadd.s32 $0xFFFFFFFF  }
0xb4: {  	_ =	strace $0x90000054  }
0xb5: {  	_ =	sfence  }
0xb6: {  	s30 =	sld [smem:$0x0];
	_ =	sdelay $0x2  }
0xb7: {  	s31 =	sshll.u32 s1, $0xD;
	s1 =	sshrl.u32 s1, $0x2  }
0xb8: {  	s3 =	sand.u32 $0x4000, s31;
	s1 =	sadd.s32 s1, s30  }
0xb9: {  	s0 =	sor.u32 s3, s0;
	s1 =	sshll.u32 s1, $0x11  }
0xba: {  	s0 =	sor.u32 s1, s0  }
0xbb: {  	s0 =	sadd.s32 $0x8F2B, s0  }
0xbc: {  	[sflag:s0] =	ssyncadd.remote.s32 $0x1  }
0xbd: {  	_ =	sfence.sel $0xFFFF  }
0xbe: {  	[dreg:$0x0] =	wrdreg $0xFFFFFFFF;
	(pc) =	sbr.abs _section_cstart, $3  }
0xbf: {  	[dreg:$0x1] =	wrdreg $0xFFFFFFFF  }
0xc0: {  	_ =	task.clear_ibuf [dreg:s6], $0x2FFFF;
	_ =	strace $0x9FFFFFFF  }
0xc1: {  	(tm) =	ssettm $0x7FFFFFFF  }
tec
execute0_lowered:
.L_overlay_start_1:
0x0: {  	(tag) =	ssettag $0x1  }
0x1: {  	s0 =	srdreg.scid;
	s5 =	rddreg [dreg:$0x0]  }
0x2: {  	s1 =	stileid.u32;
	s6 =	simm.s32 $0x1;
	s9 =	simm.s32 $0x1  }
0x3: {  	s10 =	simm.s32 $0x3;
	s13 =	simm.s32 $0x0;
	s2 =	sshll.u32 s0, $0xC  }
0x4: {  	s12 =	simm.s32 $0x0;
	s3 =	sshll.u32 s1, $0xD;
	s2 =	sand.u32 $0x1000, s2  }
0x5: {  	s0 =	rddreg [dreg:$0x1];
	_ =	strace $0x80000053;
	s2 =	sor.u32 s3, s2  }
0x6: {  	s4 =	sadd.s32 $0x40000, s5;
	[sflag:s6] =	ssyncpa.u1 $0x0;
	s8 =	ssub.s32 $0x28000, s2  }
.Ltmp0:
0x7: {  	s3 =	sadd.s32 $0x70000, s5;
	s7 =	sand.u32 $0x1F000, s8;
	(pc) =	sbr.rel .LBB2_1-.Ltmp0, $4  }
0x8: {  	s5 =	sadd.s32 $0x45000, s5;
	s11 =	smov.u32 s2;
	p0 =	sne.s32 s7, $0x0  }
0x9: {  	s8 =	sshrl.u32 s8, $0x11;
	s7 =	simm.s32 $0x2;
	s9 =	simm.s32 @!p0 $0x0  }
0xa: {  	[sflag:s7] =	ssyncpa.u1 $0x0;
	p0 =	por $0x0, $0x0;
	s8 =	sadd.s32 s9, s8  }
0xb: {  	vm0 =	vmmov $0xffff;
	[sflag:s10] =	ssyncpa.u1 $0x0;
	s10 =	simm.s32 $0x0;
	s9 =	sadd.s32 $0x1, s8  }
.LBB2_4:
0xc: {  	v3 =	vshrl.u32 v0, $0xD;
	v62 =	vshll.u32 v0, $0x12;
	v2 =	vand.u32 $0x3FF80, v2  }
0xd: {  	v3 =	vand.u32 $0x1F, v3;
	v0 =	vand.u32 $0xC0000, v62;
	v2 =	vsel vm1, $0xFFFFFF80, v2  }
0xe: {  	v3 =	vsel vm1, $0xFFFFFFFF, v3;
	v0 =	vsel vm1, $0xFFFC0000, v0;
	v4 =	vand.u32 $0xFFFFFC00, v2  }
0xf: {  	v0 =	vadd.s32 v0, v4;
	v63 =	vand.u32 $0xFFFFFC00, v3  }
0x10: {  	v2 =	vand.u32 $0x380, v2;
	v0 =	vadd.s32 v63, v0  }
0x11: {  	v3 =	vand.u32 $0x7F, v3;
	v0 =	vor.u32 v2, v0  }
0x12: {  	v0 =	vor.u32 v3, v0;
	_ =	sdelay $0x1  }
0x13: {  	(ifvalue) =	ssetifvalue $0x7FFFFFFF;
	s15 =	sadd.s32 $0x10, s15  }
0x14: {  	[tilespmem:s15], [sflag:$0x1] =	stream.indirect_vreg.gather [hbm4b:s3+s10], $0x1, v1, vm0, $0x4038;
	[tilespmem:$0x4000] =	vst v63  }
0x15: {  	(ifvalue) =	ssetifvalue $0x7FFFFFFF;
	s15 =	sadd.s32 $0x10, s15  }
0x16: {  	[tilespmem:s15], [sflag:$0x1] =	stream.indirect_vreg.gather [hbm4b:s3+s10], $0x1, v0, vm0, $0x4038;
	[tilespmem:$0x4000] =	vst v63  }
0x17: {  	_ =	swait.ge [sflag:s6], $0x1000  }
0x18: {  	s30 =	sshrl.u32 s13, $0x3;
	[sflag:s6] =	ssyncset.done $0x0  }
0x19: {  	s31 =	sand.u32 $0x7, s13;
	s15 =	sadd.s32 s5, s30;
	[sflag:s6] =	ssyncadd.s32 $0xFFFFF000  }
0x1a: {  	[hbm4b:s15+s31] =	stream.linear.scatter [tilespmem:s14], [sflag:$0x3], $0x1000, $0x38;
	[tilespmem:$0x4000] =	vst v63  }
.LBB2_5:
0x1b: {  	s15 =	sadd.s32 $0x20000, s11  }
0x1c: {  	p2 =	sgt.s32 s15, $0x27FFF  }
0x1d: {  	s15 =	smov.u32 @p2 s2;
	p2 =	sne.s32 s12, s9  }
.Ltmp1:
0x1e: {  	p1 =	slt.u32 s12, $0x2;
	(pc) =	sbr.rel @!p2 .LBB2_6-.Ltmp1, $4  }
0x1f: {  	s14 =	simm.s32 @!p1 $0x3  }
0x20: {  	s16 =	sadd.s32 $0x1, s12;
	_ =	swait.ge @!p1 [sflag:s14], $0x1000  }
0x21: {  	s13 =	smov.u32 s11;
	p0 =	por !p0, !p0;
	[sflag:s14] =	ssyncset.done @!p1 $0x0  }
0x22: {  	s12 =	smov.u32 s16;
	s11 =	smov.u32 s15;
	[sflag:s14] =	ssyncadd.s32 @!p1 $0xFFFFF000  }
.LBB2_1:
0x23: {  	p1 =	sge.u32 s12, s8  }
0x24: {  	s14 =	sxor.u32 @!p1 $0xFFFFFFFF, s12  }
0x25: {  	s31 =	sadd.s32 $0xFFFFFFFF, s12;
	s15 =	sshrl.u32 @!p1 s11, $0x3;
	s14 =	sshll.u32 @!p1 s14, $0xC  }
0x26: {  	s16 =	sand.u32 @!p1 $0x7, s11;
	s15 =	sadd.s32 @!p1 s4, s15;
	s14 =	sand.u32 @!p1 $0x1000, s14  }
0x27: {  	[tilespmem:s14], [sflag:$0x2] =	stream.linear.gather @!p1 [hbm4b:s15+s16], $0x1000, $0x38;
	[tilespmem:$0x4000] =	vst v63  }
0x28: {  	p1 =	sge.u32 s31, s8  }
.Ltmp2:
0x29: {  	_ = 	snop;
	(pc) =	sbr.rel @p1 .LBB2_5-.Ltmp2, $1  }
0x2a: {  	_ =	sdelay $0x3  }
0x2b: {  	s14 =	simm.s32 $0x1  }
0x2c: {  	_ =	swait.ge [sflag:s7], $0x1000;
	s14 =	simm.s32 @!p0 $0x0  }
0x2d: {  	[sflag:s7] =	ssyncset.done $0x0;
	s14 =	sshll.u32 s14, $0xC  }
0x2e: {  	[sflag:s7] =	ssyncadd.s32 $0xFFFFF000;
	(ifvalue) =	ssetifvalue $0x7FFFFFFF;
	v0 =	vld.msk [tilespmem:s14+$0x0 ss:$0x1], $0xffff;
	_ =	sdelay $0x2  }
0x2f: {  	s15 =	sadd.s32 $0x10, s14  }
0x30: {  	v3 =	vld.msk [tilespmem:s15+$0x0 ss:$0x1], $0xffff  }
0x31: {  	vm1 =	veq.s32 v0, $0x80000000;
	v1 =	vshll.u32 v0, $0x5  }
0x32: {  	v2 =	vshrl.u32 v0, $0xD;
	v0 =	vshll.u32 v0, $0x12;
	v1 =	vand.u32 $0x3FF80, v1  }
0x33: {  	v2 =	vand.u32 $0x1F, v2;
	v0 =	vand.u32 $0xC0000, v0;
	v1 =	vsel vm1, $0xFFFFFF80, v1  }
0x34: {  	v2 =	vsel vm1, $0xFFFFFFFF, v2;
	v0 =	vsel vm1, $0xFFFC0000, v0;
	v4 =	vand.u32 $0xFFFFFC00, v1  }
0x35: {  	v62 =	vshrl.u32 v3, $0xD;
	v61 =	vand.u32 $0xFFFFFC00, v2;
	v0 =	vadd.s32 v0, v4  }
0x36: {  	vm1 =	veq.s32 v3, $0x80000000;
	v1 =	vand.u32 $0x380, v1;
	v0 =	vadd.s32 v61, v0  }
0x37: {  	v2 =	vand.u32 $0x7F, v2;
	v0 =	vor.u32 v1, v0;
	v1 =	vshll.u32 v3, $0x5  }
0x38: {  	s17 =	sadd.s32 $0x10, s15;
	v4 =	vand.u32 $0x1F, v62;
	v3 =	vshll.u32 v3, $0x12;
	v1 =	vand.u32 $0x3FF80, v1  }
0x39: {  	v2 =	vor.u32 v2, v0;
	v0 =	vld.msk [tilespmem:s17+$0x0 ss:$0x1], $0xffff;
	v3 =	vand.u32 $0xC0000, v3;
	v1 =	vsel vm1, $0xFFFFFF80, v1  }
0x3a: {  	v4 =	vsel vm1, $0xFFFFFFFF, v4;
	v3 =	vsel vm1, $0xFFFC0000, v3;
	v5 =	vand.u32 $0xFFFFFC00, v1  }
0x3b: {  	s31 =	sshll.u32 s12, $0xC;
	v63 =	vand.u32 $0xFFFFFC00, v4;
	v3 =	vadd.s32 v3, v5  }
0x3c: {  	s16 =	simm.s32 $0x20;
	s15 =	sor.u32 $0x2000, s14;
	s14 =	sand.u32 $0x1000, s31;
	v1 =	vand.u32 $0x380, v1;
	v3 =	vadd.s32 v63, v3  }
0x3d: {  	s14 =	sor.u32 $0x2000, s14;
	v4 =	vand.u32 $0x7F, v4;
	(ifvalue) =	ssetifvalue $0x7FFFFFFF;
	s17 =	sadd.s32 $0x10, s17;
	v1 =	vor.u32 v1, v3  }
0x3e: {  	[tilespmem:s15], [sflag:$0x1] =	stream.indirect_vreg.gather [hbm4b:s3+s10], $0x1, v2, vm0, $0x4038;
	vm1 =	veq.s32 v0, $0x80000000;
	v2 =	vshll.u32 v0, $0x5;
	v1 =	vor.u32 v4, v1;
	[tilespmem:$0x4000] =	vst v63  }
.LBB2_3:
0x3f: {  	s16 =	sadd.s32 $0x10, s16;
	v3 =	vshrl.u32 v0, $0xD;
	v4 =	vshll.u32 v0, $0x12;
	v0 =	vld.msk [tilespmem:s17+$0x0 ss:$0x1], $0xffff;
	v2 =	vand.u32 $0x3FF80, v2  }
0x40: {  	p1 =	slt.u32 s16, $0xFF0;
	v3 =	vand.u32 $0x1F, v3;
	v4 =	vand.u32 $0xC0000, v4;
	v2 =	vsel vm1, $0xFFFFFF80, v2  }
.Ltmp3:
0x41: {  	v3 =	vsel vm1, $0xFFFFFFFF, v3;
	v4 =	vsel vm1, $0xFFFC0000, v4;
	v5 =	vand.u32 $0xFFFFFC00, v2;
	(pc) =	sbr.rel @p1 .LBB2_3-.Ltmp3, $4  }
0x42: {  	s15 =	sadd.s32 $0x10, s15;
	v4 =	vadd.s32 v4, v5;
	v5 =	vand.u32 $0xFFFFFC00, v3;
	(ifvalue) =	ssetifvalue $0x7FFFFFFF  }
0x43: {  	v2 =	vand.u32 $0x380, v2;
	v4 =	vadd.s32 v5, v4;
	[tilespmem:s15], [sflag:$0x1] =	stream.indirect_vreg.gather [hbm4b:s3+s10], $0x1, v1, vm0, $0x4038;
	[tilespmem:$0x4000] =	vst v63  }
0x44: {  	v1 =	vand.u32 $0x7F, v3;
	v3 =	vor.u32 v2, v4  }
0x45: {  	s17 =	sadd.s32 $0x10, s17;
	vm1 =	veq.s32 v0, $0x80000000;
	v2 =	vshll.u32 v0, $0x5;
	v1 =	vor.u32 v1, v3  }
.Ltmp4:
0x46: {  	_ = 	snop;
	(pc) =	sbr.rel .LBB2_4-.Ltmp4, $1  }
0x47: {  	_ =	sdelay $0x3  }
.LBB2_6:
0x48: {  	_ =	sfence.sel $0x180000  }
0x49: {  	s2 =	simm.s32 $0x2;
	[bflag:$0x0] =	sbarrier.arrive $0xFFFF  }
0x4a: {  	s30 =	simm.s32 $0x3;
	[sflag:s2] =	ssyncpa.u1 $0x1  }
0x4b: {  	s31 =	simm.s32 $0x1;
	[sflag:s30] =	ssyncpa.u1 $0x1  }
0x4c: {  	[sflag:s31] =	ssyncpa.u1 $0x1  }
0x4d: {  	p0 =	sne.s32 s1, $0x0;
	_ =	strace $0x90000053  }
0x4e: {  	s0 =	sadd.s32 @!p0 $0x100000, s0;
	[bflag:$0x2] =	sbarrier.arrive $0xFFFF  }
0x4f: {  	[sflag:s0] =	ssyncadd.tile.s32 @!p0 $0x1;
	_ =	shalt  }
.Lfunc_end2:
_tile_overlayer_lowered:
.L_overlay_start_2:
0x50: {  	(tag) =	ssettag $0x2  }
0x51: {  	s0 =	rddreg [dreg:$0x0];
	s2 =	stileid.u32  }
0x52: {  	s1 =	rddreg [dreg:$0x1];
	p0 =	sne.s32 s2, $0x0  }
0x53: {  	s3 =	rddreg [dreg:$0x2];
	[bflag:$0x3] =	sbarrier.arrive $0xFFFF;
	s2 =	simm.s32 @!p0 $0x1C01  }
0x54: {  	[timem:s3], [sflag:s2] =	dma.local @!p0 [hbm:s0], s1  }
0x55: {  	s0 =	simm.s32 @!p0 $0x1  }
0x56: {  	_ =	swait.ge @!p0 [sflag:s0], s1  }
0x57: {  	s1 =	ssub.s32 @!p0 $0x0, s1;
	[sflag:s0] =	ssyncset.done @!p0 $0x0  }
0x58: {  	[sflag:s0] =	ssyncadd.s32 @!p0 s1  }
0x59: {  	[bflag:$0x3] =	sbarrier.arrive $0xFFFF  }
0x5a: {  	_ =	shalt  }

// kernel: gather_offload_async_start.4
scs
__scs_entry_jumppad:
0x0: {  	(pc) =	sbr.rel $0x88, $3  }
0x1: {  	(tag) =	ssettag $0x0;
	lr =	simm.s32 $0x1  }
0x2: {  	[smem:$0x3F87] =	sst lr;
	_ =	strace $0xD0000000  }
0x3: {  	_ = 	snop  }
0x4: {  	_ = 	snop  }
0x5: {  	_ = 	snop  }
0x6: {  	_ = 	snop  }
0x7: {  	_ = 	snop  }
__scs_overlays_trampoline_lowered:
0x8: {  	[smem:$0x3F96] =	sst s0  }
0x9: {  	[smem:$0x3F97] =	sst s1  }
0xa: {  	[smem:$0x3F98] =	sst s2  }
0xb: {  	[smem:$0x3F99] =	sst s3  }
0xc: {  	[smem:$0x3F9A] =	sst s4  }
0xd: {  	[smem:$0x3F9B] =	sst s5  }
0xe: {  	[smem:$0x3F9C] =	sst s6  }
0xf: {  	[smem:$0x3F9D] =	sst s7  }
0x10: {  	[smem:$0x3F9E] =	sst s8  }
0x11: {  	[smem:$0x3F9F] =	sst s9;
	s0 =	simm.s32 @!p0 $0x0  }
0x12: {  	s1 =	sld [smem:$0x3F85];
	s0 =	simm.s32 @p0 $0x1  }
0x13: {  	[smem:$0x3FA0] =	sst s0;
	s0 =	simm.s32 @!p1 $0x0  }
0x14: {  	s2 =	sld [smem:$0x3F84];
	s0 =	simm.s32 @p1 $0x1  }
0x15: {  	[smem:$0x3FA1] =	sst s0;
	s0 =	simm.s32 @!p2 $0x0  }
0x16: {  	s3 =	sld [smem:$0x3FDB];
	s0 =	simm.s32 @p2 $0x1  }
0x17: {  	s4 =	simm.s32 $0x1BF5;
	[smem:$0x3FA3] =	sst s0  }
0x18: {  	s0 =	sld [smem:$0x3F86];
	_ =	swait.ge [sflag:s4], $0x0  }
0x19: {  	s7 =	sld [smem:$0x3F87]  }
0x1a: {  	s8 =	sadd.s32 $0xFFFFE003, lr  }
0x1b: {  	s9 =	sadd.s32 $0xFFFFFEF7, lr;
	s5 =	simm.s32 $0xFFFFFFFF;
	p2 =	slt.u32 s8, $0xFFFFF086  }
0x1c: {  	p1 =	slt.u32 s9, $0xF7A;
	s5 =	simm.s32 @!p2 $0x0  }
0x1d: {  	s5 =	simm.s32 @p1 $0x1;
	p0 =	seq.s32 s7, s2  }
0x1e: {  	s7 =	smul.u32 @!p0 $0xF7A, s2;
	p2 =	seq.s32 @!p0 s5, $0x0  }
0x1f: {  	s9 =	smul.u32 $0xF7A, s1;
	s8 =	simm.s32 @!p0 $0x1BF5;
	p2 =	por !p2, p0  }
0x20: {  	[sflag:s8] =	ssyncset.s32 @!p0 $0xFFFFF086;
	s6 =	sadd.s32 @!p0 s3, s7;
	s7 =	simm.s32 @!p0 $0x108  }
0x21: {  	s3 =	sadd.s32 s3, s9;
	s6 =	sadd.s32 @!p0 $0x88, s6;
	s7 =	simm.s32 @p2 $0x1082  }
0x22: {  	[simem:s7], [sflag:s8] =	dma.local @!p0 [hbm:s6], $0xF7A  }
0x23: {  	s9 =	sor.u32 $0xD0000000, s2;
	s6 =	simm.s32 $0x108;
	_ =	swait.ge @!p0 [sflag:s8], $0x0  }
0x24: {  	s3 =	sadd.s32 $0x88, s3;
	s6 =	simm.s32 @!p1 $0x1082;
	[sflag:s4] =	ssyncset.s32 $0xFFFFF086  }
0x25: {  	[simem:s6], [sflag:s4] =	dma.local [hbm:s3], $0xF7A  }
0x26: {  	[smem:$0x3F87] =	sst s1;
	(tag) =	ssettag s2;
	_ =	strace s9  }
0x27: {  	s1 =	sld [smem:$0x3F97]  }
0x28: {  	s2 =	sld [smem:$0x3F98]  }
0x29: {  	s4 =	sld [smem:$0x3F9A]  }
0x2a: {  	p0 =	seq.s32 s5, $0x0;
	s5 =	sld [smem:$0x3F9B]  }
0x2b: {  	s6 =	sld [smem:$0x3F9C]  }
0x2c: {  	s7 =	sld [smem:$0x3F9D]  }
0x2d: {  	s3 =	simm.s32 $0x108;
	s8 =	sld [smem:$0x3F9E]  }
0x2e: {  	s3 =	simm.s32 @!p0 $0x1082;
	s9 =	sld [smem:$0x3F9F]  }
0x2f: {  	lr =	sadd.s32 s0, s3;
	s0 =	sld [smem:$0x3F96]  }
0x30: {  	s3 =	sld [smem:$0x3F99]  }
0x31: {  	[smem:$0x3FA2] =	sst s10  }
0x32: {  	s10 =	sld [smem:$0x3FA0];
	_ =	sdelay $0x3  }
0x33: {  	p0 =	seq.s32 s10, $0x1;
	s10 =	sld [smem:$0x3FA2];
	_ =	sdelay $0x3  }
0x34: {  	[smem:$0x3FA2] =	sst s10  }
0x35: {  	s10 =	sld [smem:$0x3FA1];
	_ =	sdelay $0x3  }
0x36: {  	p1 =	seq.s32 s10, $0x1;
	s10 =	sld [smem:$0x3FA2];
	_ =	sdelay $0x3  }
0x37: {  	[smem:$0x3FA2] =	sst s10  }
0x38: {  	s10 =	sld [smem:$0x3FA3]  }
0x39: {  	_ = 	snop;
	(pc) =	sbr.ind lr, $3  }
0x3a: {  	_ = 	snop  }
0x3b: {  	_ = 	snop  }
0x3c: {  	p2 =	seq.s32 s10, $0x1;
	s10 =	sld [smem:$0x3FA2]  }
0x3d: {  	_ =	shalt  }
0x3e: {  	_ =	shalt  }
0x3f: {  	_ =	shalt  }
0x40: {  	_ =	shalt  }
0x41: {  	_ =	shalt  }
0x42: {  	_ =	shalt  }
0x43: {  	_ =	shalt  }
0x44: {  	_ =	shalt  }
0x45: {  	_ =	shalt  }
0x46: {  	_ =	shalt  }
0x47: {  	_ =	shalt  }
0x48: {  	_ =	shalt  }
0x49: {  	_ =	shalt  }
0x4a: {  	_ =	shalt  }
0x4b: {  	_ =	shalt  }
0x4c: {  	_ =	shalt  }
0x4d: {  	_ =	shalt  }
0x4e: {  	_ =	shalt  }
0x4f: {  	_ =	shalt  }
0x50: {  	_ =	shalt  }
0x51: {  	_ =	shalt  }
0x52: {  	_ =	shalt  }
0x53: {  	_ =	shalt  }
0x54: {  	_ =	shalt  }
0x55: {  	_ =	shalt  }
0x56: {  	_ =	shalt  }
0x57: {  	_ =	shalt  }
0x58: {  	_ =	shalt  }
0x59: {  	_ =	shalt  }
0x5a: {  	_ =	shalt  }
0x5b: {  	_ =	shalt  }
0x5c: {  	_ =	shalt  }
0x5d: {  	_ =	shalt  }
0x5e: {  	_ =	shalt  }
0x5f: {  	_ =	shalt  }
0x60: {  	_ =	shalt  }
0x61: {  	_ =	shalt  }
0x62: {  	_ =	shalt  }
0x63: {  	_ =	shalt  }
0x64: {  	_ =	shalt  }
0x65: {  	_ =	shalt  }
0x66: {  	_ =	shalt  }
0x67: {  	_ =	shalt  }
0x68: {  	_ =	shalt  }
0x69: {  	_ =	shalt  }
0x6a: {  	_ =	shalt  }
0x6b: {  	_ =	shalt  }
0x6c: {  	_ =	shalt  }
0x6d: {  	_ =	shalt  }
0x6e: {  	_ =	shalt  }
0x6f: {  	_ =	shalt  }
0x70: {  	_ =	shalt  }
0x71: {  	_ =	shalt  }
0x72: {  	_ =	shalt  }
0x73: {  	_ =	shalt  }
0x74: {  	_ =	shalt  }
0x75: {  	_ =	shalt  }
0x76: {  	_ =	shalt  }
0x77: {  	_ =	shalt  }
0x78: {  	_ =	shalt  }
0x79: {  	_ =	shalt  }
0x7a: {  	_ =	shalt  }
0x7b: {  	_ =	shalt  }
0x7c: {  	_ =	shalt  }
0x7d: {  	_ =	shalt  }
0x7e: {  	_ =	shalt  }
0x7f: {  	_ =	shalt  }
0x80: {  	_ =	shalt  }
0x81: {  	_ =	shalt  }
0x82: {  	_ =	shalt  }
0x83: {  	_ =	shalt  }
0x84: {  	_ =	shalt  }
0x85: {  	_ =	shalt  }
0x86: {  	_ =	shalt  }
0x87: {  	_ =	shalt  }
.Lfunc_end0:
.L_simem_size_0:
called_computation.5_lowered:
.L_overlay_start_0:
0x88: {  	s2 =	sld [smem:$0x3FD9]  }
0x89: {  	s3 =	sld [smem:$0x3FFE];
	_ =	sdelay $0x1  }
0x8a: {  	s1 =	srdreg.scid  }
0x8b: {  	s0 =	sand.u32 $0x1, s1  }
0x8c: {  	s14 =	sshll.u32 s0, $0xA;
	s2 =	sadd.s32 s3, s2  }
0x8d: {  	s2 =	sadd.s32 s2, s14  }
0x8e: {  	[smem:$0x3FAE] =	sst s2  }
0x8f: {  	_ = 	snop  }
0x90: {  	s2 =	sld [smem:$0x3FD0];
	_ =	sdelay $0x2  }
0x91: {  	s15 =	simm.s32 $0xA;
	s4 =	simm.s32 $0x10  }
0x92: {  	[smem:s4], [sflag:s15] =	dma.local [hbm:s2], $0x1  }
0x93: {  	_ =	swait.eq [sflag:s15], $0x1  }
0x94: {  	[sflag:s15] =	ssyncset.done $0x0  }
0x95: {  	[sflag:s15] =	ssyncadd.s32 $0xFFFFFFFF  }
0x96: {  	s16 =	sld [smem:$0x10];
	(tm) =	ssettm $0x1  }
0x97: {  	s17 =	sld [smem:$0x3FFB];
	_ =	sdelay $0x3  }
0x98: {  	_ =	strace s17  }
0x99: {  	s3 =	sld [smem:$0x3FFC];
	_ =	sdelay $0x3  }
0x9a: {  	_ =	strace s3  }
0x9b: {  	s3 =	sld [smem:$0x3FFD];
	_ =	sdelay $0x3  }
0x9c: {  	_ =	strace s3  }
0x9d: {  	_ =	strace $0x8FFFFFFF  }
0x9e: {  	s18 =	sld [smem:$0x3FDB];
	_ =	sdelay $0x1  }
0x9f: {  	s19 =	simm.s32 $_scs_section_size  }
0xa0: {  	s5 =	simm.s32 $_size__tile_overlayer_lowered;
	s6 =	simm.s32 $_tile_overlayer_lowered  }
0xa1: {  	s22 =	simm.s32 $0x1BFF;
	s21 =	sshll.u32 s6, $0x1;
	s3 =	sadd.s32 s19, s18  }
0xa2: {  	s7 =	simm.s32 $0x0;
	s20 =	sshll.u32 s5, $0x1;
	s5 =	sadd.s32 s21, s3  }
0xa3: {  	[timem:s7], [sflag:s22] =	dma.local [hbm:s5], s20  }
0xa4: {  	_ =	swait.ge [sflag:s22], s20  }
0xa5: {  	s4 =	ssub.s32 $0x0, s20;
	[sflag:s22] =	ssyncset.done $0x0  }
0xa6: {  	[sflag:s22] =	ssyncadd.s32 s4;
	_ =	sdelay $0x1  }
0xa7: {  	s23 =	simm.s32 $0x1B8B  }
0xa8: {  	_ =	swait.ge [sflag:s23], $0x1  }
0xa9: {  	[sflag:s23] =	ssyncset.done $0x0  }
0xaa: {  	s25 =	simm.s32 $0x1B8E;
	s24 =	sld [smem:$0x3FFE];
	[sflag:s23] =	ssyncadd.s32 $0xFFFFFFFF  }
0xab: {  	s26 =	simm.s32 $execute0_lowered;
	[smem:$0x3FD2] =	sst s25  }
0xac: {  	s5 =	sshll.u32 s26, $0x1;
	_ =	strace $0x8000005B;
	[dreg:$0x1] =	wrdreg $0xFFFFFFFF  }
0xad: {  	s28 =	simm.s32 $_size_execute0_lowered;
	s3 =	sadd.s32 s3, s5;
	[dreg:$0x0] =	wrdreg $0x0  }
0xae: {  	s5 =	sshll.u32 s28, $0x1;
	[dreg:$0x2] =	wrdreg s3  }
0xaf: {  	[dreg:$0x3] =	wrdreg s5  }
0xb0: {  	[dreg:$0x4] =	wrdreg $0xC0  }
0xb1: {  	_ =	task [dreg:s7], $0x5FFFF  }
0xb2: {  	[dreg:$0x1] =	wrdreg $0xFFFFFFFF  }
0xb3: {  	[dreg:$0x0] =	wrdreg $0x60  }
0xb4: {  	[dreg:$0x2] =	wrdreg s24  }
0xb5: {  	[dreg:$0x3] =	wrdreg s16  }
0xb6: {  	[dreg:$0x4] =	wrdreg $0x9  }
0xb7: {  	_ =	task.clear_ibuf [dreg:s7], $0x5FFFF;
	_ =	strace $0x9000005B  }
0xb8: {  	s29 =	simm.s32 $0x9;
	_ =	strace $0x8000005D  }
0xb9: {  	_ =	swait.ge [sflag:s29], $0x1  }
0xba: {  	[sflag:s29] =	ssyncadd.s32 $0xFFFFFFFF  }
0xbb: {  	_ =	strace $0x9000005D  }
0xbc: {  	_ =	sfence  }
0xbd: {  	s30 =	sld [smem:$0x0];
	_ =	sdelay $0x2  }
0xbe: {  	s31 =	sshll.u32 s1, $0xD;
	s1 =	sshrl.u32 s1, $0x2  }
0xbf: {  	s3 =	sand.u32 $0x4000, s31;
	s1 =	sadd.s32 s1, s30  }
0xc0: {  	s0 =	sor.u32 s3, s0;
	s1 =	sshll.u32 s1, $0x11  }
0xc1: {  	s0 =	sor.u32 s1, s0  }
0xc2: {  	s0 =	sadd.s32 $0x8F2B, s0  }
0xc3: {  	[sflag:s0] =	ssyncadd.remote.s32 $0x1  }
0xc4: {  	_ =	sfence.sel $0xFFFF  }
0xc5: {  	[dreg:$0x0] =	wrdreg $0xFFFFFFFF;
	(pc) =	sbr.abs _section_cstart, $3  }
0xc6: {  	[dreg:$0x1] =	wrdreg $0xFFFFFFFF  }
0xc7: {  	_ =	task.clear_ibuf [dreg:s7], $0x2FFFF;
	_ =	strace $0x9FFFFFFF  }
0xc8: {  	(tm) =	ssettm $0x7FFFFFFF  }
0xc9: {  	_ =	shalt  }
tec
execute0_lowered:
.L_overlay_start_1:
0x0: {  	(tag) =	ssettag $0x1  }
0x1: {  	s4 =	rddreg [dreg:$0x0]  }
0x2: {  	s8 =	rddreg [dreg:$0x1]  }
0x3: {  	s0 =	rddreg [dreg:$0x2]  }
0x4: {  	s1 =	stileid.u32;
	s2 =	srdreg.scid;
	_ =	strace $0x8000005C  }
0x5: {  	s3 =	simm.s32 $0x1;
	s10 =	simm.s32 $0x1;
	s30 =	simm.s32 $0x3  }
0x6: {  	s12 =	simm.s32 $0x0;
	s5 =	sand.u32 $0x1, s2;
	s6 =	sshll.u32 s1, $0x1  }
0x7: {  	s11 =	simm.s32 $0x0;
	s2 =	sadd.s32 $0x440000, s4;
	s7 =	sor.u32 s6, s5  }
0x8: {  	s4 =	sadd.s32 $0x40000, s4;
	[sflag:s3] =	ssyncpa.u1 $0x0;
	s5 =	smul.u32 $0x1800, s7  }
0x9: {  	s6 =	simm.s32 $0x2;
	p0 =	seq.s32 s7, $0x0;
	s7 =	simm.s32 $0x30000  }
.Ltmp0:
0xa: {  	s7 =	simm.s32 @!p0 $0x0;
	s9 =	ssub.s32 $0x30000, s5;
	(pc) =	sbr.rel .LBB2_1-.Ltmp0, $4  }
0xb: {  	s10 =	simm.s32 @!p0 $0x0;
	p0 =	sne.s32 s9, s7;
	s7 =	simm.s32 $0x1  }
0xc: {  	[sflag:s6] =	ssyncpa.u1 $0x0;
	s31 =	sshrl.u32 s5, $0x3;
	s7 =	simm.s32 @!p0 $0x0  }
0xd: {  	[sflag:s30] =	ssyncpa.u1 $0x0;
	s8 =	sadd.s32 s8, s31;
	s7 =	sadd.s32 s10, s7  }
0xe: {  	vm0 =	vmmov $0xffff;
	p0 =	por $0x0, $0x0;
	s10 =	simm.s32 $0x0;
	s9 =	sadd.s32 $0x1, s7  }
.LBB2_4:
0xf: {  	_ =	sdelay $0x2  }
0x10: {  	s14 =	sadd.s32 s18, s13  }
0x11: {  	[tilespmem:s14], [sflag:$0x1] =	stream.indirect_vreg.gather [hbm4b:s2+s10], $0x1, v0, vm0, $0x4038;
	[tilespmem:$0x1B000] =	vst v63  }
0x12: {  	_ =	swait.ge [sflag:s3], $0xC000  }
0x13: {  	[sflag:s3] =	ssyncset.done $0x0  }
0x14: {  	s12 =	sadd.s32 s4, s12;
	[sflag:s3] =	ssyncadd.s32 $0xFFFF4000  }
0x15: {  	[hbm:s12] =	stream.linear.scatter [tilespmem:s13], [sflag:$0x3], $0xC000, $0x38;
	[tilespmem:$0x1B000] =	vst v63  }
.LBB2_5:
0x16: {  	p2 =	sne.s32 s11, s9  }
.Ltmp1:
0x17: {  	p1 =	slt.u32 s11, $0x2;
	(pc) =	sbr.rel @!p2 .LBB2_6-.Ltmp1, $4  }
0x18: {  	s12 =	simm.s32 @!p1 $0x3  }
0x19: {  	_ =	swait.ge @!p1 [sflag:s12], $0xC000  }
0x1a: {  	s13 =	sadd.s32 $0x1, s11;
	p0 =	por !p0, !p0;
	[sflag:s12] =	ssyncset.done @!p1 $0x0  }
0x1b: {  	s11 =	smov.u32 s13;
	[sflag:s12] =	ssyncadd.s32 @!p1 $0xFFFF4000;
	s12 =	smov.u32 s5  }
.LBB2_1:
0x1c: {  	p1 =	sge.u32 s11, s7  }
0x1d: {  	s13 =	sxor.u32 @!p1 $0x1, s11  }
0x1e: {  	s13 =	smul.u32 @!p1 $0x6000, s13;
	_ =	sdelay $0x1  }
0x1f: {  	s31 =	sadd.s32 $0xFFFFFFFF, s11;
	s14 =	simm.s32 @!p1 $0x0;
	s13 =	sshra.s32 @!p1 s13, $0x2  }
0x20: {  	[tilespmem:s13], [sflag:$0x2] =	stream.linear.gather @!p1 [hbm4b:s8+s14], $0x1800, $0x38;
	[tilespmem:$0x1B000] =	vst v63  }
0x21: {  	p1 =	sge.u32 s31, s7  }
.Ltmp2:
0x22: {  	_ = 	snop;
	(pc) =	sbr.rel @p1 .LBB2_5-.Ltmp2, $1  }
0x23: {  	_ =	sdelay $0x3  }
0x24: {  	s13 =	simm.s32 $0x1  }
0x25: {  	s13 =	simm.s32 @!p0 $0x0  }
0x26: {  	_ =	swait.ge [sflag:s6], $0x1800;
	s13 =	smul.u32 $0x6000, s13  }
0x27: {  	[sflag:s6] =	ssyncset.done $0x0  }
0x28: {  	[sflag:s6] =	ssyncadd.s32 $0xFFFFE800;
	s16 =	sshrl.u32 s13, $0x2  }
0x29: {  	v0 =	vld.msk [tilespmem:s16+$0x0 ss:$0x1], $0xffff;
	_ =	sdelay $0x4  }
0x2a: {  	v1 =	vshrl.u32 v0, $0xD;
	v2 =	vshll.u32 v0, $0x16  }
0x2b: {  	v3 =	vshll.u32 v0, $0x9;
	vm1 =	veq.s32 v0, $0x80000000;
	v0 =	vand.u32 $0xFF, v1  }
0x2c: {  	v1 =	vand.u32 $0xC00000, v2;
	v2 =	vand.u32 $0x3FF800, v3;
	v0 =	vsel vm1, $0xFFFFFFFF, v0  }
0x2d: {  	v1 =	vor.u32 v2, v1;
	v2 =	vshll.u32 v0, $0x3  }
0x2e: {  	s25 =	sand.u32 $0x1, s11;
	v1 =	vsel vm1, $0xFFBFF800, v1;
	v2 =	vand.u32 $0xFFFFFC00, v2  }
0x2f: {  	s13 =	smul.u32 $0x30000, s25;
	v0 =	vand.u32 $0x7F, v0;
	v1 =	vadd.s32 v1, v2  }
0x30: {  	v0 =	vor.u32 v0, v1  }
0x31: {  	s14 =	simm.s32 $0x0;
	s13 =	sshrl.u32 s13, $0x2  }
0x32: {  	s15 =	sand.u32 $0xFC00, s14;
	s13 =	sor.u32 $0x3000, s13  }
0x33: {  	s17 =	sand.u32 $0x70, s14;
	(ifvalue) =	ssetifvalue $0x7FFFFFFF;
	s15 =	sadd.s32 s15, s13;
	v1 =	vor.u32 $0x80, v0  }
0x34: {  	(ifvalue) =	ssetifvalue $0x7FFFFFFF;
	s15 =	sadd.s32 s17, s15  }
0x35: {  	[tilespmem:s15], [sflag:$0x1] =	stream.indirect_vreg.gather [hbm4b:s2+s10], $0x1, v0, vm0, $0x4038;
	[tilespmem:$0x1B000] =	vst v63  }
0x36: {  	v2 =	vor.u32 $0x100, v0;
	(ifvalue) =	ssetifvalue $0x7FFFFFFF  }
0x37: {  	s17 =	sadd.s32 $0x80, s15;
	(ifvalue) =	ssetifvalue $0x7FFFFFFF  }
0x38: {  	[tilespmem:s17], [sflag:$0x1] =	stream.indirect_vreg.gather [hbm4b:s2+s10], $0x1, v1, vm0, $0x4038;
	[tilespmem:$0x1B000] =	vst v63  }
0x39: {  	v1 =	vor.u32 $0x180, v0;
	(ifvalue) =	ssetifvalue $0x7FFFFFFF  }
0x3a: {  	s26 =	sadd.s32 $0x100, s15;
	(ifvalue) =	ssetifvalue $0x7FFFFFFF  }
0x3b: {  	[tilespmem:s26], [sflag:$0x1] =	stream.indirect_vreg.gather [hbm4b:s2+s10], $0x1, v2, vm0, $0x4038;
	[tilespmem:$0x1B000] =	vst v63  }
0x3c: {  	v2 =	vor.u32 $0x200, v0;
	(ifvalue) =	ssetifvalue $0x7FFFFFFF  }
0x3d: {  	s28 =	sadd.s32 $0x180, s15;
	(ifvalue) =	ssetifvalue $0x7FFFFFFF  }
0x3e: {  	[tilespmem:s28], [sflag:$0x1] =	stream.indirect_vreg.gather [hbm4b:s2+s10], $0x1, v1, vm0, $0x4038;
	[tilespmem:$0x1B000] =	vst v63  }
0x3f: {  	(ifvalue) =	ssetifvalue $0x7FFFFFFF;
	v1 =	vor.u32 $0x280, v0  }
0x40: {  	s29 =	sadd.s32 $0x200, s15;
	(ifvalue) =	ssetifvalue $0x7FFFFFFF  }
0x41: {  	[tilespmem:s29], [sflag:$0x1] =	stream.indirect_vreg.gather [hbm4b:s2+s10], $0x1, v2, vm0, $0x4038;
	[tilespmem:$0x1B000] =	vst v63  }
0x42: {  	(ifvalue) =	ssetifvalue $0x7FFFFFFF;
	v2 =	vor.u32 $0x300, v0  }
0x43: {  	s31 =	sand.u32 $0x7, s14;
	s30 =	sadd.s32 $0x280, s15;
	(ifvalue) =	ssetifvalue $0x7FFFFFFF  }
0x44: {  	[tilespmem:s30], [sflag:$0x1] =	stream.indirect_vreg.gather [hbm4b:s2+s10], $0x1, v1, vm0, $0x4038;
	[tilespmem:$0x1B000] =	vst v63  }
0x45: {  	s17 =	sshll.u32 s31, $0x4;
	(ifvalue) =	ssetifvalue $0x7FFFFFFF  }
0x46: {  	s15 =	sadd.s32 $0x300, s15;
	s17 =	sadd.s32 $0x0, s17;
	v0 =	vor.u32 $0x380, v0;
	(ifvalue) =	ssetifvalue $0x7FFFFFFF  }
0x47: {  	[tilespmem:s15], [sflag:$0x1] =	stream.indirect_vreg.gather [hbm4b:s2+s10], $0x1, v2, vm0, $0x4038;
	[tilespmem:$0x1B000] =	vst v63  }
0x48: {  	s16 =	sadd.s32 $0x10, s16;
	s18 =	sor.u32 $0x380, s17;
	(ifvalue) =	ssetifvalue $0x7FFFFFFF  }
0x49: {  	s17 =	simm.s32 $0x0;
	s15 =	simm.s32 $0x10;
	(ifvalue) =	ssetifvalue $0x7FFFFFFF  }
.LBB2_3:
0x4a: {  	s18 =	sadd.s32 s18, s13;
	s14 =	sadd.s32 $0x80, s14;
	s17 =	sadd.s32 $0x1, s17  }
0x4b: {  	[tilespmem:s18], [sflag:$0x1] =	stream.indirect_vreg.gather [hbm4b:s2+s10], $0x1, v0, vm0, $0x4038;
	[tilespmem:$0x1B000] =	vst v63  }
0x4c: {  	p1 =	sne.s32 s15, $0x17F0;
	s18 =	smov.u32 s15;
	s15 =	sadd.s32 $0x10, s15;
	v0 =	vld.msk [tilespmem:s16+$0x0 ss:$0x1], $0xffff  }
0x4d: {  	(ifvalue) =	ssetifvalue $0x7FFFFFFF;
	_ =	sdelay $0x4  }
0x4e: {  	v1 =	vshrl.u32 v0, $0xD;
	v2 =	vshll.u32 v0, $0x16;
	v3 =	vshll.u32 v0, $0x9  }
0x4f: {  	vm1 =	veq.s32 v0, $0x80000000;
	v0 =	vand.u32 $0xFF, v1;
	v1 =	vand.u32 $0xC00000, v2  }
0x50: {  	v2 =	vand.u32 $0x3FF800, v3;
	v0 =	vsel vm1, $0xFFFFFFFF, v0  }
0x51: {  	v1 =	vor.u32 v2, v1;
	v2 =	vshll.u32 v0, $0x3  }
0x52: {  	v1 =	vsel vm1, $0xFFBFF800, v1;
	v2 =	vand.u32 $0xFFFFFC00, v2  }
0x53: {  	v0 =	vand.u32 $0x7F, v0;
	v1 =	vadd.s32 v1, v2  }
0x54: {  	v0 =	vor.u32 v0, v1;
	_ =	sdelay $0x1  }
0x55: {  	s19 =	sand.u32 $0xFC00, s14  }
0x56: {  	s18 =	sand.u32 $0x70, s18;
	s19 =	sadd.s32 s19, s13;
	v1 =	vor.u32 $0x80, v0  }
0x57: {  	s18 =	sadd.s32 s18, s19;
	(ifvalue) =	ssetifvalue $0x7FFFFFFF  }
0x58: {  	[tilespmem:s18], [sflag:$0x1] =	stream.indirect_vreg.gather [hbm4b:s2+s10], $0x1, v0, vm0, $0x4038;
	[tilespmem:$0x1B000] =	vst v63  }
0x59: {  	v2 =	vor.u32 $0x100, v0;
	(ifvalue) =	ssetifvalue $0x7FFFFFFF  }
0x5a: {  	s19 =	sadd.s32 $0x80, s18;
	(ifvalue) =	ssetifvalue $0x7FFFFFFF  }
0x5b: {  	[tilespmem:s19], [sflag:$0x1] =	stream.indirect_vreg.gather [hbm4b:s2+s10], $0x1, v1, vm0, $0x4038;
	[tilespmem:$0x1B000] =	vst v63  }
0x5c: {  	v1 =	vor.u32 $0x180, v0;
	(ifvalue) =	ssetifvalue $0x7FFFFFFF  }
0x5d: {  	s19 =	sadd.s32 $0x100, s18;
	(ifvalue) =	ssetifvalue $0x7FFFFFFF  }
0x5e: {  	[tilespmem:s19], [sflag:$0x1] =	stream.indirect_vreg.gather [hbm4b:s2+s10], $0x1, v2, vm0, $0x4038;
	[tilespmem:$0x1B000] =	vst v63  }
0x5f: {  	v2 =	vor.u32 $0x200, v0;
	(ifvalue) =	ssetifvalue $0x7FFFFFFF  }
0x60: {  	s19 =	sadd.s32 $0x180, s18;
	(ifvalue) =	ssetifvalue $0x7FFFFFFF  }
0x61: {  	[tilespmem:s19], [sflag:$0x1] =	stream.indirect_vreg.gather [hbm4b:s2+s10], $0x1, v1, vm0, $0x4038;
	[tilespmem:$0x1B000] =	vst v63  }
0x62: {  	v1 =	vor.u32 $0x280, v0;
	(ifvalue) =	ssetifvalue $0x7FFFFFFF  }
0x63: {  	s19 =	sadd.s32 $0x200, s18;
	(ifvalue) =	ssetifvalue $0x7FFFFFFF  }
0x64: {  	[tilespmem:s19], [sflag:$0x1] =	stream.indirect_vreg.gather [hbm4b:s2+s10], $0x1, v2, vm0, $0x4038;
	[tilespmem:$0x1B000] =	vst v63  }
0x65: {  	v2 =	vor.u32 $0x300, v0;
	(ifvalue) =	ssetifvalue $0x7FFFFFFF  }
0x66: {  	s19 =	sadd.s32 $0x280, s18;
	(ifvalue) =	ssetifvalue $0x7FFFFFFF  }
0x67: {  	[tilespmem:s19], [sflag:$0x1] =	stream.indirect_vreg.gather [hbm4b:s2+s10], $0x1, v1, vm0, $0x4038;
	[tilespmem:$0x1B000] =	vst v63  }
.Ltmp3:
0x68: {  	v0 =	vor.u32 $0x380, v0;
	s19 =	sand.u32 $0x7, s17;
	(ifvalue) =	ssetifvalue $0x7FFFFFFF;
	(pc) =	sbr.rel @p1 .LBB2_3-.Ltmp3, $4  }
0x69: {  	s18 =	sadd.s32 $0x300, s18;
	s19 =	sshll.u32 s19, $0x4;
	(ifvalue) =	ssetifvalue $0x7FFFFFFF  }
0x6a: {  	[tilespmem:s18], [sflag:$0x1] =	stream.indirect_vreg.gather [hbm4b:s2+s10], $0x1, v2, vm0, $0x4038;
	[tilespmem:$0x1B000] =	vst v63  }
0x6b: {  	s18 =	sadd.s32 s19, s14;
	(ifvalue) =	ssetifvalue $0x7FFFFFFF  }
0x6c: {  	s16 =	sadd.s32 $0x10, s16;
	s18 =	sor.u32 $0x380, s18;
	(ifvalue) =	ssetifvalue $0x7FFFFFFF  }
.Ltmp4:
0x6d: {  	_ = 	snop;
	(pc) =	sbr.rel .LBB2_4-.Ltmp4, $1  }
0x6e: {  	_ =	sdelay $0x3  }
.LBB2_6:
0x6f: {  	_ =	sfence.sel $0x180000  }
0x70: {  	s2 =	simm.s32 $0x2;
	[bflag:$0x0] =	sbarrier.arrive $0xFFFF  }
0x71: {  	s30 =	simm.s32 $0x3;
	[sflag:s2] =	ssyncpa.u1 $0x1  }
0x72: {  	s31 =	simm.s32 $0x1;
	[sflag:s30] =	ssyncpa.u1 $0x1  }
0x73: {  	[sflag:s31] =	ssyncpa.u1 $0x1  }
0x74: {  	p0 =	sne.s32 s1, $0x0;
	_ =	strace $0x9000005C  }
0x75: {  	s0 =	sadd.s32 @!p0 $0x100000, s0;
	[bflag:$0x2] =	sbarrier.arrive $0xFFFF  }
0x76: {  	[sflag:s0] =	ssyncadd.tile.s32 @!p0 $0x1;
	_ =	shalt  }
.Lfunc_end2:
_tile_overlayer_lowered:
.L_overlay_start_2:
0x77: {  	(tag) =	ssettag $0x2  }
0x78: {  	s0 =	rddreg [dreg:$0x0];
	s2 =	stileid.u32  }
0x79: {  	s1 =	rddreg [dreg:$0x1];
	p0 =	sne.s32 s2, $0x0  }
0x7a: {  	s3 =	rddreg [dreg:$0x2];
	[bflag:$0x3] =	sbarrier.arrive $0xFFFF;
	s2 =	simm.s32 @!p0 $0x1C01  }
0x7b: {  	[timem:s3], [sflag:s2] =	dma.local @!p0 [hbm:s0], s1  }
0x7c: {  	s0 =	simm.s32 @!p0 $0x1  }
0x7d: {  	_ =	swait.ge @!p0 [sflag:s0], s1  }
0x7e: {  	s1 =	ssub.s32 @!p0 $0x0, s1;
	[sflag:s0] =	ssyncset.done @!p0 $0x0  }
0x7f: {  	[sflag:s0] =	ssyncadd.s32 @!p0 s1  }
0x80: {  	[bflag:$0x3] =	sbarrier.arrive $0xFFFF  }
0x81: {  	_ =	shalt  }

// kernel: gather_offload_async_start.5
scs
__scs_entry_jumppad:
0x0: {  	(pc) =	sbr.rel $0x88, $3  }
0x1: {  	(tag) =	ssettag $0x0;
	lr =	simm.s32 $0x1  }
0x2: {  	[smem:$0x3F87] =	sst lr;
	_ =	strace $0xD0000000  }
0x3: {  	_ = 	snop  }
0x4: {  	_ = 	snop  }
0x5: {  	_ = 	snop  }
0x6: {  	_ = 	snop  }
0x7: {  	_ = 	snop  }
__scs_overlays_trampoline_lowered:
0x8: {  	[smem:$0x3F96] =	sst s0  }
0x9: {  	[smem:$0x3F97] =	sst s1  }
0xa: {  	[smem:$0x3F98] =	sst s2  }
0xb: {  	[smem:$0x3F99] =	sst s3  }
0xc: {  	[smem:$0x3F9A] =	sst s4  }
0xd: {  	[smem:$0x3F9B] =	sst s5  }
0xe: {  	[smem:$0x3F9C] =	sst s6  }
0xf: {  	[smem:$0x3F9D] =	sst s7  }
0x10: {  	[smem:$0x3F9E] =	sst s8  }
0x11: {  	[smem:$0x3F9F] =	sst s9;
	s0 =	simm.s32 @!p0 $0x0  }
0x12: {  	s1 =	sld [smem:$0x3F85];
	s0 =	simm.s32 @p0 $0x1  }
0x13: {  	[smem:$0x3FA0] =	sst s0;
	s0 =	simm.s32 @!p1 $0x0  }
0x14: {  	s2 =	sld [smem:$0x3F84];
	s0 =	simm.s32 @p1 $0x1  }
0x15: {  	[smem:$0x3FA1] =	sst s0;
	s0 =	simm.s32 @!p2 $0x0  }
0x16: {  	s3 =	sld [smem:$0x3FDB];
	s0 =	simm.s32 @p2 $0x1  }
0x17: {  	s4 =	simm.s32 $0x1BF5;
	[smem:$0x3FA3] =	sst s0  }
0x18: {  	s0 =	sld [smem:$0x3F86];
	_ =	swait.ge [sflag:s4], $0x0  }
0x19: {  	s7 =	sld [smem:$0x3F87]  }
0x1a: {  	s8 =	sadd.s32 $0xFFFFE003, lr  }
0x1b: {  	s9 =	sadd.s32 $0xFFFFFEF7, lr;
	s5 =	simm.s32 $0xFFFFFFFF;
	p2 =	slt.u32 s8, $0xFFFFF086  }
0x1c: {  	p1 =	slt.u32 s9, $0xF7A;
	s5 =	simm.s32 @!p2 $0x0  }
0x1d: {  	s5 =	simm.s32 @p1 $0x1;
	p0 =	seq.s32 s7, s2  }
0x1e: {  	s7 =	smul.u32 @!p0 $0xF7A, s2;
	p2 =	seq.s32 @!p0 s5, $0x0  }
0x1f: {  	s9 =	smul.u32 $0xF7A, s1;
	s8 =	simm.s32 @!p0 $0x1BF5;
	p2 =	por !p2, p0  }
0x20: {  	[sflag:s8] =	ssyncset.s32 @!p0 $0xFFFFF086;
	s6 =	sadd.s32 @!p0 s3, s7;
	s7 =	simm.s32 @!p0 $0x108  }
0x21: {  	s3 =	sadd.s32 s3, s9;
	s6 =	sadd.s32 @!p0 $0x88, s6;
	s7 =	simm.s32 @p2 $0x1082  }
0x22: {  	[simem:s7], [sflag:s8] =	dma.local @!p0 [hbm:s6], $0xF7A  }
0x23: {  	s9 =	sor.u32 $0xD0000000, s2;
	s6 =	simm.s32 $0x108;
	_ =	swait.ge @!p0 [sflag:s8], $0x0  }
0x24: {  	s3 =	sadd.s32 $0x88, s3;
	s6 =	simm.s32 @!p1 $0x1082;
	[sflag:s4] =	ssyncset.s32 $0xFFFFF086  }
0x25: {  	[simem:s6], [sflag:s4] =	dma.local [hbm:s3], $0xF7A  }
0x26: {  	[smem:$0x3F87] =	sst s1;
	(tag) =	ssettag s2;
	_ =	strace s9  }
0x27: {  	s1 =	sld [smem:$0x3F97]  }
0x28: {  	s2 =	sld [smem:$0x3F98]  }
0x29: {  	s4 =	sld [smem:$0x3F9A]  }
0x2a: {  	p0 =	seq.s32 s5, $0x0;
	s5 =	sld [smem:$0x3F9B]  }
0x2b: {  	s6 =	sld [smem:$0x3F9C]  }
0x2c: {  	s7 =	sld [smem:$0x3F9D]  }
0x2d: {  	s3 =	simm.s32 $0x108;
	s8 =	sld [smem:$0x3F9E]  }
0x2e: {  	s3 =	simm.s32 @!p0 $0x1082;
	s9 =	sld [smem:$0x3F9F]  }
0x2f: {  	lr =	sadd.s32 s0, s3;
	s0 =	sld [smem:$0x3F96]  }
0x30: {  	s3 =	sld [smem:$0x3F99]  }
0x31: {  	[smem:$0x3FA2] =	sst s10  }
0x32: {  	s10 =	sld [smem:$0x3FA0];
	_ =	sdelay $0x3  }
0x33: {  	p0 =	seq.s32 s10, $0x1;
	s10 =	sld [smem:$0x3FA2];
	_ =	sdelay $0x3  }
0x34: {  	[smem:$0x3FA2] =	sst s10  }
0x35: {  	s10 =	sld [smem:$0x3FA1];
	_ =	sdelay $0x3  }
0x36: {  	p1 =	seq.s32 s10, $0x1;
	s10 =	sld [smem:$0x3FA2];
	_ =	sdelay $0x3  }
0x37: {  	[smem:$0x3FA2] =	sst s10  }
0x38: {  	s10 =	sld [smem:$0x3FA3]  }
0x39: {  	_ = 	snop;
	(pc) =	sbr.ind lr, $3  }
0x3a: {  	_ = 	snop  }
0x3b: {  	_ = 	snop  }
0x3c: {  	p2 =	seq.s32 s10, $0x1;
	s10 =	sld [smem:$0x3FA2]  }
0x3d: {  	_ =	shalt  }
0x3e: {  	_ =	shalt  }
0x3f: {  	_ =	shalt  }
0x40: {  	_ =	shalt  }
0x41: {  	_ =	shalt  }
0x42: {  	_ =	shalt  }
0x43: {  	_ =	shalt  }
0x44: {  	_ =	shalt  }
0x45: {  	_ =	shalt  }
0x46: {  	_ =	shalt  }
0x47: {  	_ =	shalt  }
0x48: {  	_ =	shalt  }
0x49: {  	_ =	shalt  }
0x4a: {  	_ =	shalt  }
0x4b: {  	_ =	shalt  }
0x4c: {  	_ =	shalt  }
0x4d: {  	_ =	shalt  }
0x4e: {  	_ =	shalt  }
0x4f: {  	_ =	shalt  }
0x50: {  	_ =	shalt  }
0x51: {  	_ =	shalt  }
0x52: {  	_ =	shalt  }
0x53: {  	_ =	shalt  }
0x54: {  	_ =	shalt  }
0x55: {  	_ =	shalt  }
0x56: {  	_ =	shalt  }
0x57: {  	_ =	shalt  }
0x58: {  	_ =	shalt  }
0x59: {  	_ =	shalt  }
0x5a: {  	_ =	shalt  }
0x5b: {  	_ =	shalt  }
0x5c: {  	_ =	shalt  }
0x5d: {  	_ =	shalt  }
0x5e: {  	_ =	shalt  }
0x5f: {  	_ =	shalt  }
0x60: {  	_ =	shalt  }
0x61: {  	_ =	shalt  }
0x62: {  	_ =	shalt  }
0x63: {  	_ =	shalt  }
0x64: {  	_ =	shalt  }
0x65: {  	_ =	shalt  }
0x66: {  	_ =	shalt  }
0x67: {  	_ =	shalt  }
0x68: {  	_ =	shalt  }
0x69: {  	_ =	shalt  }
0x6a: {  	_ =	shalt  }
0x6b: {  	_ =	shalt  }
0x6c: {  	_ =	shalt  }
0x6d: {  	_ =	shalt  }
0x6e: {  	_ =	shalt  }
0x6f: {  	_ =	shalt  }
0x70: {  	_ =	shalt  }
0x71: {  	_ =	shalt  }
0x72: {  	_ =	shalt  }
0x73: {  	_ =	shalt  }
0x74: {  	_ =	shalt  }
0x75: {  	_ =	shalt  }
0x76: {  	_ =	shalt  }
0x77: {  	_ =	shalt  }
0x78: {  	_ =	shalt  }
0x79: {  	_ =	shalt  }
0x7a: {  	_ =	shalt  }
0x7b: {  	_ =	shalt  }
0x7c: {  	_ =	shalt  }
0x7d: {  	_ =	shalt  }
0x7e: {  	_ =	shalt  }
0x7f: {  	_ =	shalt  }
0x80: {  	_ =	shalt  }
0x81: {  	_ =	shalt  }
0x82: {  	_ =	shalt  }
0x83: {  	_ =	shalt  }
0x84: {  	_ =	shalt  }
0x85: {  	_ =	shalt  }
0x86: {  	_ =	shalt  }
0x87: {  	_ =	shalt  }
.Lfunc_end0:
.L_simem_size_0:
called_computation.6_lowered:
.L_overlay_start_0:
0x88: {  	s2 =	sld [smem:$0x3FD9]  }
0x89: {  	s3 =	sld [smem:$0x3FFE];
	_ =	sdelay $0x1  }
0x8a: {  	s1 =	srdreg.scid  }
0x8b: {  	s0 =	sand.u32 $0x1, s1  }
0x8c: {  	s16 =	sshll.u32 s0, $0xA;
	s2 =	sadd.s32 s3, s2  }
0x8d: {  	s2 =	sadd.s32 s2, s16  }
0x8e: {  	[smem:$0x3FAE] =	sst s2  }
0x8f: {  	_ = 	snop  }
0x90: {  	(tm) =	ssettm $0x1  }
0x91: {  	s17 =	sld [smem:$0x3FFB];
	_ =	sdelay $0x3  }
0x92: {  	_ =	strace s17  }
0x93: {  	s2 =	sld [smem:$0x3FFC];
	_ =	sdelay $0x3  }
0x94: {  	_ =	strace s2  }
0x95: {  	s2 =	sld [smem:$0x3FFD];
	_ =	sdelay $0x3  }
0x96: {  	_ =	strace s2  }
0x97: {  	_ =	strace $0x8FFFFFFF  }
0x98: {  	s18 =	sld [smem:$0x3FDB];
	_ =	sdelay $0x1  }
0x99: {  	s19 =	simm.s32 $_scs_section_size  }
0x9a: {  	s4 =	simm.s32 $_size__tile_overlayer_lowered;
	s5 =	simm.s32 $_tile_overlayer_lowered  }
0x9b: {  	s22 =	simm.s32 $0x1BFF;
	s21 =	sshll.u32 s5, $0x1;
	s2 =	sadd.s32 s19, s18  }
0x9c: {  	s6 =	simm.s32 $0x0;
	s20 =	sshll.u32 s4, $0x1;
	s4 =	sadd.s32 s21, s2  }
0x9d: {  	[timem:s6], [sflag:s22] =	dma.local [hbm:s4], s20  }
0x9e: {  	_ =	swait.ge [sflag:s22], s20  }
0x9f: {  	s3 =	ssub.s32 $0x0, s20;
	[sflag:s22] =	ssyncset.done $0x0  }
0xa0: {  	[sflag:s22] =	ssyncadd.s32 s3;
	_ =	sdelay $0x1  }
0xa1: {  	s23 =	simm.s32 $0x1B8B  }
0xa2: {  	_ =	swait.ge [sflag:s23], $0x1  }
0xa3: {  	[sflag:s23] =	ssyncset.done $0x0  }
0xa4: {  	s25 =	simm.s32 $0x1B8E;
	s24 =	sld [smem:$0x3FFE];
	[sflag:s23] =	ssyncadd.s32 $0xFFFFFFFF  }
0xa5: {  	s26 =	simm.s32 $execute0_lowered;
	[smem:$0x3FD2] =	sst s25  }
0xa6: {  	s4 =	sshll.u32 s26, $0x1;
	_ =	strace $0x8000005E;
	[dreg:$0x1] =	wrdreg $0xFFFFFFFF  }
0xa7: {  	s28 =	simm.s32 $_size_execute0_lowered;
	s2 =	sadd.s32 s2, s4;
	[dreg:$0x0] =	wrdreg $0x0  }
0xa8: {  	s4 =	sshll.u32 s28, $0x1;
	[dreg:$0x2] =	wrdreg s2  }
0xa9: {  	[dreg:$0x3] =	wrdreg s4  }
0xaa: {  	[dreg:$0x4] =	wrdreg $0xC0  }
0xab: {  	_ =	task [dreg:s6], $0x5FFFF  }
0xac: {  	[dreg:$0x1] =	wrdreg $0xFFFFFFFF  }
0xad: {  	[dreg:$0x0] =	wrdreg $0x60  }
0xae: {  	[dreg:$0x2] =	wrdreg s24  }
0xaf: {  	[dreg:$0x3] =	wrdreg $0x9  }
0xb0: {  	_ =	task.clear_ibuf [dreg:s6], $0x4FFFF;
	_ =	strace $0x9000005E  }
0xb1: {  	s29 =	simm.s32 $0x9;
	_ =	strace $0x80000060  }
0xb2: {  	_ =	swait.ge [sflag:s29], $0x1  }
0xb3: {  	[sflag:s29] =	ssyncadd.s32 $0xFFFFFFFF  }
0xb4: {  	_ =	strace $0x90000060  }
0xb5: {  	_ =	sfence  }
0xb6: {  	s30 =	sld [smem:$0x0];
	_ =	sdelay $0x2  }
0xb7: {  	s31 =	sshll.u32 s1, $0xD;
	s1 =	sshrl.u32 s1, $0x2  }
0xb8: {  	s3 =	sand.u32 $0x4000, s31;
	s1 =	sadd.s32 s1, s30  }
0xb9: {  	s0 =	sor.u32 s3, s0;
	s1 =	sshll.u32 s1, $0x11  }
0xba: {  	s0 =	sor.u32 s1, s0  }
0xbb: {  	s0 =	sadd.s32 $0x8F2B, s0  }
0xbc: {  	[sflag:s0] =	ssyncadd.remote.s32 $0x1  }
0xbd: {  	_ =	sfence.sel $0xFFFF  }
0xbe: {  	[dreg:$0x0] =	wrdreg $0xFFFFFFFF;
	(pc) =	sbr.abs _section_cstart, $3  }
0xbf: {  	[dreg:$0x1] =	wrdreg $0xFFFFFFFF  }
0xc0: {  	_ =	task.clear_ibuf [dreg:s6], $0x2FFFF;
	_ =	strace $0x9FFFFFFF  }
0xc1: {  	(tm) =	ssettm $0x7FFFFFFF  }
tec
execute0_lowered:
.L_overlay_start_1:
0x0: {  	(tag) =	ssettag $0x1  }
0x1: {  	s0 =	srdreg.scid;
	s5 =	rddreg [dreg:$0x0]  }
0x2: {  	s1 =	stileid.u32;
	s6 =	simm.s32 $0x1;
	s9 =	simm.s32 $0x1  }
0x3: {  	s10 =	simm.s32 $0x3;
	s13 =	simm.s32 $0x0;
	s2 =	sshll.u32 s0, $0xC  }
0x4: {  	s12 =	simm.s32 $0x0;
	s3 =	sshll.u32 s1, $0xD;
	s2 =	sand.u32 $0x1000, s2  }
0x5: {  	s0 =	rddreg [dreg:$0x1];
	_ =	strace $0x8000005F;
	s2 =	sor.u32 s3, s2  }
0x6: {  	s4 =	sadd.s32 $0x40000, s5;
	[sflag:s6] =	ssyncpa.u1 $0x0;
	s8 =	ssub.s32 $0x28000, s2  }
.Ltmp0:
0x7: {  	s3 =	sadd.s32 $0x70000, s5;
	s7 =	sand.u32 $0x1F000, s8;
	(pc) =	sbr.rel .LBB2_1-.Ltmp0, $4  }
0x8: {  	s5 =	sadd.s32 $0x45000, s5;
	s11 =	smov.u32 s2;
	p0 =	sne.s32 s7, $0x0  }
0x9: {  	s8 =	sshrl.u32 s8, $0x11;
	s7 =	simm.s32 $0x2;
	s9 =	simm.s32 @!p0 $0x0  }
0xa: {  	[sflag:s7] =	ssyncpa.u1 $0x0;
	p0 =	por $0x0, $0x0;
	s8 =	sadd.s32 s9, s8  }
0xb: {  	vm0 =	vmmov $0xffff;
	[sflag:s10] =	ssyncpa.u1 $0x0;
	s10 =	simm.s32 $0x0;
	s9 =	sadd.s32 $0x1, s8  }
.LBB2_4:
0xc: {  	v3 =	vshrl.u32 v0, $0xD;
	v62 =	vshll.u32 v0, $0x12;
	v2 =	vand.u32 $0x3FF80, v2  }
0xd: {  	v3 =	vand.u32 $0x1F, v3;
	v0 =	vand.u32 $0xC0000, v62;
	v2 =	vsel vm1, $0xFFFFFF80, v2  }
0xe: {  	v3 =	vsel vm1, $0xFFFFFFFF, v3;
	v0 =	vsel vm1, $0xFFFC0000, v0;
	v4 =	vand.u32 $0xFFFFFC00, v2  }
0xf: {  	v0 =	vadd.s32 v0, v4;
	v63 =	vand.u32 $0xFFFFFC00, v3  }
0x10: {  	v2 =	vand.u32 $0x380, v2;
	v0 =	vadd.s32 v63, v0  }
0x11: {  	v3 =	vand.u32 $0x7F, v3;
	v0 =	vor.u32 v2, v0  }
0x12: {  	v0 =	vor.u32 v3, v0;
	_ =	sdelay $0x1  }
0x13: {  	(ifvalue) =	ssetifvalue $0x7FFFFFFF;
	s15 =	sadd.s32 $0x10, s15  }
0x14: {  	[tilespmem:s15], [sflag:$0x1] =	stream.indirect_vreg.gather [hbm4b:s3+s10], $0x1, v1, vm0, $0x4038;
	[tilespmem:$0x4000] =	vst v63  }
0x15: {  	(ifvalue) =	ssetifvalue $0x7FFFFFFF;
	s15 =	sadd.s32 $0x10, s15  }
0x16: {  	[tilespmem:s15], [sflag:$0x1] =	stream.indirect_vreg.gather [hbm4b:s3+s10], $0x1, v0, vm0, $0x4038;
	[tilespmem:$0x4000] =	vst v63  }
0x17: {  	_ =	swait.ge [sflag:s6], $0x1000  }
0x18: {  	s30 =	sshrl.u32 s13, $0x3;
	[sflag:s6] =	ssyncset.done $0x0  }
0x19: {  	s31 =	sand.u32 $0x7, s13;
	s15 =	sadd.s32 s5, s30;
	[sflag:s6] =	ssyncadd.s32 $0xFFFFF000  }
0x1a: {  	[hbm4b:s15+s31] =	stream.linear.scatter [tilespmem:s14], [sflag:$0x3], $0x1000, $0x38;
	[tilespmem:$0x4000] =	vst v63  }
.LBB2_5:
0x1b: {  	s15 =	sadd.s32 $0x20000, s11  }
0x1c: {  	p2 =	sgt.s32 s15, $0x27FFF  }
0x1d: {  	s15 =	smov.u32 @p2 s2;
	p2 =	sne.s32 s12, s9  }
.Ltmp1:
0x1e: {  	p1 =	slt.u32 s12, $0x2;
	(pc) =	sbr.rel @!p2 .LBB2_6-.Ltmp1, $4  }
0x1f: {  	s14 =	simm.s32 @!p1 $0x3  }
0x20: {  	s16 =	sadd.s32 $0x1, s12;
	_ =	swait.ge @!p1 [sflag:s14], $0x1000  }
0x21: {  	s13 =	smov.u32 s11;
	p0 =	por !p0, !p0;
	[sflag:s14] =	ssyncset.done @!p1 $0x0  }
0x22: {  	s12 =	smov.u32 s16;
	s11 =	smov.u32 s15;
	[sflag:s14] =	ssyncadd.s32 @!p1 $0xFFFFF000  }
.LBB2_1:
0x23: {  	p1 =	sge.u32 s12, s8  }
0x24: {  	s14 =	sxor.u32 @!p1 $0xFFFFFFFF, s12  }
0x25: {  	s31 =	sadd.s32 $0xFFFFFFFF, s12;
	s15 =	sshrl.u32 @!p1 s11, $0x3;
	s14 =	sshll.u32 @!p1 s14, $0xC  }
0x26: {  	s16 =	sand.u32 @!p1 $0x7, s11;
	s15 =	sadd.s32 @!p1 s4, s15;
	s14 =	sand.u32 @!p1 $0x1000, s14  }
0x27: {  	[tilespmem:s14], [sflag:$0x2] =	stream.linear.gather @!p1 [hbm4b:s15+s16], $0x1000, $0x38;
	[tilespmem:$0x4000] =	vst v63  }
0x28: {  	p1 =	sge.u32 s31, s8  }
.Ltmp2:
0x29: {  	_ = 	snop;
	(pc) =	sbr.rel @p1 .LBB2_5-.Ltmp2, $1  }
0x2a: {  	_ =	sdelay $0x3  }
0x2b: {  	s14 =	simm.s32 $0x1  }
0x2c: {  	_ =	swait.ge [sflag:s7], $0x1000;
	s14 =	simm.s32 @!p0 $0x0  }
0x2d: {  	[sflag:s7] =	ssyncset.done $0x0;
	s14 =	sshll.u32 s14, $0xC  }
0x2e: {  	[sflag:s7] =	ssyncadd.s32 $0xFFFFF000;
	(ifvalue) =	ssetifvalue $0x7FFFFFFF;
	v0 =	vld.msk [tilespmem:s14+$0x0 ss:$0x1], $0xffff;
	_ =	sdelay $0x2  }
0x2f: {  	s15 =	sadd.s32 $0x10, s14  }
0x30: {  	v3 =	vld.msk [tilespmem:s15+$0x0 ss:$0x1], $0xffff  }
0x31: {  	vm1 =	veq.s32 v0, $0x80000000;
	v1 =	vshll.u32 v0, $0x5  }
0x32: {  	v2 =	vshrl.u32 v0, $0xD;
	v0 =	vshll.u32 v0, $0x12;
	v1 =	vand.u32 $0x3FF80, v1  }
0x33: {  	v2 =	vand.u32 $0x1F, v2;
	v0 =	vand.u32 $0xC0000, v0;
	v1 =	vsel vm1, $0xFFFFFF80, v1  }
0x34: {  	v2 =	vsel vm1, $0xFFFFFFFF, v2;
	v0 =	vsel vm1, $0xFFFC0000, v0;
	v4 =	vand.u32 $0xFFFFFC00, v1  }
0x35: {  	v62 =	vshrl.u32 v3, $0xD;
	v61 =	vand.u32 $0xFFFFFC00, v2;
	v0 =	vadd.s32 v0, v4  }
0x36: {  	vm1 =	veq.s32 v3, $0x80000000;
	v1 =	vand.u32 $0x380, v1;
	v0 =	vadd.s32 v61, v0  }
0x37: {  	v2 =	vand.u32 $0x7F, v2;
	v0 =	vor.u32 v1, v0;
	v1 =	vshll.u32 v3, $0x5  }
0x38: {  	s17 =	sadd.s32 $0x10, s15;
	v4 =	vand.u32 $0x1F, v62;
	v3 =	vshll.u32 v3, $0x12;
	v1 =	vand.u32 $0x3FF80, v1  }
0x39: {  	v2 =	vor.u32 v2, v0;
	v0 =	vld.msk [tilespmem:s17+$0x0 ss:$0x1], $0xffff;
	v3 =	vand.u32 $0xC0000, v3;
	v1 =	vsel vm1, $0xFFFFFF80, v1  }
0x3a: {  	v4 =	vsel vm1, $0xFFFFFFFF, v4;
	v3 =	vsel vm1, $0xFFFC0000, v3;
	v5 =	vand.u32 $0xFFFFFC00, v1  }
0x3b: {  	s31 =	sshll.u32 s12, $0xC;
	v63 =	vand.u32 $0xFFFFFC00, v4;
	v3 =	vadd.s32 v3, v5  }
0x3c: {  	s16 =	simm.s32 $0x20;
	s15 =	sor.u32 $0x2000, s14;
	s14 =	sand.u32 $0x1000, s31;
	v1 =	vand.u32 $0x380, v1;
	v3 =	vadd.s32 v63, v3  }
0x3d: {  	s14 =	sor.u32 $0x2000, s14;
	v4 =	vand.u32 $0x7F, v4;
	(ifvalue) =	ssetifvalue $0x7FFFFFFF;
	s17 =	sadd.s32 $0x10, s17;
	v1 =	vor.u32 v1, v3  }
0x3e: {  	[tilespmem:s15], [sflag:$0x1] =	stream.indirect_vreg.gather [hbm4b:s3+s10], $0x1, v2, vm0, $0x4038;
	vm1 =	veq.s32 v0, $0x80000000;
	v2 =	vshll.u32 v0, $0x5;
	v1 =	vor.u32 v4, v1;
	[tilespmem:$0x4000] =	vst v63  }
.LBB2_3:
0x3f: {  	s16 =	sadd.s32 $0x10, s16;
	v3 =	vshrl.u32 v0, $0xD;
	v4 =	vshll.u32 v0, $0x12;
	v0 =	vld.msk [tilespmem:s17+$0x0 ss:$0x1], $0xffff;
	v2 =	vand.u32 $0x3FF80, v2  }
0x40: {  	p1 =	slt.u32 s16, $0xFF0;
	v3 =	vand.u32 $0x1F, v3;
	v4 =	vand.u32 $0xC0000, v4;
	v2 =	vsel vm1, $0xFFFFFF80, v2  }
.Ltmp3:
0x41: {  	v3 =	vsel vm1, $0xFFFFFFFF, v3;
	v4 =	vsel vm1, $0xFFFC0000, v4;
	v5 =	vand.u32 $0xFFFFFC00, v2;
	(pc) =	sbr.rel @p1 .LBB2_3-.Ltmp3, $4  }
0x42: {  	s15 =	sadd.s32 $0x10, s15;
	v4 =	vadd.s32 v4, v5;
	v5 =	vand.u32 $0xFFFFFC00, v3;
	(ifvalue) =	ssetifvalue $0x7FFFFFFF  }
0x43: {  	v2 =	vand.u32 $0x380, v2;
	v4 =	vadd.s32 v5, v4;
	[tilespmem:s15], [sflag:$0x1] =	stream.indirect_vreg.gather [hbm4b:s3+s10], $0x1, v1, vm0, $0x4038;
	[tilespmem:$0x4000] =	vst v63  }
0x44: {  	v1 =	vand.u32 $0x7F, v3;
	v3 =	vor.u32 v2, v4  }
0x45: {  	s17 =	sadd.s32 $0x10, s17;
	vm1 =	veq.s32 v0, $0x80000000;
	v2 =	vshll.u32 v0, $0x5;
	v1 =	vor.u32 v1, v3  }
.Ltmp4:
0x46: {  	_ = 	snop;
	(pc) =	sbr.rel .LBB2_4-.Ltmp4, $1  }
0x47: {  	_ =	sdelay $0x3  }
.LBB2_6:
0x48: {  	_ =	sfence.sel $0x180000  }
0x49: {  	s2 =	simm.s32 $0x2;
	[bflag:$0x0] =	sbarrier.arrive $0xFFFF  }
0x4a: {  	s30 =	simm.s32 $0x3;
	[sflag:s2] =	ssyncpa.u1 $0x1  }
0x4b: {  	s31 =	simm.s32 $0x1;
	[sflag:s30] =	ssyncpa.u1 $0x1  }
0x4c: {  	[sflag:s31] =	ssyncpa.u1 $0x1  }
0x4d: {  	p0 =	sne.s32 s1, $0x0;
	_ =	strace $0x9000005F  }
0x4e: {  	s0 =	sadd.s32 @!p0 $0x100000, s0;
	[bflag:$0x2] =	sbarrier.arrive $0xFFFF  }
0x4f: {  	[sflag:s0] =	ssyncadd.tile.s32 @!p0 $0x1;
	_ =	shalt  }
.Lfunc_end2:
_tile_overlayer_lowered:
.L_overlay_start_2:
0x50: {  	(tag) =	ssettag $0x2  }
0x51: {  	s0 =	rddreg [dreg:$0x0];
	s2 =	stileid.u32  }
0x52: {  	s1 =	rddreg [dreg:$0x1];
	p0 =	sne.s32 s2, $0x0  }
0x53: {  	s3 =	rddreg [dreg:$0x2];
	[bflag:$0x3] =	sbarrier.arrive $0xFFFF;
	s2 =	simm.s32 @!p0 $0x1C01  }
0x54: {  	[timem:s3], [sflag:s2] =	dma.local @!p0 [hbm:s0], s1  }
0x55: {  	s0 =	simm.s32 @!p0 $0x1  }
0x56: {  	_ =	swait.ge @!p0 [sflag:s0], s1  }
0x57: {  	s1 =	ssub.s32 @!p0 $0x0, s1;
	[sflag:s0] =	ssyncset.done @!p0 $0x0  }
0x58: {  	[sflag:s0] =	ssyncadd.s32 @!p0 s1  }
0x59: {  	[bflag:$0x3] =	sbarrier.arrive $0xFFFF  }
0x5a: {  	_ =	shalt  }

// kernel: gather_offload_async_start.6
scs
__scs_entry_jumppad:
0x0: {  	(pc) =	sbr.rel $0x88, $3  }
0x1: {  	(tag) =	ssettag $0x0;
	lr =	simm.s32 $0x1  }
0x2: {  	[smem:$0x3F87] =	sst lr;
	_ =	strace $0xD0000000  }
0x3: {  	_ = 	snop  }
0x4: {  	_ = 	snop  }
0x5: {  	_ = 	snop  }
0x6: {  	_ = 	snop  }
0x7: {  	_ = 	snop  }
__scs_overlays_trampoline_lowered:
0x8: {  	[smem:$0x3F96] =	sst s0  }
0x9: {  	[smem:$0x3F97] =	sst s1  }
0xa: {  	[smem:$0x3F98] =	sst s2  }
0xb: {  	[smem:$0x3F99] =	sst s3  }
0xc: {  	[smem:$0x3F9A] =	sst s4  }
0xd: {  	[smem:$0x3F9B] =	sst s5  }
0xe: {  	[smem:$0x3F9C] =	sst s6  }
0xf: {  	[smem:$0x3F9D] =	sst s7  }
0x10: {  	[smem:$0x3F9E] =	sst s8  }
0x11: {  	[smem:$0x3F9F] =	sst s9;
	s0 =	simm.s32 @!p0 $0x0  }
0x12: {  	s1 =	sld [smem:$0x3F85];
	s0 =	simm.s32 @p0 $0x1  }
0x13: {  	[smem:$0x3FA0] =	sst s0;
	s0 =	simm.s32 @!p1 $0x0  }
0x14: {  	s2 =	sld [smem:$0x3F84];
	s0 =	simm.s32 @p1 $0x1  }
0x15: {  	[smem:$0x3FA1] =	sst s0;
	s0 =	simm.s32 @!p2 $0x0  }
0x16: {  	s3 =	sld [smem:$0x3FDB];
	s0 =	simm.s32 @p2 $0x1  }
0x17: {  	s4 =	simm.s32 $0x1BF5;
	[smem:$0x3FA3] =	sst s0  }
0x18: {  	s0 =	sld [smem:$0x3F86];
	_ =	swait.ge [sflag:s4], $0x0  }
0x19: {  	s7 =	sld [smem:$0x3F87]  }
0x1a: {  	s8 =	sadd.s32 $0xFFFFE003, lr  }
0x1b: {  	s9 =	sadd.s32 $0xFFFFFEF7, lr;
	s5 =	simm.s32 $0xFFFFFFFF;
	p2 =	slt.u32 s8, $0xFFFFF086  }
0x1c: {  	p1 =	slt.u32 s9, $0xF7A;
	s5 =	simm.s32 @!p2 $0x0  }
0x1d: {  	s5 =	simm.s32 @p1 $0x1;
	p0 =	seq.s32 s7, s2  }
0x1e: {  	s7 =	smul.u32 @!p0 $0xF7A, s2;
	p2 =	seq.s32 @!p0 s5, $0x0  }
0x1f: {  	s9 =	smul.u32 $0xF7A, s1;
	s8 =	simm.s32 @!p0 $0x1BF5;
	p2 =	por !p2, p0  }
0x20: {  	[sflag:s8] =	ssyncset.s32 @!p0 $0xFFFFF086;
	s6 =	sadd.s32 @!p0 s3, s7;
	s7 =	simm.s32 @!p0 $0x108  }
0x21: {  	s3 =	sadd.s32 s3, s9;
	s6 =	sadd.s32 @!p0 $0x88, s6;
	s7 =	simm.s32 @p2 $0x1082  }
0x22: {  	[simem:s7], [sflag:s8] =	dma.local @!p0 [hbm:s6], $0xF7A  }
0x23: {  	s9 =	sor.u32 $0xD0000000, s2;
	s6 =	simm.s32 $0x108;
	_ =	swait.ge @!p0 [sflag:s8], $0x0  }
0x24: {  	s3 =	sadd.s32 $0x88, s3;
	s6 =	simm.s32 @!p1 $0x1082;
	[sflag:s4] =	ssyncset.s32 $0xFFFFF086  }
0x25: {  	[simem:s6], [sflag:s4] =	dma.local [hbm:s3], $0xF7A  }
0x26: {  	[smem:$0x3F87] =	sst s1;
	(tag) =	ssettag s2;
	_ =	strace s9  }
0x27: {  	s1 =	sld [smem:$0x3F97]  }
0x28: {  	s2 =	sld [smem:$0x3F98]  }
0x29: {  	s4 =	sld [smem:$0x3F9A]  }
0x2a: {  	p0 =	seq.s32 s5, $0x0;
	s5 =	sld [smem:$0x3F9B]  }
0x2b: {  	s6 =	sld [smem:$0x3F9C]  }
0x2c: {  	s7 =	sld [smem:$0x3F9D]  }
0x2d: {  	s3 =	simm.s32 $0x108;
	s8 =	sld [smem:$0x3F9E]  }
0x2e: {  	s3 =	simm.s32 @!p0 $0x1082;
	s9 =	sld [smem:$0x3F9F]  }
0x2f: {  	lr =	sadd.s32 s0, s3;
	s0 =	sld [smem:$0x3F96]  }
0x30: {  	s3 =	sld [smem:$0x3F99]  }
0x31: {  	[smem:$0x3FA2] =	sst s10  }
0x32: {  	s10 =	sld [smem:$0x3FA0];
	_ =	sdelay $0x3  }
0x33: {  	p0 =	seq.s32 s10, $0x1;
	s10 =	sld [smem:$0x3FA2];
	_ =	sdelay $0x3  }
0x34: {  	[smem:$0x3FA2] =	sst s10  }
0x35: {  	s10 =	sld [smem:$0x3FA1];
	_ =	sdelay $0x3  }
0x36: {  	p1 =	seq.s32 s10, $0x1;
	s10 =	sld [smem:$0x3FA2];
	_ =	sdelay $0x3  }
0x37: {  	[smem:$0x3FA2] =	sst s10  }
0x38: {  	s10 =	sld [smem:$0x3FA3]  }
0x39: {  	_ = 	snop;
	(pc) =	sbr.ind lr, $3  }
0x3a: {  	_ = 	snop  }
0x3b: {  	_ = 	snop  }
0x3c: {  	p2 =	seq.s32 s10, $0x1;
	s10 =	sld [smem:$0x3FA2]  }
0x3d: {  	_ =	shalt  }
0x3e: {  	_ =	shalt  }
0x3f: {  	_ =	shalt  }
0x40: {  	_ =	shalt  }
0x41: {  	_ =	shalt  }
0x42: {  	_ =	shalt  }
0x43: {  	_ =	shalt  }
0x44: {  	_ =	shalt  }
0x45: {  	_ =	shalt  }
0x46: {  	_ =	shalt  }
0x47: {  	_ =	shalt  }
0x48: {  	_ =	shalt  }
0x49: {  	_ =	shalt  }
0x4a: {  	_ =	shalt  }
0x4b: {  	_ =	shalt  }
0x4c: {  	_ =	shalt  }
0x4d: {  	_ =	shalt  }
0x4e: {  	_ =	shalt  }
0x4f: {  	_ =	shalt  }
0x50: {  	_ =	shalt  }
0x51: {  	_ =	shalt  }
0x52: {  	_ =	shalt  }
0x53: {  	_ =	shalt  }
0x54: {  	_ =	shalt  }
0x55: {  	_ =	shalt  }
0x56: {  	_ =	shalt  }
0x57: {  	_ =	shalt  }
0x58: {  	_ =	shalt  }
0x59: {  	_ =	shalt  }
0x5a: {  	_ =	shalt  }
0x5b: {  	_ =	shalt  }
0x5c: {  	_ =	shalt  }
0x5d: {  	_ =	shalt  }
0x5e: {  	_ =	shalt  }
0x5f: {  	_ =	shalt  }
0x60: {  	_ =	shalt  }
0x61: {  	_ =	shalt  }
0x62: {  	_ =	shalt  }
0x63: {  	_ =	shalt  }
0x64: {  	_ =	shalt  }
0x65: {  	_ =	shalt  }
0x66: {  	_ =	shalt  }
0x67: {  	_ =	shalt  }
0x68: {  	_ =	shalt  }
0x69: {  	_ =	shalt  }
0x6a: {  	_ =	shalt  }
0x6b: {  	_ =	shalt  }
0x6c: {  	_ =	shalt  }
0x6d: {  	_ =	shalt  }
0x6e: {  	_ =	shalt  }
0x6f: {  	_ =	shalt  }
0x70: {  	_ =	shalt  }
0x71: {  	_ =	shalt  }
0x72: {  	_ =	shalt  }
0x73: {  	_ =	shalt  }
0x74: {  	_ =	shalt  }
0x75: {  	_ =	shalt  }
0x76: {  	_ =	shalt  }
0x77: {  	_ =	shalt  }
0x78: {  	_ =	shalt  }
0x79: {  	_ =	shalt  }
0x7a: {  	_ =	shalt  }
0x7b: {  	_ =	shalt  }
0x7c: {  	_ =	shalt  }
0x7d: {  	_ =	shalt  }
0x7e: {  	_ =	shalt  }
0x7f: {  	_ =	shalt  }
0x80: {  	_ =	shalt  }
0x81: {  	_ =	shalt  }
0x82: {  	_ =	shalt  }
0x83: {  	_ =	shalt  }
0x84: {  	_ =	shalt  }
0x85: {  	_ =	shalt  }
0x86: {  	_ =	shalt  }
0x87: {  	_ =	shalt  }
.Lfunc_end0:
.L_simem_size_0:
called_computation.7_lowered:
.L_overlay_start_0:
0x88: {  	s2 =	sld [smem:$0x3FD9]  }
0x89: {  	s3 =	sld [smem:$0x3FFE];
	_ =	sdelay $0x1  }
0x8a: {  	s1 =	srdreg.scid  }
0x8b: {  	s0 =	sand.u32 $0x1, s1  }
0x8c: {  	s14 =	sshll.u32 s0, $0xA;
	s2 =	sadd.s32 s3, s2  }
0x8d: {  	s2 =	sadd.s32 s2, s14  }
0x8e: {  	[smem:$0x3FAE] =	sst s2  }
0x8f: {  	_ = 	snop  }
0x90: {  	s2 =	sld [smem:$0x3FD0];
	_ =	sdelay $0x2  }
0x91: {  	s15 =	simm.s32 $0xA;
	s4 =	simm.s32 $0x10  }
0x92: {  	[smem:s4], [sflag:s15] =	dma.local [hbm:s2], $0x1  }
0x93: {  	_ =	swait.eq [sflag:s15], $0x1  }
0x94: {  	[sflag:s15] =	ssyncset.done $0x0  }
0x95: {  	[sflag:s15] =	ssyncadd.s32 $0xFFFFFFFF  }
0x96: {  	s16 =	sld [smem:$0x10];
	(tm) =	ssettm $0x1  }
0x97: {  	s17 =	sld [smem:$0x3FFB];
	_ =	sdelay $0x3  }
0x98: {  	_ =	strace s17  }
0x99: {  	s3 =	sld [smem:$0x3FFC];
	_ =	sdelay $0x3  }
0x9a: {  	_ =	strace s3  }
0x9b: {  	s3 =	sld [smem:$0x3FFD];
	_ =	sdelay $0x3  }
0x9c: {  	_ =	strace s3  }
0x9d: {  	_ =	strace $0x8FFFFFFF  }
0x9e: {  	s18 =	sld [smem:$0x3FDB];
	_ =	sdelay $0x1  }
0x9f: {  	s19 =	simm.s32 $_scs_section_size  }
0xa0: {  	s5 =	simm.s32 $_size__tile_overlayer_lowered;
	s6 =	simm.s32 $_tile_overlayer_lowered  }
0xa1: {  	s22 =	simm.s32 $0x1BFF;
	s21 =	sshll.u32 s6, $0x1;
	s3 =	sadd.s32 s19, s18  }
0xa2: {  	s7 =	simm.s32 $0x0;
	s20 =	sshll.u32 s5, $0x1;
	s5 =	sadd.s32 s21, s3  }
0xa3: {  	[timem:s7], [sflag:s22] =	dma.local [hbm:s5], s20  }
0xa4: {  	_ =	swait.ge [sflag:s22], s20  }
0xa5: {  	s4 =	ssub.s32 $0x0, s20;
	[sflag:s22] =	ssyncset.done $0x0  }
0xa6: {  	[sflag:s22] =	ssyncadd.s32 s4;
	_ =	sdelay $0x1  }
0xa7: {  	s23 =	simm.s32 $0x1B8B  }
0xa8: {  	_ =	swait.ge [sflag:s23], $0x1  }
0xa9: {  	[sflag:s23] =	ssyncset.done $0x0  }
0xaa: {  	s25 =	simm.s32 $0x1B8E;
	s24 =	sld [smem:$0x3FFE];
	[sflag:s23] =	ssyncadd.s32 $0xFFFFFFFF  }
0xab: {  	s26 =	simm.s32 $execute0_lowered;
	[smem:$0x3FD2] =	sst s25  }
0xac: {  	s5 =	sshll.u32 s26, $0x1;
	_ =	strace $0x80000064;
	[dreg:$0x1] =	wrdreg $0xFFFFFFFF  }
0xad: {  	s28 =	simm.s32 $_size_execute0_lowered;
	s3 =	sadd.s32 s3, s5;
	[dreg:$0x0] =	wrdreg $0x0  }
0xae: {  	s5 =	sshll.u32 s28, $0x1;
	[dreg:$0x2] =	wrdreg s3  }
0xaf: {  	[dreg:$0x3] =	wrdreg s5  }
0xb0: {  	[dreg:$0x4] =	wrdreg $0xC0  }
0xb1: {  	_ =	task [dreg:s7], $0x5FFFF  }
0xb2: {  	[dreg:$0x1] =	wrdreg $0xFFFFFFFF  }
0xb3: {  	[dreg:$0x0] =	wrdreg $0x60  }
0xb4: {  	[dreg:$0x2] =	wrdreg s24  }
0xb5: {  	[dreg:$0x3] =	wrdreg s16  }
0xb6: {  	[dreg:$0x4] =	wrdreg $0x9  }
0xb7: {  	_ =	task.clear_ibuf [dreg:s7], $0x5FFFF;
	_ =	strace $0x90000064  }
0xb8: {  	s29 =	simm.s32 $0x9;
	_ =	strace $0x80000066  }
0xb9: {  	_ =	swait.ge [sflag:s29], $0x1  }
0xba: {  	[sflag:s29] =	ssyncadd.s32 $0xFFFFFFFF  }
0xbb: {  	_ =	strace $0x90000066  }
0xbc: {  	_ =	sfence  }
0xbd: {  	s30 =	sld [smem:$0x0];
	_ =	sdelay $0x2  }
0xbe: {  	s31 =	sshll.u32 s1, $0xD;
	s1 =	sshrl.u32 s1, $0x2  }
0xbf: {  	s3 =	sand.u32 $0x4000, s31;
	s1 =	sadd.s32 s1, s30  }
0xc0: {  	s0 =	sor.u32 s3, s0;
	s1 =	sshll.u32 s1, $0x11  }
0xc1: {  	s0 =	sor.u32 s1, s0  }
0xc2: {  	s0 =	sadd.s32 $0x8F2B, s0  }
0xc3: {  	[sflag:s0] =	ssyncadd.remote.s32 $0x1  }
0xc4: {  	_ =	sfence.sel $0xFFFF  }
0xc5: {  	[dreg:$0x0] =	wrdreg $0xFFFFFFFF;
	(pc) =	sbr.abs _section_cstart, $3  }
0xc6: {  	[dreg:$0x1] =	wrdreg $0xFFFFFFFF  }
0xc7: {  	_ =	task.clear_ibuf [dreg:s7], $0x2FFFF;
	_ =	strace $0x9FFFFFFF  }
0xc8: {  	(tm) =	ssettm $0x7FFFFFFF  }
0xc9: {  	_ =	shalt  }
tec
execute0_lowered:
.L_overlay_start_1:
0x0: {  	(tag) =	ssettag $0x1  }
0x1: {  	s4 =	rddreg [dreg:$0x0]  }
0x2: {  	s8 =	rddreg [dreg:$0x1]  }
0x3: {  	s0 =	rddreg [dreg:$0x2]  }
0x4: {  	s1 =	stileid.u32;
	s2 =	srdreg.scid;
	_ =	strace $0x80000065  }
0x5: {  	s3 =	simm.s32 $0x1;
	s10 =	simm.s32 $0x1;
	s30 =	simm.s32 $0x3  }
0x6: {  	s12 =	simm.s32 $0x0;
	s5 =	sand.u32 $0x1, s2;
	s6 =	sshll.u32 s1, $0x1  }
0x7: {  	s11 =	simm.s32 $0x0;
	s2 =	sadd.s32 $0x440000, s4;
	s7 =	sor.u32 s6, s5  }
0x8: {  	s4 =	sadd.s32 $0x50000, s4;
	[sflag:s3] =	ssyncpa.u1 $0x0;
	s5 =	smul.u32 $0x1800, s7  }
0x9: {  	s6 =	simm.s32 $0x2;
	p0 =	seq.s32 s7, $0x0;
	s7 =	simm.s32 $0x30000  }
.Ltmp0:
0xa: {  	s7 =	simm.s32 @!p0 $0x0;
	s9 =	ssub.s32 $0x30000, s5;
	(pc) =	sbr.rel .LBB2_1-.Ltmp0, $4  }
0xb: {  	s10 =	simm.s32 @!p0 $0x0;
	p0 =	sne.s32 s9, s7;
	s7 =	simm.s32 $0x1  }
0xc: {  	[sflag:s6] =	ssyncpa.u1 $0x0;
	s31 =	sshrl.u32 s5, $0x3;
	s7 =	simm.s32 @!p0 $0x0  }
0xd: {  	[sflag:s30] =	ssyncpa.u1 $0x0;
	s8 =	sadd.s32 s8, s31;
	s7 =	sadd.s32 s10, s7  }
0xe: {  	vm0 =	vmmov $0xffff;
	p0 =	por $0x0, $0x0;
	s10 =	simm.s32 $0x0;
	s9 =	sadd.s32 $0x1, s7  }
.LBB2_4:
0xf: {  	_ =	sdelay $0x2  }
0x10: {  	s14 =	sadd.s32 s18, s13  }
0x11: {  	[tilespmem:s14], [sflag:$0x1] =	stream.indirect_vreg.gather [hbm4b:s2+s10], $0x1, v0, vm0, $0x4038;
	[tilespmem:$0x1B000] =	vst v63  }
0x12: {  	_ =	swait.ge [sflag:s3], $0xC000  }
0x13: {  	[sflag:s3] =	ssyncset.done $0x0  }
0x14: {  	s12 =	sadd.s32 s4, s12;
	[sflag:s3] =	ssyncadd.s32 $0xFFFF4000  }
0x15: {  	[hbm:s12] =	stream.linear.scatter [tilespmem:s13], [sflag:$0x3], $0xC000, $0x38;
	[tilespmem:$0x1B000] =	vst v63  }
.LBB2_5:
0x16: {  	p2 =	sne.s32 s11, s9  }
.Ltmp1:
0x17: {  	p1 =	slt.u32 s11, $0x2;
	(pc) =	sbr.rel @!p2 .LBB2_6-.Ltmp1, $4  }
0x18: {  	s12 =	simm.s32 @!p1 $0x3  }
0x19: {  	_ =	swait.ge @!p1 [sflag:s12], $0xC000  }
0x1a: {  	s13 =	sadd.s32 $0x1, s11;
	p0 =	por !p0, !p0;
	[sflag:s12] =	ssyncset.done @!p1 $0x0  }
0x1b: {  	s11 =	smov.u32 s13;
	[sflag:s12] =	ssyncadd.s32 @!p1 $0xFFFF4000;
	s12 =	smov.u32 s5  }
.LBB2_1:
0x1c: {  	p1 =	sge.u32 s11, s7  }
0x1d: {  	s13 =	sxor.u32 @!p1 $0x1, s11  }
0x1e: {  	s13 =	smul.u32 @!p1 $0x6000, s13;
	_ =	sdelay $0x1  }
0x1f: {  	s31 =	sadd.s32 $0xFFFFFFFF, s11;
	s14 =	simm.s32 @!p1 $0x0;
	s13 =	sshra.s32 @!p1 s13, $0x2  }
0x20: {  	[tilespmem:s13], [sflag:$0x2] =	stream.linear.gather @!p1 [hbm4b:s8+s14], $0x1800, $0x38;
	[tilespmem:$0x1B000] =	vst v63  }
0x21: {  	p1 =	sge.u32 s31, s7  }
.Ltmp2:
0x22: {  	_ = 	snop;
	(pc) =	sbr.rel @p1 .LBB2_5-.Ltmp2, $1  }
0x23: {  	_ =	sdelay $0x3  }
0x24: {  	s13 =	simm.s32 $0x1  }
0x25: {  	s13 =	simm.s32 @!p0 $0x0  }
0x26: {  	_ =	swait.ge [sflag:s6], $0x1800;
	s13 =	smul.u32 $0x6000, s13  }
0x27: {  	[sflag:s6] =	ssyncset.done $0x0  }
0x28: {  	[sflag:s6] =	ssyncadd.s32 $0xFFFFE800;
	s16 =	sshrl.u32 s13, $0x2  }
0x29: {  	v0 =	vld.msk [tilespmem:s16+$0x0 ss:$0x1], $0xffff;
	_ =	sdelay $0x4  }
0x2a: {  	v1 =	vshrl.u32 v0, $0xD;
	v2 =	vshll.u32 v0, $0x16  }
0x2b: {  	v3 =	vshll.u32 v0, $0x9;
	vm1 =	veq.s32 v0, $0x80000000;
	v0 =	vand.u32 $0xFF, v1  }
0x2c: {  	v1 =	vand.u32 $0xC00000, v2;
	v2 =	vand.u32 $0x3FF800, v3;
	v0 =	vsel vm1, $0xFFFFFFFF, v0  }
0x2d: {  	v1 =	vor.u32 v2, v1;
	v2 =	vshll.u32 v0, $0x3  }
0x2e: {  	s25 =	sand.u32 $0x1, s11;
	v1 =	vsel vm1, $0xFFBFF800, v1;
	v2 =	vand.u32 $0xFFFFFC00, v2  }
0x2f: {  	s13 =	smul.u32 $0x30000, s25;
	v0 =	vand.u32 $0x7F, v0;
	v1 =	vadd.s32 v1, v2  }
0x30: {  	v0 =	vor.u32 v0, v1  }
0x31: {  	s14 =	simm.s32 $0x0;
	s13 =	sshrl.u32 s13, $0x2  }
0x32: {  	s15 =	sand.u32 $0xFC00, s14;
	s13 =	sor.u32 $0x3000, s13  }
0x33: {  	s17 =	sand.u32 $0x70, s14;
	(ifvalue) =	ssetifvalue $0x7FFFFFFF;
	s15 =	sadd.s32 s15, s13;
	v1 =	vor.u32 $0x80, v0  }
0x34: {  	(ifvalue) =	ssetifvalue $0x7FFFFFFF;
	s15 =	sadd.s32 s17, s15  }
0x35: {  	[tilespmem:s15], [sflag:$0x1] =	stream.indirect_vreg.gather [hbm4b:s2+s10], $0x1, v0, vm0, $0x4038;
	[tilespmem:$0x1B000] =	vst v63  }
0x36: {  	v2 =	vor.u32 $0x100, v0;
	(ifvalue) =	ssetifvalue $0x7FFFFFFF  }
0x37: {  	s17 =	sadd.s32 $0x80, s15;
	(ifvalue) =	ssetifvalue $0x7FFFFFFF  }
0x38: {  	[tilespmem:s17], [sflag:$0x1] =	stream.indirect_vreg.gather [hbm4b:s2+s10], $0x1, v1, vm0, $0x4038;
	[tilespmem:$0x1B000] =	vst v63  }
0x39: {  	v1 =	vor.u32 $0x180, v0;
	(ifvalue) =	ssetifvalue $0x7FFFFFFF  }
0x3a: {  	s26 =	sadd.s32 $0x100, s15;
	(ifvalue) =	ssetifvalue $0x7FFFFFFF  }
0x3b: {  	[tilespmem:s26], [sflag:$0x1] =	stream.indirect_vreg.gather [hbm4b:s2+s10], $0x1, v2, vm0, $0x4038;
	[tilespmem:$0x1B000] =	vst v63  }
0x3c: {  	v2 =	vor.u32 $0x200, v0;
	(ifvalue) =	ssetifvalue $0x7FFFFFFF  }
0x3d: {  	s28 =	sadd.s32 $0x180, s15;
	(ifvalue) =	ssetifvalue $0x7FFFFFFF  }
0x3e: {  	[tilespmem:s28], [sflag:$0x1] =	stream.indirect_vreg.gather [hbm4b:s2+s10], $0x1, v1, vm0, $0x4038;
	[tilespmem:$0x1B000] =	vst v63  }
0x3f: {  	(ifvalue) =	ssetifvalue $0x7FFFFFFF;
	v1 =	vor.u32 $0x280, v0  }
0x40: {  	s29 =	sadd.s32 $0x200, s15;
	(ifvalue) =	ssetifvalue $0x7FFFFFFF  }
0x41: {  	[tilespmem:s29], [sflag:$0x1] =	stream.indirect_vreg.gather [hbm4b:s2+s10], $0x1, v2, vm0, $0x4038;
	[tilespmem:$0x1B000] =	vst v63  }
0x42: {  	(ifvalue) =	ssetifvalue $0x7FFFFFFF;
	v2 =	vor.u32 $0x300, v0  }
0x43: {  	s31 =	sand.u32 $0x7, s14;
	s30 =	sadd.s32 $0x280, s15;
	(ifvalue) =	ssetifvalue $0x7FFFFFFF  }
0x44: {  	[tilespmem:s30], [sflag:$0x1] =	stream.indirect_vreg.gather [hbm4b:s2+s10], $0x1, v1, vm0, $0x4038;
	[tilespmem:$0x1B000] =	vst v63  }
0x45: {  	s17 =	sshll.u32 s31, $0x4;
	(ifvalue) =	ssetifvalue $0x7FFFFFFF  }
0x46: {  	s15 =	sadd.s32 $0x300, s15;
	s17 =	sadd.s32 $0x0, s17;
	v0 =	vor.u32 $0x380, v0;
	(ifvalue) =	ssetifvalue $0x7FFFFFFF  }
0x47: {  	[tilespmem:s15], [sflag:$0x1] =	stream.indirect_vreg.gather [hbm4b:s2+s10], $0x1, v2, vm0, $0x4038;
	[tilespmem:$0x1B000] =	vst v63  }
0x48: {  	s16 =	sadd.s32 $0x10, s16;
	s18 =	sor.u32 $0x380, s17;
	(ifvalue) =	ssetifvalue $0x7FFFFFFF  }
0x49: {  	s17 =	simm.s32 $0x0;
	s15 =	simm.s32 $0x10;
	(ifvalue) =	ssetifvalue $0x7FFFFFFF  }
.LBB2_3:
0x4a: {  	s18 =	sadd.s32 s18, s13;
	s14 =	sadd.s32 $0x80, s14;
	s17 =	sadd.s32 $0x1, s17  }
0x4b: {  	[tilespmem:s18], [sflag:$0x1] =	stream.indirect_vreg.gather [hbm4b:s2+s10], $0x1, v0, vm0, $0x4038;
	[tilespmem:$0x1B000] =	vst v63  }
0x4c: {  	p1 =	sne.s32 s15, $0x17F0;
	s18 =	smov.u32 s15;
	s15 =	sadd.s32 $0x10, s15;
	v0 =	vld.msk [tilespmem:s16+$0x0 ss:$0x1], $0xffff  }
0x4d: {  	(ifvalue) =	ssetifvalue $0x7FFFFFFF;
	_ =	sdelay $0x4  }
0x4e: {  	v1 =	vshrl.u32 v0, $0xD;
	v2 =	vshll.u32 v0, $0x16;
	v3 =	vshll.u32 v0, $0x9  }
0x4f: {  	vm1 =	veq.s32 v0, $0x80000000;
	v0 =	vand.u32 $0xFF, v1;
	v1 =	vand.u32 $0xC00000, v2  }
0x50: {  	v2 =	vand.u32 $0x3FF800, v3;
	v0 =	vsel vm1, $0xFFFFFFFF, v0  }
0x51: {  	v1 =	vor.u32 v2, v1;
	v2 =	vshll.u32 v0, $0x3  }
0x52: {  	v1 =	vsel vm1, $0xFFBFF800, v1;
	v2 =	vand.u32 $0xFFFFFC00, v2  }
0x53: {  	v0 =	vand.u32 $0x7F, v0;
	v1 =	vadd.s32 v1, v2  }
0x54: {  	v0 =	vor.u32 v0, v1;
	_ =	sdelay $0x1  }
0x55: {  	s19 =	sand.u32 $0xFC00, s14  }
0x56: {  	s18 =	sand.u32 $0x70, s18;
	s19 =	sadd.s32 s19, s13;
	v1 =	vor.u32 $0x80, v0  }
0x57: {  	s18 =	sadd.s32 s18, s19;
	(ifvalue) =	ssetifvalue $0x7FFFFFFF  }
0x58: {  	[tilespmem:s18], [sflag:$0x1] =	stream.indirect_vreg.gather [hbm4b:s2+s10], $0x1, v0, vm0, $0x4038;
	[tilespmem:$0x1B000] =	vst v63  }
0x59: {  	v2 =	vor.u32 $0x100, v0;
	(ifvalue) =	ssetifvalue $0x7FFFFFFF  }
0x5a: {  	s19 =	sadd.s32 $0x80, s18;
	(ifvalue) =	ssetifvalue $0x7FFFFFFF  }
0x5b: {  	[tilespmem:s19], [sflag:$0x1] =	stream.indirect_vreg.gather [hbm4b:s2+s10], $0x1, v1, vm0, $0x4038;
	[tilespmem:$0x1B000] =	vst v63  }
0x5c: {  	v1 =	vor.u32 $0x180, v0;
	(ifvalue) =	ssetifvalue $0x7FFFFFFF  }
0x5d: {  	s19 =	sadd.s32 $0x100, s18;
	(ifvalue) =	ssetifvalue $0x7FFFFFFF  }
0x5e: {  	[tilespmem:s19], [sflag:$0x1] =	stream.indirect_vreg.gather [hbm4b:s2+s10], $0x1, v2, vm0, $0x4038;
	[tilespmem:$0x1B000] =	vst v63  }
0x5f: {  	v2 =	vor.u32 $0x200, v0;
	(ifvalue) =	ssetifvalue $0x7FFFFFFF  }
0x60: {  	s19 =	sadd.s32 $0x180, s18;
	(ifvalue) =	ssetifvalue $0x7FFFFFFF  }
0x61: {  	[tilespmem:s19], [sflag:$0x1] =	stream.indirect_vreg.gather [hbm4b:s2+s10], $0x1, v1, vm0, $0x4038;
	[tilespmem:$0x1B000] =	vst v63  }
0x62: {  	v1 =	vor.u32 $0x280, v0;
	(ifvalue) =	ssetifvalue $0x7FFFFFFF  }
0x63: {  	s19 =	sadd.s32 $0x200, s18;
	(ifvalue) =	ssetifvalue $0x7FFFFFFF  }
0x64: {  	[tilespmem:s19], [sflag:$0x1] =	stream.indirect_vreg.gather [hbm4b:s2+s10], $0x1, v2, vm0, $0x4038;
	[tilespmem:$0x1B000] =	vst v63  }
0x65: {  	v2 =	vor.u32 $0x300, v0;
	(ifvalue) =	ssetifvalue $0x7FFFFFFF  }
0x66: {  	s19 =	sadd.s32 $0x280, s18;
	(ifvalue) =	ssetifvalue $0x7FFFFFFF  }
0x67: {  	[tilespmem:s19], [sflag:$0x1] =	stream.indirect_vreg.gather [hbm4b:s2+s10], $0x1, v1, vm0, $0x4038;
	[tilespmem:$0x1B000] =	vst v63  }
.Ltmp3:
0x68: {  	v0 =	vor.u32 $0x380, v0;
	s19 =	sand.u32 $0x7, s17;
	(ifvalue) =	ssetifvalue $0x7FFFFFFF;
	(pc) =	sbr.rel @p1 .LBB2_3-.Ltmp3, $4  }
0x69: {  	s18 =	sadd.s32 $0x300, s18;
	s19 =	sshll.u32 s19, $0x4;
	(ifvalue) =	ssetifvalue $0x7FFFFFFF  }
0x6a: {  	[tilespmem:s18], [sflag:$0x1] =	stream.indirect_vreg.gather [hbm4b:s2+s10], $0x1, v2, vm0, $0x4038;
	[tilespmem:$0x1B000] =	vst v63  }
0x6b: {  	s18 =	sadd.s32 s19, s14;
	(ifvalue) =	ssetifvalue $0x7FFFFFFF  }
0x6c: {  	s16 =	sadd.s32 $0x10, s16;
	s18 =	sor.u32 $0x380, s18;
	(ifvalue) =	ssetifvalue $0x7FFFFFFF  }
.Ltmp4:
0x6d: {  	_ = 	snop;
	(pc) =	sbr.rel .LBB2_4-.Ltmp4, $1  }
0x6e: {  	_ =	sdelay $0x3  }
.LBB2_6:
0x6f: {  	_ =	sfence.sel $0x180000  }
0x70: {  	s2 =	simm.s32 $0x2;
	[bflag:$0x0] =	sbarrier.arrive $0xFFFF  }
0x71: {  	s30 =	simm.s32 $0x3;
	[sflag:s2] =	ssyncpa.u1 $0x1  }
0x72: {  	s31 =	simm.s32 $0x1;
	[sflag:s30] =	ssyncpa.u1 $0x1  }
0x73: {  	[sflag:s31] =	ssyncpa.u1 $0x1  }
0x74: {  	p0 =	sne.s32 s1, $0x0;
	_ =	strace $0x90000065  }
0x75: {  	s0 =	sadd.s32 @!p0 $0x100000, s0;
	[bflag:$0x2] =	sbarrier.arrive $0xFFFF  }
0x76: {  	[sflag:s0] =	ssyncadd.tile.s32 @!p0 $0x1;
	_ =	shalt  }
.Lfunc_end2:
_tile_overlayer_lowered:
.L_overlay_start_2:
0x77: {  	(tag) =	ssettag $0x2  }
0x78: {  	s0 =	rddreg [dreg:$0x0];
	s2 =	stileid.u32  }
0x79: {  	s1 =	rddreg [dreg:$0x1];
	p0 =	sne.s32 s2, $0x0  }
0x7a: {  	s3 =	rddreg [dreg:$0x2];
	[bflag:$0x3] =	sbarrier.arrive $0xFFFF;
	s2 =	simm.s32 @!p0 $0x1C01  }
0x7b: {  	[timem:s3], [sflag:s2] =	dma.local @!p0 [hbm:s0], s1  }
0x7c: {  	s0 =	simm.s32 @!p0 $0x1  }
0x7d: {  	_ =	swait.ge @!p0 [sflag:s0], s1  }
0x7e: {  	s1 =	ssub.s32 @!p0 $0x0, s1;
	[sflag:s0] =	ssyncset.done @!p0 $0x0  }
0x7f: {  	[sflag:s0] =	ssyncadd.s32 @!p0 s1  }
0x80: {  	[bflag:$0x3] =	sbarrier.arrive $0xFFFF  }
0x81: {  	_ =	shalt  }

// kernel: gather_offload_async_start.7
scs
__scs_entry_jumppad:
0x0: {  	(pc) =	sbr.rel $0x88, $3  }
0x1: {  	(tag) =	ssettag $0x0;
	lr =	simm.s32 $0x1  }
0x2: {  	[smem:$0x3F87] =	sst lr;
	_ =	strace $0xD0000000  }
0x3: {  	_ = 	snop  }
0x4: {  	_ = 	snop  }
0x5: {  	_ = 	snop  }
0x6: {  	_ = 	snop  }
0x7: {  	_ = 	snop  }
__scs_overlays_trampoline_lowered:
0x8: {  	[smem:$0x3F96] =	sst s0  }
0x9: {  	[smem:$0x3F97] =	sst s1  }
0xa: {  	[smem:$0x3F98] =	sst s2  }
0xb: {  	[smem:$0x3F99] =	sst s3  }
0xc: {  	[smem:$0x3F9A] =	sst s4  }
0xd: {  	[smem:$0x3F9B] =	sst s5  }
0xe: {  	[smem:$0x3F9C] =	sst s6  }
0xf: {  	[smem:$0x3F9D] =	sst s7  }
0x10: {  	[smem:$0x3F9E] =	sst s8  }
0x11: {  	[smem:$0x3F9F] =	sst s9;
	s0 =	simm.s32 @!p0 $0x0  }
0x12: {  	s1 =	sld [smem:$0x3F85];
	s0 =	simm.s32 @p0 $0x1  }
0x13: {  	[smem:$0x3FA0] =	sst s0;
	s0 =	simm.s32 @!p1 $0x0  }
0x14: {  	s2 =	sld [smem:$0x3F84];
	s0 =	simm.s32 @p1 $0x1  }
0x15: {  	[smem:$0x3FA1] =	sst s0;
	s0 =	simm.s32 @!p2 $0x0  }
0x16: {  	s3 =	sld [smem:$0x3FDB];
	s0 =	simm.s32 @p2 $0x1  }
0x17: {  	s4 =	simm.s32 $0x1BF5;
	[smem:$0x3FA3] =	sst s0  }
0x18: {  	s0 =	sld [smem:$0x3F86];
	_ =	swait.ge [sflag:s4], $0x0  }
0x19: {  	s7 =	sld [smem:$0x3F87]  }
0x1a: {  	s8 =	sadd.s32 $0xFFFFE003, lr  }
0x1b: {  	s9 =	sadd.s32 $0xFFFFFEF7, lr;
	s5 =	simm.s32 $0xFFFFFFFF;
	p2 =	slt.u32 s8, $0xFFFFF086  }
0x1c: {  	p1 =	slt.u32 s9, $0xF7A;
	s5 =	simm.s32 @!p2 $0x0  }
0x1d: {  	s5 =	simm.s32 @p1 $0x1;
	p0 =	seq.s32 s7, s2  }
0x1e: {  	s7 =	smul.u32 @!p0 $0xF7A, s2;
	p2 =	seq.s32 @!p0 s5, $0x0  }
0x1f: {  	s9 =	smul.u32 $0xF7A, s1;
	s8 =	simm.s32 @!p0 $0x1BF5;
	p2 =	por !p2, p0  }
0x20: {  	[sflag:s8] =	ssyncset.s32 @!p0 $0xFFFFF086;
	s6 =	sadd.s32 @!p0 s3, s7;
	s7 =	simm.s32 @!p0 $0x108  }
0x21: {  	s3 =	sadd.s32 s3, s9;
	s6 =	sadd.s32 @!p0 $0x88, s6;
	s7 =	simm.s32 @p2 $0x1082  }
0x22: {  	[simem:s7], [sflag:s8] =	dma.local @!p0 [hbm:s6], $0xF7A  }
0x23: {  	s9 =	sor.u32 $0xD0000000, s2;
	s6 =	simm.s32 $0x108;
	_ =	swait.ge @!p0 [sflag:s8], $0x0  }
0x24: {  	s3 =	sadd.s32 $0x88, s3;
	s6 =	simm.s32 @!p1 $0x1082;
	[sflag:s4] =	ssyncset.s32 $0xFFFFF086  }
0x25: {  	[simem:s6], [sflag:s4] =	dma.local [hbm:s3], $0xF7A  }
0x26: {  	[smem:$0x3F87] =	sst s1;
	(tag) =	ssettag s2;
	_ =	strace s9  }
0x27: {  	s1 =	sld [smem:$0x3F97]  }
0x28: {  	s2 =	sld [smem:$0x3F98]  }
0x29: {  	s4 =	sld [smem:$0x3F9A]  }
0x2a: {  	p0 =	seq.s32 s5, $0x0;
	s5 =	sld [smem:$0x3F9B]  }
0x2b: {  	s6 =	sld [smem:$0x3F9C]  }
0x2c: {  	s7 =	sld [smem:$0x3F9D]  }
0x2d: {  	s3 =	simm.s32 $0x108;
	s8 =	sld [smem:$0x3F9E]  }
0x2e: {  	s3 =	simm.s32 @!p0 $0x1082;
	s9 =	sld [smem:$0x3F9F]  }
0x2f: {  	lr =	sadd.s32 s0, s3;
	s0 =	sld [smem:$0x3F96]  }
0x30: {  	s3 =	sld [smem:$0x3F99]  }
0x31: {  	[smem:$0x3FA2] =	sst s10  }
0x32: {  	s10 =	sld [smem:$0x3FA0];
	_ =	sdelay $0x3  }
0x33: {  	p0 =	seq.s32 s10, $0x1;
	s10 =	sld [smem:$0x3FA2];
	_ =	sdelay $0x3  }
0x34: {  	[smem:$0x3FA2] =	sst s10  }
0x35: {  	s10 =	sld [smem:$0x3FA1];
	_ =	sdelay $0x3  }
0x36: {  	p1 =	seq.s32 s10, $0x1;
	s10 =	sld [smem:$0x3FA2];
	_ =	sdelay $0x3  }
0x37: {  	[smem:$0x3FA2] =	sst s10  }
0x38: {  	s10 =	sld [smem:$0x3FA3]  }
0x39: {  	_ = 	snop;
	(pc) =	sbr.ind lr, $3  }
0x3a: {  	_ = 	snop  }
0x3b: {  	_ = 	snop  }
0x3c: {  	p2 =	seq.s32 s10, $0x1;
	s10 =	sld [smem:$0x3FA2]  }
0x3d: {  	_ =	shalt  }
0x3e: {  	_ =	shalt  }
0x3f: {  	_ =	shalt  }
0x40: {  	_ =	shalt  }
0x41: {  	_ =	shalt  }
0x42: {  	_ =	shalt  }
0x43: {  	_ =	shalt  }
0x44: {  	_ =	shalt  }
0x45: {  	_ =	shalt  }
0x46: {  	_ =	shalt  }
0x47: {  	_ =	shalt  }
0x48: {  	_ =	shalt  }
0x49: {  	_ =	shalt  }
0x4a: {  	_ =	shalt  }
0x4b: {  	_ =	shalt  }
0x4c: {  	_ =	shalt  }
0x4d: {  	_ =	shalt  }
0x4e: {  	_ =	shalt  }
0x4f: {  	_ =	shalt  }
0x50: {  	_ =	shalt  }
0x51: {  	_ =	shalt  }
0x52: {  	_ =	shalt  }
0x53: {  	_ =	shalt  }
0x54: {  	_ =	shalt  }
0x55: {  	_ =	shalt  }
0x56: {  	_ =	shalt  }
0x57: {  	_ =	shalt  }
0x58: {  	_ =	shalt  }
0x59: {  	_ =	shalt  }
0x5a: {  	_ =	shalt  }
0x5b: {  	_ =	shalt  }
0x5c: {  	_ =	shalt  }
0x5d: {  	_ =	shalt  }
0x5e: {  	_ =	shalt  }
0x5f: {  	_ =	shalt  }
0x60: {  	_ =	shalt  }
0x61: {  	_ =	shalt  }
0x62: {  	_ =	shalt  }
0x63: {  	_ =	shalt  }
0x64: {  	_ =	shalt  }
0x65: {  	_ =	shalt  }
0x66: {  	_ =	shalt  }
0x67: {  	_ =	shalt  }
0x68: {  	_ =	shalt  }
0x69: {  	_ =	shalt  }
0x6a: {  	_ =	shalt  }
0x6b: {  	_ =	shalt  }
0x6c: {  	_ =	shalt  }
0x6d: {  	_ =	shalt  }
0x6e: {  	_ =	shalt  }
0x6f: {  	_ =	shalt  }
0x70: {  	_ =	shalt  }
0x71: {  	_ =	shalt  }
0x72: {  	_ =	shalt  }
0x73: {  	_ =	shalt  }
0x74: {  	_ =	shalt  }
0x75: {  	_ =	shalt  }
0x76: {  	_ =	shalt  }
0x77: {  	_ =	shalt  }
0x78: {  	_ =	shalt  }
0x79: {  	_ =	shalt  }
0x7a: {  	_ =	shalt  }
0x7b: {  	_ =	shalt  }
0x7c: {  	_ =	shalt  }
0x7d: {  	_ =	shalt  }
0x7e: {  	_ =	shalt  }
0x7f: {  	_ =	shalt  }
0x80: {  	_ =	shalt  }
0x81: {  	_ =	shalt  }
0x82: {  	_ =	shalt  }
0x83: {  	_ =	shalt  }
0x84: {  	_ =	shalt  }
0x85: {  	_ =	shalt  }
0x86: {  	_ =	shalt  }
0x87: {  	_ =	shalt  }
.Lfunc_end0:
.L_simem_size_0:
called_computation.8_lowered:
.L_overlay_start_0:
0x88: {  	s2 =	sld [smem:$0x3FD9]  }
0x89: {  	s3 =	sld [smem:$0x3FFE];
	_ =	sdelay $0x1  }
0x8a: {  	s1 =	srdreg.scid  }
0x8b: {  	s0 =	sand.u32 $0x1, s1  }
0x8c: {  	s16 =	sshll.u32 s0, $0xA;
	s2 =	sadd.s32 s3, s2  }
0x8d: {  	s2 =	sadd.s32 s2, s16  }
0x8e: {  	[smem:$0x3FAE] =	sst s2  }
0x8f: {  	_ = 	snop  }
0x90: {  	(tm) =	ssettm $0x1  }
0x91: {  	s17 =	sld [smem:$0x3FFB];
	_ =	sdelay $0x3  }
0x92: {  	_ =	strace s17  }
0x93: {  	s2 =	sld [smem:$0x3FFC];
	_ =	sdelay $0x3  }
0x94: {  	_ =	strace s2  }
0x95: {  	s2 =	sld [smem:$0x3FFD];
	_ =	sdelay $0x3  }
0x96: {  	_ =	strace s2  }
0x97: {  	_ =	strace $0x8FFFFFFF  }
0x98: {  	s18 =	sld [smem:$0x3FDB];
	_ =	sdelay $0x1  }
0x99: {  	s19 =	simm.s32 $_scs_section_size  }
0x9a: {  	s4 =	simm.s32 $_size__tile_overlayer_lowered;
	s5 =	simm.s32 $_tile_overlayer_lowered  }
0x9b: {  	s22 =	simm.s32 $0x1BFF;
	s21 =	sshll.u32 s5, $0x1;
	s2 =	sadd.s32 s19, s18  }
0x9c: {  	s6 =	simm.s32 $0x0;
	s20 =	sshll.u32 s4, $0x1;
	s4 =	sadd.s32 s21, s2  }
0x9d: {  	[timem:s6], [sflag:s22] =	dma.local [hbm:s4], s20  }
0x9e: {  	_ =	swait.ge [sflag:s22], s20  }
0x9f: {  	s3 =	ssub.s32 $0x0, s20;
	[sflag:s22] =	ssyncset.done $0x0  }
0xa0: {  	[sflag:s22] =	ssyncadd.s32 s3;
	_ =	sdelay $0x1  }
0xa1: {  	s23 =	simm.s32 $0x1B8B  }
0xa2: {  	_ =	swait.ge [sflag:s23], $0x1  }
0xa3: {  	[sflag:s23] =	ssyncset.done $0x0  }
0xa4: {  	s25 =	simm.s32 $0x1B8E;
	s24 =	sld [smem:$0x3FFE];
	[sflag:s23] =	ssyncadd.s32 $0xFFFFFFFF  }
0xa5: {  	s26 =	simm.s32 $execute0_lowered;
	[smem:$0x3FD2] =	sst s25  }
0xa6: {  	s4 =	sshll.u32 s26, $0x1;
	_ =	strace $0x80000067;
	[dreg:$0x1] =	wrdreg $0xFFFFFFFF  }
0xa7: {  	s28 =	simm.s32 $_size_execute0_lowered;
	s2 =	sadd.s32 s2, s4;
	[dreg:$0x0] =	wrdreg $0x0  }
0xa8: {  	s4 =	sshll.u32 s28, $0x1;
	[dreg:$0x2] =	wrdreg s2  }
0xa9: {  	[dreg:$0x3] =	wrdreg s4  }
0xaa: {  	[dreg:$0x4] =	wrdreg $0xC0  }
0xab: {  	_ =	task [dreg:s6], $0x5FFFF  }
0xac: {  	[dreg:$0x1] =	wrdreg $0xFFFFFFFF  }
0xad: {  	[dreg:$0x0] =	wrdreg $0x60  }
0xae: {  	[dreg:$0x2] =	wrdreg s24  }
0xaf: {  	[dreg:$0x3] =	wrdreg $0x9  }
0xb0: {  	_ =	task.clear_ibuf [dreg:s6], $0x4FFFF;
	_ =	strace $0x90000067  }
0xb1: {  	s29 =	simm.s32 $0x9;
	_ =	strace $0x80000069  }
0xb2: {  	_ =	swait.ge [sflag:s29], $0x1  }
0xb3: {  	[sflag:s29] =	ssyncadd.s32 $0xFFFFFFFF  }
0xb4: {  	_ =	strace $0x90000069  }
0xb5: {  	_ =	sfence  }
0xb6: {  	s30 =	sld [smem:$0x0];
	_ =	sdelay $0x2  }
0xb7: {  	s31 =	sshll.u32 s1, $0xD;
	s1 =	sshrl.u32 s1, $0x2  }
0xb8: {  	s3 =	sand.u32 $0x4000, s31;
	s1 =	sadd.s32 s1, s30  }
0xb9: {  	s0 =	sor.u32 s3, s0;
	s1 =	sshll.u32 s1, $0x11  }
0xba: {  	s0 =	sor.u32 s1, s0  }
0xbb: {  	s0 =	sadd.s32 $0x8F2B, s0  }
0xbc: {  	[sflag:s0] =	ssyncadd.remote.s32 $0x1  }
0xbd: {  	_ =	sfence.sel $0xFFFF  }
0xbe: {  	[dreg:$0x0] =	wrdreg $0xFFFFFFFF;
	(pc) =	sbr.abs _section_cstart, $3  }
0xbf: {  	[dreg:$0x1] =	wrdreg $0xFFFFFFFF  }
0xc0: {  	_ =	task.clear_ibuf [dreg:s6], $0x2FFFF;
	_ =	strace $0x9FFFFFFF  }
0xc1: {  	(tm) =	ssettm $0x7FFFFFFF  }
tec
execute0_lowered:
.L_overlay_start_1:
0x0: {  	(tag) =	ssettag $0x1  }
0x1: {  	s1 =	srdreg.scid  }
0x2: {  	s0 =	stileid.u32;
	s2 =	rddreg [dreg:$0x0];
	s6 =	simm.s32 $0x1  }
0x3: {  	s9 =	simm.s32 $0x1;
	s10 =	simm.s32 $0x3;
	s1 =	sshll.u32 s1, $0xC  }
0x4: {  	s13 =	simm.s32 $0x0;
	s3 =	sshll.u32 s0, $0xD;
	s4 =	sand.u32 $0x1000, s1  }
0x5: {  	s12 =	simm.s32 $0x0;
	s5 =	sadd.s32 $0x5000, s2;
	s3 =	sor.u32 s3, s4  }
0x6: {  	s1 =	rddreg [dreg:$0x1];
	_ =	strace $0x80000068;
	s8 =	ssub.s32 $0x28000, s3  }
.Ltmp0:
0x7: {  	s4 =	sadd.s32 $0xD0000, s2;
	s7 =	sand.u32 $0x1F000, s8;
	(pc) =	sbr.rel .LBB2_1-.Ltmp0, $4  }
0x8: {  	[sflag:s6] =	ssyncpa.u1 $0x0;
	s11 =	smov.u32 s3;
	p0 =	sne.s32 s7, $0x0  }
0x9: {  	s8 =	sshrl.u32 s8, $0x11;
	s7 =	simm.s32 $0x2;
	s9 =	simm.s32 @!p0 $0x0  }
0xa: {  	[sflag:s7] =	ssyncpa.u1 $0x0;
	p0 =	por $0x0, $0x0;
	s8 =	sadd.s32 s9, s8  }
0xb: {  	vm0 =	vmmov $0xffff;
	[sflag:s10] =	ssyncpa.u1 $0x0;
	s10 =	simm.s32 $0x0;
	s9 =	sadd.s32 $0x1, s8  }
.LBB2_4:
0xc: {  	v3 =	vshrl.u32 v0, $0xD;
	v62 =	vshll.u32 v0, $0x12;
	v2 =	vand.u32 $0x3FF80, v2  }
0xd: {  	v3 =	vand.u32 $0x1F, v3;
	v0 =	vand.u32 $0xC0000, v62;
	v2 =	vsel vm1, $0xFFFFFF80, v2  }
0xe: {  	v3 =	vsel vm1, $0xFFFFFFFF, v3;
	v0 =	vsel vm1, $0xFFFC0000, v0;
	v4 =	vand.u32 $0xFFFFFC00, v2  }
0xf: {  	v0 =	vadd.s32 v0, v4;
	v63 =	vand.u32 $0xFFFFFC00, v3  }
0x10: {  	v2 =	vand.u32 $0x380, v2;
	v0 =	vadd.s32 v63, v0  }
0x11: {  	v3 =	vand.u32 $0x7F, v3;
	v0 =	vor.u32 v2, v0  }
0x12: {  	v0 =	vor.u32 v3, v0;
	_ =	sdelay $0x1  }
0x13: {  	(ifvalue) =	ssetifvalue $0x7FFFFFFF;
	s15 =	sadd.s32 $0x10, s15  }
0x14: {  	[tilespmem:s15], [sflag:$0x1] =	stream.indirect_vreg.gather [hbm4b:s4+s10], $0x1, v1, vm0, $0x4038;
	[tilespmem:$0x4000] =	vst v63  }
0x15: {  	(ifvalue) =	ssetifvalue $0x7FFFFFFF;
	s15 =	sadd.s32 $0x10, s15  }
0x16: {  	[tilespmem:s15], [sflag:$0x1] =	stream.indirect_vreg.gather [hbm4b:s4+s10], $0x1, v0, vm0, $0x4038;
	[tilespmem:$0x4000] =	vst v63  }
0x17: {  	_ =	swait.ge [sflag:s6], $0x1000  }
0x18: {  	s30 =	sshrl.u32 s13, $0x3;
	[sflag:s6] =	ssyncset.done $0x0  }
0x19: {  	s31 =	sand.u32 $0x7, s13;
	s15 =	sadd.s32 s5, s30;
	[sflag:s6] =	ssyncadd.s32 $0xFFFFF000  }
0x1a: {  	[hbm4b:s15+s31] =	stream.linear.scatter [tilespmem:s14], [sflag:$0x3], $0x1000, $0x38;
	[tilespmem:$0x4000] =	vst v63  }
.LBB2_5:
0x1b: {  	s15 =	sadd.s32 $0x20000, s11  }
0x1c: {  	p2 =	sgt.s32 s15, $0x27FFF  }
0x1d: {  	s15 =	smov.u32 @p2 s3;
	p2 =	sne.s32 s12, s9  }
.Ltmp1:
0x1e: {  	p1 =	slt.u32 s12, $0x2;
	(pc) =	sbr.rel @!p2 .LBB2_6-.Ltmp1, $4  }
0x1f: {  	s14 =	simm.s32 @!p1 $0x3  }
0x20: {  	s16 =	sadd.s32 $0x1, s12;
	_ =	swait.ge @!p1 [sflag:s14], $0x1000  }
0x21: {  	s13 =	smov.u32 s11;
	p0 =	por !p0, !p0;
	[sflag:s14] =	ssyncset.done @!p1 $0x0  }
0x22: {  	s12 =	smov.u32 s16;
	s11 =	smov.u32 s15;
	[sflag:s14] =	ssyncadd.s32 @!p1 $0xFFFFF000  }
.LBB2_1:
0x23: {  	p1 =	sge.u32 s12, s8  }
0x24: {  	s14 =	sxor.u32 @!p1 $0xFFFFFFFF, s12  }
0x25: {  	s31 =	sadd.s32 $0xFFFFFFFF, s12;
	s15 =	sshrl.u32 @!p1 s11, $0x3;
	s14 =	sshll.u32 @!p1 s14, $0xC  }
0x26: {  	s16 =	sand.u32 @!p1 $0x7, s11;
	s15 =	sadd.s32 @!p1 s2, s15;
	s14 =	sand.u32 @!p1 $0x1000, s14  }
0x27: {  	[tilespmem:s14], [sflag:$0x2] =	stream.linear.gather @!p1 [hbm4b:s15+s16], $0x1000, $0x38;
	[tilespmem:$0x4000] =	vst v63  }
0x28: {  	p1 =	sge.u32 s31, s8  }
.Ltmp2:
0x29: {  	_ = 	snop;
	(pc) =	sbr.rel @p1 .LBB2_5-.Ltmp2, $1  }
0x2a: {  	_ =	sdelay $0x3  }
0x2b: {  	s14 =	simm.s32 $0x1  }
0x2c: {  	_ =	swait.ge [sflag:s7], $0x1000;
	s14 =	simm.s32 @!p0 $0x0  }
0x2d: {  	[sflag:s7] =	ssyncset.done $0x0;
	s14 =	sshll.u32 s14, $0xC  }
0x2e: {  	[sflag:s7] =	ssyncadd.s32 $0xFFFFF000;
	(ifvalue) =	ssetifvalue $0x7FFFFFFF;
	v0 =	vld.msk [tilespmem:s14+$0x0 ss:$0x1], $0xffff;
	_ =	sdelay $0x2  }
0x2f: {  	s15 =	sadd.s32 $0x10, s14  }
0x30: {  	v3 =	vld.msk [tilespmem:s15+$0x0 ss:$0x1], $0xffff  }
0x31: {  	vm1 =	veq.s32 v0, $0x80000000;
	v1 =	vshll.u32 v0, $0x5  }
0x32: {  	v2 =	vshrl.u32 v0, $0xD;
	v0 =	vshll.u32 v0, $0x12;
	v1 =	vand.u32 $0x3FF80, v1  }
0x33: {  	v2 =	vand.u32 $0x1F, v2;
	v0 =	vand.u32 $0xC0000, v0;
	v1 =	vsel vm1, $0xFFFFFF80, v1  }
0x34: {  	v2 =	vsel vm1, $0xFFFFFFFF, v2;
	v0 =	vsel vm1, $0xFFFC0000, v0;
	v4 =	vand.u32 $0xFFFFFC00, v1  }
0x35: {  	v62 =	vshrl.u32 v3, $0xD;
	v61 =	vand.u32 $0xFFFFFC00, v2;
	v0 =	vadd.s32 v0, v4  }
0x36: {  	vm1 =	veq.s32 v3, $0x80000000;
	v1 =	vand.u32 $0x380, v1;
	v0 =	vadd.s32 v61, v0  }
0x37: {  	v2 =	vand.u32 $0x7F, v2;
	v0 =	vor.u32 v1, v0;
	v1 =	vshll.u32 v3, $0x5  }
0x38: {  	s17 =	sadd.s32 $0x10, s15;
	v4 =	vand.u32 $0x1F, v62;
	v3 =	vshll.u32 v3, $0x12;
	v1 =	vand.u32 $0x3FF80, v1  }
0x39: {  	v2 =	vor.u32 v2, v0;
	v0 =	vld.msk [tilespmem:s17+$0x0 ss:$0x1], $0xffff;
	v3 =	vand.u32 $0xC0000, v3;
	v1 =	vsel vm1, $0xFFFFFF80, v1  }
0x3a: {  	v4 =	vsel vm1, $0xFFFFFFFF, v4;
	v3 =	vsel vm1, $0xFFFC0000, v3;
	v5 =	vand.u32 $0xFFFFFC00, v1  }
0x3b: {  	s31 =	sshll.u32 s12, $0xC;
	v63 =	vand.u32 $0xFFFFFC00, v4;
	v3 =	vadd.s32 v3, v5  }
0x3c: {  	s16 =	simm.s32 $0x20;
	s15 =	sor.u32 $0x2000, s14;
	s14 =	sand.u32 $0x1000, s31;
	v1 =	vand.u32 $0x380, v1;
	v3 =	vadd.s32 v63, v3  }
0x3d: {  	s14 =	sor.u32 $0x2000, s14;
	v4 =	vand.u32 $0x7F, v4;
	(ifvalue) =	ssetifvalue $0x7FFFFFFF;
	s17 =	sadd.s32 $0x10, s17;
	v1 =	vor.u32 v1, v3  }
0x3e: {  	[tilespmem:s15], [sflag:$0x1] =	stream.indirect_vreg.gather [hbm4b:s4+s10], $0x1, v2, vm0, $0x4038;
	vm1 =	veq.s32 v0, $0x80000000;
	v2 =	vshll.u32 v0, $0x5;
	v1 =	vor.u32 v4, v1;
	[tilespmem:$0x4000] =	vst v63  }
.LBB2_3:
0x3f: {  	s16 =	sadd.s32 $0x10, s16;
	v3 =	vshrl.u32 v0, $0xD;
	v4 =	vshll.u32 v0, $0x12;
	v0 =	vld.msk [tilespmem:s17+$0x0 ss:$0x1], $0xffff;
	v2 =	vand.u32 $0x3FF80, v2  }
0x40: {  	p1 =	slt.u32 s16, $0xFF0;
	v3 =	vand.u32 $0x1F, v3;
	v4 =	vand.u32 $0xC0000, v4;
	v2 =	vsel vm1, $0xFFFFFF80, v2  }
.Ltmp3:
0x41: {  	v3 =	vsel vm1, $0xFFFFFFFF, v3;
	v4 =	vsel vm1, $0xFFFC0000, v4;
	v5 =	vand.u32 $0xFFFFFC00, v2;
	(pc) =	sbr.rel @p1 .LBB2_3-.Ltmp3, $4  }
0x42: {  	s15 =	sadd.s32 $0x10, s15;
	v4 =	vadd.s32 v4, v5;
	v5 =	vand.u32 $0xFFFFFC00, v3;
	(ifvalue) =	ssetifvalue $0x7FFFFFFF  }
0x43: {  	v2 =	vand.u32 $0x380, v2;
	v4 =	vadd.s32 v5, v4;
	[tilespmem:s15], [sflag:$0x1] =	stream.indirect_vreg.gather [hbm4b:s4+s10], $0x1, v1, vm0, $0x4038;
	[tilespmem:$0x4000] =	vst v63  }
0x44: {  	v1 =	vand.u32 $0x7F, v3;
	v3 =	vor.u32 v2, v4  }
0x45: {  	s17 =	sadd.s32 $0x10, s17;
	vm1 =	veq.s32 v0, $0x80000000;
	v2 =	vshll.u32 v0, $0x5;
	v1 =	vor.u32 v1, v3  }
.Ltmp4:
0x46: {  	_ = 	snop;
	(pc) =	sbr.rel .LBB2_4-.Ltmp4, $1  }
0x47: {  	_ =	sdelay $0x3  }
.LBB2_6:
0x48: {  	_ =	sfence.sel $0x180000  }
0x49: {  	s2 =	simm.s32 $0x2;
	[bflag:$0x0] =	sbarrier.arrive $0xFFFF  }
0x4a: {  	s30 =	simm.s32 $0x3;
	[sflag:s2] =	ssyncpa.u1 $0x1  }
0x4b: {  	s31 =	simm.s32 $0x1;
	[sflag:s30] =	ssyncpa.u1 $0x1  }
0x4c: {  	[sflag:s31] =	ssyncpa.u1 $0x1  }
0x4d: {  	p0 =	sne.s32 s0, $0x0;
	_ =	strace $0x90000068  }
0x4e: {  	s0 =	sadd.s32 @!p0 $0x100000, s1;
	[bflag:$0x2] =	sbarrier.arrive $0xFFFF  }
0x4f: {  	[sflag:s0] =	ssyncadd.tile.s32 @!p0 $0x1;
	_ =	shalt  }
.Lfunc_end2:
_tile_overlayer_lowered:
.L_overlay_start_2:
0x50: {  	(tag) =	ssettag $0x2  }
0x51: {  	s0 =	rddreg [dreg:$0x0];
	s2 =	stileid.u32  }
0x52: {  	s1 =	rddreg [dreg:$0x1];
	p0 =	sne.s32 s2, $0x0  }
0x53: {  	s3 =	rddreg [dreg:$0x2];
	[bflag:$0x3] =	sbarrier.arrive $0xFFFF;
	s2 =	simm.s32 @!p0 $0x1C01  }
0x54: {  	[timem:s3], [sflag:s2] =	dma.local @!p0 [hbm:s0], s1  }
0x55: {  	s0 =	simm.s32 @!p0 $0x1  }
0x56: {  	_ =	swait.ge @!p0 [sflag:s0], s1  }
0x57: {  	s1 =	ssub.s32 @!p0 $0x0, s1;
	[sflag:s0] =	ssyncset.done @!p0 $0x0  }
0x58: {  	[sflag:s0] =	ssyncadd.s32 @!p0 s1  }
0x59: {  	[bflag:$0x3] =	sbarrier.arrive $0xFFFF  }
0x5a: {  	_ =	shalt  }

// kernel: gather_offload_async_start
scs
__scs_entry_jumppad:
0x0: {  	(pc) =	sbr.rel $0x88, $3  }
0x1: {  	(tag) =	ssettag $0x0;
	lr =	simm.s32 $0x1  }
0x2: {  	[smem:$0x3F87] =	sst lr;
	_ =	strace $0xD0000000  }
0x3: {  	_ = 	snop  }
0x4: {  	_ = 	snop  }
0x5: {  	_ = 	snop  }
0x6: {  	_ = 	snop  }
0x7: {  	_ = 	snop  }
__scs_overlays_trampoline_lowered:
0x8: {  	[smem:$0x3F96] =	sst s0  }
0x9: {  	[smem:$0x3F97] =	sst s1  }
0xa: {  	[smem:$0x3F98] =	sst s2  }
0xb: {  	[smem:$0x3F99] =	sst s3  }
0xc: {  	[smem:$0x3F9A] =	sst s4  }
0xd: {  	[smem:$0x3F9B] =	sst s5  }
0xe: {  	[smem:$0x3F9C] =	sst s6  }
0xf: {  	[smem:$0x3F9D] =	sst s7  }
0x10: {  	[smem:$0x3F9E] =	sst s8  }
0x11: {  	[smem:$0x3F9F] =	sst s9;
	s0 =	simm.s32 @!p0 $0x0  }
0x12: {  	s1 =	sld [smem:$0x3F85];
	s0 =	simm.s32 @p0 $0x1  }
0x13: {  	[smem:$0x3FA0] =	sst s0;
	s0 =	simm.s32 @!p1 $0x0  }
0x14: {  	s2 =	sld [smem:$0x3F84];
	s0 =	simm.s32 @p1 $0x1  }
0x15: {  	[smem:$0x3FA1] =	sst s0;
	s0 =	simm.s32 @!p2 $0x0  }
0x16: {  	s3 =	sld [smem:$0x3FDB];
	s0 =	simm.s32 @p2 $0x1  }
0x17: {  	s4 =	simm.s32 $0x1BF5;
	[smem:$0x3FA3] =	sst s0  }
0x18: {  	s0 =	sld [smem:$0x3F86];
	_ =	swait.ge [sflag:s4], $0x0  }
0x19: {  	s7 =	sld [smem:$0x3F87]  }
0x1a: {  	s8 =	sadd.s32 $0xFFFFE003, lr  }
0x1b: {  	s9 =	sadd.s32 $0xFFFFFEF7, lr;
	s5 =	simm.s32 $0xFFFFFFFF;
	p2 =	slt.u32 s8, $0xFFFFF086  }
0x1c: {  	p1 =	slt.u32 s9, $0xF7A;
	s5 =	simm.s32 @!p2 $0x0  }
0x1d: {  	s5 =	simm.s32 @p1 $0x1;
	p0 =	seq.s32 s7, s2  }
0x1e: {  	s7 =	smul.u32 @!p0 $0xF7A, s2;
	p2 =	seq.s32 @!p0 s5, $0x0  }
0x1f: {  	s9 =	smul.u32 $0xF7A, s1;
	s8 =	simm.s32 @!p0 $0x1BF5;
	p2 =	por !p2, p0  }
0x20: {  	[sflag:s8] =	ssyncset.s32 @!p0 $0xFFFFF086;
	s6 =	sadd.s32 @!p0 s3, s7;
	s7 =	simm.s32 @!p0 $0x108  }
0x21: {  	s3 =	sadd.s32 s3, s9;
	s6 =	sadd.s32 @!p0 $0x88, s6;
	s7 =	simm.s32 @p2 $0x1082  }
0x22: {  	[simem:s7], [sflag:s8] =	dma.local @!p0 [hbm:s6], $0xF7A  }
0x23: {  	s9 =	sor.u32 $0xD0000000, s2;
	s6 =	simm.s32 $0x108;
	_ =	swait.ge @!p0 [sflag:s8], $0x0  }
0x24: {  	s3 =	sadd.s32 $0x88, s3;
	s6 =	simm.s32 @!p1 $0x1082;
	[sflag:s4] =	ssyncset.s32 $0xFFFFF086  }
0x25: {  	[simem:s6], [sflag:s4] =	dma.local [hbm:s3], $0xF7A  }
0x26: {  	[smem:$0x3F87] =	sst s1;
	(tag) =	ssettag s2;
	_ =	strace s9  }
0x27: {  	s1 =	sld [smem:$0x3F97]  }
0x28: {  	s2 =	sld [smem:$0x3F98]  }
0x29: {  	s4 =	sld [smem:$0x3F9A]  }
0x2a: {  	p0 =	seq.s32 s5, $0x0;
	s5 =	sld [smem:$0x3F9B]  }
0x2b: {  	s6 =	sld [smem:$0x3F9C]  }
0x2c: {  	s7 =	sld [smem:$0x3F9D]  }
0x2d: {  	s3 =	simm.s32 $0x108;
	s8 =	sld [smem:$0x3F9E]  }
0x2e: {  	s3 =	simm.s32 @!p0 $0x1082;
	s9 =	sld [smem:$0x3F9F]  }
0x2f: {  	lr =	sadd.s32 s0, s3;
	s0 =	sld [smem:$0x3F96]  }
0x30: {  	s3 =	sld [smem:$0x3F99]  }
0x31: {  	[smem:$0x3FA2] =	sst s10  }
0x32: {  	s10 =	sld [smem:$0x3FA0];
	_ =	sdelay $0x3  }
0x33: {  	p0 =	seq.s32 s10, $0x1;
	s10 =	sld [smem:$0x3FA2];
	_ =	sdelay $0x3  }
0x34: {  	[smem:$0x3FA2] =	sst s10  }
0x35: {  	s10 =	sld [smem:$0x3FA1];
	_ =	sdelay $0x3  }
0x36: {  	p1 =	seq.s32 s10, $0x1;
	s10 =	sld [smem:$0x3FA2];
	_ =	sdelay $0x3  }
0x37: {  	[smem:$0x3FA2] =	sst s10  }
0x38: {  	s10 =	sld [smem:$0x3FA3]  }
0x39: {  	_ = 	snop;
	(pc) =	sbr.ind lr, $3  }
0x3a: {  	_ = 	snop  }
0x3b: {  	_ = 	snop  }
0x3c: {  	p2 =	seq.s32 s10, $0x1;
	s10 =	sld [smem:$0x3FA2]  }
0x3d: {  	_ =	shalt  }
0x3e: {  	_ =	shalt  }
0x3f: {  	_ =	shalt  }
0x40: {  	_ =	shalt  }
0x41: {  	_ =	shalt  }
0x42: {  	_ =	shalt  }
0x43: {  	_ =	shalt  }
0x44: {  	_ =	shalt  }
0x45: {  	_ =	shalt  }
0x46: {  	_ =	shalt  }
0x47: {  	_ =	shalt  }
0x48: {  	_ =	shalt  }
0x49: {  	_ =	shalt  }
0x4a: {  	_ =	shalt  }
0x4b: {  	_ =	shalt  }
0x4c: {  	_ =	shalt  }
0x4d: {  	_ =	shalt  }
0x4e: {  	_ =	shalt  }
0x4f: {  	_ =	shalt  }
0x50: {  	_ =	shalt  }
0x51: {  	_ =	shalt  }
0x52: {  	_ =	shalt  }
0x53: {  	_ =	shalt  }
0x54: {  	_ =	shalt  }
0x55: {  	_ =	shalt  }
0x56: {  	_ =	shalt  }
0x57: {  	_ =	shalt  }
0x58: {  	_ =	shalt  }
0x59: {  	_ =	shalt  }
0x5a: {  	_ =	shalt  }
0x5b: {  	_ =	shalt  }
0x5c: {  	_ =	shalt  }
0x5d: {  	_ =	shalt  }
0x5e: {  	_ =	shalt  }
0x5f: {  	_ =	shalt  }
0x60: {  	_ =	shalt  }
0x61: {  	_ =	shalt  }
0x62: {  	_ =	shalt  }
0x63: {  	_ =	shalt  }
0x64: {  	_ =	shalt  }
0x65: {  	_ =	shalt  }
0x66: {  	_ =	shalt  }
0x67: {  	_ =	shalt  }
0x68: {  	_ =	shalt  }
0x69: {  	_ =	shalt  }
0x6a: {  	_ =	shalt  }
0x6b: {  	_ =	shalt  }
0x6c: {  	_ =	shalt  }
0x6d: {  	_ =	shalt  }
0x6e: {  	_ =	shalt  }
0x6f: {  	_ =	shalt  }
0x70: {  	_ =	shalt  }
0x71: {  	_ =	shalt  }
0x72: {  	_ =	shalt  }
0x73: {  	_ =	shalt  }
0x74: {  	_ =	shalt  }
0x75: {  	_ =	shalt  }
0x76: {  	_ =	shalt  }
0x77: {  	_ =	shalt  }
0x78: {  	_ =	shalt  }
0x79: {  	_ =	shalt  }
0x7a: {  	_ =	shalt  }
0x7b: {  	_ =	shalt  }
0x7c: {  	_ =	shalt  }
0x7d: {  	_ =	shalt  }
0x7e: {  	_ =	shalt  }
0x7f: {  	_ =	shalt  }
0x80: {  	_ =	shalt  }
0x81: {  	_ =	shalt  }
0x82: {  	_ =	shalt  }
0x83: {  	_ =	shalt  }
0x84: {  	_ =	shalt  }
0x85: {  	_ =	shalt  }
0x86: {  	_ =	shalt  }
0x87: {  	_ =	shalt  }
.Lfunc_end0:
.L_simem_size_0:
called_computation.1_lowered:
.L_overlay_start_0:
0x88: {  	s2 =	sld [smem:$0x3FD9]  }
0x89: {  	s3 =	sld [smem:$0x3FFE];
	_ =	sdelay $0x1  }
0x8a: {  	s1 =	srdreg.scid  }
0x8b: {  	s0 =	sand.u32 $0x1, s1  }
0x8c: {  	s14 =	sshll.u32 s0, $0xA;
	s2 =	sadd.s32 s3, s2  }
0x8d: {  	s2 =	sadd.s32 s2, s14  }
0x8e: {  	[smem:$0x3FAE] =	sst s2  }
0x8f: {  	_ = 	snop  }
0x90: {  	s2 =	sld [smem:$0x3FD0];
	_ =	sdelay $0x2  }
0x91: {  	s15 =	simm.s32 $0xA;
	s4 =	simm.s32 $0x10  }
0x92: {  	[smem:s4], [sflag:s15] =	dma.local [hbm:s2], $0x1  }
0x93: {  	_ =	swait.eq [sflag:s15], $0x1  }
0x94: {  	[sflag:s15] =	ssyncset.done $0x0  }
0x95: {  	[sflag:s15] =	ssyncadd.s32 $0xFFFFFFFF  }
0x96: {  	s16 =	sld [smem:$0x10];
	(tm) =	ssettm $0x1  }
0x97: {  	s17 =	sld [smem:$0x3FFB];
	_ =	sdelay $0x3  }
0x98: {  	_ =	strace s17  }
0x99: {  	s3 =	sld [smem:$0x3FFC];
	_ =	sdelay $0x3  }
0x9a: {  	_ =	strace s3  }
0x9b: {  	s3 =	sld [smem:$0x3FFD];
	_ =	sdelay $0x3  }
0x9c: {  	_ =	strace s3  }
0x9d: {  	_ =	strace $0x8FFFFFFF  }
0x9e: {  	s18 =	sld [smem:$0x3FDB];
	_ =	sdelay $0x1  }
0x9f: {  	s19 =	simm.s32 $_scs_section_size  }
0xa0: {  	s5 =	simm.s32 $_size__tile_overlayer_lowered;
	s6 =	simm.s32 $_tile_overlayer_lowered  }
0xa1: {  	s22 =	simm.s32 $0x1BFF;
	s21 =	sshll.u32 s6, $0x1;
	s3 =	sadd.s32 s19, s18  }
0xa2: {  	s7 =	simm.s32 $0x0;
	s20 =	sshll.u32 s5, $0x1;
	s5 =	sadd.s32 s21, s3  }
0xa3: {  	[timem:s7], [sflag:s22] =	dma.local [hbm:s5], s20  }
0xa4: {  	_ =	swait.ge [sflag:s22], s20  }
0xa5: {  	s4 =	ssub.s32 $0x0, s20;
	[sflag:s22] =	ssyncset.done $0x0  }
0xa6: {  	[sflag:s22] =	ssyncadd.s32 s4;
	_ =	sdelay $0x1  }
0xa7: {  	s23 =	simm.s32 $0x1B8B  }
0xa8: {  	_ =	swait.ge [sflag:s23], $0x1  }
0xa9: {  	[sflag:s23] =	ssyncset.done $0x0  }
0xaa: {  	s25 =	simm.s32 $0x1B8E;
	s24 =	sld [smem:$0x3FFE];
	[sflag:s23] =	ssyncadd.s32 $0xFFFFFFFF  }
0xab: {  	s26 =	simm.s32 $execute0_lowered;
	[smem:$0x3FD2] =	sst s25  }
0xac: {  	s5 =	sshll.u32 s26, $0x1;
	_ =	strace $0x80000046;
	[dreg:$0x1] =	wrdreg $0xFFFFFFFF  }
0xad: {  	s28 =	simm.s32 $_size_execute0_lowered;
	s3 =	sadd.s32 s3, s5;
	[dreg:$0x0] =	wrdreg $0x0  }
0xae: {  	s5 =	sshll.u32 s28, $0x1;
	[dreg:$0x2] =	wrdreg s3  }
0xaf: {  	[dreg:$0x3] =	wrdreg s5  }
0xb0: {  	[dreg:$0x4] =	wrdreg $0xC0  }
0xb1: {  	_ =	task [dreg:s7], $0x5FFFF  }
0xb2: {  	[dreg:$0x1] =	wrdreg $0xFFFFFFFF  }
0xb3: {  	[dreg:$0x0] =	wrdreg $0x60  }
0xb4: {  	[dreg:$0x2] =	wrdreg s24  }
0xb5: {  	[dreg:$0x3] =	wrdreg s16  }
0xb6: {  	[dreg:$0x4] =	wrdreg $0x9  }
0xb7: {  	_ =	task.clear_ibuf [dreg:s7], $0x5FFFF;
	_ =	strace $0x90000046  }
0xb8: {  	s29 =	simm.s32 $0x9;
	_ =	strace $0x80000048  }
0xb9: {  	_ =	swait.ge [sflag:s29], $0x1  }
0xba: {  	[sflag:s29] =	ssyncadd.s32 $0xFFFFFFFF  }
0xbb: {  	_ =	strace $0x90000048  }
0xbc: {  	_ =	sfence  }
0xbd: {  	s30 =	sld [smem:$0x0];
	_ =	sdelay $0x2  }
0xbe: {  	s31 =	sshll.u32 s1, $0xD;
	s1 =	sshrl.u32 s1, $0x2  }
0xbf: {  	s3 =	sand.u32 $0x4000, s31;
	s1 =	sadd.s32 s1, s30  }
0xc0: {  	s0 =	sor.u32 s3, s0;
	s1 =	sshll.u32 s1, $0x11  }
0xc1: {  	s0 =	sor.u32 s1, s0  }
0xc2: {  	s0 =	sadd.s32 $0x8F2B, s0  }
0xc3: {  	[sflag:s0] =	ssyncadd.remote.s32 $0x1  }
0xc4: {  	_ =	sfence.sel $0xFFFF  }
0xc5: {  	[dreg:$0x0] =	wrdreg $0xFFFFFFFF;
	(pc) =	sbr.abs _section_cstart, $3  }
0xc6: {  	[dreg:$0x1] =	wrdreg $0xFFFFFFFF  }
0xc7: {  	_ =	task.clear_ibuf [dreg:s7], $0x2FFFF;
	_ =	strace $0x9FFFFFFF  }
0xc8: {  	(tm) =	ssettm $0x7FFFFFFF  }
0xc9: {  	_ =	shalt  }
tec
execute0_lowered:
.L_overlay_start_1:
0x0: {  	(tag) =	ssettag $0x1  }
0x1: {  	s2 =	rddreg [dreg:$0x0]  }
0x2: {  	s8 =	rddreg [dreg:$0x1];
	s1 =	stileid.u32  }
0x3: {  	s3 =	srdreg.scid;
	s0 =	rddreg [dreg:$0x2]  }
0x4: {  	_ =	strace $0x80000047;
	s6 =	simm.s32 $0x2;
	s10 =	simm.s32 $0x1  }
0x5: {  	s30 =	simm.s32 $0x3;
	s4 =	sand.u32 $0x1, s3;
	s5 =	sshll.u32 s1, $0x1  }
0x6: {  	s12 =	simm.s32 $0x0;
	s11 =	simm.s32 $0x0;
	s7 =	sor.u32 s5, s4  }
0x7: {  	s3 =	simm.s32 $0x1;
	s4 =	sadd.s32 $0x240000, s2;
	s5 =	smul.u32 $0x1800, s7  }
0x8: {  	[sflag:s3] =	ssyncpa.u1 $0x0;
	p0 =	seq.s32 s7, $0x0;
	s7 =	simm.s32 $0x30000  }
.Ltmp0:
0x9: {  	s7 =	simm.s32 @!p0 $0x0;
	s9 =	ssub.s32 $0x30000, s5;
	(pc) =	sbr.rel .LBB2_1-.Ltmp0, $4  }
0xa: {  	s10 =	simm.s32 @!p0 $0x0;
	p0 =	sne.s32 s9, s7;
	s7 =	simm.s32 $0x1  }
0xb: {  	[sflag:s6] =	ssyncpa.u1 $0x0;
	s31 =	sshrl.u32 s5, $0x3;
	s7 =	simm.s32 @!p0 $0x0  }
0xc: {  	[sflag:s30] =	ssyncpa.u1 $0x0;
	s8 =	sadd.s32 s8, s31;
	s7 =	sadd.s32 s10, s7  }
0xd: {  	vm0 =	vmmov $0xffff;
	p0 =	por $0x0, $0x0;
	s10 =	simm.s32 $0x0;
	s9 =	sadd.s32 $0x1, s7  }
.LBB2_4:
0xe: {  	_ =	sdelay $0x2  }
0xf: {  	s14 =	sadd.s32 s18, s13  }
0x10: {  	[tilespmem:s14], [sflag:$0x1] =	stream.indirect_vreg.gather [hbm4b:s4+s10], $0x1, v0, vm0, $0x4038;
	[tilespmem:$0x1B000] =	vst v63  }
0x11: {  	_ =	swait.ge [sflag:s3], $0xC000  }
0x12: {  	[sflag:s3] =	ssyncset.done $0x0  }
0x13: {  	s12 =	sadd.s32 s2, s12;
	[sflag:s3] =	ssyncadd.s32 $0xFFFF4000  }
0x14: {  	[hbm:s12] =	stream.linear.scatter [tilespmem:s13], [sflag:$0x3], $0xC000, $0x38;
	[tilespmem:$0x1B000] =	vst v63  }
.LBB2_5:
0x15: {  	p2 =	sne.s32 s11, s9  }
.Ltmp1:
0x16: {  	p1 =	slt.u32 s11, $0x2;
	(pc) =	sbr.rel @!p2 .LBB2_6-.Ltmp1, $4  }
0x17: {  	s12 =	simm.s32 @!p1 $0x3  }
0x18: {  	_ =	swait.ge @!p1 [sflag:s12], $0xC000  }
0x19: {  	s13 =	sadd.s32 $0x1, s11;
	p0 =	por !p0, !p0;
	[sflag:s12] =	ssyncset.done @!p1 $0x0  }
0x1a: {  	s11 =	smov.u32 s13;
	[sflag:s12] =	ssyncadd.s32 @!p1 $0xFFFF4000;
	s12 =	smov.u32 s5  }
.LBB2_1:
0x1b: {  	p1 =	sge.u32 s11, s7  }
0x1c: {  	s13 =	sxor.u32 @!p1 $0x1, s11  }
0x1d: {  	s13 =	smul.u32 @!p1 $0x6000, s13;
	_ =	sdelay $0x1  }
0x1e: {  	s31 =	sadd.s32 $0xFFFFFFFF, s11;
	s14 =	simm.s32 @!p1 $0x0;
	s13 =	sshra.s32 @!p1 s13, $0x2  }
0x1f: {  	[tilespmem:s13], [sflag:$0x2] =	stream.linear.gather @!p1 [hbm4b:s8+s14], $0x1800, $0x38;
	[tilespmem:$0x1B000] =	vst v63  }
0x20: {  	p1 =	sge.u32 s31, s7  }
.Ltmp2:
0x21: {  	_ = 	snop;
	(pc) =	sbr.rel @p1 .LBB2_5-.Ltmp2, $1  }
0x22: {  	_ =	sdelay $0x3  }
0x23: {  	s13 =	simm.s32 $0x1  }
0x24: {  	s13 =	simm.s32 @!p0 $0x0  }
0x25: {  	_ =	swait.ge [sflag:s6], $0x1800;
	s13 =	smul.u32 $0x6000, s13  }
0x26: {  	[sflag:s6] =	ssyncset.done $0x0  }
0x27: {  	[sflag:s6] =	ssyncadd.s32 $0xFFFFE800;
	s16 =	sshrl.u32 s13, $0x2  }
0x28: {  	v0 =	vld.msk [tilespmem:s16+$0x0 ss:$0x1], $0xffff;
	_ =	sdelay $0x4  }
0x29: {  	v1 =	vshrl.u32 v0, $0xD;
	v2 =	vshll.u32 v0, $0x16  }
0x2a: {  	v3 =	vshll.u32 v0, $0x9;
	vm1 =	veq.s32 v0, $0x80000000;
	v0 =	vand.u32 $0xFF, v1  }
0x2b: {  	v1 =	vand.u32 $0xC00000, v2;
	v2 =	vand.u32 $0x3FF800, v3;
	v0 =	vsel vm1, $0xFFFFFFFF, v0  }
0x2c: {  	v1 =	vor.u32 v2, v1;
	v2 =	vshll.u32 v0, $0x3  }
0x2d: {  	s25 =	sand.u32 $0x1, s11;
	v1 =	vsel vm1, $0xFFBFF800, v1;
	v2 =	vand.u32 $0xFFFFFC00, v2  }
0x2e: {  	s13 =	smul.u32 $0x30000, s25;
	v0 =	vand.u32 $0x7F, v0;
	v1 =	vadd.s32 v1, v2  }
0x2f: {  	v0 =	vor.u32 v0, v1  }
0x30: {  	s14 =	simm.s32 $0x0;
	s13 =	sshrl.u32 s13, $0x2  }
0x31: {  	s15 =	sand.u32 $0xFC00, s14;
	s13 =	sor.u32 $0x3000, s13  }
0x32: {  	s17 =	sand.u32 $0x70, s14;
	(ifvalue) =	ssetifvalue $0x7FFFFFFF;
	s15 =	sadd.s32 s15, s13;
	v1 =	vor.u32 $0x80, v0  }
0x33: {  	(ifvalue) =	ssetifvalue $0x7FFFFFFF;
	s15 =	sadd.s32 s17, s15  }
0x34: {  	[tilespmem:s15], [sflag:$0x1] =	stream.indirect_vreg.gather [hbm4b:s4+s10], $0x1, v0, vm0, $0x4038;
	[tilespmem:$0x1B000] =	vst v63  }
0x35: {  	v2 =	vor.u32 $0x100, v0;
	(ifvalue) =	ssetifvalue $0x7FFFFFFF  }
0x36: {  	s17 =	sadd.s32 $0x80, s15;
	(ifvalue) =	ssetifvalue $0x7FFFFFFF  }
0x37: {  	[tilespmem:s17], [sflag:$0x1] =	stream.indirect_vreg.gather [hbm4b:s4+s10], $0x1, v1, vm0, $0x4038;
	[tilespmem:$0x1B000] =	vst v63  }
0x38: {  	v1 =	vor.u32 $0x180, v0;
	(ifvalue) =	ssetifvalue $0x7FFFFFFF  }
0x39: {  	s26 =	sadd.s32 $0x100, s15;
	(ifvalue) =	ssetifvalue $0x7FFFFFFF  }
0x3a: {  	[tilespmem:s26], [sflag:$0x1] =	stream.indirect_vreg.gather [hbm4b:s4+s10], $0x1, v2, vm0, $0x4038;
	[tilespmem:$0x1B000] =	vst v63  }
0x3b: {  	v2 =	vor.u32 $0x200, v0;
	(ifvalue) =	ssetifvalue $0x7FFFFFFF  }
0x3c: {  	s28 =	sadd.s32 $0x180, s15;
	(ifvalue) =	ssetifvalue $0x7FFFFFFF  }
0x3d: {  	[tilespmem:s28], [sflag:$0x1] =	stream.indirect_vreg.gather [hbm4b:s4+s10], $0x1, v1, vm0, $0x4038;
	[tilespmem:$0x1B000] =	vst v63  }
0x3e: {  	(ifvalue) =	ssetifvalue $0x7FFFFFFF;
	v1 =	vor.u32 $0x280, v0  }
0x3f: {  	s29 =	sadd.s32 $0x200, s15;
	(ifvalue) =	ssetifvalue $0x7FFFFFFF  }
0x40: {  	[tilespmem:s29], [sflag:$0x1] =	stream.indirect_vreg.gather [hbm4b:s4+s10], $0x1, v2, vm0, $0x4038;
	[tilespmem:$0x1B000] =	vst v63  }
0x41: {  	(ifvalue) =	ssetifvalue $0x7FFFFFFF;
	v2 =	vor.u32 $0x300, v0  }
0x42: {  	s31 =	sand.u32 $0x7, s14;
	s30 =	sadd.s32 $0x280, s15;
	(ifvalue) =	ssetifvalue $0x7FFFFFFF  }
0x43: {  	[tilespmem:s30], [sflag:$0x1] =	stream.indirect_vreg.gather [hbm4b:s4+s10], $0x1, v1, vm0, $0x4038;
	[tilespmem:$0x1B000] =	vst v63  }
0x44: {  	s17 =	sshll.u32 s31, $0x4;
	(ifvalue) =	ssetifvalue $0x7FFFFFFF  }
0x45: {  	s15 =	sadd.s32 $0x300, s15;
	s17 =	sadd.s32 $0x0, s17;
	v0 =	vor.u32 $0x380, v0;
	(ifvalue) =	ssetifvalue $0x7FFFFFFF  }
0x46: {  	[tilespmem:s15], [sflag:$0x1] =	stream.indirect_vreg.gather [hbm4b:s4+s10], $0x1, v2, vm0, $0x4038;
	[tilespmem:$0x1B000] =	vst v63  }
0x47: {  	s16 =	sadd.s32 $0x10, s16;
	s18 =	sor.u32 $0x380, s17;
	(ifvalue) =	ssetifvalue $0x7FFFFFFF  }
0x48: {  	s17 =	simm.s32 $0x0;
	s15 =	simm.s32 $0x10;
	(ifvalue) =	ssetifvalue $0x7FFFFFFF  }
.LBB2_3:
0x49: {  	s18 =	sadd.s32 s18, s13;
	s14 =	sadd.s32 $0x80, s14;
	s17 =	sadd.s32 $0x1, s17  }
0x4a: {  	[tilespmem:s18], [sflag:$0x1] =	stream.indirect_vreg.gather [hbm4b:s4+s10], $0x1, v0, vm0, $0x4038;
	[tilespmem:$0x1B000] =	vst v63  }
0x4b: {  	p1 =	sne.s32 s15, $0x17F0;
	s18 =	smov.u32 s15;
	s15 =	sadd.s32 $0x10, s15;
	v0 =	vld.msk [tilespmem:s16+$0x0 ss:$0x1], $0xffff  }
0x4c: {  	(ifvalue) =	ssetifvalue $0x7FFFFFFF;
	_ =	sdelay $0x4  }
0x4d: {  	v1 =	vshrl.u32 v0, $0xD;
	v2 =	vshll.u32 v0, $0x16;
	v3 =	vshll.u32 v0, $0x9  }
0x4e: {  	vm1 =	veq.s32 v0, $0x80000000;
	v0 =	vand.u32 $0xFF, v1;
	v1 =	vand.u32 $0xC00000, v2  }
0x4f: {  	v2 =	vand.u32 $0x3FF800, v3;
	v0 =	vsel vm1, $0xFFFFFFFF, v0  }
0x50: {  	v1 =	vor.u32 v2, v1;
	v2 =	vshll.u32 v0, $0x3  }
0x51: {  	v1 =	vsel vm1, $0xFFBFF800, v1;
	v2 =	vand.u32 $0xFFFFFC00, v2  }
0x52: {  	v0 =	vand.u32 $0x7F, v0;
	v1 =	vadd.s32 v1, v2  }
0x53: {  	v0 =	vor.u32 v0, v1;
	_ =	sdelay $0x1  }
0x54: {  	s19 =	sand.u32 $0xFC00, s14  }
0x55: {  	s18 =	sand.u32 $0x70, s18;
	s19 =	sadd.s32 s19, s13;
	v1 =	vor.u32 $0x80, v0  }
0x56: {  	s18 =	sadd.s32 s18, s19;
	(ifvalue) =	ssetifvalue $0x7FFFFFFF  }
0x57: {  	[tilespmem:s18], [sflag:$0x1] =	stream.indirect_vreg.gather [hbm4b:s4+s10], $0x1, v0, vm0, $0x4038;
	[tilespmem:$0x1B000] =	vst v63  }
0x58: {  	v2 =	vor.u32 $0x100, v0;
	(ifvalue) =	ssetifvalue $0x7FFFFFFF  }
0x59: {  	s19 =	sadd.s32 $0x80, s18;
	(ifvalue) =	ssetifvalue $0x7FFFFFFF  }
0x5a: {  	[tilespmem:s19], [sflag:$0x1] =	stream.indirect_vreg.gather [hbm4b:s4+s10], $0x1, v1, vm0, $0x4038;
	[tilespmem:$0x1B000] =	vst v63  }
0x5b: {  	v1 =	vor.u32 $0x180, v0;
	(ifvalue) =	ssetifvalue $0x7FFFFFFF  }
0x5c: {  	s19 =	sadd.s32 $0x100, s18;
	(ifvalue) =	ssetifvalue $0x7FFFFFFF  }
0x5d: {  	[tilespmem:s19], [sflag:$0x1] =	stream.indirect_vreg.gather [hbm4b:s4+s10], $0x1, v2, vm0, $0x4038;
	[tilespmem:$0x1B000] =	vst v63  }
0x5e: {  	v2 =	vor.u32 $0x200, v0;
	(ifvalue) =	ssetifvalue $0x7FFFFFFF  }
0x5f: {  	s19 =	sadd.s32 $0x180, s18;
	(ifvalue) =	ssetifvalue $0x7FFFFFFF  }
0x60: {  	[tilespmem:s19], [sflag:$0x1] =	stream.indirect_vreg.gather [hbm4b:s4+s10], $0x1, v1, vm0, $0x4038;
	[tilespmem:$0x1B000] =	vst v63  }
0x61: {  	v1 =	vor.u32 $0x280, v0;
	(ifvalue) =	ssetifvalue $0x7FFFFFFF  }
0x62: {  	s19 =	sadd.s32 $0x200, s18;
	(ifvalue) =	ssetifvalue $0x7FFFFFFF  }
0x63: {  	[tilespmem:s19], [sflag:$0x1] =	stream.indirect_vreg.gather [hbm4b:s4+s10], $0x1, v2, vm0, $0x4038;
	[tilespmem:$0x1B000] =	vst v63  }
0x64: {  	v2 =	vor.u32 $0x300, v0;
	(ifvalue) =	ssetifvalue $0x7FFFFFFF  }
0x65: {  	s19 =	sadd.s32 $0x280, s18;
	(ifvalue) =	ssetifvalue $0x7FFFFFFF  }
0x66: {  	[tilespmem:s19], [sflag:$0x1] =	stream.indirect_vreg.gather [hbm4b:s4+s10], $0x1, v1, vm0, $0x4038;
	[tilespmem:$0x1B000] =	vst v63  }
.Ltmp3:
0x67: {  	v0 =	vor.u32 $0x380, v0;
	s19 =	sand.u32 $0x7, s17;
	(ifvalue) =	ssetifvalue $0x7FFFFFFF;
	(pc) =	sbr.rel @p1 .LBB2_3-.Ltmp3, $4  }
0x68: {  	s18 =	sadd.s32 $0x300, s18;
	s19 =	sshll.u32 s19, $0x4;
	(ifvalue) =	ssetifvalue $0x7FFFFFFF  }
0x69: {  	[tilespmem:s18], [sflag:$0x1] =	stream.indirect_vreg.gather [hbm4b:s4+s10], $0x1, v2, vm0, $0x4038;
	[tilespmem:$0x1B000] =	vst v63  }
0x6a: {  	s18 =	sadd.s32 s19, s14;
	(ifvalue) =	ssetifvalue $0x7FFFFFFF  }
0x6b: {  	s16 =	sadd.s32 $0x10, s16;
	s18 =	sor.u32 $0x380, s18;
	(ifvalue) =	ssetifvalue $0x7FFFFFFF  }
.Ltmp4:
0x6c: {  	_ = 	snop;
	(pc) =	sbr.rel .LBB2_4-.Ltmp4, $1  }
0x6d: {  	_ =	sdelay $0x3  }
.LBB2_6:
0x6e: {  	_ =	sfence.sel $0x180000  }
0x6f: {  	s2 =	simm.s32 $0x2;
	[bflag:$0x0] =	sbarrier.arrive $0xFFFF  }
0x70: {  	s30 =	simm.s32 $0x3;
	[sflag:s2] =	ssyncpa.u1 $0x1  }
0x71: {  	s31 =	simm.s32 $0x1;
	[sflag:s30] =	ssyncpa.u1 $0x1  }
0x72: {  	[sflag:s31] =	ssyncpa.u1 $0x1  }
0x73: {  	p0 =	sne.s32 s1, $0x0;
	_ =	strace $0x90000047  }
0x74: {  	s0 =	sadd.s32 @!p0 $0x100000, s0;
	[bflag:$0x2] =	sbarrier.arrive $0xFFFF  }
0x75: {  	[sflag:s0] =	ssyncadd.tile.s32 @!p0 $0x1;
	_ =	shalt  }
.Lfunc_end2:
_tile_overlayer_lowered:
.L_overlay_start_2:
0x76: {  	(tag) =	ssettag $0x2  }
0x77: {  	s0 =	rddreg [dreg:$0x0];
	s2 =	stileid.u32  }
0x78: {  	s1 =	rddreg [dreg:$0x1];
	p0 =	sne.s32 s2, $0x0  }
0x79: {  	s3 =	rddreg [dreg:$0x2];
	[bflag:$0x3] =	sbarrier.arrive $0xFFFF;
	s2 =	simm.s32 @!p0 $0x1C01  }
0x7a: {  	[timem:s3], [sflag:s2] =	dma.local @!p0 [hbm:s0], s1  }
0x7b: {  	s0 =	simm.s32 @!p0 $0x1  }
0x7c: {  	_ =	swait.ge @!p0 [sflag:s0], s1  }
0x7d: {  	s1 =	ssub.s32 @!p0 $0x0, s1;
	[sflag:s0] =	ssyncset.done @!p0 $0x0  }
0x7e: {  	[sflag:s0] =	ssyncadd.s32 @!p0 s1  }
0x7f: {  	[bflag:$0x3] =	sbarrier.arrive $0xFFFF  }
0x80: {  	_ =	shalt  }

// kernel: kernel.21.cloned.1.call-start
scs
__scs_entry_jumppad:
0x0: {  	(pc) =	sbr.rel $0x88, $3  }
0x1: {  	(tag) =	ssettag $0x0;
	lr =	simm.s32 $0x1  }
0x2: {  	[smem:$0x3F87] =	sst lr;
	_ =	strace $0xD0000000  }
0x3: {  	_ = 	snop  }
0x4: {  	_ = 	snop  }
0x5: {  	_ = 	snop  }
0x6: {  	_ = 	snop  }
0x7: {  	_ = 	snop  }
__scs_overlays_trampoline_lowered:
0x8: {  	[smem:$0x3F96] =	sst s0  }
0x9: {  	[smem:$0x3F97] =	sst s1  }
0xa: {  	[smem:$0x3F98] =	sst s2  }
0xb: {  	[smem:$0x3F99] =	sst s3  }
0xc: {  	[smem:$0x3F9A] =	sst s4  }
0xd: {  	[smem:$0x3F9B] =	sst s5  }
0xe: {  	[smem:$0x3F9C] =	sst s6  }
0xf: {  	[smem:$0x3F9D] =	sst s7  }
0x10: {  	[smem:$0x3F9E] =	sst s8  }
0x11: {  	[smem:$0x3F9F] =	sst s9;
	s0 =	simm.s32 @!p0 $0x0  }
0x12: {  	s1 =	sld [smem:$0x3F85];
	s0 =	simm.s32 @p0 $0x1  }
0x13: {  	[smem:$0x3FA0] =	sst s0;
	s0 =	simm.s32 @!p1 $0x0  }
0x14: {  	s2 =	sld [smem:$0x3F84];
	s0 =	simm.s32 @p1 $0x1  }
0x15: {  	[smem:$0x3FA1] =	sst s0;
	s0 =	simm.s32 @!p2 $0x0  }
0x16: {  	s3 =	sld [smem:$0x3FDB];
	s0 =	simm.s32 @p2 $0x1  }
0x17: {  	s4 =	simm.s32 $0x1BF5;
	[smem:$0x3FA3] =	sst s0  }
0x18: {  	s0 =	sld [smem:$0x3F86];
	_ =	swait.ge [sflag:s4], $0x0  }
0x19: {  	s7 =	sld [smem:$0x3F87]  }
0x1a: {  	s8 =	sadd.s32 $0xFFFFE003, lr  }
0x1b: {  	s9 =	sadd.s32 $0xFFFFFEF7, lr;
	s5 =	simm.s32 $0xFFFFFFFF;
	p2 =	slt.u32 s8, $0xFFFFF086  }
0x1c: {  	p1 =	slt.u32 s9, $0xF7A;
	s5 =	simm.s32 @!p2 $0x0  }
0x1d: {  	s5 =	simm.s32 @p1 $0x1;
	p0 =	seq.s32 s7, s2  }
0x1e: {  	s7 =	smul.u32 @!p0 $0xF7A, s2;
	p2 =	seq.s32 @!p0 s5, $0x0  }
0x1f: {  	s9 =	smul.u32 $0xF7A, s1;
	s8 =	simm.s32 @!p0 $0x1BF5;
	p2 =	por !p2, p0  }
0x20: {  	[sflag:s8] =	ssyncset.s32 @!p0 $0xFFFFF086;
	s6 =	sadd.s32 @!p0 s3, s7;
	s7 =	simm.s32 @!p0 $0x108  }
0x21: {  	s3 =	sadd.s32 s3, s9;
	s6 =	sadd.s32 @!p0 $0x88, s6;
	s7 =	simm.s32 @p2 $0x1082  }
0x22: {  	[simem:s7], [sflag:s8] =	dma.local @!p0 [hbm:s6], $0xF7A  }
0x23: {  	s9 =	sor.u32 $0xD0000000, s2;
	s6 =	simm.s32 $0x108;
	_ =	swait.ge @!p0 [sflag:s8], $0x0  }
0x24: {  	s3 =	sadd.s32 $0x88, s3;
	s6 =	simm.s32 @!p1 $0x1082;
	[sflag:s4] =	ssyncset.s32 $0xFFFFF086  }
0x25: {  	[simem:s6], [sflag:s4] =	dma.local [hbm:s3], $0xF7A  }
0x26: {  	[smem:$0x3F87] =	sst s1;
	(tag) =	ssettag s2;
	_ =	strace s9  }
0x27: {  	s1 =	sld [smem:$0x3F97]  }
0x28: {  	s2 =	sld [smem:$0x3F98]  }
0x29: {  	s4 =	sld [smem:$0x3F9A]  }
0x2a: {  	p0 =	seq.s32 s5, $0x0;
	s5 =	sld [smem:$0x3F9B]  }
0x2b: {  	s6 =	sld [smem:$0x3F9C]  }
0x2c: {  	s7 =	sld [smem:$0x3F9D]  }
0x2d: {  	s3 =	simm.s32 $0x108;
	s8 =	sld [smem:$0x3F9E]  }
0x2e: {  	s3 =	simm.s32 @!p0 $0x1082;
	s9 =	sld [smem:$0x3F9F]  }
0x2f: {  	lr =	sadd.s32 s0, s3;
	s0 =	sld [smem:$0x3F96]  }
0x30: {  	s3 =	sld [smem:$0x3F99]  }
0x31: {  	[smem:$0x3FA2] =	sst s10  }
0x32: {  	s10 =	sld [smem:$0x3FA0];
	_ =	sdelay $0x3  }
0x33: {  	p0 =	seq.s32 s10, $0x1;
	s10 =	sld [smem:$0x3FA2];
	_ =	sdelay $0x3  }
0x34: {  	[smem:$0x3FA2] =	sst s10  }
0x35: {  	s10 =	sld [smem:$0x3FA1];
	_ =	sdelay $0x3  }
0x36: {  	p1 =	seq.s32 s10, $0x1;
	s10 =	sld [smem:$0x3FA2];
	_ =	sdelay $0x3  }
0x37: {  	[smem:$0x3FA2] =	sst s10  }
0x38: {  	s10 =	sld [smem:$0x3FA3]  }
0x39: {  	_ = 	snop;
	(pc) =	sbr.ind lr, $3  }
0x3a: {  	_ = 	snop  }
0x3b: {  	_ = 	snop  }
0x3c: {  	p2 =	seq.s32 s10, $0x1;
	s10 =	sld [smem:$0x3FA2]  }
0x3d: {  	_ =	shalt  }
0x3e: {  	_ =	shalt  }
0x3f: {  	_ =	shalt  }
0x40: {  	_ =	shalt  }
0x41: {  	_ =	shalt  }
0x42: {  	_ =	shalt  }
0x43: {  	_ =	shalt  }
0x44: {  	_ =	shalt  }
0x45: {  	_ =	shalt  }
0x46: {  	_ =	shalt  }
0x47: {  	_ =	shalt  }
0x48: {  	_ =	shalt  }
0x49: {  	_ =	shalt  }
0x4a: {  	_ =	shalt  }
0x4b: {  	_ =	shalt  }
0x4c: {  	_ =	shalt  }
0x4d: {  	_ =	shalt  }
0x4e: {  	_ =	shalt  }
0x4f: {  	_ =	shalt  }
0x50: {  	_ =	shalt  }
0x51: {  	_ =	shalt  }
0x52: {  	_ =	shalt  }
0x53: {  	_ =	shalt  }
0x54: {  	_ =	shalt  }
0x55: {  	_ =	shalt  }
0x56: {  	_ =	shalt  }
0x57: {  	_ =	shalt  }
0x58: {  	_ =	shalt  }
0x59: {  	_ =	shalt  }
0x5a: {  	_ =	shalt  }
0x5b: {  	_ =	shalt  }
0x5c: {  	_ =	shalt  }
0x5d: {  	_ =	shalt  }
0x5e: {  	_ =	shalt  }
0x5f: {  	_ =	shalt  }
0x60: {  	_ =	shalt  }
0x61: {  	_ =	shalt  }
0x62: {  	_ =	shalt  }
0x63: {  	_ =	shalt  }
0x64: {  	_ =	shalt  }
0x65: {  	_ =	shalt  }
0x66: {  	_ =	shalt  }
0x67: {  	_ =	shalt  }
0x68: {  	_ =	shalt  }
0x69: {  	_ =	shalt  }
0x6a: {  	_ =	shalt  }
0x6b: {  	_ =	shalt  }
0x6c: {  	_ =	shalt  }
0x6d: {  	_ =	shalt  }
0x6e: {  	_ =	shalt  }
0x6f: {  	_ =	shalt  }
0x70: {  	_ =	shalt  }
0x71: {  	_ =	shalt  }
0x72: {  	_ =	shalt  }
0x73: {  	_ =	shalt  }
0x74: {  	_ =	shalt  }
0x75: {  	_ =	shalt  }
0x76: {  	_ =	shalt  }
0x77: {  	_ =	shalt  }
0x78: {  	_ =	shalt  }
0x79: {  	_ =	shalt  }
0x7a: {  	_ =	shalt  }
0x7b: {  	_ =	shalt  }
0x7c: {  	_ =	shalt  }
0x7d: {  	_ =	shalt  }
0x7e: {  	_ =	shalt  }
0x7f: {  	_ =	shalt  }
0x80: {  	_ =	shalt  }
0x81: {  	_ =	shalt  }
0x82: {  	_ =	shalt  }
0x83: {  	_ =	shalt  }
0x84: {  	_ =	shalt  }
0x85: {  	_ =	shalt  }
0x86: {  	_ =	shalt  }
0x87: {  	_ =	shalt  }
.Lfunc_end0:
.L_simem_size_0:
called_computation.9_lowered:
.L_overlay_start_0:
0x88: {  	s2 =	sld [smem:$0x3FD9]  }
0x89: {  	s3 =	sld [smem:$0x3FFE];
	_ =	sdelay $0x1  }
0x8a: {  	s1 =	srdreg.scid  }
0x8b: {  	s0 =	sand.u32 $0x1, s1  }
0x8c: {  	s14 =	sshll.u32 s0, $0xA;
	s2 =	sadd.s32 s3, s2  }
0x8d: {  	s2 =	sadd.s32 s2, s14  }
0x8e: {  	[smem:$0x3FAE] =	sst s2  }
0x8f: {  	_ = 	snop  }
0x90: {  	s2 =	sld [smem:$0x3FD0];
	_ =	sdelay $0x2  }
0x91: {  	s15 =	simm.s32 $0xA;
	s4 =	simm.s32 $0x10  }
0x92: {  	[smem:s4], [sflag:s15] =	dma.local [hbm:s2], $0x1  }
0x93: {  	_ =	swait.eq [sflag:s15], $0x1  }
0x94: {  	[sflag:s15] =	ssyncset.done $0x0  }
0x95: {  	s16 =	sld [smem:$0x10];
	[sflag:s15] =	ssyncadd.s32 $0xFFFFFFFF  }
0x96: {  	s17 =	sld [smem:$0x11];
	(tm) =	ssettm $0x1  }
0x97: {  	s18 =	sld [smem:$0x3FFB];
	_ =	sdelay $0x3  }
0x98: {  	_ =	strace s18  }
0x99: {  	s4 =	sld [smem:$0x3FFC];
	_ =	sdelay $0x3  }
0x9a: {  	_ =	strace s4  }
0x9b: {  	s4 =	sld [smem:$0x3FFD];
	_ =	sdelay $0x3  }
0x9c: {  	_ =	strace s4  }
0x9d: {  	_ =	strace $0x8FFFFFFF  }
0x9e: {  	s19 =	sld [smem:$0x3FDB];
	_ =	sdelay $0x1  }
0x9f: {  	s5 =	simm.s32 $_scs_section_size  }
0xa0: {  	s6 =	simm.s32 $_size__tile_overlayer_lowered;
	s7 =	simm.s32 $_tile_overlayer_lowered  }
0xa1: {  	s22 =	simm.s32 $0x1BFF;
	s21 =	sshll.u32 s7, $0x1;
	s4 =	sadd.s32 s5, s19  }
0xa2: {  	s8 =	simm.s32 $0x0;
	s20 =	sshll.u32 s6, $0x1;
	s6 =	sadd.s32 s21, s4  }
0xa3: {  	[timem:s8], [sflag:s22] =	dma.local [hbm:s6], s20  }
0xa4: {  	_ =	swait.ge [sflag:s22], s20  }
0xa5: {  	s5 =	ssub.s32 $0x0, s20;
	[sflag:s22] =	ssyncset.done $0x0  }
0xa6: {  	[sflag:s22] =	ssyncadd.s32 s5;
	_ =	sdelay $0x1  }
0xa7: {  	s23 =	simm.s32 $0x1B8B  }
0xa8: {  	_ =	swait.ge [sflag:s23], $0x1  }
0xa9: {  	[sflag:s23] =	ssyncset.done $0x0  }
0xaa: {  	s25 =	simm.s32 $0x1B8E;
	s24 =	sld [smem:$0x3FFE];
	[sflag:s23] =	ssyncadd.s32 $0xFFFFFFFF  }
0xab: {  	s26 =	simm.s32 $execute0_lowered;
	[smem:$0x3FD2] =	sst s25  }
0xac: {  	s6 =	sshll.u32 s26, $0x1;
	_ =	strace $0x8000004C;
	[dreg:$0x1] =	wrdreg $0xFFFFFFFF  }
0xad: {  	s28 =	simm.s32 $_size_execute0_lowered;
	s4 =	sadd.s32 s4, s6;
	[dreg:$0x0] =	wrdreg $0x0  }
0xae: {  	s6 =	sshll.u32 s28, $0x1;
	[dreg:$0x2] =	wrdreg s4  }
0xaf: {  	[dreg:$0x3] =	wrdreg s6  }
0xb0: {  	[dreg:$0x4] =	wrdreg $0xC0  }
0xb1: {  	_ =	task [dreg:s8], $0x5FFFF  }
0xb2: {  	[dreg:$0x1] =	wrdreg $0xFFFFFFFF  }
0xb3: {  	[dreg:$0x0] =	wrdreg $0x60  }
0xb4: {  	[dreg:$0x2] =	wrdreg s16  }
0xb5: {  	[dreg:$0x3] =	wrdreg s24  }
0xb6: {  	[dreg:$0x4] =	wrdreg s17  }
0xb7: {  	[dreg:$0x5] =	wrdreg $0x9  }
0xb8: {  	_ =	task.clear_ibuf [dreg:s8], $0x6FFFF;
	_ =	strace $0x9000004C  }
0xb9: {  	s29 =	simm.s32 $0x9;
	_ =	strace $0x8000004E  }
0xba: {  	_ =	swait.ge [sflag:s29], $0x1  }
0xbb: {  	[sflag:s29] =	ssyncadd.s32 $0xFFFFFFFF  }
0xbc: {  	_ =	strace $0x9000004E  }
0xbd: {  	_ =	sfence  }
0xbe: {  	s30 =	sld [smem:$0x0];
	_ =	sdelay $0x2  }
0xbf: {  	s31 =	sshll.u32 s1, $0xD;
	s1 =	sshrl.u32 s1, $0x2  }
0xc0: {  	s3 =	sand.u32 $0x4000, s31;
	s1 =	sadd.s32 s1, s30  }
0xc1: {  	s0 =	sor.u32 s3, s0;
	s1 =	sshll.u32 s1, $0x11  }
0xc2: {  	s0 =	sor.u32 s1, s0  }
0xc3: {  	s0 =	sadd.s32 $0x8F2B, s0  }
0xc4: {  	[sflag:s0] =	ssyncadd.remote.s32 $0x1  }
0xc5: {  	_ =	sfence.sel $0xFFFF  }
0xc6: {  	[dreg:$0x0] =	wrdreg $0xFFFFFFFF;
	(pc) =	sbr.abs _section_cstart, $3  }
0xc7: {  	[dreg:$0x1] =	wrdreg $0xFFFFFFFF  }
0xc8: {  	_ =	task.clear_ibuf [dreg:s8], $0x2FFFF;
	_ =	strace $0x9FFFFFFF  }
0xc9: {  	(tm) =	ssettm $0x7FFFFFFF  }
tec
execute0_lowered:
.L_overlay_start_1:
0x0: {  	(tag) =	ssettag $0x1  }
0x1: {  	s4 =	rddreg [dreg:$0x0]  }
0x2: {  	s3 =	rddreg [dreg:$0x1];
	s1 =	srdreg.scid  }
0x3: {  	s0 =	stileid.u32;
	s9 =	rddreg [dreg:$0x2];
	s2 =	simm.s32 $0x0  }
0x4: {  	s14 =	simm.s32 $0x1900;
	s15 =	simm.s32 $0x2;
	s16 =	simm.s32 $0x13B0  }
0x5: {  	s17 =	simm.s32 $0x0;
	s6 =	sand.u32 $0x1, s1;
	s11 =	smul.u32 $0x2800, s0  }
0x6: {  	s5 =	sshll.u32 s0, $0x1;
	s1 =	rddreg [dreg:$0x3];
	s30 =	smul.u32 $0x5000, s0  }
0x7: {  	[smem:$0x7FF] =	sst s2;
	s3 =	sadd.s32 $0x50000, s3;
	s29 =	smul.u32 $0x1400, s6  }
0x8: {  	s5 =	sor.u32 s6, s5;
	s8 =	ssub.s32 $0x2, s6;
	s12 =	smul.u32 $0x2800, s6  }
0x9: {  	_ =	strace $0x8000004D;
	s7 =	smul.u32 $0x1400, s5;
	s28 =	sshrl.u32 s8, $0x1  }
0xa: {  	s10 =	smul.u32 $0x2800, s5;
	s31 =	sadd.s32 s30, s9;
	s5 =	ssub.s32 s8, s28  }
0xb: {  	s8 =	sadd.s32 s29, s11;
	s11 =	simm.s32 $0x1400;
	s7 =	sshrl.u32 s7, $0x3  }
0xc: {  	s5 =	smax.u32 s5, $0x1;
	s10 =	sadd.s32 s9, s10;
	s13 =	sshll.u32 s8, $0x1  }
0xd: {  	s8 =	sadd.s32 s12, s31;
	s12 =	simm.s32 $0x1;
	s4 =	sadd.s32 s4, s7  }
0xe: {  	s6 =	sadd.s32 $0x26C0, s10;
	s7 =	sadd.s32 $0x2760, s10;
	s9 =	sadd.s32 s13, s9  }
0xf: {  	s10 =	simm.s32 $0x3;
	s13 =	simm.s32 $0x50;
	s9 =	sadd.s32 $0xA0, s9  }
.LBB2_1:
0x10: {  	[tilespmem:s2], [sflag:$0x3] =	stream.linear.gather [hbm4b:s4+s2], $0x1400, $0x38;
	[tilespmem:$0x1E00] =	vst v63  }
0x11: {  	_ =	swait.ge [sflag:s10], $0x1400  }
0x12: {  	[sflag:s10] =	ssyncset.done $0x0  }
0x13: {  	[sflag:s10] =	ssyncadd.s32 $0xFFFFEC00  }
0x14: {  	[tilespmem:s11], [sflag:$0x1] =	stream.indirect.gather [hbm4b:s3+s13], $0x10, s2, s13, $0xb8;
	[tilespmem:$0x1E00] =	vst v63  }
0x15: {  	_ =	swait.ge [sflag:s12], $0x500  }
0x16: {  	[sflag:s12] =	ssyncset.done $0x0  }
0x17: {  	[sflag:s12] =	ssyncadd.s32 $0xFFFFFB00  }
0x18: {  	[tilespmem:s14], [sflag:$0x2] =	stream.indirect.gather [hbm4b:s3+s13], $0x10, s13, s13, $0xb8;
	[tilespmem:$0x1E00] =	vst v63  }
0x19: {  	s18 =	sadd.s32 $0x0, s8  }
0x1a: {  	[hbm4b:s18+s2] =	stream.linear.scatter [tilespmem:s11], [sflag:$0x3], $0x500, $0x38;
	[tilespmem:$0x1E00] =	vst v63  }
0x1b: {  	_ =	swait.ge [sflag:s10], $0x500  }
0x1c: {  	[sflag:s10] =	ssyncset.done $0x0  }
0x1d: {  	[sflag:s10] =	ssyncadd.s32 $0xFFFFFB00  }
0x1e: {  	_ =	swait.ge [sflag:s15], $0x500  }
0x1f: {  	[sflag:s15] =	ssyncset.done $0x0  }
0x20: {  	s30 =	simm.s32 $0xA0;
	[sflag:s15] =	ssyncadd.s32 $0xFFFFFB00  }
0x21: {  	[tilespmem:s11], [sflag:$0x1] =	stream.indirect.gather [hbm4b:s3+s13], $0x10, s30, s13, $0xb8;
	[tilespmem:$0x1E00] =	vst v63  }
0x22: {  	s31 =	sadd.s32 $0x0, s9  }
0x23: {  	[hbm4b:s31+s2] =	stream.linear.scatter [tilespmem:s14], [sflag:$0x3], $0x500, $0x38;
	[tilespmem:$0x1E00] =	vst v63  }
0x24: {  	_ =	swait.ge [sflag:s10], $0x500  }
0x25: {  	s19 =	simm.s32 $0x50;
	s18 =	simm.s32 $0x140;
	[sflag:s10] =	ssyncset.done $0x0  }
.LBB2_2:
0x26: {  	p0 =	sne.s32 s18, $0x2580;
	[sflag:s10] =	ssyncadd.s32 $0xFFFFFB00;
	s19 =	sadd.s32 $0xA0, s19  }
0x27: {  	s20 =	smov.u32 s18;
	s18 =	sadd.s32 $0x140, s18  }
0x28: {  	_ =	swait.ge [sflag:s12], $0x500  }
0x29: {  	[sflag:s12] =	ssyncset.done $0x0  }
0x2a: {  	[sflag:s12] =	ssyncadd.s32 $0xFFFFFB00  }
0x2b: {  	[tilespmem:s14], [sflag:$0x2] =	stream.indirect.gather [hbm4b:s3+s13], $0x10, s19, s13, $0xb8;
	[tilespmem:$0x1E00] =	vst v63  }
0x2c: {  	s21 =	sadd.s32 s20, s8  }
0x2d: {  	[hbm4b:s21+s2] =	stream.linear.scatter [tilespmem:s11], [sflag:$0x3], $0x500, $0x38;
	[tilespmem:$0x1E00] =	vst v63  }
0x2e: {  	_ =	swait.ge [sflag:s10], $0x500  }
0x2f: {  	[sflag:s10] =	ssyncset.done $0x0  }
0x30: {  	[sflag:s10] =	ssyncadd.s32 $0xFFFFFB00  }
0x31: {  	_ =	swait.ge [sflag:s15], $0x500  }
0x32: {  	[sflag:s15] =	ssyncset.done $0x0  }
0x33: {  	s21 =	sadd.s32 $0x50, s19;
	[sflag:s15] =	ssyncadd.s32 $0xFFFFFB00  }
0x34: {  	[tilespmem:s11], [sflag:$0x1] =	stream.indirect.gather [hbm4b:s3+s13], $0x10, s21, s13, $0xb8;
	[tilespmem:$0x1E00] =	vst v63  }
.Ltmp0:
0x35: {  	_ = 	snop;
	(pc) =	sbr.rel @p0 .LBB2_2-.Ltmp0, $4  }
0x36: {  	s20 =	sadd.s32 s20, s9  }
0x37: {  	[hbm4b:s20+s2] =	stream.linear.scatter [tilespmem:s14], [sflag:$0x3], $0x500, $0x38;
	[tilespmem:$0x1E00] =	vst v63  }
0x38: {  	_ =	swait.ge [sflag:s10], $0x500  }
0x39: {  	[sflag:s10] =	ssyncset.done $0x0  }
0x3a: {  	[sflag:s10] =	ssyncadd.s32 $0xFFFFFB00  }
0x3b: {  	_ =	swait.ge [sflag:s12], $0x500  }
0x3c: {  	[sflag:s12] =	ssyncset.done $0x0  }
0x3d: {  	[sflag:s12] =	ssyncadd.s32 $0xFFFFFB00  }
0x3e: {  	[tilespmem:s14], [sflag:$0x2] =	stream.indirect.gather [hbm4b:s3+s13], $0x10, s16, s13, $0xb8;
	[tilespmem:$0x1E00] =	vst v63  }
0x3f: {  	_ = 	snop  }
0x40: {  	[hbm4b:s6+s2] =	stream.linear.scatter [tilespmem:s11], [sflag:$0x3], $0x500, $0x38;
	[tilespmem:$0x1E00] =	vst v63  }
0x41: {  	_ =	swait.ge [sflag:s10], $0x500  }
0x42: {  	[sflag:s10] =	ssyncset.done $0x0  }
0x43: {  	[sflag:s10] =	ssyncadd.s32 $0xFFFFFB00  }
0x44: {  	s17 =	sadd.s32 $0x1, s17;
	_ =	swait.ge [sflag:s15], $0x500  }
0x45: {  	p0 =	sne.s32 s17, s5;
	[sflag:s15] =	ssyncset.done $0x0  }
.Ltmp1:
0x46: {  	[sflag:s15] =	ssyncadd.s32 $0xFFFFFB00;
	(pc) =	sbr.rel @p0 .LBB2_1-.Ltmp1, $4  }
0x47: {  	[hbm4b:s7+s2] =	stream.linear.scatter [tilespmem:s14], [sflag:$0x3], $0x500, $0x38;
	[tilespmem:$0x1E00] =	vst v63  }
0x48: {  	_ =	swait.ge [sflag:s10], $0x500  }
0x49: {  	[sflag:s10] =	ssyncset.done $0x0  }
0x4a: {  	[sflag:s10] =	ssyncadd.s32 $0xFFFFFB00  }
0x4b: {  	_ =	sfence.sel $0x180000  }
0x4c: {  	[bflag:$0x0] =	sbarrier.arrive $0xFFFF  }
0x4d: {  	p0 =	sne.s32 s0, $0x0;
	_ =	strace $0x9000004D  }
0x4e: {  	s0 =	sadd.s32 @!p0 $0x100000, s1;
	[bflag:$0x2] =	sbarrier.arrive $0xFFFF  }
0x4f: {  	[sflag:s0] =	ssyncadd.tile.s32 @!p0 $0x1;
	_ =	shalt  }
.Lfunc_end2:
_tile_overlayer_lowered:
.L_overlay_start_2:
0x50: {  	(tag) =	ssettag $0x2  }
0x51: {  	s0 =	rddreg [dreg:$0x0];
	s2 =	stileid.u32  }
0x52: {  	s1 =	rddreg [dreg:$0x1];
	p0 =	sne.s32 s2, $0x0  }
0x53: {  	s3 =	rddreg [dreg:$0x2];
	[bflag:$0x3] =	sbarrier.arrive $0xFFFF;
	s2 =	simm.s32 @!p0 $0x1C03  }
0x54: {  	[timem:s3], [sflag:s2] =	dma.local @!p0 [hbm:s0], s1  }
0x55: {  	s0 =	simm.s32 @!p0 $0x3  }
0x56: {  	_ =	swait.ge @!p0 [sflag:s0], s1  }
0x57: {  	s1 =	ssub.s32 @!p0 $0x0, s1;
	[sflag:s0] =	ssyncset.done @!p0 $0x0  }
0x58: {  	[sflag:s0] =	ssyncadd.s32 @!p0 s1  }
0x59: {  	[bflag:$0x3] =	sbarrier.arrive $0xFFFF  }
0x5a: {  	_ =	shalt  }

// kernel: kernel.24.cloned.1.call-start
scs
__scs_entry_jumppad:
0x0: {  	(pc) =	sbr.rel $0x88, $3  }
0x1: {  	(tag) =	ssettag $0x0;
	lr =	simm.s32 $0x1  }
0x2: {  	[smem:$0x3F87] =	sst lr;
	_ =	strace $0xD0000000  }
0x3: {  	_ = 	snop  }
0x4: {  	_ = 	snop  }
0x5: {  	_ = 	snop  }
0x6: {  	_ = 	snop  }
0x7: {  	_ = 	snop  }
__scs_overlays_trampoline_lowered:
0x8: {  	[smem:$0x3F96] =	sst s0  }
0x9: {  	[smem:$0x3F97] =	sst s1  }
0xa: {  	[smem:$0x3F98] =	sst s2  }
0xb: {  	[smem:$0x3F99] =	sst s3  }
0xc: {  	[smem:$0x3F9A] =	sst s4  }
0xd: {  	[smem:$0x3F9B] =	sst s5  }
0xe: {  	[smem:$0x3F9C] =	sst s6  }
0xf: {  	[smem:$0x3F9D] =	sst s7  }
0x10: {  	[smem:$0x3F9E] =	sst s8  }
0x11: {  	[smem:$0x3F9F] =	sst s9;
	s0 =	simm.s32 @!p0 $0x0  }
0x12: {  	s1 =	sld [smem:$0x3F85];
	s0 =	simm.s32 @p0 $0x1  }
0x13: {  	[smem:$0x3FA0] =	sst s0;
	s0 =	simm.s32 @!p1 $0x0  }
0x14: {  	s2 =	sld [smem:$0x3F84];
	s0 =	simm.s32 @p1 $0x1  }
0x15: {  	[smem:$0x3FA1] =	sst s0;
	s0 =	simm.s32 @!p2 $0x0  }
0x16: {  	s3 =	sld [smem:$0x3FDB];
	s0 =	simm.s32 @p2 $0x1  }
0x17: {  	s4 =	simm.s32 $0x1BF5;
	[smem:$0x3FA3] =	sst s0  }
0x18: {  	s0 =	sld [smem:$0x3F86];
	_ =	swait.ge [sflag:s4], $0x0  }
0x19: {  	s7 =	sld [smem:$0x3F87]  }
0x1a: {  	s8 =	sadd.s32 $0xFFFFE003, lr  }
0x1b: {  	s9 =	sadd.s32 $0xFFFFFEF7, lr;
	s5 =	simm.s32 $0xFFFFFFFF;
	p2 =	slt.u32 s8, $0xFFFFF086  }
0x1c: {  	p1 =	slt.u32 s9, $0xF7A;
	s5 =	simm.s32 @!p2 $0x0  }
0x1d: {  	s5 =	simm.s32 @p1 $0x1;
	p0 =	seq.s32 s7, s2  }
0x1e: {  	s7 =	smul.u32 @!p0 $0xF7A, s2;
	p2 =	seq.s32 @!p0 s5, $0x0  }
0x1f: {  	s9 =	smul.u32 $0xF7A, s1;
	s8 =	simm.s32 @!p0 $0x1BF5;
	p2 =	por !p2, p0  }
0x20: {  	[sflag:s8] =	ssyncset.s32 @!p0 $0xFFFFF086;
	s6 =	sadd.s32 @!p0 s3, s7;
	s7 =	simm.s32 @!p0 $0x108  }
0x21: {  	s3 =	sadd.s32 s3, s9;
	s6 =	sadd.s32 @!p0 $0x88, s6;
	s7 =	simm.s32 @p2 $0x1082  }
0x22: {  	[simem:s7], [sflag:s8] =	dma.local @!p0 [hbm:s6], $0xF7A  }
0x23: {  	s9 =	sor.u32 $0xD0000000, s2;
	s6 =	simm.s32 $0x108;
	_ =	swait.ge @!p0 [sflag:s8], $0x0  }
0x24: {  	s3 =	sadd.s32 $0x88, s3;
	s6 =	simm.s32 @!p1 $0x1082;
	[sflag:s4] =	ssyncset.s32 $0xFFFFF086  }
0x25: {  	[simem:s6], [sflag:s4] =	dma.local [hbm:s3], $0xF7A  }
0x26: {  	[smem:$0x3F87] =	sst s1;
	(tag) =	ssettag s2;
	_ =	strace s9  }
0x27: {  	s1 =	sld [smem:$0x3F97]  }
0x28: {  	s2 =	sld [smem:$0x3F98]  }
0x29: {  	s4 =	sld [smem:$0x3F9A]  }
0x2a: {  	p0 =	seq.s32 s5, $0x0;
	s5 =	sld [smem:$0x3F9B]  }
0x2b: {  	s6 =	sld [smem:$0x3F9C]  }
0x2c: {  	s7 =	sld [smem:$0x3F9D]  }
0x2d: {  	s3 =	simm.s32 $0x108;
	s8 =	sld [smem:$0x3F9E]  }
0x2e: {  	s3 =	simm.s32 @!p0 $0x1082;
	s9 =	sld [smem:$0x3F9F]  }
0x2f: {  	lr =	sadd.s32 s0, s3;
	s0 =	sld [smem:$0x3F96]  }
0x30: {  	s3 =	sld [smem:$0x3F99]  }
0x31: {  	[smem:$0x3FA2] =	sst s10  }
0x32: {  	s10 =	sld [smem:$0x3FA0];
	_ =	sdelay $0x3  }
0x33: {  	p0 =	seq.s32 s10, $0x1;
	s10 =	sld [smem:$0x3FA2];
	_ =	sdelay $0x3  }
0x34: {  	[smem:$0x3FA2] =	sst s10  }
0x35: {  	s10 =	sld [smem:$0x3FA1];
	_ =	sdelay $0x3  }
0x36: {  	p1 =	seq.s32 s10, $0x1;
	s10 =	sld [smem:$0x3FA2];
	_ =	sdelay $0x3  }
0x37: {  	[smem:$0x3FA2] =	sst s10  }
0x38: {  	s10 =	sld [smem:$0x3FA3]  }
0x39: {  	_ = 	snop;
	(pc) =	sbr.ind lr, $3  }
0x3a: {  	_ = 	snop  }
0x3b: {  	_ = 	snop  }
0x3c: {  	p2 =	seq.s32 s10, $0x1;
	s10 =	sld [smem:$0x3FA2]  }
0x3d: {  	_ =	shalt  }
0x3e: {  	_ =	shalt  }
0x3f: {  	_ =	shalt  }
0x40: {  	_ =	shalt  }
0x41: {  	_ =	shalt  }
0x42: {  	_ =	shalt  }
0x43: {  	_ =	shalt  }
0x44: {  	_ =	shalt  }
0x45: {  	_ =	shalt  }
0x46: {  	_ =	shalt  }
0x47: {  	_ =	shalt  }
0x48: {  	_ =	shalt  }
0x49: {  	_ =	shalt  }
0x4a: {  	_ =	shalt  }
0x4b: {  	_ =	shalt  }
0x4c: {  	_ =	shalt  }
0x4d: {  	_ =	shalt  }
0x4e: {  	_ =	shalt  }
0x4f: {  	_ =	shalt  }
0x50: {  	_ =	shalt  }
0x51: {  	_ =	shalt  }
0x52: {  	_ =	shalt  }
0x53: {  	_ =	shalt  }
0x54: {  	_ =	shalt  }
0x55: {  	_ =	shalt  }
0x56: {  	_ =	shalt  }
0x57: {  	_ =	shalt  }
0x58: {  	_ =	shalt  }
0x59: {  	_ =	shalt  }
0x5a: {  	_ =	shalt  }
0x5b: {  	_ =	shalt  }
0x5c: {  	_ =	shalt  }
0x5d: {  	_ =	shalt  }
0x5e: {  	_ =	shalt  }
0x5f: {  	_ =	shalt  }
0x60: {  	_ =	shalt  }
0x61: {  	_ =	shalt  }
0x62: {  	_ =	shalt  }
0x63: {  	_ =	shalt  }
0x64: {  	_ =	shalt  }
0x65: {  	_ =	shalt  }
0x66: {  	_ =	shalt  }
0x67: {  	_ =	shalt  }
0x68: {  	_ =	shalt  }
0x69: {  	_ =	shalt  }
0x6a: {  	_ =	shalt  }
0x6b: {  	_ =	shalt  }
0x6c: {  	_ =	shalt  }
0x6d: {  	_ =	shalt  }
0x6e: {  	_ =	shalt  }
0x6f: {  	_ =	shalt  }
0x70: {  	_ =	shalt  }
0x71: {  	_ =	shalt  }
0x72: {  	_ =	shalt  }
0x73: {  	_ =	shalt  }
0x74: {  	_ =	shalt  }
0x75: {  	_ =	shalt  }
0x76: {  	_ =	shalt  }
0x77: {  	_ =	shalt  }
0x78: {  	_ =	shalt  }
0x79: {  	_ =	shalt  }
0x7a: {  	_ =	shalt  }
0x7b: {  	_ =	shalt  }
0x7c: {  	_ =	shalt  }
0x7d: {  	_ =	shalt  }
0x7e: {  	_ =	shalt  }
0x7f: {  	_ =	shalt  }
0x80: {  	_ =	shalt  }
0x81: {  	_ =	shalt  }
0x82: {  	_ =	shalt  }
0x83: {  	_ =	shalt  }
0x84: {  	_ =	shalt  }
0x85: {  	_ =	shalt  }
0x86: {  	_ =	shalt  }
0x87: {  	_ =	shalt  }
.Lfunc_end0:
.L_simem_size_0:
called_computation.10_lowered:
.L_overlay_start_0:
0x88: {  	s2 =	sld [smem:$0x3FD9]  }
0x89: {  	s3 =	sld [smem:$0x3FFE];
	_ =	sdelay $0x1  }
0x8a: {  	s1 =	srdreg.scid  }
0x8b: {  	s0 =	sand.u32 $0x1, s1  }
0x8c: {  	s14 =	sshll.u32 s0, $0xA;
	s2 =	sadd.s32 s3, s2  }
0x8d: {  	s2 =	sadd.s32 s2, s14  }
0x8e: {  	[smem:$0x3FAE] =	sst s2  }
0x8f: {  	_ = 	snop  }
0x90: {  	s2 =	sld [smem:$0x3FD0];
	_ =	sdelay $0x2  }
0x91: {  	s15 =	simm.s32 $0xA;
	s4 =	simm.s32 $0x10  }
0x92: {  	[smem:s4], [sflag:s15] =	dma.local [hbm:s2], $0x1  }
0x93: {  	_ =	swait.eq [sflag:s15], $0x1  }
0x94: {  	[sflag:s15] =	ssyncset.done $0x0  }
0x95: {  	[sflag:s15] =	ssyncadd.s32 $0xFFFFFFFF  }
0x96: {  	s16 =	sld [smem:$0x10];
	(tm) =	ssettm $0x1  }
0x97: {  	s17 =	sld [smem:$0x3FFB];
	_ =	sdelay $0x3  }
0x98: {  	_ =	strace s17  }
0x99: {  	s3 =	sld [smem:$0x3FFC];
	_ =	sdelay $0x3  }
0x9a: {  	_ =	strace s3  }
0x9b: {  	s3 =	sld [smem:$0x3FFD];
	_ =	sdelay $0x3  }
0x9c: {  	_ =	strace s3  }
0x9d: {  	_ =	strace $0x8FFFFFFF  }
0x9e: {  	s18 =	sld [smem:$0x3FDB];
	_ =	sdelay $0x1  }
0x9f: {  	s19 =	simm.s32 $_scs_section_size  }
0xa0: {  	s5 =	simm.s32 $_size__tile_overlayer_lowered;
	s6 =	simm.s32 $_tile_overlayer_lowered  }
0xa1: {  	s22 =	simm.s32 $0x1BFF;
	s21 =	sshll.u32 s6, $0x1;
	s3 =	sadd.s32 s19, s18  }
0xa2: {  	s7 =	simm.s32 $0x0;
	s20 =	sshll.u32 s5, $0x1;
	s5 =	sadd.s32 s21, s3  }
0xa3: {  	[timem:s7], [sflag:s22] =	dma.local [hbm:s5], s20  }
0xa4: {  	_ =	swait.ge [sflag:s22], s20  }
0xa5: {  	s4 =	ssub.s32 $0x0, s20;
	[sflag:s22] =	ssyncset.done $0x0  }
0xa6: {  	[sflag:s22] =	ssyncadd.s32 s4;
	_ =	sdelay $0x1  }
0xa7: {  	s23 =	simm.s32 $0x1B8B  }
0xa8: {  	_ =	swait.ge [sflag:s23], $0x1  }
0xa9: {  	[sflag:s23] =	ssyncset.done $0x0  }
0xaa: {  	s25 =	simm.s32 $0x1B8E;
	s24 =	sld [smem:$0x3FFE];
	[sflag:s23] =	ssyncadd.s32 $0xFFFFFFFF  }
0xab: {  	s26 =	simm.s32 $execute0_lowered;
	[smem:$0x3FD2] =	sst s25  }
0xac: {  	s5 =	sshll.u32 s26, $0x1;
	_ =	strace $0x80000055;
	[dreg:$0x1] =	wrdreg $0xFFFFFFFF  }
0xad: {  	s28 =	simm.s32 $_size_execute0_lowered;
	s3 =	sadd.s32 s3, s5;
	[dreg:$0x0] =	wrdreg $0x0  }
0xae: {  	s5 =	sshll.u32 s28, $0x1;
	[dreg:$0x2] =	wrdreg s3  }
0xaf: {  	[dreg:$0x3] =	wrdreg s5  }
0xb0: {  	[dreg:$0x4] =	wrdreg $0xC0  }
0xb1: {  	_ =	task [dreg:s7], $0x5FFFF  }
0xb2: {  	[dreg:$0x1] =	wrdreg $0xFFFFFFFF  }
0xb3: {  	[dreg:$0x0] =	wrdreg $0x60  }
0xb4: {  	[dreg:$0x2] =	wrdreg s16  }
0xb5: {  	[dreg:$0x3] =	wrdreg s24  }
0xb6: {  	[dreg:$0x4] =	wrdreg $0x9  }
0xb7: {  	_ =	task.clear_ibuf [dreg:s7], $0x5FFFF;
	_ =	strace $0x90000055  }
0xb8: {  	s29 =	simm.s32 $0x9;
	_ =	strace $0x80000057  }
0xb9: {  	_ =	swait.ge [sflag:s29], $0x1  }
0xba: {  	[sflag:s29] =	ssyncadd.s32 $0xFFFFFFFF  }
0xbb: {  	_ =	strace $0x90000057  }
0xbc: {  	_ =	sfence  }
0xbd: {  	s30 =	sld [smem:$0x0];
	_ =	sdelay $0x2  }
0xbe: {  	s31 =	sshll.u32 s1, $0xD;
	s1 =	sshrl.u32 s1, $0x2  }
0xbf: {  	s3 =	sand.u32 $0x4000, s31;
	s1 =	sadd.s32 s1, s30  }
0xc0: {  	s0 =	sor.u32 s3, s0;
	s1 =	sshll.u32 s1, $0x11  }
0xc1: {  	s0 =	sor.u32 s1, s0  }
0xc2: {  	s0 =	sadd.s32 $0x8F2B, s0  }
0xc3: {  	[sflag:s0] =	ssyncadd.remote.s32 $0x1  }
0xc4: {  	_ =	sfence.sel $0xFFFF  }
0xc5: {  	[dreg:$0x0] =	wrdreg $0xFFFFFFFF;
	(pc) =	sbr.abs _section_cstart, $3  }
0xc6: {  	[dreg:$0x1] =	wrdreg $0xFFFFFFFF  }
0xc7: {  	_ =	task.clear_ibuf [dreg:s7], $0x2FFFF;
	_ =	strace $0x9FFFFFFF  }
0xc8: {  	(tm) =	ssettm $0x7FFFFFFF  }
0xc9: {  	_ =	shalt  }
tec
execute0_lowered:
.L_overlay_start_1:
0x0: {  	(tag) =	ssettag $0x1  }
0x1: {  	s4 =	rddreg [dreg:$0x0]  }
0x2: {  	s5 =	rddreg [dreg:$0x1]  }
0x3: {  	s0 =	rddreg [dreg:$0x2]  }
0x4: {  	s3 =	srdreg.scid;
	s1 =	stileid.u32;
	s2 =	simm.s32 $0x0  }
0x5: {  	s13 =	simm.s32 $0x50;
	s14 =	simm.s32 $0x2800;
	s15 =	simm.s32 $0x2  }
0x6: {  	s16 =	simm.s32 $0x13B0;
	s17 =	simm.s32 $0x0;
	s11 =	smul.u32 $0x2800, s1  }
0x7: {  	s6 =	sand.u32 $0x1, s3;
	s28 =	sshll.u32 s1, $0x1;
	s31 =	smul.u32 $0x14000, s1  }
0x8: {  	[smem:$0x7FF] =	sst s2;
	s3 =	sadd.s32 $0xB0000, s5;
	s30 =	smul.u32 $0x1400, s6  }
0x9: {  	s7 =	sor.u32 s6, s28;
	s9 =	ssub.s32 $0x2, s6;
	s12 =	smul.u32 $0xA000, s6  }
0xa: {  	s10 =	sadd.s32 $0xC0000, s5;
	s8 =	smul.u32 $0x1400, s7;
	s29 =	sshrl.u32 s9, $0x1  }
0xb: {  	_ =	strace $0x80000056;
	s7 =	smul.u32 $0xA000, s7;
	s5 =	ssub.s32 s9, s29  }
0xc: {  	s9 =	sadd.s32 s30, s11;
	s11 =	simm.s32 $0x1400;
	s8 =	sshrl.u32 s8, $0x3  }
0xd: {  	s5 =	smax.u32 s5, $0x1;
	s7 =	sadd.s32 s10, s7;
	s9 =	sshll.u32 s9, $0x3  }
0xe: {  	s4 =	sadd.s32 s4, s8;
	s6 =	sadd.s32 $0x9B00, s7;
	s8 =	sadd.s32 s31, s10  }
0xf: {  	s7 =	sadd.s32 $0x9D80, s7;
	s9 =	sadd.s32 s9, s10;
	s10 =	simm.s32 $0x3  }
0x10: {  	s8 =	sadd.s32 s12, s8;
	s9 =	sadd.s32 $0x280, s9;
	s12 =	simm.s32 $0x1  }
.LBB2_1:
0x11: {  	[tilespmem:s2], [sflag:$0x3] =	stream.linear.gather [hbm4b:s4+s2], $0x1400, $0x38;
	[tilespmem:$0x3C00] =	vst v63  }
0x12: {  	_ =	swait.ge [sflag:s10], $0x1400  }
0x13: {  	[sflag:s10] =	ssyncset.done $0x0  }
0x14: {  	[sflag:s10] =	ssyncadd.s32 $0xFFFFEC00  }
0x15: {  	[tilespmem:s11], [sflag:$0x1] =	stream.indirect.gather [hbm4b:s3+s13], $0x40, s2, s13, $0xb8;
	[tilespmem:$0x3C00] =	vst v63  }
0x16: {  	_ =	swait.ge [sflag:s12], $0x1400  }
0x17: {  	[sflag:s12] =	ssyncset.done $0x0  }
0x18: {  	[sflag:s12] =	ssyncadd.s32 $0xFFFFEC00  }
0x19: {  	[tilespmem:s14], [sflag:$0x2] =	stream.indirect.gather [hbm4b:s3+s13], $0x40, s13, s13, $0xb8;
	[tilespmem:$0x3C00] =	vst v63  }
0x1a: {  	s18 =	sadd.s32 $0x0, s8  }
0x1b: {  	[hbm4b:s18+s2] =	stream.linear.scatter [tilespmem:s11], [sflag:$0x3], $0x1400, $0x38;
	[tilespmem:$0x3C00] =	vst v63  }
0x1c: {  	_ =	swait.ge [sflag:s10], $0x1400  }
0x1d: {  	[sflag:s10] =	ssyncset.done $0x0  }
0x1e: {  	[sflag:s10] =	ssyncadd.s32 $0xFFFFEC00  }
0x1f: {  	_ =	swait.ge [sflag:s15], $0x1400  }
0x20: {  	[sflag:s15] =	ssyncset.done $0x0  }
0x21: {  	s30 =	simm.s32 $0xA0;
	[sflag:s15] =	ssyncadd.s32 $0xFFFFEC00  }
0x22: {  	[tilespmem:s11], [sflag:$0x1] =	stream.indirect.gather [hbm4b:s3+s13], $0x40, s30, s13, $0xb8;
	[tilespmem:$0x3C00] =	vst v63  }
0x23: {  	s31 =	sadd.s32 $0x0, s9  }
0x24: {  	[hbm4b:s31+s2] =	stream.linear.scatter [tilespmem:s14], [sflag:$0x3], $0x1400, $0x38;
	[tilespmem:$0x3C00] =	vst v63  }
0x25: {  	_ =	swait.ge [sflag:s10], $0x1400  }
0x26: {  	s19 =	simm.s32 $0x50;
	s18 =	simm.s32 $0x500;
	[sflag:s10] =	ssyncset.done $0x0  }
.LBB2_2:
0x27: {  	p0 =	sne.s32 s18, $0x9600;
	[sflag:s10] =	ssyncadd.s32 $0xFFFFEC00;
	s19 =	sadd.s32 $0xA0, s19  }
0x28: {  	s20 =	smov.u32 s18;
	s18 =	sadd.s32 $0x500, s18  }
0x29: {  	_ =	swait.ge [sflag:s12], $0x1400  }
0x2a: {  	[sflag:s12] =	ssyncset.done $0x0  }
0x2b: {  	[sflag:s12] =	ssyncadd.s32 $0xFFFFEC00  }
0x2c: {  	[tilespmem:s14], [sflag:$0x2] =	stream.indirect.gather [hbm4b:s3+s13], $0x40, s19, s13, $0xb8;
	[tilespmem:$0x3C00] =	vst v63  }
0x2d: {  	s21 =	sadd.s32 s20, s8  }
0x2e: {  	[hbm4b:s21+s2] =	stream.linear.scatter [tilespmem:s11], [sflag:$0x3], $0x1400, $0x38;
	[tilespmem:$0x3C00] =	vst v63  }
0x2f: {  	_ =	swait.ge [sflag:s10], $0x1400  }
0x30: {  	[sflag:s10] =	ssyncset.done $0x0  }
0x31: {  	[sflag:s10] =	ssyncadd.s32 $0xFFFFEC00  }
0x32: {  	_ =	swait.ge [sflag:s15], $0x1400  }
0x33: {  	[sflag:s15] =	ssyncset.done $0x0  }
0x34: {  	s21 =	sadd.s32 $0x50, s19;
	[sflag:s15] =	ssyncadd.s32 $0xFFFFEC00  }
0x35: {  	[tilespmem:s11], [sflag:$0x1] =	stream.indirect.gather [hbm4b:s3+s13], $0x40, s21, s13, $0xb8;
	[tilespmem:$0x3C00] =	vst v63  }
.Ltmp0:
0x36: {  	_ = 	snop;
	(pc) =	sbr.rel @p0 .LBB2_2-.Ltmp0, $4  }
0x37: {  	s20 =	sadd.s32 s20, s9  }
0x38: {  	[hbm4b:s20+s2] =	stream.linear.scatter [tilespmem:s14], [sflag:$0x3], $0x1400, $0x38;
	[tilespmem:$0x3C00] =	vst v63  }
0x39: {  	_ =	swait.ge [sflag:s10], $0x1400  }
0x3a: {  	[sflag:s10] =	ssyncset.done $0x0  }
0x3b: {  	[sflag:s10] =	ssyncadd.s32 $0xFFFFEC00  }
0x3c: {  	_ =	swait.ge [sflag:s12], $0x1400  }
0x3d: {  	[sflag:s12] =	ssyncset.done $0x0  }
0x3e: {  	[sflag:s12] =	ssyncadd.s32 $0xFFFFEC00  }
0x3f: {  	[tilespmem:s14], [sflag:$0x2] =	stream.indirect.gather [hbm4b:s3+s13], $0x40, s16, s13, $0xb8;
	[tilespmem:$0x3C00] =	vst v63  }
0x40: {  	_ = 	snop  }
0x41: {  	[hbm4b:s6+s2] =	stream.linear.scatter [tilespmem:s11], [sflag:$0x3], $0x1400, $0x38;
	[tilespmem:$0x3C00] =	vst v63  }
0x42: {  	_ =	swait.ge [sflag:s10], $0x1400  }
0x43: {  	[sflag:s10] =	ssyncset.done $0x0  }
0x44: {  	[sflag:s10] =	ssyncadd.s32 $0xFFFFEC00  }
0x45: {  	s17 =	sadd.s32 $0x1, s17;
	_ =	swait.ge [sflag:s15], $0x1400  }
0x46: {  	p0 =	sne.s32 s17, s5;
	[sflag:s15] =	ssyncset.done $0x0  }
.Ltmp1:
0x47: {  	[sflag:s15] =	ssyncadd.s32 $0xFFFFEC00;
	(pc) =	sbr.rel @p0 .LBB2_1-.Ltmp1, $4  }
0x48: {  	[hbm4b:s7+s2] =	stream.linear.scatter [tilespmem:s14], [sflag:$0x3], $0x1400, $0x38;
	[tilespmem:$0x3C00] =	vst v63  }
0x49: {  	_ =	swait.ge [sflag:s10], $0x1400  }
0x4a: {  	[sflag:s10] =	ssyncset.done $0x0  }
0x4b: {  	[sflag:s10] =	ssyncadd.s32 $0xFFFFEC00  }
0x4c: {  	_ =	sfence.sel $0x180000  }
0x4d: {  	[bflag:$0x0] =	sbarrier.arrive $0xFFFF  }
0x4e: {  	p0 =	sne.s32 s1, $0x0;
	_ =	strace $0x90000056  }
0x4f: {  	s0 =	sadd.s32 @!p0 $0x100000, s0;
	[bflag:$0x2] =	sbarrier.arrive $0xFFFF  }
0x50: {  	[sflag:s0] =	ssyncadd.tile.s32 @!p0 $0x1;
	_ =	shalt  }
.Lfunc_end2:
_tile_overlayer_lowered:
.L_overlay_start_2:
0x51: {  	(tag) =	ssettag $0x2  }
0x52: {  	s0 =	rddreg [dreg:$0x0];
	s2 =	stileid.u32  }
0x53: {  	s1 =	rddreg [dreg:$0x1];
	p0 =	sne.s32 s2, $0x0  }
0x54: {  	s3 =	rddreg [dreg:$0x2];
	[bflag:$0x3] =	sbarrier.arrive $0xFFFF;
	s2 =	simm.s32 @!p0 $0x1C03  }
0x55: {  	[timem:s3], [sflag:s2] =	dma.local @!p0 [hbm:s0], s1  }
0x56: {  	s0 =	simm.s32 @!p0 $0x3  }
0x57: {  	_ =	swait.ge @!p0 [sflag:s0], s1  }
0x58: {  	s1 =	ssub.s32 @!p0 $0x0, s1;
	[sflag:s0] =	ssyncset.done @!p0 $0x0  }
0x59: {  	[sflag:s0] =	ssyncadd.s32 @!p0 s1  }
0x5a: {  	[bflag:$0x3] =	sbarrier.arrive $0xFFFF  }
0x5b: {  	_ =	shalt  }

// kernel: kernel.27.cloned.1.call-start
scs
__scs_entry_jumppad:
0x0: {  	(pc) =	sbr.rel $0x88, $3  }
0x1: {  	(tag) =	ssettag $0x0;
	lr =	simm.s32 $0x1  }
0x2: {  	[smem:$0x3F87] =	sst lr;
	_ =	strace $0xD0000000  }
0x3: {  	_ = 	snop  }
0x4: {  	_ = 	snop  }
0x5: {  	_ = 	snop  }
0x6: {  	_ = 	snop  }
0x7: {  	_ = 	snop  }
__scs_overlays_trampoline_lowered:
0x8: {  	[smem:$0x3F96] =	sst s0  }
0x9: {  	[smem:$0x3F97] =	sst s1  }
0xa: {  	[smem:$0x3F98] =	sst s2  }
0xb: {  	[smem:$0x3F99] =	sst s3  }
0xc: {  	[smem:$0x3F9A] =	sst s4  }
0xd: {  	[smem:$0x3F9B] =	sst s5  }
0xe: {  	[smem:$0x3F9C] =	sst s6  }
0xf: {  	[smem:$0x3F9D] =	sst s7  }
0x10: {  	[smem:$0x3F9E] =	sst s8  }
0x11: {  	[smem:$0x3F9F] =	sst s9;
	s0 =	simm.s32 @!p0 $0x0  }
0x12: {  	s1 =	sld [smem:$0x3F85];
	s0 =	simm.s32 @p0 $0x1  }
0x13: {  	[smem:$0x3FA0] =	sst s0;
	s0 =	simm.s32 @!p1 $0x0  }
0x14: {  	s2 =	sld [smem:$0x3F84];
	s0 =	simm.s32 @p1 $0x1  }
0x15: {  	[smem:$0x3FA1] =	sst s0;
	s0 =	simm.s32 @!p2 $0x0  }
0x16: {  	s3 =	sld [smem:$0x3FDB];
	s0 =	simm.s32 @p2 $0x1  }
0x17: {  	s4 =	simm.s32 $0x1BF5;
	[smem:$0x3FA3] =	sst s0  }
0x18: {  	s0 =	sld [smem:$0x3F86];
	_ =	swait.ge [sflag:s4], $0x0  }
0x19: {  	s7 =	sld [smem:$0x3F87]  }
0x1a: {  	s8 =	sadd.s32 $0xFFFFE003, lr  }
0x1b: {  	s9 =	sadd.s32 $0xFFFFFEF7, lr;
	s5 =	simm.s32 $0xFFFFFFFF;
	p2 =	slt.u32 s8, $0xFFFFF086  }
0x1c: {  	p1 =	slt.u32 s9, $0xF7A;
	s5 =	simm.s32 @!p2 $0x0  }
0x1d: {  	s5 =	simm.s32 @p1 $0x1;
	p0 =	seq.s32 s7, s2  }
0x1e: {  	s7 =	smul.u32 @!p0 $0xF7A, s2;
	p2 =	seq.s32 @!p0 s5, $0x0  }
0x1f: {  	s9 =	smul.u32 $0xF7A, s1;
	s8 =	simm.s32 @!p0 $0x1BF5;
	p2 =	por !p2, p0  }
0x20: {  	[sflag:s8] =	ssyncset.s32 @!p0 $0xFFFFF086;
	s6 =	sadd.s32 @!p0 s3, s7;
	s7 =	simm.s32 @!p0 $0x108  }
0x21: {  	s3 =	sadd.s32 s3, s9;
	s6 =	sadd.s32 @!p0 $0x88, s6;
	s7 =	simm.s32 @p2 $0x1082  }
0x22: {  	[simem:s7], [sflag:s8] =	dma.local @!p0 [hbm:s6], $0xF7A  }
0x23: {  	s9 =	sor.u32 $0xD0000000, s2;
	s6 =	simm.s32 $0x108;
	_ =	swait.ge @!p0 [sflag:s8], $0x0  }
0x24: {  	s3 =	sadd.s32 $0x88, s3;
	s6 =	simm.s32 @!p1 $0x1082;
	[sflag:s4] =	ssyncset.s32 $0xFFFFF086  }
0x25: {  	[simem:s6], [sflag:s4] =	dma.local [hbm:s3], $0xF7A  }
0x26: {  	[smem:$0x3F87] =	sst s1;
	(tag) =	ssettag s2;
	_ =	strace s9  }
0x27: {  	s1 =	sld [smem:$0x3F97]  }
0x28: {  	s2 =	sld [smem:$0x3F98]  }
0x29: {  	s4 =	sld [smem:$0x3F9A]  }
0x2a: {  	p0 =	seq.s32 s5, $0x0;
	s5 =	sld [smem:$0x3F9B]  }
0x2b: {  	s6 =	sld [smem:$0x3F9C]  }
0x2c: {  	s7 =	sld [smem:$0x3F9D]  }
0x2d: {  	s3 =	simm.s32 $0x108;
	s8 =	sld [smem:$0x3F9E]  }
0x2e: {  	s3 =	simm.s32 @!p0 $0x1082;
	s9 =	sld [smem:$0x3F9F]  }
0x2f: {  	lr =	sadd.s32 s0, s3;
	s0 =	sld [smem:$0x3F96]  }
0x30: {  	s3 =	sld [smem:$0x3F99]  }
0x31: {  	[smem:$0x3FA2] =	sst s10  }
0x32: {  	s10 =	sld [smem:$0x3FA0];
	_ =	sdelay $0x3  }
0x33: {  	p0 =	seq.s32 s10, $0x1;
	s10 =	sld [smem:$0x3FA2];
	_ =	sdelay $0x3  }
0x34: {  	[smem:$0x3FA2] =	sst s10  }
0x35: {  	s10 =	sld [smem:$0x3FA1];
	_ =	sdelay $0x3  }
0x36: {  	p1 =	seq.s32 s10, $0x1;
	s10 =	sld [smem:$0x3FA2];
	_ =	sdelay $0x3  }
0x37: {  	[smem:$0x3FA2] =	sst s10  }
0x38: {  	s10 =	sld [smem:$0x3FA3]  }
0x39: {  	_ = 	snop;
	(pc) =	sbr.ind lr, $3  }
0x3a: {  	_ = 	snop  }
0x3b: {  	_ = 	snop  }
0x3c: {  	p2 =	seq.s32 s10, $0x1;
	s10 =	sld [smem:$0x3FA2]  }
0x3d: {  	_ =	shalt  }
0x3e: {  	_ =	shalt  }
0x3f: {  	_ =	shalt  }
0x40: {  	_ =	shalt  }
0x41: {  	_ =	shalt  }
0x42: {  	_ =	shalt  }
0x43: {  	_ =	shalt  }
0x44: {  	_ =	shalt  }
0x45: {  	_ =	shalt  }
0x46: {  	_ =	shalt  }
0x47: {  	_ =	shalt  }
0x48: {  	_ =	shalt  }
0x49: {  	_ =	shalt  }
0x4a: {  	_ =	shalt  }
0x4b: {  	_ =	shalt  }
0x4c: {  	_ =	shalt  }
0x4d: {  	_ =	shalt  }
0x4e: {  	_ =	shalt  }
0x4f: {  	_ =	shalt  }
0x50: {  	_ =	shalt  }
0x51: {  	_ =	shalt  }
0x52: {  	_ =	shalt  }
0x53: {  	_ =	shalt  }
0x54: {  	_ =	shalt  }
0x55: {  	_ =	shalt  }
0x56: {  	_ =	shalt  }
0x57: {  	_ =	shalt  }
0x58: {  	_ =	shalt  }
0x59: {  	_ =	shalt  }
0x5a: {  	_ =	shalt  }
0x5b: {  	_ =	shalt  }
0x5c: {  	_ =	shalt  }
0x5d: {  	_ =	shalt  }
0x5e: {  	_ =	shalt  }
0x5f: {  	_ =	shalt  }
0x60: {  	_ =	shalt  }
0x61: {  	_ =	shalt  }
0x62: {  	_ =	shalt  }
0x63: {  	_ =	shalt  }
0x64: {  	_ =	shalt  }
0x65: {  	_ =	shalt  }
0x66: {  	_ =	shalt  }
0x67: {  	_ =	shalt  }
0x68: {  	_ =	shalt  }
0x69: {  	_ =	shalt  }
0x6a: {  	_ =	shalt  }
0x6b: {  	_ =	shalt  }
0x6c: {  	_ =	shalt  }
0x6d: {  	_ =	shalt  }
0x6e: {  	_ =	shalt  }
0x6f: {  	_ =	shalt  }
0x70: {  	_ =	shalt  }
0x71: {  	_ =	shalt  }
0x72: {  	_ =	shalt  }
0x73: {  	_ =	shalt  }
0x74: {  	_ =	shalt  }
0x75: {  	_ =	shalt  }
0x76: {  	_ =	shalt  }
0x77: {  	_ =	shalt  }
0x78: {  	_ =	shalt  }
0x79: {  	_ =	shalt  }
0x7a: {  	_ =	shalt  }
0x7b: {  	_ =	shalt  }
0x7c: {  	_ =	shalt  }
0x7d: {  	_ =	shalt  }
0x7e: {  	_ =	shalt  }
0x7f: {  	_ =	shalt  }
0x80: {  	_ =	shalt  }
0x81: {  	_ =	shalt  }
0x82: {  	_ =	shalt  }
0x83: {  	_ =	shalt  }
0x84: {  	_ =	shalt  }
0x85: {  	_ =	shalt  }
0x86: {  	_ =	shalt  }
0x87: {  	_ =	shalt  }
.Lfunc_end0:
.L_simem_size_0:
called_computation.11_lowered:
.L_overlay_start_0:
0x88: {  	s2 =	sld [smem:$0x3FD9]  }
0x89: {  	s3 =	sld [smem:$0x3FFE];
	_ =	sdelay $0x1  }
0x8a: {  	s1 =	srdreg.scid  }
0x8b: {  	s0 =	sand.u32 $0x1, s1  }
0x8c: {  	s14 =	sshll.u32 s0, $0xA;
	s2 =	sadd.s32 s3, s2  }
0x8d: {  	s2 =	sadd.s32 s2, s14  }
0x8e: {  	[smem:$0x3FAE] =	sst s2  }
0x8f: {  	_ = 	snop  }
0x90: {  	s2 =	sld [smem:$0x3FD0];
	_ =	sdelay $0x2  }
0x91: {  	s15 =	simm.s32 $0xA;
	s4 =	simm.s32 $0x10  }
0x92: {  	[smem:s4], [sflag:s15] =	dma.local [hbm:s2], $0x1  }
0x93: {  	_ =	swait.eq [sflag:s15], $0x1  }
0x94: {  	[sflag:s15] =	ssyncset.done $0x0  }
0x95: {  	[sflag:s15] =	ssyncadd.s32 $0xFFFFFFFF  }
0x96: {  	s16 =	sld [smem:$0x10];
	(tm) =	ssettm $0x1  }
0x97: {  	s17 =	sld [smem:$0x3FFB];
	_ =	sdelay $0x3  }
0x98: {  	_ =	strace s17  }
0x99: {  	s3 =	sld [smem:$0x3FFC];
	_ =	sdelay $0x3  }
0x9a: {  	_ =	strace s3  }
0x9b: {  	s3 =	sld [smem:$0x3FFD];
	_ =	sdelay $0x3  }
0x9c: {  	_ =	strace s3  }
0x9d: {  	_ =	strace $0x8FFFFFFF  }
0x9e: {  	s18 =	sld [smem:$0x3FDB];
	_ =	sdelay $0x1  }
0x9f: {  	s19 =	simm.s32 $_scs_section_size  }
0xa0: {  	s5 =	simm.s32 $_size__tile_overlayer_lowered;
	s6 =	simm.s32 $_tile_overlayer_lowered  }
0xa1: {  	s22 =	simm.s32 $0x1BFF;
	s21 =	sshll.u32 s6, $0x1;
	s3 =	sadd.s32 s19, s18  }
0xa2: {  	s7 =	simm.s32 $0x0;
	s20 =	sshll.u32 s5, $0x1;
	s5 =	sadd.s32 s21, s3  }
0xa3: {  	[timem:s7], [sflag:s22] =	dma.local [hbm:s5], s20  }
0xa4: {  	_ =	swait.ge [sflag:s22], s20  }
0xa5: {  	s4 =	ssub.s32 $0x0, s20;
	[sflag:s22] =	ssyncset.done $0x0  }
0xa6: {  	[sflag:s22] =	ssyncadd.s32 s4;
	_ =	sdelay $0x1  }
0xa7: {  	s23 =	simm.s32 $0x1B8B  }
0xa8: {  	_ =	swait.ge [sflag:s23], $0x1  }
0xa9: {  	[sflag:s23] =	ssyncset.done $0x0  }
0xaa: {  	s25 =	simm.s32 $0x1B8E;
	s24 =	sld [smem:$0x3FFE];
	[sflag:s23] =	ssyncadd.s32 $0xFFFFFFFF  }
0xab: {  	s26 =	simm.s32 $execute0_lowered;
	[smem:$0x3FD2] =	sst s25  }
0xac: {  	s5 =	sshll.u32 s26, $0x1;
	_ =	strace $0x80000061;
	[dreg:$0x1] =	wrdreg $0xFFFFFFFF  }
0xad: {  	s28 =	simm.s32 $_size_execute0_lowered;
	s3 =	sadd.s32 s3, s5;
	[dreg:$0x0] =	wrdreg $0x0  }
0xae: {  	s5 =	sshll.u32 s28, $0x1;
	[dreg:$0x2] =	wrdreg s3  }
0xaf: {  	[dreg:$0x3] =	wrdreg s5  }
0xb0: {  	[dreg:$0x4] =	wrdreg $0xC0  }
0xb1: {  	_ =	task [dreg:s7], $0x5FFFF  }
0xb2: {  	[dreg:$0x1] =	wrdreg $0xFFFFFFFF  }
0xb3: {  	[dreg:$0x0] =	wrdreg $0x60  }
0xb4: {  	[dreg:$0x2] =	wrdreg s16  }
0xb5: {  	[dreg:$0x3] =	wrdreg s24  }
0xb6: {  	[dreg:$0x4] =	wrdreg $0x9  }
0xb7: {  	_ =	task.clear_ibuf [dreg:s7], $0x5FFFF;
	_ =	strace $0x90000061  }
0xb8: {  	s29 =	simm.s32 $0x9;
	_ =	strace $0x80000063  }
0xb9: {  	_ =	swait.ge [sflag:s29], $0x1  }
0xba: {  	[sflag:s29] =	ssyncadd.s32 $0xFFFFFFFF  }
0xbb: {  	_ =	strace $0x90000063  }
0xbc: {  	_ =	sfence  }
0xbd: {  	s30 =	sld [smem:$0x0];
	_ =	sdelay $0x2  }
0xbe: {  	s31 =	sshll.u32 s1, $0xD;
	s1 =	sshrl.u32 s1, $0x2  }
0xbf: {  	s3 =	sand.u32 $0x4000, s31;
	s1 =	sadd.s32 s1, s30  }
0xc0: {  	s0 =	sor.u32 s3, s0;
	s1 =	sshll.u32 s1, $0x11  }
0xc1: {  	s0 =	sor.u32 s1, s0  }
0xc2: {  	s0 =	sadd.s32 $0x8F2B, s0  }
0xc3: {  	[sflag:s0] =	ssyncadd.remote.s32 $0x1  }
0xc4: {  	_ =	sfence.sel $0xFFFF  }
0xc5: {  	[dreg:$0x0] =	wrdreg $0xFFFFFFFF;
	(pc) =	sbr.abs _section_cstart, $3  }
0xc6: {  	[dreg:$0x1] =	wrdreg $0xFFFFFFFF  }
0xc7: {  	_ =	task.clear_ibuf [dreg:s7], $0x2FFFF;
	_ =	strace $0x9FFFFFFF  }
0xc8: {  	(tm) =	ssettm $0x7FFFFFFF  }
0xc9: {  	_ =	shalt  }
tec
execute0_lowered:
.L_overlay_start_1:
0x0: {  	(tag) =	ssettag $0x1  }
0x1: {  	s4 =	rddreg [dreg:$0x0]  }
0x2: {  	s5 =	rddreg [dreg:$0x1]  }
0x3: {  	s0 =	rddreg [dreg:$0x2]  }
0x4: {  	s3 =	srdreg.scid;
	s1 =	stileid.u32;
	s2 =	simm.s32 $0x0  }
0x5: {  	s13 =	simm.s32 $0x50;
	s14 =	simm.s32 $0x2800;
	s15 =	simm.s32 $0x2  }
0x6: {  	s16 =	simm.s32 $0x13B0;
	s17 =	simm.s32 $0x0;
	s11 =	smul.u32 $0x2800, s1  }
0x7: {  	s6 =	sand.u32 $0x1, s3;
	s28 =	sshll.u32 s1, $0x1;
	s31 =	smul.u32 $0x14000, s1  }
0x8: {  	[smem:$0x7FF] =	sst s2;
	s3 =	sadd.s32 $0x30000, s5;
	s30 =	smul.u32 $0x1400, s6  }
0x9: {  	s7 =	sor.u32 s6, s28;
	s9 =	ssub.s32 $0x2, s6;
	s12 =	smul.u32 $0xA000, s6  }
0xa: {  	s10 =	sadd.s32 $0x240000, s5;
	s8 =	smul.u32 $0x1400, s7;
	s29 =	sshrl.u32 s9, $0x1  }
0xb: {  	_ =	strace $0x80000062;
	s7 =	smul.u32 $0xA000, s7;
	s5 =	ssub.s32 s9, s29  }
0xc: {  	s9 =	sadd.s32 s30, s11;
	s11 =	simm.s32 $0x1400;
	s8 =	sshrl.u32 s8, $0x3  }
0xd: {  	s5 =	smax.u32 s5, $0x1;
	s7 =	sadd.s32 s10, s7;
	s9 =	sshll.u32 s9, $0x3  }
0xe: {  	s4 =	sadd.s32 s4, s8;
	s6 =	sadd.s32 $0x9B00, s7;
	s8 =	sadd.s32 s31, s10  }
0xf: {  	s7 =	sadd.s32 $0x9D80, s7;
	s9 =	sadd.s32 s9, s10;
	s10 =	simm.s32 $0x3  }
0x10: {  	s8 =	sadd.s32 s12, s8;
	s9 =	sadd.s32 $0x280, s9;
	s12 =	simm.s32 $0x1  }
.LBB2_1:
0x11: {  	[tilespmem:s2], [sflag:$0x3] =	stream.linear.gather [hbm4b:s4+s2], $0x1400, $0x38;
	[tilespmem:$0x3C00] =	vst v63  }
0x12: {  	_ =	swait.ge [sflag:s10], $0x1400  }
0x13: {  	[sflag:s10] =	ssyncset.done $0x0  }
0x14: {  	[sflag:s10] =	ssyncadd.s32 $0xFFFFEC00  }
0x15: {  	[tilespmem:s11], [sflag:$0x1] =	stream.indirect.gather [hbm4b:s3+s13], $0x40, s2, s13, $0xb8;
	[tilespmem:$0x3C00] =	vst v63  }
0x16: {  	_ =	swait.ge [sflag:s12], $0x1400  }
0x17: {  	[sflag:s12] =	ssyncset.done $0x0  }
0x18: {  	[sflag:s12] =	ssyncadd.s32 $0xFFFFEC00  }
0x19: {  	[tilespmem:s14], [sflag:$0x2] =	stream.indirect.gather [hbm4b:s3+s13], $0x40, s13, s13, $0xb8;
	[tilespmem:$0x3C00] =	vst v63  }
0x1a: {  	s18 =	sadd.s32 $0x0, s8  }
0x1b: {  	[hbm4b:s18+s2] =	stream.linear.scatter [tilespmem:s11], [sflag:$0x3], $0x1400, $0x38;
	[tilespmem:$0x3C00] =	vst v63  }
0x1c: {  	_ =	swait.ge [sflag:s10], $0x1400  }
0x1d: {  	[sflag:s10] =	ssyncset.done $0x0  }
0x1e: {  	[sflag:s10] =	ssyncadd.s32 $0xFFFFEC00  }
0x1f: {  	_ =	swait.ge [sflag:s15], $0x1400  }
0x20: {  	[sflag:s15] =	ssyncset.done $0x0  }
0x21: {  	s30 =	simm.s32 $0xA0;
	[sflag:s15] =	ssyncadd.s32 $0xFFFFEC00  }
0x22: {  	[tilespmem:s11], [sflag:$0x1] =	stream.indirect.gather [hbm4b:s3+s13], $0x40, s30, s13, $0xb8;
	[tilespmem:$0x3C00] =	vst v63  }
0x23: {  	s31 =	sadd.s32 $0x0, s9  }
0x24: {  	[hbm4b:s31+s2] =	stream.linear.scatter [tilespmem:s14], [sflag:$0x3], $0x1400, $0x38;
	[tilespmem:$0x3C00] =	vst v63  }
0x25: {  	_ =	swait.ge [sflag:s10], $0x1400  }
0x26: {  	s19 =	simm.s32 $0x50;
	s18 =	simm.s32 $0x500;
	[sflag:s10] =	ssyncset.done $0x0  }
.LBB2_2:
0x27: {  	p0 =	sne.s32 s18, $0x9600;
	[sflag:s10] =	ssyncadd.s32 $0xFFFFEC00;
	s19 =	sadd.s32 $0xA0, s19  }
0x28: {  	s20 =	smov.u32 s18;
	s18 =	sadd.s32 $0x500, s18  }
0x29: {  	_ =	swait.ge [sflag:s12], $0x1400  }
0x2a: {  	[sflag:s12] =	ssyncset.done $0x0  }
0x2b: {  	[sflag:s12] =	ssyncadd.s32 $0xFFFFEC00  }
0x2c: {  	[tilespmem:s14], [sflag:$0x2] =	stream.indirect.gather [hbm4b:s3+s13], $0x40, s19, s13, $0xb8;
	[tilespmem:$0x3C00] =	vst v63  }
0x2d: {  	s21 =	sadd.s32 s20, s8  }
0x2e: {  	[hbm4b:s21+s2] =	stream.linear.scatter [tilespmem:s11], [sflag:$0x3], $0x1400, $0x38;
	[tilespmem:$0x3C00] =	vst v63  }
0x2f: {  	_ =	swait.ge [sflag:s10], $0x1400  }
0x30: {  	[sflag:s10] =	ssyncset.done $0x0  }
0x31: {  	[sflag:s10] =	ssyncadd.s32 $0xFFFFEC00  }
0x32: {  	_ =	swait.ge [sflag:s15], $0x1400  }
0x33: {  	[sflag:s15] =	ssyncset.done $0x0  }
0x34: {  	s21 =	sadd.s32 $0x50, s19;
	[sflag:s15] =	ssyncadd.s32 $0xFFFFEC00  }
0x35: {  	[tilespmem:s11], [sflag:$0x1] =	stream.indirect.gather [hbm4b:s3+s13], $0x40, s21, s13, $0xb8;
	[tilespmem:$0x3C00] =	vst v63  }
.Ltmp0:
0x36: {  	_ = 	snop;
	(pc) =	sbr.rel @p0 .LBB2_2-.Ltmp0, $4  }
0x37: {  	s20 =	sadd.s32 s20, s9  }
0x38: {  	[hbm4b:s20+s2] =	stream.linear.scatter [tilespmem:s14], [sflag:$0x3], $0x1400, $0x38;
	[tilespmem:$0x3C00] =	vst v63  }
0x39: {  	_ =	swait.ge [sflag:s10], $0x1400  }
0x3a: {  	[sflag:s10] =	ssyncset.done $0x0  }
0x3b: {  	[sflag:s10] =	ssyncadd.s32 $0xFFFFEC00  }
0x3c: {  	_ =	swait.ge [sflag:s12], $0x1400  }
0x3d: {  	[sflag:s12] =	ssyncset.done $0x0  }
0x3e: {  	[sflag:s12] =	ssyncadd.s32 $0xFFFFEC00  }
0x3f: {  	[tilespmem:s14], [sflag:$0x2] =	stream.indirect.gather [hbm4b:s3+s13], $0x40, s16, s13, $0xb8;
	[tilespmem:$0x3C00] =	vst v63  }
0x40: {  	_ = 	snop  }
0x41: {  	[hbm4b:s6+s2] =	stream.linear.scatter [tilespmem:s11], [sflag:$0x3], $0x1400, $0x38;
	[tilespmem:$0x3C00] =	vst v63  }
0x42: {  	_ =	swait.ge [sflag:s10], $0x1400  }
0x43: {  	[sflag:s10] =	ssyncset.done $0x0  }
0x44: {  	[sflag:s10] =	ssyncadd.s32 $0xFFFFEC00  }
0x45: {  	s17 =	sadd.s32 $0x1, s17;
	_ =	swait.ge [sflag:s15], $0x1400  }
0x46: {  	p0 =	sne.s32 s17, s5;
	[sflag:s15] =	ssyncset.done $0x0  }
.Ltmp1:
0x47: {  	[sflag:s15] =	ssyncadd.s32 $0xFFFFEC00;
	(pc) =	sbr.rel @p0 .LBB2_1-.Ltmp1, $4  }
0x48: {  	[hbm4b:s7+s2] =	stream.linear.scatter [tilespmem:s14], [sflag:$0x3], $0x1400, $0x38;
	[tilespmem:$0x3C00] =	vst v63  }
0x49: {  	_ =	swait.ge [sflag:s10], $0x1400  }
0x4a: {  	[sflag:s10] =	ssyncset.done $0x0  }
0x4b: {  	[sflag:s10] =	ssyncadd.s32 $0xFFFFEC00  }
0x4c: {  	_ =	sfence.sel $0x180000  }
0x4d: {  	[bflag:$0x0] =	sbarrier.arrive $0xFFFF  }
0x4e: {  	p0 =	sne.s32 s1, $0x0;
	_ =	strace $0x90000062  }
0x4f: {  	s0 =	sadd.s32 @!p0 $0x100000, s0;
	[bflag:$0x2] =	sbarrier.arrive $0xFFFF  }
0x50: {  	[sflag:s0] =	ssyncadd.tile.s32 @!p0 $0x1;
	_ =	shalt  }
.Lfunc_end2:
_tile_overlayer_lowered:
.L_overlay_start_2:
0x51: {  	(tag) =	ssettag $0x2  }
0x52: {  	s0 =	rddreg [dreg:$0x0];
	s2 =	stileid.u32  }
0x53: {  	s1 =	rddreg [dreg:$0x1];
	p0 =	sne.s32 s2, $0x0  }
0x54: {  	s3 =	rddreg [dreg:$0x2];
	[bflag:$0x3] =	sbarrier.arrive $0xFFFF;
	s2 =	simm.s32 @!p0 $0x1C03  }
0x55: {  	[timem:s3], [sflag:s2] =	dma.local @!p0 [hbm:s0], s1  }
0x56: {  	s0 =	simm.s32 @!p0 $0x3  }
0x57: {  	_ =	swait.ge @!p0 [sflag:s0], s1  }
0x58: {  	s1 =	ssub.s32 @!p0 $0x0, s1;
	[sflag:s0] =	ssyncset.done @!p0 $0x0  }
0x59: {  	[sflag:s0] =	ssyncadd.s32 @!p0 s1  }
0x5a: {  	[bflag:$0x3] =	sbarrier.arrive $0xFFFF  }
0x5b: {  	_ =	shalt  }

// kernel: kernel.30.cloned.1.call-start
scs
__scs_entry_jumppad:
0x0: {  	(pc) =	sbr.rel $0x88, $3  }
0x1: {  	(tag) =	ssettag $0x0;
	lr =	simm.s32 $0x1  }
0x2: {  	[smem:$0x3F87] =	sst lr;
	_ =	strace $0xD0000000  }
0x3: {  	_ = 	snop  }
0x4: {  	_ = 	snop  }
0x5: {  	_ = 	snop  }
0x6: {  	_ = 	snop  }
0x7: {  	_ = 	snop  }
__scs_overlays_trampoline_lowered:
0x8: {  	[smem:$0x3F96] =	sst s0  }
0x9: {  	[smem:$0x3F97] =	sst s1  }
0xa: {  	[smem:$0x3F98] =	sst s2  }
0xb: {  	[smem:$0x3F99] =	sst s3  }
0xc: {  	[smem:$0x3F9A] =	sst s4  }
0xd: {  	[smem:$0x3F9B] =	sst s5  }
0xe: {  	[smem:$0x3F9C] =	sst s6  }
0xf: {  	[smem:$0x3F9D] =	sst s7  }
0x10: {  	[smem:$0x3F9E] =	sst s8  }
0x11: {  	[smem:$0x3F9F] =	sst s9;
	s0 =	simm.s32 @!p0 $0x0  }
0x12: {  	s1 =	sld [smem:$0x3F85];
	s0 =	simm.s32 @p0 $0x1  }
0x13: {  	[smem:$0x3FA0] =	sst s0;
	s0 =	simm.s32 @!p1 $0x0  }
0x14: {  	s2 =	sld [smem:$0x3F84];
	s0 =	simm.s32 @p1 $0x1  }
0x15: {  	[smem:$0x3FA1] =	sst s0;
	s0 =	simm.s32 @!p2 $0x0  }
0x16: {  	s3 =	sld [smem:$0x3FDB];
	s0 =	simm.s32 @p2 $0x1  }
0x17: {  	s4 =	simm.s32 $0x1BF5;
	[smem:$0x3FA3] =	sst s0  }
0x18: {  	s0 =	sld [smem:$0x3F86];
	_ =	swait.ge [sflag:s4], $0x0  }
0x19: {  	s7 =	sld [smem:$0x3F87]  }
0x1a: {  	s8 =	sadd.s32 $0xFFFFE003, lr  }
0x1b: {  	s9 =	sadd.s32 $0xFFFFFEF7, lr;
	s5 =	simm.s32 $0xFFFFFFFF;
	p2 =	slt.u32 s8, $0xFFFFF086  }
0x1c: {  	p1 =	slt.u32 s9, $0xF7A;
	s5 =	simm.s32 @!p2 $0x0  }
0x1d: {  	s5 =	simm.s32 @p1 $0x1;
	p0 =	seq.s32 s7, s2  }
0x1e: {  	s7 =	smul.u32 @!p0 $0xF7A, s2;
	p2 =	seq.s32 @!p0 s5, $0x0  }
0x1f: {  	s9 =	smul.u32 $0xF7A, s1;
	s8 =	simm.s32 @!p0 $0x1BF5;
	p2 =	por !p2, p0  }
0x20: {  	[sflag:s8] =	ssyncset.s32 @!p0 $0xFFFFF086;
	s6 =	sadd.s32 @!p0 s3, s7;
	s7 =	simm.s32 @!p0 $0x108  }
0x21: {  	s3 =	sadd.s32 s3, s9;
	s6 =	sadd.s32 @!p0 $0x88, s6;
	s7 =	simm.s32 @p2 $0x1082  }
0x22: {  	[simem:s7], [sflag:s8] =	dma.local @!p0 [hbm:s6], $0xF7A  }
0x23: {  	s9 =	sor.u32 $0xD0000000, s2;
	s6 =	simm.s32 $0x108;
	_ =	swait.ge @!p0 [sflag:s8], $0x0  }
0x24: {  	s3 =	sadd.s32 $0x88, s3;
	s6 =	simm.s32 @!p1 $0x1082;
	[sflag:s4] =	ssyncset.s32 $0xFFFFF086  }
0x25: {  	[simem:s6], [sflag:s4] =	dma.local [hbm:s3], $0xF7A  }
0x26: {  	[smem:$0x3F87] =	sst s1;
	(tag) =	ssettag s2;
	_ =	strace s9  }
0x27: {  	s1 =	sld [smem:$0x3F97]  }
0x28: {  	s2 =	sld [smem:$0x3F98]  }
0x29: {  	s4 =	sld [smem:$0x3F9A]  }
0x2a: {  	p0 =	seq.s32 s5, $0x0;
	s5 =	sld [smem:$0x3F9B]  }
0x2b: {  	s6 =	sld [smem:$0x3F9C]  }
0x2c: {  	s7 =	sld [smem:$0x3F9D]  }
0x2d: {  	s3 =	simm.s32 $0x108;
	s8 =	sld [smem:$0x3F9E]  }
0x2e: {  	s3 =	simm.s32 @!p0 $0x1082;
	s9 =	sld [smem:$0x3F9F]  }
0x2f: {  	lr =	sadd.s32 s0, s3;
	s0 =	sld [smem:$0x3F96]  }
0x30: {  	s3 =	sld [smem:$0x3F99]  }
0x31: {  	[smem:$0x3FA2] =	sst s10  }
0x32: {  	s10 =	sld [smem:$0x3FA0];
	_ =	sdelay $0x3  }
0x33: {  	p0 =	seq.s32 s10, $0x1;
	s10 =	sld [smem:$0x3FA2];
	_ =	sdelay $0x3  }
0x34: {  	[smem:$0x3FA2] =	sst s10  }
0x35: {  	s10 =	sld [smem:$0x3FA1];
	_ =	sdelay $0x3  }
0x36: {  	p1 =	seq.s32 s10, $0x1;
	s10 =	sld [smem:$0x3FA2];
	_ =	sdelay $0x3  }
0x37: {  	[smem:$0x3FA2] =	sst s10  }
0x38: {  	s10 =	sld [smem:$0x3FA3]  }
0x39: {  	_ = 	snop;
	(pc) =	sbr.ind lr, $3  }
0x3a: {  	_ = 	snop  }
0x3b: {  	_ = 	snop  }
0x3c: {  	p2 =	seq.s32 s10, $0x1;
	s10 =	sld [smem:$0x3FA2]  }
0x3d: {  	_ =	shalt  }
0x3e: {  	_ =	shalt  }
0x3f: {  	_ =	shalt  }
0x40: {  	_ =	shalt  }
0x41: {  	_ =	shalt  }
0x42: {  	_ =	shalt  }
0x43: {  	_ =	shalt  }
0x44: {  	_ =	shalt  }
0x45: {  	_ =	shalt  }
0x46: {  	_ =	shalt  }
0x47: {  	_ =	shalt  }
0x48: {  	_ =	shalt  }
0x49: {  	_ =	shalt  }
0x4a: {  	_ =	shalt  }
0x4b: {  	_ =	shalt  }
0x4c: {  	_ =	shalt  }
0x4d: {  	_ =	shalt  }
0x4e: {  	_ =	shalt  }
0x4f: {  	_ =	shalt  }
0x50: {  	_ =	shalt  }
0x51: {  	_ =	shalt  }
0x52: {  	_ =	shalt  }
0x53: {  	_ =	shalt  }
0x54: {  	_ =	shalt  }
0x55: {  	_ =	shalt  }
0x56: {  	_ =	shalt  }
0x57: {  	_ =	shalt  }
0x58: {  	_ =	shalt  }
0x59: {  	_ =	shalt  }
0x5a: {  	_ =	shalt  }
0x5b: {  	_ =	shalt  }
0x5c: {  	_ =	shalt  }
0x5d: {  	_ =	shalt  }
0x5e: {  	_ =	shalt  }
0x5f: {  	_ =	shalt  }
0x60: {  	_ =	shalt  }
0x61: {  	_ =	shalt  }
0x62: {  	_ =	shalt  }
0x63: {  	_ =	shalt  }
0x64: {  	_ =	shalt  }
0x65: {  	_ =	shalt  }
0x66: {  	_ =	shalt  }
0x67: {  	_ =	shalt  }
0x68: {  	_ =	shalt  }
0x69: {  	_ =	shalt  }
0x6a: {  	_ =	shalt  }
0x6b: {  	_ =	shalt  }
0x6c: {  	_ =	shalt  }
0x6d: {  	_ =	shalt  }
0x6e: {  	_ =	shalt  }
0x6f: {  	_ =	shalt  }
0x70: {  	_ =	shalt  }
0x71: {  	_ =	shalt  }
0x72: {  	_ =	shalt  }
0x73: {  	_ =	shalt  }
0x74: {  	_ =	shalt  }
0x75: {  	_ =	shalt  }
0x76: {  	_ =	shalt  }
0x77: {  	_ =	shalt  }
0x78: {  	_ =	shalt  }
0x79: {  	_ =	shalt  }
0x7a: {  	_ =	shalt  }
0x7b: {  	_ =	shalt  }
0x7c: {  	_ =	shalt  }
0x7d: {  	_ =	shalt  }
0x7e: {  	_ =	shalt  }
0x7f: {  	_ =	shalt  }
0x80: {  	_ =	shalt  }
0x81: {  	_ =	shalt  }
0x82: {  	_ =	shalt  }
0x83: {  	_ =	shalt  }
0x84: {  	_ =	shalt  }
0x85: {  	_ =	shalt  }
0x86: {  	_ =	shalt  }
0x87: {  	_ =	shalt  }
.Lfunc_end0:
.L_simem_size_0:
called_computation.12_lowered:
.L_overlay_start_0:
0x88: {  	s2 =	sld [smem:$0x3FD9]  }
0x89: {  	s3 =	sld [smem:$0x3FFE];
	_ =	sdelay $0x1  }
0x8a: {  	s1 =	srdreg.scid  }
0x8b: {  	s0 =	sand.u32 $0x1, s1  }
0x8c: {  	s14 =	sshll.u32 s0, $0xA;
	s2 =	sadd.s32 s3, s2  }
0x8d: {  	s2 =	sadd.s32 s2, s14  }
0x8e: {  	[smem:$0x3FAE] =	sst s2  }
0x8f: {  	_ = 	snop  }
0x90: {  	s2 =	sld [smem:$0x3FD0];
	_ =	sdelay $0x2  }
0x91: {  	s15 =	simm.s32 $0xA;
	s4 =	simm.s32 $0x10  }
0x92: {  	[smem:s4], [sflag:s15] =	dma.local [hbm:s2], $0x1  }
0x93: {  	_ =	swait.eq [sflag:s15], $0x1  }
0x94: {  	[sflag:s15] =	ssyncset.done $0x0  }
0x95: {  	[sflag:s15] =	ssyncadd.s32 $0xFFFFFFFF  }
0x96: {  	s16 =	sld [smem:$0x10];
	(tm) =	ssettm $0x1  }
0x97: {  	s17 =	sld [smem:$0x3FFB];
	_ =	sdelay $0x3  }
0x98: {  	_ =	strace s17  }
0x99: {  	s3 =	sld [smem:$0x3FFC];
	_ =	sdelay $0x3  }
0x9a: {  	_ =	strace s3  }
0x9b: {  	s3 =	sld [smem:$0x3FFD];
	_ =	sdelay $0x3  }
0x9c: {  	_ =	strace s3  }
0x9d: {  	_ =	strace $0x8FFFFFFF  }
0x9e: {  	s18 =	sld [smem:$0x3FDB];
	_ =	sdelay $0x1  }
0x9f: {  	s19 =	simm.s32 $_scs_section_size  }
0xa0: {  	s5 =	simm.s32 $_size__tile_overlayer_lowered;
	s6 =	simm.s32 $_tile_overlayer_lowered  }
0xa1: {  	s22 =	simm.s32 $0x1BFF;
	s21 =	sshll.u32 s6, $0x1;
	s3 =	sadd.s32 s19, s18  }
0xa2: {  	s7 =	simm.s32 $0x0;
	s20 =	sshll.u32 s5, $0x1;
	s5 =	sadd.s32 s21, s3  }
0xa3: {  	[timem:s7], [sflag:s22] =	dma.local [hbm:s5], s20  }
0xa4: {  	_ =	swait.ge [sflag:s22], s20  }
0xa5: {  	s4 =	ssub.s32 $0x0, s20;
	[sflag:s22] =	ssyncset.done $0x0  }
0xa6: {  	[sflag:s22] =	ssyncadd.s32 s4;
	_ =	sdelay $0x1  }
0xa7: {  	s23 =	simm.s32 $0x1B8B  }
0xa8: {  	_ =	swait.ge [sflag:s23], $0x1  }
0xa9: {  	[sflag:s23] =	ssyncset.done $0x0  }
0xaa: {  	s25 =	simm.s32 $0x1B8E;
	s24 =	sld [smem:$0x3FFE];
	[sflag:s23] =	ssyncadd.s32 $0xFFFFFFFF  }
0xab: {  	s26 =	simm.s32 $execute0_lowered;
	[smem:$0x3FD2] =	sst s25  }
0xac: {  	s5 =	sshll.u32 s26, $0x1;
	_ =	strace $0x8000006A;
	[dreg:$0x1] =	wrdreg $0xFFFFFFFF  }
0xad: {  	s28 =	simm.s32 $_size_execute0_lowered;
	s3 =	sadd.s32 s3, s5;
	[dreg:$0x0] =	wrdreg $0x0  }
0xae: {  	s5 =	sshll.u32 s28, $0x1;
	[dreg:$0x2] =	wrdreg s3  }
0xaf: {  	[dreg:$0x3] =	wrdreg s5  }
0xb0: {  	[dreg:$0x4] =	wrdreg $0xC0  }
0xb1: {  	_ =	task [dreg:s7], $0x5FFFF  }
0xb2: {  	[dreg:$0x1] =	wrdreg $0xFFFFFFFF  }
0xb3: {  	[dreg:$0x0] =	wrdreg $0x60  }
0xb4: {  	[dreg:$0x2] =	wrdreg s16  }
0xb5: {  	[dreg:$0x3] =	wrdreg s24  }
0xb6: {  	[dreg:$0x4] =	wrdreg $0x9  }
0xb7: {  	_ =	task.clear_ibuf [dreg:s7], $0x5FFFF;
	_ =	strace $0x9000006A  }
0xb8: {  	s29 =	simm.s32 $0x9;
	_ =	strace $0x8000006C  }
0xb9: {  	_ =	swait.ge [sflag:s29], $0x1  }
0xba: {  	[sflag:s29] =	ssyncadd.s32 $0xFFFFFFFF  }
0xbb: {  	_ =	strace $0x9000006C  }
0xbc: {  	_ =	sfence  }
0xbd: {  	s30 =	sld [smem:$0x0];
	_ =	sdelay $0x2  }
0xbe: {  	s31 =	sshll.u32 s1, $0xD;
	s1 =	sshrl.u32 s1, $0x2  }
0xbf: {  	s3 =	sand.u32 $0x4000, s31;
	s1 =	sadd.s32 s1, s30  }
0xc0: {  	s0 =	sor.u32 s3, s0;
	s1 =	sshll.u32 s1, $0x11  }
0xc1: {  	s0 =	sor.u32 s1, s0  }
0xc2: {  	s0 =	sadd.s32 $0x8F2B, s0  }
0xc3: {  	[sflag:s0] =	ssyncadd.remote.s32 $0x1  }
0xc4: {  	_ =	sfence.sel $0xFFFF  }
0xc5: {  	[dreg:$0x0] =	wrdreg $0xFFFFFFFF;
	(pc) =	sbr.abs _section_cstart, $3  }
0xc6: {  	[dreg:$0x1] =	wrdreg $0xFFFFFFFF  }
0xc7: {  	_ =	task.clear_ibuf [dreg:s7], $0x2FFFF;
	_ =	strace $0x9FFFFFFF  }
0xc8: {  	(tm) =	ssettm $0x7FFFFFFF  }
0xc9: {  	_ =	shalt  }
tec
execute0_lowered:
.L_overlay_start_1:
0x0: {  	(tag) =	ssettag $0x1  }
0x1: {  	s4 =	rddreg [dreg:$0x0]  }
0x2: {  	s5 =	rddreg [dreg:$0x1]  }
0x3: {  	s0 =	rddreg [dreg:$0x2]  }
0x4: {  	s3 =	srdreg.scid;
	s1 =	stileid.u32;
	s2 =	simm.s32 $0x0  }
0x5: {  	s13 =	simm.s32 $0x50;
	s14 =	simm.s32 $0x3C00;
	s15 =	simm.s32 $0x2  }
0x6: {  	s16 =	simm.s32 $0x13B0;
	s17 =	simm.s32 $0x0;
	s11 =	smul.u32 $0x2800, s1  }
0x7: {  	s6 =	sand.u32 $0x1, s3;
	s28 =	sshll.u32 s1, $0x1;
	s31 =	smul.u32 $0x28000, s1  }
0x8: {  	[smem:$0x7FF] =	sst s2;
	s3 =	sadd.s32 $0x30000, s5;
	s30 =	smul.u32 $0x1400, s6  }
0x9: {  	s7 =	sor.u32 s6, s28;
	s9 =	ssub.s32 $0x2, s6;
	s12 =	smul.u32 $0x14000, s6  }
0xa: {  	s10 =	sadd.s32 $0xD0000, s5;
	s8 =	smul.u32 $0x1400, s7;
	s29 =	sshrl.u32 s9, $0x1  }
0xb: {  	_ =	strace $0x8000006B;
	s7 =	smul.u32 $0x14000, s7;
	s5 =	ssub.s32 s9, s29  }
0xc: {  	s9 =	sadd.s32 s30, s11;
	s11 =	simm.s32 $0x1400;
	s8 =	sshrl.u32 s8, $0x3  }
0xd: {  	s5 =	smax.u32 s5, $0x1;
	s7 =	sadd.s32 s10, s7;
	s9 =	sshll.u32 s9, $0x4  }
0xe: {  	s4 =	sadd.s32 s4, s8;
	s6 =	sadd.s32 $0x13600, s7;
	s8 =	sadd.s32 s31, s10  }
0xf: {  	s7 =	sadd.s32 $0x13B00, s7;
	s9 =	sadd.s32 s9, s10;
	s10 =	simm.s32 $0x3  }
0x10: {  	s8 =	sadd.s32 s12, s8;
	s9 =	sadd.s32 $0x500, s9;
	s12 =	simm.s32 $0x1  }
.LBB2_1:
0x11: {  	[tilespmem:s2], [sflag:$0x3] =	stream.linear.gather [hbm4b:s4+s2], $0x1400, $0x38;
	[tilespmem:$0x6400] =	vst v63  }
0x12: {  	_ =	swait.ge [sflag:s10], $0x1400  }
0x13: {  	[sflag:s10] =	ssyncset.done $0x0  }
0x14: {  	[sflag:s10] =	ssyncadd.s32 $0xFFFFEC00  }
0x15: {  	[tilespmem:s11], [sflag:$0x1] =	stream.indirect.gather [hbm4b:s3+s13], $0x80, s2, s13, $0xb8;
	[tilespmem:$0x6400] =	vst v63  }
0x16: {  	_ =	swait.ge [sflag:s12], $0x2800  }
0x17: {  	[sflag:s12] =	ssyncset.done $0x0  }
0x18: {  	[sflag:s12] =	ssyncadd.s32 $0xFFFFD800  }
0x19: {  	[tilespmem:s14], [sflag:$0x2] =	stream.indirect.gather [hbm4b:s3+s13], $0x80, s13, s13, $0xb8;
	[tilespmem:$0x6400] =	vst v63  }
0x1a: {  	s18 =	sadd.s32 $0x0, s8  }
0x1b: {  	[hbm4b:s18+s2] =	stream.linear.scatter [tilespmem:s11], [sflag:$0x3], $0x2800, $0x38;
	[tilespmem:$0x6400] =	vst v63  }
0x1c: {  	_ =	swait.ge [sflag:s10], $0x2800  }
0x1d: {  	[sflag:s10] =	ssyncset.done $0x0  }
0x1e: {  	[sflag:s10] =	ssyncadd.s32 $0xFFFFD800  }
0x1f: {  	_ =	swait.ge [sflag:s15], $0x2800  }
0x20: {  	[sflag:s15] =	ssyncset.done $0x0  }
0x21: {  	s30 =	simm.s32 $0xA0;
	[sflag:s15] =	ssyncadd.s32 $0xFFFFD800  }
0x22: {  	[tilespmem:s11], [sflag:$0x1] =	stream.indirect.gather [hbm4b:s3+s13], $0x80, s30, s13, $0xb8;
	[tilespmem:$0x6400] =	vst v63  }
0x23: {  	s31 =	sadd.s32 $0x0, s9  }
0x24: {  	[hbm4b:s31+s2] =	stream.linear.scatter [tilespmem:s14], [sflag:$0x3], $0x2800, $0x38;
	[tilespmem:$0x6400] =	vst v63  }
0x25: {  	_ =	swait.ge [sflag:s10], $0x2800  }
0x26: {  	s19 =	simm.s32 $0x50;
	s18 =	simm.s32 $0xA00;
	[sflag:s10] =	ssyncset.done $0x0  }
.LBB2_2:
0x27: {  	p0 =	sne.s32 s18, $0x12C00;
	[sflag:s10] =	ssyncadd.s32 $0xFFFFD800;
	s19 =	sadd.s32 $0xA0, s19  }
0x28: {  	s20 =	smov.u32 s18;
	s18 =	sadd.s32 $0xA00, s18  }
0x29: {  	_ =	swait.ge [sflag:s12], $0x2800  }
0x2a: {  	[sflag:s12] =	ssyncset.done $0x0  }
0x2b: {  	[sflag:s12] =	ssyncadd.s32 $0xFFFFD800  }
0x2c: {  	[tilespmem:s14], [sflag:$0x2] =	stream.indirect.gather [hbm4b:s3+s13], $0x80, s19, s13, $0xb8;
	[tilespmem:$0x6400] =	vst v63  }
0x2d: {  	s21 =	sadd.s32 s20, s8  }
0x2e: {  	[hbm4b:s21+s2] =	stream.linear.scatter [tilespmem:s11], [sflag:$0x3], $0x2800, $0x38;
	[tilespmem:$0x6400] =	vst v63  }
0x2f: {  	_ =	swait.ge [sflag:s10], $0x2800  }
0x30: {  	[sflag:s10] =	ssyncset.done $0x0  }
0x31: {  	[sflag:s10] =	ssyncadd.s32 $0xFFFFD800  }
0x32: {  	_ =	swait.ge [sflag:s15], $0x2800  }
0x33: {  	[sflag:s15] =	ssyncset.done $0x0  }
0x34: {  	s21 =	sadd.s32 $0x50, s19;
	[sflag:s15] =	ssyncadd.s32 $0xFFFFD800  }
0x35: {  	[tilespmem:s11], [sflag:$0x1] =	stream.indirect.gather [hbm4b:s3+s13], $0x80, s21, s13, $0xb8;
	[tilespmem:$0x6400] =	vst v63  }
.Ltmp0:
0x36: {  	_ = 	snop;
	(pc) =	sbr.rel @p0 .LBB2_2-.Ltmp0, $4  }
0x37: {  	s20 =	sadd.s32 s20, s9  }
0x38: {  	[hbm4b:s20+s2] =	stream.linear.scatter [tilespmem:s14], [sflag:$0x3], $0x2800, $0x38;
	[tilespmem:$0x6400] =	vst v63  }
0x39: {  	_ =	swait.ge [sflag:s10], $0x2800  }
0x3a: {  	[sflag:s10] =	ssyncset.done $0x0  }
0x3b: {  	[sflag:s10] =	ssyncadd.s32 $0xFFFFD800  }
0x3c: {  	_ =	swait.ge [sflag:s12], $0x2800  }
0x3d: {  	[sflag:s12] =	ssyncset.done $0x0  }
0x3e: {  	[sflag:s12] =	ssyncadd.s32 $0xFFFFD800  }
0x3f: {  	[tilespmem:s14], [sflag:$0x2] =	stream.indirect.gather [hbm4b:s3+s13], $0x80, s16, s13, $0xb8;
	[tilespmem:$0x6400] =	vst v63  }
0x40: {  	_ = 	snop  }
0x41: {  	[hbm4b:s6+s2] =	stream.linear.scatter [tilespmem:s11], [sflag:$0x3], $0x2800, $0x38;
	[tilespmem:$0x6400] =	vst v63  }
0x42: {  	_ =	swait.ge [sflag:s10], $0x2800  }
0x43: {  	[sflag:s10] =	ssyncset.done $0x0  }
0x44: {  	[sflag:s10] =	ssyncadd.s32 $0xFFFFD800  }
0x45: {  	s17 =	sadd.s32 $0x1, s17;
	_ =	swait.ge [sflag:s15], $0x2800  }
0x46: {  	p0 =	sne.s32 s17, s5;
	[sflag:s15] =	ssyncset.done $0x0  }
.Ltmp1:
0x47: {  	[sflag:s15] =	ssyncadd.s32 $0xFFFFD800;
	(pc) =	sbr.rel @p0 .LBB2_1-.Ltmp1, $4  }
0x48: {  	[hbm4b:s7+s2] =	stream.linear.scatter [tilespmem:s14], [sflag:$0x3], $0x2800, $0x38;
	[tilespmem:$0x6400] =	vst v63  }
0x49: {  	_ =	swait.ge [sflag:s10], $0x2800  }
0x4a: {  	[sflag:s10] =	ssyncset.done $0x0  }
0x4b: {  	[sflag:s10] =	ssyncadd.s32 $0xFFFFD800  }
0x4c: {  	_ =	sfence.sel $0x180000  }
0x4d: {  	[bflag:$0x0] =	sbarrier.arrive $0xFFFF  }
0x4e: {  	p0 =	sne.s32 s1, $0x0;
	_ =	strace $0x9000006B  }
0x4f: {  	s0 =	sadd.s32 @!p0 $0x100000, s0;
	[bflag:$0x2] =	sbarrier.arrive $0xFFFF  }
0x50: {  	[sflag:s0] =	ssyncadd.tile.s32 @!p0 $0x1;
	_ =	shalt  }
.Lfunc_end2:
_tile_overlayer_lowered:
.L_overlay_start_2:
0x51: {  	(tag) =	ssettag $0x2  }
0x52: {  	s0 =	rddreg [dreg:$0x0];
	s2 =	stileid.u32  }
0x53: {  	s1 =	rddreg [dreg:$0x1];
	p0 =	sne.s32 s2, $0x0  }
0x54: {  	s3 =	rddreg [dreg:$0x2];
	[bflag:$0x3] =	sbarrier.arrive $0xFFFF;
	s2 =	simm.s32 @!p0 $0x1C03  }
0x55: {  	[timem:s3], [sflag:s2] =	dma.local @!p0 [hbm:s0], s1  }
0x56: {  	s0 =	simm.s32 @!p0 $0x3  }
0x57: {  	_ =	swait.ge @!p0 [sflag:s0], s1  }
0x58: {  	s1 =	ssub.s32 @!p0 $0x0, s1;
	[sflag:s0] =	ssyncset.done @!p0 $0x0  }
0x59: {  	[sflag:s0] =	ssyncadd.s32 @!p0 s1  }
0x5a: {  	[bflag:$0x3] =	sbarrier.arrive $0xFFFF  }
0x5b: {  	_ =	shalt  }

// kernel: sparse-core-data-format-call.cloned.1.call-start
scs
called_computation_lowered:
.L_overlay_start_0:
0x0: {  	s1 =	sld [smem:$0x3FD9]  }
0x1: {  	s2 =	sld [smem:$0x3FFE];
	_ =	sdelay $0x1  }
0x2: {  	s3 =	srdreg.scid  }
0x3: {  	s0 =	sand.u32 $0x1, s3  }
0x4: {  	s17 =	sshll.u32 s0, $0xA;
	s1 =	sadd.s32 s2, s1  }
0x5: {  	s1 =	sadd.s32 s1, s17  }
0x6: {  	[smem:$0x3FAE] =	sst s1  }
0x7: {  	_ = 	snop  }
0x8: {  	(tm) =	ssettm $0x1  }
0x9: {  	s18 =	sld [smem:$0x3FFB];
	_ =	sdelay $0x3  }
0xa: {  	_ =	strace s18  }
0xb: {  	s1 =	sld [smem:$0x3FFC];
	_ =	sdelay $0x3  }
0xc: {  	_ =	strace s1  }
0xd: {  	s1 =	sld [smem:$0x3FFD];
	_ =	sdelay $0x3  }
0xe: {  	_ =	strace s1  }
0xf: {  	_ =	strace $0x8FFFFFFF  }
0x10: {  	s19 =	sld [smem:$0x3FDB];
	_ =	sdelay $0x1  }
0x11: {  	s20 =	simm.s32 $_scs_section_size  }
0x12: {  	s4 =	simm.s32 $_size__tile_overlayer_lowered;
	s5 =	simm.s32 $_tile_overlayer_lowered  }
0x13: {  	s23 =	simm.s32 $0x1BFF;
	s22 =	sshll.u32 s5, $0x1;
	s1 =	sadd.s32 s20, s19  }
0x14: {  	s6 =	simm.s32 $0x0;
	s21 =	sshll.u32 s4, $0x1;
	s4 =	sadd.s32 s22, s1  }
0x15: {  	[timem:s6], [sflag:s23] =	dma.local [hbm:s4], s21  }
0x16: {  	_ =	swait.ge [sflag:s23], s21  }
0x17: {  	s2 =	ssub.s32 $0x0, s21;
	[sflag:s23] =	ssyncset.done $0x0  }
0x18: {  	[sflag:s23] =	ssyncadd.s32 s2;
	_ =	sdelay $0x1  }
0x19: {  	s24 =	simm.s32 $0x1B8B  }
0x1a: {  	_ =	swait.ge [sflag:s24], $0x1  }
0x1b: {  	[sflag:s24] =	ssyncset.done $0x0  }
0x1c: {  	s26 =	simm.s32 $0x1B8E;
	s25 =	sld [smem:$0x3FFE];
	[sflag:s24] =	ssyncadd.s32 $0xFFFFFFFF  }
0x1d: {  	s27 =	simm.s32 $execute0_lowered;
	[smem:$0x3FD2] =	sst s26  }
0x1e: {  	s4 =	sshll.u32 s27, $0x1;
	_ =	strace $0x80000058;
	[dreg:$0x1] =	wrdreg $0xFFFFFFFF  }
0x1f: {  	s28 =	simm.s32 $_size_execute0_lowered;
	s1 =	sadd.s32 s1, s4;
	[dreg:$0x0] =	wrdreg $0x0  }
0x20: {  	s4 =	sshll.u32 s28, $0x1;
	[dreg:$0x2] =	wrdreg s1  }
0x21: {  	[dreg:$0x3] =	wrdreg s4  }
0x22: {  	[dreg:$0x4] =	wrdreg $0xC0  }
0x23: {  	_ =	task [dreg:s6], $0x5FFFF  }
0x24: {  	[dreg:$0x1] =	wrdreg $0xFFFFFFFF  }
0x25: {  	[dreg:$0x0] =	wrdreg $0x60  }
0x26: {  	[dreg:$0x2] =	wrdreg s25  }
0x27: {  	[dreg:$0x3] =	wrdreg $0x9  }
0x28: {  	_ =	task.clear_ibuf [dreg:s6], $0x4FFFF;
	_ =	strace $0x90000058  }
0x29: {  	s29 =	simm.s32 $0x9;
	_ =	strace $0x8000005A  }
0x2a: {  	_ =	swait.ge [sflag:s29], $0x1  }
0x2b: {  	[sflag:s29] =	ssyncadd.s32 $0xFFFFFFFF  }
0x2c: {  	_ =	strace $0x9000005A  }
0x2d: {  	_ =	sfence  }
0x2e: {  	s30 =	sld [smem:$0x0];
	_ =	sdelay $0x2  }
0x2f: {  	s31 =	sshll.u32 s3, $0xD;
	s3 =	sshrl.u32 s3, $0x2  }
0x30: {  	s2 =	sand.u32 $0x4000, s31;
	s1 =	sadd.s32 s3, s30  }
0x31: {  	s0 =	sor.u32 s2, s0;
	s1 =	sshll.u32 s1, $0x11  }
0x32: {  	s0 =	sor.u32 s1, s0  }
0x33: {  	s0 =	sadd.s32 $0x8F2B, s0  }
0x34: {  	[sflag:s0] =	ssyncadd.remote.s32 $0x1  }
0x35: {  	_ =	sfence.sel $0xFFFF  }
0x36: {  	[dreg:$0x0] =	wrdreg $0xFFFFFFFF;
	(pc) =	sbr.abs _section_cstart, $3  }
0x37: {  	[dreg:$0x1] =	wrdreg $0xFFFFFFFF  }
0x38: {  	_ =	task.clear_ibuf [dreg:s6], $0x2FFFF;
	_ =	strace $0x9FFFFFFF  }
0x39: {  	(tm) =	ssettm $0x7FFFFFFF  }
tec
execute0_lowered:
.L_overlay_start_1:
0x0: {  	(tag) =	ssettag $0x1  }
0x1: {  	s0 =	stileid.u32;
	s1 =	srdreg.scid  }
0x2: {  	s4 =	rddreg [dreg:$0x0];
	s2 =	sshll.u32 s0, $0x5;
	s1 =	sshll.u32 s1, $0x9  }
0x3: {  	s5 =	simm.s32 $0x1;
	s8 =	simm.s32 $0x2;
	s1 =	sor.u32 s2, s1  }
0x4: {  	s14 =	simm.s32 $0x0;
	s9 =	simm.s32 $0x4000;
	s2 =	sand.u32 $0x380, s1  }
0x5: {  	s15 =	simm.s32 $0x0;
	s16 =	simm.s32 $0x0;
	s3 =	ssub.s32 $0x800, s2  }
0x6: {  	s10 =	simm.s32 $0x0;
	s7 =	sand.u32 $0x3, s0;
	s31 =	sand.u32 $0x380, s3  }
0x7: {  	s13 =	simm.s32 $0x0;
	s12 =	smov.u32 s7;
	p0 =	sne.s32 s31, $0x0  }
.Ltmp0:
0x8: {  	s6 =	sshrl.u32 s3, $0xA;
	s5 =	simm.s32 @!p0 $0x0;
	(pc) =	sbr.rel .LBB1_1-.Ltmp0, $4  }
0x9: {  	s1 =	rddreg [dreg:$0x1];
	_ =	strace $0x80000059;
	s6 =	sadd.s32 s5, s6  }
0xa: {  	s11 =	smov.u32 s2;
	s5 =	simm.s32 $0x1;
	s6 =	smul.u32 $0x14, s6  }
0xb: {  	s3 =	sadd.s32 $0x240000, s4;
	s4 =	sadd.s32 $0xB0000, s4;
	[sflag:s5] =	ssyncpa.u1 $0x0  }
0xc: {  	p0 =	por $0x0, $0x0;
	[sflag:s8] =	ssyncpa.u1 $0x0;
	s8 =	sor.u32 $0x1, s6  }
.LBB1_4:
0xd: {  	s16 =	smul.u32 $0x50000, s16  }
0xe: {  	s19 =	sshll.u32 s15, $0x3;
	s20 =	sand.u32 $0x78, s15;
	s30 =	sand.u32 $0x3F00, s15  }
0xf: {  	s14 =	sshll.u32 s14, $0xE;
	s19 =	sand.u32 $0x400, s19;
	s16 =	sadd.s32 s4, s16  }
0x10: {  	[tilespmem:s18+$0x810 ss:$0x81] =	vst.msk $0xffff, v2;
	s31 =	sand.u32 $0x7, s15;
	s19 =	sor.u32 s20, s19;
	s16 =	sadd.s32 s30, s16  }
0x11: {  	[tilespmem:s18+$0x1020 ss:$0x81] =	vst.msk $0xffff, v0;
	s15 =	sshll.u32 s31, $0x12;
	s19 =	sshrl.u32 s19, $0x3;
	s14 =	sadd.s32 s14, s16  }
0x12: {  	[tilespmem:s18+$0x0 ss:$0x81] =	vst.msk $0xffff, v1;
	s15 =	sor.u32 $0x400, s15;
	s14 =	sadd.s32 s19, s14  }
0x13: {  	[hbm4b:s14+s15] =	stream.strided.scatter [tilespmem:s17], [sflag:$0x2], $0x2000, s9, s15, $0x20;
	[tilespmem:$0x8080] =	vst v63  }
.LBB1_5:
0x14: {  	s17 =	sadd.s32 $0x1, s10  }
0x15: {  	s14 =	sadd.s32 $0x400, s11;
	s18 =	smov.u32 s11;
	p2 =	sgt.s32 s17, $0x13  }
0x16: {  	s18 =	smov.u32 @p2 s14  }
0x17: {  	s20 =	smov.u32 s12;
	s14 =	sadd.s32 $0x4, s12;
	p3 =	sgt.s32 s18, $0x7FF  }
0x18: {  	s20 =	smov.u32 @p3 s14  }
0x19: {  	s17 =	simm.s32 @p2 $0x0;
	p2 =	sgt.s32 s20, $0x3  }
0x1a: {  	p1 =	slt.u32 s13, $0x2;
	s20 =	smov.u32 @p2 s7;
	p2 =	sne.s32 s13, s8  }
.Ltmp1:
0x1b: {  	s19 =	simm.s32 @!p1 $0x2;
	(pc) =	sbr.rel @!p2 .LBB1_6-.Ltmp1, $4  }
0x1c: {  	s15 =	smov.u32 s11;
	s16 =	smov.u32 s12;
	_ =	swait.ge @!p1 [sflag:s19], $0x2000  }
0x1d: {  	p0 =	por !p0, !p0;
	[sflag:s19] =	ssyncset.done @!p1 $0x0;
	s18 =	smov.u32 @p3 s2  }
0x1e: {  	s14 =	smov.u32 s10;
	[sflag:s19] =	ssyncadd.s32 @!p1 $0xFFFFE000;
	s10 =	smov.u32 s17  }
0x1f: {  	s11 =	smov.u32 s18;
	s13 =	sadd.s32 $0x1, s13;
	s12 =	smov.u32 s20  }
.LBB1_1:
0x20: {  	p1 =	sge.u32 s13, s6  }
0x21: {  	s17 =	sand.u32 @!p1 $0x1FFFFFF, s10;
	s19 =	smul.u32 @!p1 $0xC0000, s12  }
0x22: {  	s18 =	smulhi.u32 @!p1 $0xAAAAAAB, s17  }
0x23: {  	s21 =	smul.u32 @!p1 $0x180, s11  }
0x24: {  	s18 =	smul.u32 @!p1 $0x18, s18  }
0x25: {  	s31 =	sadd.s32 $0xFFFFFFFF, s13;
	s19 =	sadd.s32 @!p1 s3, s19  }
0x26: {  	s20 =	sxor.u32 @!p1 $0xFFFFFFFF, s13;
	s19 =	sadd.s32 @!p1 s21, s19;
	s17 =	ssub.s32 @!p1 s17, s18  }
0x27: {  	s18 =	sshll.u32 @!p1 s20, $0xD;
	s20 =	simm.s32 @!p1 $0xC00;
	s17 =	sshll.u32 @!p1 s17, $0x4  }
0x28: {  	s18 =	sand.u32 @!p1 $0x2000, s18;
	s17 =	sadd.s32 @!p1 s17, s19;
	s19 =	simm.s32 @!p1 $0x40  }
0x29: {  	[tilespmem:s18], [sflag:$0x1] =	stream.strided.gather @!p1 [hbm4b:s17+s19], $0x2000, s20, s19, $0x38;
	[tilespmem:$0x8080] =	vst v63  }
0x2a: {  	p1 =	sge.u32 s31, s6  }
.Ltmp2:
0x2b: {  	_ = 	snop;
	(pc) =	sbr.rel @p1 .LBB1_5-.Ltmp2, $1  }
0x2c: {  	_ =	sdelay $0x3  }
0x2d: {  	s17 =	simm.s32 $0x1  }
0x2e: {  	_ =	swait.ge [sflag:s5], $0x2000;
	s17 =	simm.s32 @!p0 $0x0  }
0x2f: {  	[sflag:s5] =	ssyncset.done $0x0;
	s18 =	sshll.u32 s17, $0xD  }
0x30: {  	[sflag:s5] =	ssyncadd.s32 $0xFFFFE000;
	s21 =	sor.u32 $0x20, s18  }
0x31: {  	s17 =	smul.u32 $0x8100, s17;
	v3 =	vld [tilespmem:s21+$0x10]  }
0x32: {  	s30 =	sand.u32 $0x1, s13;
	v2 =	vld [tilespmem:s21+$0xFFFFFFF0]  }
0x33: {  	s18 =	smul.u32 $0x8100, s30;
	s17 =	sshrl.u32 s17, $0x2;
	v0 =	vld [tilespmem:s21+$0x0]  }
0x34: {  	v1 =	vld [tilespmem:s21+$0xFFFFFFE0];
	s19 =	sor.u32 $0x4000, s17  }
0x35: {  	s31 =	sshrl.u32 s18, $0x2;
	s18 =	sadd.s32 $0x0, s19  }
0x36: {  	s20 =	simm.s32 $0x4;
	s21 =	sadd.s32 $0x40, s21;
	s17 =	sor.u32 $0x4000, s31;
	[tilespmem:s18+$0x1830 ss:$0x81] =	vst.msk $0xffff, v3  }
.LBB1_3:
0x37: {  	v3 =	vld [tilespmem:s21+$0x10];
	p1 =	sne.s32 s20, $0x1FC;
	[tilespmem:s18+$0x810 ss:$0x81] =	vst.msk $0xffff, v2;
	s22 =	smov.u32 s20;
	s20 =	sadd.s32 $0x4, s20  }
.Ltmp3:
0x38: {  	v2 =	vld [tilespmem:s21+$0xFFFFFFF0];
	[tilespmem:s18+$0x1020 ss:$0x81] =	vst.msk $0xffff, v0;
	(pc) =	sbr.rel @p1 .LBB1_3-.Ltmp3, $4  }
0x39: {  	v0 =	vld [tilespmem:s21+$0x0];
	[tilespmem:s18+$0x0 ss:$0x81] =	vst.msk $0xffff, v1  }
0x3a: {  	s18 =	sshra.s32 s22, $0x2;
	v1 =	vld [tilespmem:s21+$0xFFFFFFE0]  }
0x3b: {  	s18 =	sadd.s32 s18, s19  }
0x3c: {  	s21 =	sadd.s32 $0x40, s21;
	[tilespmem:s18+$0x1830 ss:$0x81] =	vst.msk $0xffff, v3  }
.Ltmp4:
0x3d: {  	_ = 	snop;
	(pc) =	sbr.rel .LBB1_4-.Ltmp4, $1  }
0x3e: {  	_ =	sdelay $0x3  }
.LBB1_6:
0x3f: {  	_ =	sfence.sel $0x180000  }
0x40: {  	s2 =	simm.s32 $0x1;
	[bflag:$0x0] =	sbarrier.arrive $0xFFFF  }
0x41: {  	s31 =	simm.s32 $0x2;
	[sflag:s2] =	ssyncpa.u1 $0x1  }
0x42: {  	[sflag:s31] =	ssyncpa.u1 $0x1  }
0x43: {  	p0 =	sne.s32 s0, $0x0;
	_ =	strace $0x90000059  }
0x44: {  	s0 =	sadd.s32 @!p0 $0x100000, s1;
	[bflag:$0x2] =	sbarrier.arrive $0xFFFF  }
0x45: {  	[sflag:s0] =	ssyncadd.tile.s32 @!p0 $0x1;
	_ =	shalt  }
.Lfunc_end1:
_tile_overlayer_lowered:
.L_overlay_start_2:
0x46: {  	(tag) =	ssettag $0x2  }
0x47: {  	s0 =	rddreg [dreg:$0x0];
	s2 =	stileid.u32  }
0x48: {  	s1 =	rddreg [dreg:$0x1];
	p0 =	sne.s32 s2, $0x0  }
0x49: {  	s3 =	rddreg [dreg:$0x2];
	[bflag:$0x3] =	sbarrier.arrive $0xFFFF;
	s2 =	simm.s32 @!p0 $0x1C01  }
0x4a: {  	[timem:s3], [sflag:s2] =	dma.local @!p0 [hbm:s0], s1  }
0x4b: {  	s0 =	simm.s32 @!p0 $0x1  }
0x4c: {  	_ =	swait.ge @!p0 [sflag:s0], s1  }
0x4d: {  	s1 =	ssub.s32 @!p0 $0x0, s1;
	[sflag:s0] =	ssyncset.done @!p0 $0x0  }
0x4e: {  	[sflag:s0] =	ssyncadd.s32 @!p0 s1  }
0x4f: {  	[bflag:$0x3] =	sbarrier.arrive $0xFFFF  }
0x50: {  	_ =	shalt  }

</sc_bundles>
